<compile_context>
chip_gen: v7x
topology: tpu7x:2x2x1
jax: 0.10.2.dev20260603
libtpu: 0.0.44.dev20260713+nightly
codegen_flags: <defaults>
</compile_context>

<pallas_src>
import functools
import math

import jax
import jax.numpy as jnp
from jax import lax
from jax.experimental import pallas as pl
from jax.experimental.pallas import tpu as pltpu
from jax.experimental.pallas import tpu_sc as plsc

N_V = 10000
N_E = 2500
NNZ = 320000
D_IN = 128
D_HID = 64
N_HEADS = 4
N_CLASSES = 40
NEG_SLOPE = 0.2

NV_PAD = 10112
NE_PAD = 2560
_NS = 16
_B = 128
C1 = 144
C3 = 48


def _leaky(x):
    return jnp.where(x >= 0, x, NEG_SLOPE * x)


@functools.lru_cache(maxsize=None)
def _sc_pass(tn, cw, nch, nd_pad):
    zr = nd_pad // _NS
    mesh = plsc.VectorSubcoreMesh(core_axis_name="c", subcore_axis_name="s",
                                  num_cores=2, num_subcores=_NS)

    def body(table, cidx, zeros, out, ixa, ixb, r0, r1, acc,
             sg0, sg1, ss0, ss1, sxa, sxb):
        ci = lax.axis_index("c")
        si = lax.axis_index("s")
        pltpu.sync_copy(zeros, acc.at[pl.ds(si * zr, zr)])
        pltpu.sync_copy(cidx.at[ci, si, 0], ixa)
        pltpu.sync_copy(cidx.at[ci, si, 1], ixb)
        plsc.subcore_barrier()

        rbufs = (r0, r1)
        sgs = (sg0, sg1)
        sss = (ss0, ss1)

        def drain(sem):
            pltpu.make_async_copy(table.at[pl.ds(0, _B)], r0, sem).wait()

        pltpu.async_copy(table.at[ixa.at[0, 0]], r0, sg0)
        pltpu.async_copy(table.at[ixa.at[1, 0]], r1, sg1)

        def super_step(k, carry):
            for half, (ixc, ixn, sxc) in enumerate(
                    ((ixa, ixb, sxa), (ixb, ixa, sxb))):
                for t in (0, 1):
                    drain(sgs[t])
                    pltpu.async_copy(rbufs[t], acc.at[ixc.at[t, 1]],
                                     sss[t], add=True)
                for t in (0, 1):
                    drain(sss[t])
                    pltpu.async_copy(table.at[ixc.at[2 + t, 0]],
                                     rbufs[t], sgs[t])
                for t in (0, 1):
                    drain(sgs[t])
                    pltpu.async_copy(rbufs[t], acc.at[ixc.at[2 + t, 1]],
                                     sss[t], add=True)
                if half == 0:
                    @pl.when(k > 0)
                    def _():
                        pltpu.make_async_copy(
                            cidx.at[ci, si, 0], ixb, sxb).wait()

                    for t in (0, 1):
                        drain(sss[t])
                        pltpu.async_copy(table.at[ixn.at[t, 0]],
                                         rbufs[t], sgs[t])

                    @pl.when(k < nch // 8 - 1)
                    def _():
                        pltpu.async_copy(cidx.at[ci, si, 2 * k + 2], ixa, sxa)
                else:
                    @pl.when(k < nch // 8 - 1)
                    def _():
                        pltpu.make_async_copy(
                            cidx.at[ci, si, 0], ixa, sxa).wait()
                        for t in (0, 1):
                            drain(sss[t])
                            pltpu.async_copy(table.at[ixa.at[t, 0]],
                                             rbufs[t], sgs[t])
                        pltpu.async_copy(cidx.at[ci, si, 2 * k + 3], ixb, sxb)

                    @pl.when(k == nch // 8 - 1)
                    def _():
                        for t in (0, 1):
                            drain(sss[t])

            return carry

        lax.fori_loop(0, nch // 8, super_step, 0)
        plsc.subcore_barrier()
        pltpu.sync_copy(acc.at[pl.ds(si * zr, zr)],
                        out.at[ci, pl.ds(si * zr, zr)])

    return pl.kernel(
        body,
        out_type=jax.ShapeDtypeStruct((2, nd_pad, cw), jnp.float32),
        mesh=mesh,
        compiler_params=pltpu.CompilerParams(use_tc_tiling_on_sc=False),
        scratch_types=[
            pltpu.VMEM((4, 2, _B), jnp.int32),
            pltpu.VMEM((4, 2, _B), jnp.int32),
            pltpu.VMEM((_B, cw), jnp.float32),
            pltpu.VMEM((_B, cw), jnp.float32),
            pltpu.VMEM_SHARED((nd_pad, cw), jnp.float32),
            pltpu.SemaphoreType.DMA,
            pltpu.SemaphoreType.DMA,
            pltpu.SemaphoreType.DMA,
            pltpu.SemaphoreType.DMA,
            pltpu.SemaphoreType.DMA,
            pltpu.SemaphoreType.DMA,
        ],
    )


def _run_pass(table, cidx, nd_pad):
    tn, cw = table.shape
    nch = cidx.shape[2]
    cidx = cidx.reshape(2, _NS, nch // 4, 4, 2, _B)
    zeros = jnp.zeros((nd_pad // _NS, cw), jnp.float32)
    return _sc_pass(tn, cw, nch, nd_pad)(table, cidx, zeros)


_R = 1000
_R2 = 2528


def _ka_body(x_ref, th_ref, b_ref, av_ref, xt_ref, sv_ref, m_ref):
    xt = jnp.dot(x_ref[...], th_ref[...],
                 preferred_element_type=jnp.float32) + b_ref[...]
    xt_ref[...] = xt
    sv = _leaky(jnp.sum((xt * av_ref[...]).reshape(_R, N_HEADS, D_HID), 2))
    sv_ref[...] = sv

    @pl.when(pl.program_id(0) == 0)
    def _():
        m_ref[...] = jnp.full((1, N_HEADS), -jnp.inf, jnp.float32)

    m_ref[...] = jnp.maximum(m_ref[...], jnp.max(sv, 0, keepdims=True))


def _dense1(X, Th, b, av):
    return pl.pallas_call(
        _ka_body,
        grid=(N_V // _R,),
        in_specs=[
            pl.BlockSpec((_R, D_IN), lambda i: (i, 0)),
            pl.BlockSpec((D_IN, N_HEADS * D_HID), lambda i: (0, 0)),
            pl.BlockSpec((1, N_HEADS * D_HID), lambda i: (0, 0)),
            pl.BlockSpec((1, N_HEADS * D_HID), lambda i: (0, 0)),
        ],
        out_specs=[
            pl.BlockSpec((_R, N_HEADS * D_HID), lambda i: (i, 0)),
            pl.BlockSpec((_R, N_HEADS), lambda i: (i, 0)),
            pl.BlockSpec((1, N_HEADS), lambda i: (0, 0)),
        ],
        out_shape=[
            jax.ShapeDtypeStruct((N_V, N_HEADS * D_HID), jnp.float32),
            jax.ShapeDtypeStruct((N_V, N_HEADS), jnp.float32),
            jax.ShapeDtypeStruct((1, N_HEADS), jnp.float32),
        ],
    )(X, Th, b, av)


C0 = 272


def _kb_body(xt_ref, sv_ref, m_ref, g1_ref):
    xt = xt_ref[...]
    p = jnp.exp(sv_ref[...] - m_ref[...])
    g1_ref[...] = jnp.concatenate(
        [xt[:, 64 * h:64 * h + 64] * p[:, h:h + 1] for h in range(4)]
        + [p, jnp.ones((_R, 1), jnp.float32),
           jnp.zeros((_R, 11), jnp.float32)], 1)


def _build_g1(Xt, sv, M):
    return pl.pallas_call(
        _kb_body,
        grid=(N_V // _R,),
        in_specs=[
            pl.BlockSpec((_R, N_HEADS * D_HID), lambda i: (i, 0)),
            pl.BlockSpec((_R, N_HEADS), lambda i: (i, 0)),
            pl.BlockSpec((1, N_HEADS), lambda i: (0, 0)),
        ],
        out_specs=pl.BlockSpec((_R, C0), lambda i: (i, 0)),
        out_shape=jax.ShapeDtypeStruct((N_V, C0), jnp.float32),
    )(Xt, sv, M)


def _guard_div(num, den):
    return jnp.where(den > 0, num / jnp.maximum(den, 1e-30), 0.0)


def _kc_body(a_ref, ae_ref, g2_ref):
    ones = jnp.ones((N_E, 1), jnp.float32)
    pad = jnp.zeros((N_E, 13), jnp.float32)
    a2 = a_ref[0][:N_E, :] + a_ref[1][:N_E, :]
    for c in range(2):
        parts = []
        qs = []
        for h in range(2):
            hh = 2 * c + h
            num = a2[:, 64 * hh:64 * (hh + 1)]
            den = a2[:, 256 + hh:257 + hh]
            ye = _guard_div(num, den)
            ae = ae_ref[hh:hh + 1, :]
            se = _leaky(jnp.sum(ye * ae, 1, keepdims=True))
            q = jnp.exp(se - jnp.max(se, 0, keepdims=True))
            parts.append(ye * q)
            qs.append(q)
        g2_ref[c] = jnp.concatenate(parts + qs + [ones, pad], 1)


def _edge_stage1(A, ae1):
    return pl.pallas_call(
        _kc_body,
        out_shape=jax.ShapeDtypeStruct((2, N_E, C1), jnp.float32),
    )(A, ae1)


def _ke_body(b_ref, pe_ref, th_ref, u_ref):
    parts = []
    for c in range(2):
        for h in range(2):
            num = b_ref[c][:, 64 * h:64 * (h + 1)]
            den = b_ref[c][:, 128 + h:129 + h]
            xo = _guard_div(num, den)
            parts.append(jnp.maximum(xo, 0.0)
                         + jnp.exp(jnp.minimum(xo, 0.0)) - 1.0)
    xc = jnp.concatenate(parts, 1)
    plap = jnp.sum(jnp.abs(xc), 1, keepdims=True)
    xc = xc + plap * pe_ref[...]
    u = jnp.dot(xc, th_ref[...], preferred_element_type=jnp.float32)
    u_ref[...] = jnp.concatenate([u, jnp.zeros((_R2, 8), jnp.float32)], 1)


def _vertex_stage1(B, pe, Th2):
    return pl.pallas_call(
        _ke_body,
        grid=(NV_PAD // _R2,),
        in_specs=[
            pl.BlockSpec((2, _R2, C1), lambda i: (0, i, 0)),
            pl.BlockSpec((_R2, 256), lambda i: (i, 0)),
            pl.BlockSpec((256, N_CLASSES), lambda i: (0, 0)),
        ],
        out_specs=pl.BlockSpec((_R2, C3), lambda i: (i, 0)),
        out_shape=jax.ShapeDtypeStruct((NV_PAD, C3), jnp.float32),
    )(B, pe, Th2)


def _kf_body(p3_ref, a_ref, ym_ref):
    de = jnp.maximum(a_ref[0][:N_E, 260:261] + a_ref[1][:N_E, 260:261], 1.0)
    s = p3_ref[0][:N_E, :] + p3_ref[1][:N_E, :]
    ym_ref[...] = s / de


def _edge_hspd(P3, A):
    return pl.pallas_call(
        _kf_body,
        out_shape=jax.ShapeDtypeStruct((N_E, C3), jnp.float32),
    )(P3, A)


def _kg_body(p4_ref, b_ref, u_ref, b2_ref, av2_ref, d3_ref, m_ref):
    dv = jnp.maximum(b_ref[0][:, 130:131], 1.0)
    hs = (p4_ref[0][:, :40] + p4_ref[1][:, :40]) / dv
    xt2 = u_ref[...][:, :40] + hs + b2_ref[...]
    sv2 = _leaky(jnp.sum(xt2 * av2_ref[...], 1, keepdims=True))
    d3 = jnp.concatenate([xt2, sv2, jnp.zeros((_R2, 7), jnp.float32)], 1)
    d3_ref[...] = d3
    i = pl.program_id(0)
    rows = lax.broadcasted_iota(jnp.int32, (_R2, 1), 0) + i * _R2
    d3m = jnp.where(rows < N_V, d3, -jnp.inf)

    @pl.when(i == 0)
    def _():
        m_ref[...] = jnp.full((1, C3), -jnp.inf, jnp.float32)

    m_ref[...] = jnp.maximum(m_ref[...], jnp.max(d3m, 0, keepdims=True))


def _vertex_stage2(P4, B, U, b2, av2):
    return pl.pallas_call(
        _kg_body,
        grid=(NV_PAD // _R2,),
        in_specs=[
            pl.BlockSpec((2, _R2, C3), lambda i: (0, i, 0)),
            pl.BlockSpec((2, _R2, C1), lambda i: (0, i, 0)),
            pl.BlockSpec((_R2, C3), lambda i: (i, 0)),
            pl.BlockSpec((1, N_CLASSES), lambda i: (0, 0)),
            pl.BlockSpec((1, N_CLASSES), lambda i: (0, 0)),
        ],
        out_specs=[
            pl.BlockSpec((_R2, C3), lambda i: (i, 0)),
            pl.BlockSpec((1, C3), lambda i: (0, 0)),
        ],
        out_shape=[
            jax.ShapeDtypeStruct((NV_PAD, C3), jnp.float32),
            jax.ShapeDtypeStruct((1, C3), jnp.float32),
        ],
    )(P4, B, U, b2, av2)


def _kh_body(d3_ref, m_ref, g3_ref):
    d3 = d3_ref[...]
    p2 = jnp.exp(d3[:, 40:41] - m_ref[0:1, 40:41])
    g3_ref[...] = jnp.concatenate(
        [d3[:, :40] * p2, p2, jnp.zeros((NV_PAD, 7), jnp.float32)], 1)


def _build_g3(D3, M3):
    return pl.pallas_call(
        _kh_body,
        out_shape=jax.ShapeDtypeStruct((NV_PAD, C3), jnp.float32),
    )(D3, M3)


def _ki_body(p5_ref, ae2_ref, g4_ref):
    a2 = p5_ref[0][:N_E, :] + p5_ref[1][:N_E, :]
    ye2 = _guard_div(a2[:, :40], a2[:, 40:41])
    se2 = _leaky(jnp.sum(ye2 * ae2_ref[...], 1, keepdims=True))
    q2 = jnp.exp(se2 - jnp.max(se2, 0, keepdims=True))
    g4_ref[...] = jnp.concatenate(
        [ye2 * q2, q2, jnp.zeros((N_E, 7), jnp.float32)], 1)


def _edge_stage2(P5, ae2):
    return pl.pallas_call(
        _ki_body,
        out_shape=jax.ShapeDtypeStruct((N_E, C3), jnp.float32),
    )(P5, ae2)


def _kj_body(p6_ref, out_ref):
    bs = p6_ref[0][:N_V, :] + p6_ref[1][:N_V, :]
    out_ref[...] = _guard_div(bs[:, :40], bs[:, 40:41])


def _final(P6):
    return pl.pallas_call(
        _kj_body,
        out_shape=jax.ShapeDtypeStruct((N_V, N_CLASSES), jnp.float32),
    )(P6)


def _pos_encoding_const(n, channels):
    positions = jnp.arange(n, dtype=jnp.float32)[:, None]
    div1 = jnp.exp(jnp.arange(0, channels, 2, dtype=jnp.float32)
                   * (-math.log(10000.0) / channels))
    div2 = jnp.exp(jnp.arange(1, channels, 2, dtype=jnp.float32)
                   * (-math.log(10000.0) / channels))
    pe = jnp.zeros((n, channels), dtype=jnp.float32)
    pe = pe.at[:, 0::2].set(jnp.sin(positions * div1) / channels ** 0.5)
    pe = pe.at[:, 1::2].set(jnp.cos(positions * div2) / channels ** 0.5)
    return pe


def _pad_reshape(idx2, fill, kt):
    n = idx2.shape[1]
    total = 16 * kt
    pad = jnp.full((2, total - n), fill, jnp.int32)
    return jnp.concatenate([idx2, pad], 1).reshape(2, _NS, kt // _B, _B)


KT1 = 20480
KT2 = 10240


def kernel(X, v_idx, e_idx, Theta1, b1, av1, ae1, Theta2, b2, av2, ae2):
    v2 = jnp.stack([v_idx, v_idx])
    e2 = jnp.stack([e_idx, e_idx])
    off_e = jnp.array([[0], [N_E]], jnp.int32)
    comb = lambda s, d: jnp.stack([s, d], 3)
    d_v = _pad_reshape(v2, NV_PAD - 1, KT1)
    x_p2 = comb(_pad_reshape(e2 + off_e, 0, KT1), d_v)
    x_p5 = comb(_pad_reshape(v_idx.reshape(2, -1), 0, KT2),
                _pad_reshape(e_idx.reshape(2, -1), NE_PAD - 1, KT2))
    x_p6 = comb(_pad_reshape(e_idx.reshape(2, -1), 0, KT2),
                _pad_reshape(v_idx.reshape(2, -1), NV_PAD - 1, KT2))
    pe = jnp.concatenate([_pos_encoding_const(N_V, 256),
                          jnp.zeros((NV_PAD - N_V, 256), jnp.float32)])

    Th = jnp.transpose(Theta1, (1, 0, 2)).reshape(D_IN, N_HEADS * D_HID)
    Xt, sv, M = _dense1(X, Th, b1.reshape(1, -1), av1.reshape(1, -1))
    G1 = _build_g1(Xt, sv, M)

    A = _run_pass(G1, x_p5, NE_PAD)
    G2 = _edge_stage1(A, ae1)

    B = _run_pass(G2.reshape(2 * N_E, C1), x_p2, NV_PAD)
    U = _vertex_stage1(B, pe, Theta2)

    P3 = _run_pass(U, x_p5, NE_PAD)
    Ym = _edge_hspd(P3, A)
    P4 = _run_pass(Ym, x_p6, NV_PAD)

    D3, M3 = _vertex_stage2(P4, B, U,
                            b2.reshape(1, -1), av2.reshape(1, -1))
    G3 = _build_g3(D3, M3)

    P5 = _run_pass(G3, x_p5, NE_PAD)
    G4 = _edge_stage2(P5, ae2.reshape(1, -1))
    P6 = _run_pass(G4, x_p6, NV_PAD)
    return _final(P6)

# --- scband reference (transcript-rebuilt; emitter-appended) ---
"""Pipeline reference for scband-hgt-360777253417 (READ-ONLY COPY).

The authoritative reference and input builder live on the scoring server;
editing this copy changes nothing except your own understanding.
"""

import jax, jax.numpy as jnp
import numpy as np
import math

N_V = 10000
N_E = 2500
NNZ = 320000
D_IN = 128
D_HID = 64
N_HEADS = 4
N_CLASSES = 40
NEG_SLOPE = 0.2
P_LAP = 1.0


def setup_inputs(seed: int = 0) -> dict:
    key = jax.random.key(seed)
    ks = jax.random.split(key, 12)
    X = jax.random.normal(ks[0], (N_V, D_IN), dtype=jnp.float32)
    v_idx = jax.random.randint(ks[1], (NNZ,), 0, N_V, dtype=jnp.int32)
    e_idx = jax.random.randint(ks[2], (NNZ,), 0, N_E, dtype=jnp.int32)
    s_in = 1.0 / math.sqrt(D_IN)
    s_h = 1.0 / math.sqrt(D_HID)
    d_model = D_HID * N_HEADS
    s_m = 1.0 / math.sqrt(d_model)
    s_c = 1.0 / math.sqrt(N_CLASSES)
    Theta1 = jax.random.normal(ks[3], (N_HEADS, D_IN, D_HID), dtype=jnp.float32) * s_in
    b1 = jnp.zeros((N_HEADS, D_HID), dtype=jnp.float32)
    av1 = jax.random.normal(ks[4], (N_HEADS, D_HID), dtype=jnp.float32) * s_h
    ae1 = jax.random.normal(ks[5], (N_HEADS, D_HID), dtype=jnp.float32) * s_h
    Theta2 = jax.random.normal(ks[6], (d_model, N_CLASSES), dtype=jnp.float32) * s_m
    b2 = jnp.zeros((N_CLASSES,), dtype=jnp.float32)
    av2 = jax.random.normal(ks[7], (N_CLASSES,), dtype=jnp.float32) * s_c
    ae2 = jax.random.normal(ks[8], (N_CLASSES,), dtype=jnp.float32) * s_c
    return {"X": X, "v_idx": v_idx, "e_idx": e_idx, "Theta1": Theta1, "b1": b1,
            "av1": av1, "ae1": ae1, "Theta2": Theta2, "b2": b2, "av2": av2, "ae2": ae2}


def _leaky(x):
    return jax.nn.leaky_relu(x, NEG_SLOPE)


def _seg_softmax(scores, seg, num_segments):
    m = jax.ops.segment_max(scores, seg, num_segments)
    m = jnp.where(jnp.isfinite(m), m, 0.0)
    e = jnp.exp(scores - m[seg])
    d = jax.ops.segment_sum(e, seg, num_segments)
    return e / (d[seg] + 1e-9)


def _hgt_conv(X, Theta, b, a_v, a_e, v_idx, e_idx, is_last):
    Xt = X @ Theta + b
    sv = _leaky(Xt @ a_v)
    alpha = _seg_softmax(sv[v_idx], e_idx, N_E)
    Ye = jax.ops.segment_sum(alpha[:, None] * Xt[v_idx], e_idx, N_E)
    se = _leaky(Ye @ a_e)
    beta = _seg_softmax(se[e_idx], v_idx, N_V)
    Xo = jax.ops.segment_sum(beta[:, None] * Ye[e_idx], v_idx, N_V)
    if not is_last:
        Xo = jax.nn.elu(Xo)
    return Xo


def _pos_encoding(X, channels):
    n = X.shape[0]
    inv_sqrt_d = 1.0 / channels ** 0.5
    positions = jnp.arange(n, dtype=jnp.float32)[:, None]
    div1 = jnp.exp(jnp.arange(0, channels, 2, dtype=jnp.float32) * (-math.log(10000.0) / channels))
    div2 = jnp.exp(jnp.arange(1, channels, 2, dtype=jnp.float32) * (-math.log(10000.0) / channels))
    pe = jnp.zeros((n, channels), dtype=jnp.float32)
    pe = pe.at[:, 0::2].set(jnp.sin(positions * div1) * inv_sqrt_d)
    pe = pe.at[:, 1::2].set(jnp.cos(positions * div2) * inv_sqrt_d)
    plap = jnp.power(jnp.sum(jnp.abs(X) ** P_LAP, axis=1, keepdims=True) + 1e-12, 1.0 / P_LAP)
    return plap * pe


def _hspd_encoding(X, v_idx, e_idx):
    ones = jnp.ones((v_idx.shape[0],), dtype=jnp.float32)
    de = jnp.maximum(jax.ops.segment_sum(ones, e_idx, N_E), 1.0)
    dv = jnp.maximum(jax.ops.segment_sum(ones, v_idx, N_V), 1.0)
    Ye = jax.ops.segment_sum(X[v_idx], e_idx, N_E) / de[:, None]
    Xo = jax.ops.segment_sum(Ye[e_idx], v_idx, N_V) / dv[:, None]
    return Xo


def reference(X, v_idx, e_idx, Theta1, b1, av1, ae1, Theta2, b2, av2, ae2):
    heads = [_hgt_conv(X, Theta1[h], b1[h], av1[h], ae1[h], v_idx, e_idx, False) for h in range(N_HEADS)]
    Xc = jnp.concatenate(heads, axis=1)
    Xc = Xc + _pos_encoding(Xc, Xc.shape[1])
    Xc = Xc + _hspd_encoding(Xc, v_idx, e_idx)
    out = _hgt_conv(Xc, Theta2, b2, av2, ae2, v_idx, e_idx, True)
    return out

if __name__ == "__main__":
    import jax
    _d = setup_inputs()
    print(jax.jit(kernel)(*tuple(_d.values())))

</pallas_src>

<mosaic_0001>
#map = affine_map<(d0, d1) -> (0, 0)>
#map1 = affine_map<(d0, d1) -> (0, 0, 0, 0, 0, 0)>
#map2 = affine_map<(d0, d1) -> (0, 0, 0)>
module attributes {stable_mosaic.version = 14 : i64} {
  func.func @body(%arg0: i32, %arg1: i32, %arg2: memref<10000x272xf32, #tpu.memory_space<hbm>>, %arg3: memref<2x16x20x4x2x128xi32, #tpu.memory_space<hbm>>, %arg4: memref<160x272xf32, #tpu.memory_space<hbm>>, %arg5: memref<2x2560x272xf32, #tpu.memory_space<hbm>>, %arg6: memref<4x2x128xi32, #tpu.memory_space<vmem>>, %arg7: memref<4x2x128xi32, #tpu.memory_space<vmem>>, %arg8: memref<128x272xf32, #tpu.memory_space<vmem>>, %arg9: memref<128x272xf32, #tpu.memory_space<vmem>>, %arg10: memref<2560x272xf32, #tpu.memory_space<vmem_shared>>, %arg11: memref<!tpu.dma_semaphore, #tpu.memory_space<semaphore_mem>>, %arg12: memref<!tpu.dma_semaphore, #tpu.memory_space<semaphore_mem>>, %arg13: memref<!tpu.dma_semaphore, #tpu.memory_space<semaphore_mem>>, %arg14: memref<!tpu.dma_semaphore, #tpu.memory_space<semaphore_mem>>, %arg15: memref<!tpu.dma_semaphore, #tpu.memory_space<semaphore_mem>>, %arg16: memref<!tpu.dma_semaphore, #tpu.memory_space<semaphore_mem>>) attributes {dimension_semantics = [#tpu.dimension_semantics<core_parallel>, #tpu.dimension_semantics<subcore_parallel>], iteration_bounds = array<i64: 2, 16>, scalar_prefetch = 0 : i64, scratch_operands = 11 : i64, tpu.core_type = #tpu.core_type<sc_vector_subcore>, window_params = [{transform_indices = #map}, {transform_indices = #map1}, {transform_indices = #map}, {transform_indices = #map2}]} {
    %mul3A = arith.constant 160 : i32
    %mul3A_0 = arith.muli %arg1, %mul3A : i32
    "tpu.region"() ({
      %run_scoped3A_27 = tpu.sem_alloc : memref<!tpu.dma_semaphore, #tpu.memory_space<semaphore_mem>>
      %dma_start3A_28 = arith.constant 0 : i32
      %dma_start3A_29 = tpu.memref_slice %arg10[%mul3A_0, %dma_start3A_28] : memref<2560x272xf32, #tpu.memory_space<vmem_shared>> -> memref<160x272xf32, #tpu.memory_space<vmem_shared>>
      tpu.enqueue_dma source(%arg4 : memref<160x272xf32, #tpu.memory_space<hbm>>) target(%dma_start3A_29 : memref<160x272xf32, #tpu.memory_space<vmem_shared>>) target_semaphore(%run_scoped3A_27 : memref<!tpu.dma_semaphore, #tpu.memory_space<semaphore_mem>>)
      %dma_wait3A = arith.constant 0 : i32
      %dma_wait3A_30 = tpu.memref_slice %arg10[%mul3A_0, %dma_wait3A] : memref<2560x272xf32, #tpu.memory_space<vmem_shared>> -> memref<160x272xf32, #tpu.memory_space<vmem_shared>>
      tpu.wait_dma2 semaphore(%run_scoped3A_27 : memref<!tpu.dma_semaphore, #tpu.memory_space<semaphore_mem>>) src(%arg4 : memref<160x272xf32, #tpu.memory_space<hbm>>) dst(%dma_wait3A_30 : memref<160x272xf32, #tpu.memory_space<vmem_shared>>)
      tpu.yield
    }) : () -> ()
    %run_scoped3A = arith.constant 0 : i32
    "tpu.region"() ({
      %run_scoped3A_27 = tpu.sem_alloc : memref<!tpu.dma_semaphore, #tpu.memory_space<semaphore_mem>>
      %dma_start3A_28 = arith.constant 0 : i32
      %dma_start3A_29 = arith.constant 0 : i32
      %dma_start3A_30 = arith.constant 0 : i32
      %dma_start3A_31 = tpu.memref_slice %arg3[%arg0, %arg1, %run_scoped3A, %dma_start3A_28, %dma_start3A_29, %dma_start3A_30] : memref<2x16x20x4x2x128xi32, #tpu.memory_space<hbm>> -> memref<1x1x1x4x2x128xi32, #tpu.memory_space<hbm>>
      %dma_start3A_32 = tpu.memref_squeeze %dma_start3A_31 : memref<1x1x1x4x2x128xi32, #tpu.memory_space<hbm>> -> memref<4x2x128xi32, #tpu.memory_space<hbm>>
      %dma_start3A_33 = arith.constant 0 : i32
      %dma_start3A_34 = arith.constant 0 : i32
      %dma_start3A_35 = arith.constant 0 : i32
      %dma_start3A_36 = tpu.memref_slice %arg3[%arg0, %arg1, %run_scoped3A, %dma_start3A_33, %dma_start3A_34, %dma_start3A_35] : memref<2x16x20x4x2x128xi32, #tpu.memory_space<hbm>> -> memref<1x1x1x4x2x128xi32, #tpu.memory_space<hbm>>
      %dma_start3A_37 = tpu.memref_squeeze %dma_start3A_36 : memref<1x1x1x4x2x128xi32, #tpu.memory_space<hbm>> -> memref<4x2x128xi32, #tpu.memory_space<hbm>>
      tpu.enqueue_dma source(%dma_start3A_37 : memref<4x2x128xi32, #tpu.memory_space<hbm>>) target(%arg6 : memref<4x2x128xi32, #tpu.memory_space<vmem>>) target_semaphore(%run_scoped3A_27 : memref<!tpu.dma_semaphore, #tpu.memory_space<semaphore_mem>>)
      %dma_wait3A = arith.constant 0 : i32
      %dma_wait3A_38 = arith.constant 0 : i32
      %dma_wait3A_39 = arith.constant 0 : i32
      %dma_wait3A_40 = tpu.memref_slice %arg3[%arg0, %arg1, %run_scoped3A, %dma_wait3A, %dma_wait3A_38, %dma_wait3A_39] : memref<2x16x20x4x2x128xi32, #tpu.memory_space<hbm>> -> memref<1x1x1x4x2x128xi32, #tpu.memory_space<hbm>>
      %dma_wait3A_41 = tpu.memref_squeeze %dma_wait3A_40 : memref<1x1x1x4x2x128xi32, #tpu.memory_space<hbm>> -> memref<4x2x128xi32, #tpu.memory_space<hbm>>
      %dma_wait3A_42 = arith.constant 0 : i32
      %dma_wait3A_43 = arith.constant 0 : i32
      %dma_wait3A_44 = arith.constant 0 : i32
      %dma_wait3A_45 = tpu.memref_slice %arg3[%arg0, %arg1, %run_scoped3A, %dma_wait3A_42, %dma_wait3A_43, %dma_wait3A_44] : memref<2x16x20x4x2x128xi32, #tpu.memory_space<hbm>> -> memref<1x1x1x4x2x128xi32, #tpu.memory_space<hbm>>
      %dma_wait3A_46 = tpu.memref_squeeze %dma_wait3A_45 : memref<1x1x1x4x2x128xi32, #tpu.memory_space<hbm>> -> memref<4x2x128xi32, #tpu.memory_space<hbm>>
      tpu.wait_dma2 semaphore(%run_scoped3A_27 : memref<!tpu.dma_semaphore, #tpu.memory_space<semaphore_mem>>) src(%dma_wait3A_46 : memref<4x2x128xi32, #tpu.memory_space<hbm>>) dst(%arg6 : memref<4x2x128xi32, #tpu.memory_space<vmem>>)
      tpu.yield
    }) : () -> ()
    %run_scoped3A_1 = arith.constant 1 : i32
    "tpu.region"() ({
      %run_scoped3A_27 = tpu.sem_alloc : memref<!tpu.dma_semaphore, #tpu.memory_space<semaphore_mem>>
      %dma_start3A_28 = arith.constant 0 : i32
      %dma_start3A_29 = arith.constant 0 : i32
      %dma_start3A_30 = arith.constant 0 : i32
      %dma_start3A_31 = tpu.memref_slice %arg3[%arg0, %arg1, %run_scoped3A_1, %dma_start3A_28, %dma_start3A_29, %dma_start3A_30] : memref<2x16x20x4x2x128xi32, #tpu.memory_space<hbm>> -> memref<1x1x1x4x2x128xi32, #tpu.memory_space<hbm>>
      %dma_start3A_32 = tpu.memref_squeeze %dma_start3A_31 : memref<1x1x1x4x2x128xi32, #tpu.memory_space<hbm>> -> memref<4x2x128xi32, #tpu.memory_space<hbm>>
      %dma_start3A_33 = arith.constant 0 : i32
      %dma_start3A_34 = arith.constant 0 : i32
      %dma_start3A_35 = arith.constant 0 : i32
      %dma_start3A_36 = tpu.memref_slice %arg3[%arg0, %arg1, %run_scoped3A_1, %dma_start3A_33, %dma_start3A_34, %dma_start3A_35] : memref<2x16x20x4x2x128xi32, #tpu.memory_space<hbm>> -> memref<1x1x1x4x2x128xi32, #tpu.memory_space<hbm>>
      %dma_start3A_37 = tpu.memref_squeeze %dma_start3A_36 : memref<1x1x1x4x2x128xi32, #tpu.memory_space<hbm>> -> memref<4x2x128xi32, #tpu.memory_space<hbm>>
      tpu.enqueue_dma source(%dma_start3A_37 : memref<4x2x128xi32, #tpu.memory_space<hbm>>) target(%arg7 : memref<4x2x128xi32, #tpu.memory_space<vmem>>) target_semaphore(%run_scoped3A_27 : memref<!tpu.dma_semaphore, #tpu.memory_space<semaphore_mem>>)
      %dma_wait3A = arith.constant 0 : i32
      %dma_wait3A_38 = arith.constant 0 : i32
      %dma_wait3A_39 = arith.constant 0 : i32
      %dma_wait3A_40 = tpu.memref_slice %arg3[%arg0, %arg1, %run_scoped3A_1, %dma_wait3A, %dma_wait3A_38, %dma_wait3A_39] : memref<2x16x20x4x2x128xi32, #tpu.memory_space<hbm>> -> memref<1x1x1x4x2x128xi32, #tpu.memory_space<hbm>>
      %dma_wait3A_41 = tpu.memref_squeeze %dma_wait3A_40 : memref<1x1x1x4x2x128xi32, #tpu.memory_space<hbm>> -> memref<4x2x128xi32, #tpu.memory_space<hbm>>
      %dma_wait3A_42 = arith.constant 0 : i32
      %dma_wait3A_43 = arith.constant 0 : i32
      %dma_wait3A_44 = arith.constant 0 : i32
      %dma_wait3A_45 = tpu.memref_slice %arg3[%arg0, %arg1, %run_scoped3A_1, %dma_wait3A_42, %dma_wait3A_43, %dma_wait3A_44] : memref<2x16x20x4x2x128xi32, #tpu.memory_space<hbm>> -> memref<1x1x1x4x2x128xi32, #tpu.memory_space<hbm>>
      %dma_wait3A_46 = tpu.memref_squeeze %dma_wait3A_45 : memref<1x1x1x4x2x128xi32, #tpu.memory_space<hbm>> -> memref<4x2x128xi32, #tpu.memory_space<hbm>>
      tpu.wait_dma2 semaphore(%run_scoped3A_27 : memref<!tpu.dma_semaphore, #tpu.memory_space<semaphore_mem>>) src(%dma_wait3A_46 : memref<4x2x128xi32, #tpu.memory_space<hbm>>) dst(%arg7 : memref<4x2x128xi32, #tpu.memory_space<vmem>>)
      tpu.yield
    }) : () -> ()
    %barrier3A = arith.constant 0 : index
    tpu.barrier barrier_id(%barrier3A)
    %dma_start3A = arith.constant 0 : i32
    %dma_start3A_2 = arith.constant 0 : i32
    %dma_start3A_3 = arith.constant 0 : i32
    %dma_start3A_4 = tpu.memref_slice %arg6[%dma_start3A, %dma_start3A_2, %dma_start3A_3] : memref<4x2x128xi32, #tpu.memory_space<vmem>> -> memref<1x1x128xi32, #tpu.memory_space<vmem>>
    %dma_start3A_5 = tpu.memref_squeeze %dma_start3A_4 : memref<1x1x128xi32, #tpu.memory_space<vmem>> -> memref<128xi32, #tpu.memory_space<vmem>>
    %dma_start3A_6 = arith.constant 0 : i32
    %dma_start3A_7 = arith.constant 0 : i32
    %dma_start3A_8 = tpu.memref_slice %arg2[%dma_start3A_6, %dma_start3A_7] : memref<10000x272xf32, #tpu.memory_space<hbm>> -> memref<10000x272xf32, #tpu.memory_space<hbm>>
    tpu.enqueue_indirect_dma source(%dma_start3A_8 : memref<10000x272xf32, #tpu.memory_space<hbm>>) target(%arg8 : memref<128x272xf32, #tpu.memory_space<vmem>>) offsets(%dma_start3A_5 : memref<128xi32, #tpu.memory_space<vmem>>) semaphore(%arg11 : memref<!tpu.dma_semaphore, #tpu.memory_space<semaphore_mem>>)
    %dma_start3A_9 = arith.constant 1 : i32
    %dma_start3A_10 = arith.constant 0 : i32
    %dma_start3A_11 = arith.constant 0 : i32
    %dma_start3A_12 = tpu.memref_slice %arg6[%dma_start3A_9, %dma_start3A_10, %dma_start3A_11] : memref<4x2x128xi32, #tpu.memory_space<vmem>> -> memref<1x1x128xi32, #tpu.memory_space<vmem>>
    %dma_start3A_13 = tpu.memref_squeeze %dma_start3A_12 : memref<1x1x128xi32, #tpu.memory_space<vmem>> -> memref<128xi32, #tpu.memory_space<vmem>>
    %dma_start3A_14 = arith.constant 0 : i32
    %dma_start3A_15 = arith.constant 0 : i32
    %dma_start3A_16 = tpu.memref_slice %arg2[%dma_start3A_14, %dma_start3A_15] : memref<10000x272xf32, #tpu.memory_space<hbm>> -> memref<10000x272xf32, #tpu.memory_space<hbm>>
    tpu.enqueue_indirect_dma source(%dma_start3A_16 : memref<10000x272xf32, #tpu.memory_space<hbm>>) target(%arg9 : memref<128x272xf32, #tpu.memory_space<vmem>>) offsets(%dma_start3A_13 : memref<128xi32, #tpu.memory_space<vmem>>) semaphore(%arg12 : memref<!tpu.dma_semaphore, #tpu.memory_space<semaphore_mem>>)
    %scan3A = arith.constant 0 : i32
    %scan3A_17 = arith.constant 0 : i32
    %scan3A_18 = arith.constant 10 : i32
    %scan3A_19 = arith.addi %scan3A_17, %scan3A_18 : i32
    %scan3A_20 = arith.constant 1 : i32
    scf.for %scan3A_27 = %scan3A_17 to %scan3A_19 step %scan3A_20  : i32 {
      %dma_wait3A = arith.constant 0 : i32
      %dma_wait3A_28 = arith.constant 0 : i32
      %dma_wait3A_29 = tpu.memref_slice %arg2[%dma_wait3A, %dma_wait3A_28] : memref<10000x272xf32, #tpu.memory_space<hbm>> -> memref<128x272xf32, #tpu.memory_space<hbm>>
      %dma_wait3A_30 = arith.constant 0 : i32
      %dma_wait3A_31 = arith.constant 0 : i32
      %dma_wait3A_32 = tpu.memref_slice %arg2[%dma_wait3A_30, %dma_wait3A_31] : memref<10000x272xf32, #tpu.memory_space<hbm>> -> memref<128x272xf32, #tpu.memory_space<hbm>>
      tpu.wait_dma2 semaphore(%arg11 : memref<!tpu.dma_semaphore, #tpu.memory_space<semaphore_mem>>) src(%dma_wait3A_32 : memref<128x272xf32, #tpu.memory_space<hbm>>) dst(%arg8 : memref<128x272xf32, #tpu.memory_space<vmem>>)
      %dma_start3A_33 = arith.constant 0 : i32
      %dma_start3A_34 = arith.constant 1 : i32
      %dma_start3A_35 = arith.constant 0 : i32
      %dma_start3A_36 = tpu.memref_slice %arg6[%dma_start3A_33, %dma_start3A_34, %dma_start3A_35] : memref<4x2x128xi32, #tpu.memory_space<vmem>> -> memref<1x1x128xi32, #tpu.memory_space<vmem>>
      %dma_start3A_37 = tpu.memref_squeeze %dma_start3A_36 : memref<1x1x128xi32, #tpu.memory_space<vmem>> -> memref<128xi32, #tpu.memory_space<vmem>>
      %dma_start3A_38 = arith.constant 0 : i32
      %dma_start3A_39 = arith.constant 0 : i32
      %dma_start3A_40 = tpu.memref_slice %arg10[%dma_start3A_38, %dma_start3A_39] : memref<2560x272xf32, #tpu.memory_space<vmem_shared>> -> memref<2560x272xf32, #tpu.memory_space<vmem_shared>>
      tpu.enqueue_indirect_dma source(%arg8 : memref<128x272xf32, #tpu.memory_space<vmem>>) target(%dma_start3A_40 : memref<2560x272xf32, #tpu.memory_space<vmem_shared>>) offsets(%dma_start3A_37 : memref<128xi32, #tpu.memory_space<vmem>>) semaphore(%arg13 : memref<!tpu.dma_semaphore, #tpu.memory_space<semaphore_mem>>) {add = true}
      %dma_wait3A_41 = arith.constant 0 : i32
      %dma_wait3A_42 = arith.constant 0 : i32
      %dma_wait3A_43 = tpu.memref_slice %arg2[%dma_wait3A_41, %dma_wait3A_42] : memref<10000x272xf32, #tpu.memory_space<hbm>> -> memref<128x272xf32, #tpu.memory_space<hbm>>
      %dma_wait3A_44 = arith.constant 0 : i32
      %dma_wait3A_45 = arith.constant 0 : i32
      %dma_wait3A_46 = tpu.memref_slice %arg2[%dma_wait3A_44, %dma_wait3A_45] : memref<10000x272xf32, #tpu.memory_space<hbm>> -> memref<128x272xf32, #tpu.memory_space<hbm>>
      tpu.wait_dma2 semaphore(%arg12 : memref<!tpu.dma_semaphore, #tpu.memory_space<semaphore_mem>>) src(%dma_wait3A_46 : memref<128x272xf32, #tpu.memory_space<hbm>>) dst(%arg8 : memref<128x272xf32, #tpu.memory_space<vmem>>)
      %dma_start3A_47 = arith.constant 1 : i32
      %dma_start3A_48 = arith.constant 1 : i32
      %dma_start3A_49 = arith.constant 0 : i32
      %dma_start3A_50 = tpu.memref_slice %arg6[%dma_start3A_47, %dma_start3A_48, %dma_start3A_49] : memref<4x2x128xi32, #tpu.memory_space<vmem>> -> memref<1x1x128xi32, #tpu.memory_space<vmem>>
      %dma_start3A_51 = tpu.memref_squeeze %dma_start3A_50 : memref<1x1x128xi32, #tpu.memory_space<vmem>> -> memref<128xi32, #tpu.memory_space<vmem>>
      %dma_start3A_52 = arith.constant 0 : i32
      %dma_start3A_53 = arith.constant 0 : i32
      %dma_start3A_54 = tpu.memref_slice %arg10[%dma_start3A_52, %dma_start3A_53] : memref<2560x272xf32, #tpu.memory_space<vmem_shared>> -> memref<2560x272xf32, #tpu.memory_space<vmem_shared>>
      tpu.enqueue_indirect_dma source(%arg9 : memref<128x272xf32, #tpu.memory_space<vmem>>) target(%dma_start3A_54 : memref<2560x272xf32, #tpu.memory_space<vmem_shared>>) offsets(%dma_start3A_51 : memref<128xi32, #tpu.memory_space<vmem>>) semaphore(%arg14 : memref<!tpu.dma_semaphore, #tpu.memory_space<semaphore_mem>>) {add = true}
      %dma_wait3A_55 = arith.constant 0 : i32
      %dma_wait3A_56 = arith.constant 0 : i32
      %dma_wait3A_57 = tpu.memref_slice %arg2[%dma_wait3A_55, %dma_wait3A_56] : memref<10000x272xf32, #tpu.memory_space<hbm>> -> memref<128x272xf32, #tpu.memory_space<hbm>>
      %dma_wait3A_58 = arith.constant 0 : i32
      %dma_wait3A_59 = arith.constant 0 : i32
      %dma_wait3A_60 = tpu.memref_slice %arg2[%dma_wait3A_58, %dma_wait3A_59] : memref<10000x272xf32, #tpu.memory_space<hbm>> -> memref<128x272xf32, #tpu.memory_space<hbm>>
      tpu.wait_dma2 semaphore(%arg13 : memref<!tpu.dma_semaphore, #tpu.memory_space<semaphore_mem>>) src(%dma_wait3A_60 : memref<128x272xf32, #tpu.memory_space<hbm>>) dst(%arg8 : memref<128x272xf32, #tpu.memory_space<vmem>>)
      %dma_start3A_61 = arith.constant 2 : i32
      %dma_start3A_62 = arith.constant 0 : i32
      %dma_start3A_63 = arith.constant 0 : i32
      %dma_start3A_64 = tpu.memref_slice %arg6[%dma_start3A_61, %dma_start3A_62, %dma_start3A_63] : memref<4x2x128xi32, #tpu.memory_space<vmem>> -> memref<1x1x128xi32, #tpu.memory_space<vmem>>
      %dma_start3A_65 = tpu.memref_squeeze %dma_start3A_64 : memref<1x1x128xi32, #tpu.memory_space<vmem>> -> memref<128xi32, #tpu.memory_space<vmem>>
      %dma_start3A_66 = arith.constant 0 : i32
      %dma_start3A_67 = arith.constant 0 : i32
      %dma_start3A_68 = tpu.memref_slice %arg2[%dma_start3A_66, %dma_start3A_67] : memref<10000x272xf32, #tpu.memory_space<hbm>> -> memref<10000x272xf32, #tpu.memory_space<hbm>>
      tpu.enqueue_indirect_dma source(%dma_start3A_68 : memref<10000x272xf32, #tpu.memory_space<hbm>>) target(%arg8 : memref<128x272xf32, #tpu.memory_space<vmem>>) offsets(%dma_start3A_65 : memref<128xi32, #tpu.memory_space<vmem>>) semaphore(%arg11 : memref<!tpu.dma_semaphore, #tpu.memory_space<semaphore_mem>>)
      %dma_wait3A_69 = arith.constant 0 : i32
      %dma_wait3A_70 = arith.constant 0 : i32
      %dma_wait3A_71 = tpu.memref_slice %arg2[%dma_wait3A_69, %dma_wait3A_70] : memref<10000x272xf32, #tpu.memory_space<hbm>> -> memref<128x272xf32, #tpu.memory_space<hbm>>
      %dma_wait3A_72 = arith.constant 0 : i32
      %dma_wait3A_73 = arith.constant 0 : i32
      %dma_wait3A_74 = tpu.memref_slice %arg2[%dma_wait3A_72, %dma_wait3A_73] : memref<10000x272xf32, #tpu.memory_space<hbm>> -> memref<128x272xf32, #tpu.memory_space<hbm>>
      tpu.wait_dma2 semaphore(%arg14 : memref<!tpu.dma_semaphore, #tpu.memory_space<semaphore_mem>>) src(%dma_wait3A_74 : memref<128x272xf32, #tpu.memory_space<hbm>>) dst(%arg8 : memref<128x272xf32, #tpu.memory_space<vmem>>)
      %dma_start3A_75 = arith.constant 3 : i32
      %dma_start3A_76 = arith.constant 0 : i32
      %dma_start3A_77 = arith.constant 0 : i32
      %dma_start3A_78 = tpu.memref_slice %arg6[%dma_start3A_75, %dma_start3A_76, %dma_start3A_77] : memref<4x2x128xi32, #tpu.memory_space<vmem>> -> memref<1x1x128xi32, #tpu.memory_space<vmem>>
      %dma_start3A_79 = tpu.memref_squeeze %dma_start3A_78 : memref<1x1x128xi32, #tpu.memory_space<vmem>> -> memref<128xi32, #tpu.memory_space<vmem>>
      %dma_start3A_80 = arith.constant 0 : i32
      %dma_start3A_81 = arith.constant 0 : i32
      %dma_start3A_82 = tpu.memref_slice %arg2[%dma_start3A_80, %dma_start3A_81] : memref<10000x272xf32, #tpu.memory_space<hbm>> -> memref<10000x272xf32, #tpu.memory_space<hbm>>
      tpu.enqueue_indirect_dma source(%dma_start3A_82 : memref<10000x272xf32, #tpu.memory_space<hbm>>) target(%arg9 : memref<128x272xf32, #tpu.memory_space<vmem>>) offsets(%dma_start3A_79 : memref<128xi32, #tpu.memory_space<vmem>>) semaphore(%arg12 : memref<!tpu.dma_semaphore, #tpu.memory_space<semaphore_mem>>)
      %dma_wait3A_83 = arith.constant 0 : i32
      %dma_wait3A_84 = arith.constant 0 : i32
      %dma_wait3A_85 = tpu.memref_slice %arg2[%dma_wait3A_83, %dma_wait3A_84] : memref<10000x272xf32, #tpu.memory_space<hbm>> -> memref<128x272xf32, #tpu.memory_space<hbm>>
      %dma_wait3A_86 = arith.constant 0 : i32
      %dma_wait3A_87 = arith.constant 0 : i32
      %dma_wait3A_88 = tpu.memref_slice %arg2[%dma_wait3A_86, %dma_wait3A_87] : memref<10000x272xf32, #tpu.memory_space<hbm>> -> memref<128x272xf32, #tpu.memory_space<hbm>>
      tpu.wait_dma2 semaphore(%arg11 : memref<!tpu.dma_semaphore, #tpu.memory_space<semaphore_mem>>) src(%dma_wait3A_88 : memref<128x272xf32, #tpu.memory_space<hbm>>) dst(%arg8 : memref<128x272xf32, #tpu.memory_space<vmem>>)
      %dma_start3A_89 = arith.constant 2 : i32
      %dma_start3A_90 = arith.constant 1 : i32
      %dma_start3A_91 = arith.constant 0 : i32
      %dma_start3A_92 = tpu.memref_slice %arg6[%dma_start3A_89, %dma_start3A_90, %dma_start3A_91] : memref<4x2x128xi32, #tpu.memory_space<vmem>> -> memref<1x1x128xi32, #tpu.memory_space<vmem>>
      %dma_start3A_93 = tpu.memref_squeeze %dma_start3A_92 : memref<1x1x128xi32, #tpu.memory_space<vmem>> -> memref<128xi32, #tpu.memory_space<vmem>>
      %dma_start3A_94 = arith.constant 0 : i32
      %dma_start3A_95 = arith.constant 0 : i32
      %dma_start3A_96 = tpu.memref_slice %arg10[%dma_start3A_94, %dma_start3A_95] : memref<2560x272xf32, #tpu.memory_space<vmem_shared>> -> memref<2560x272xf32, #tpu.memory_space<vmem_shared>>
      tpu.enqueue_indirect_dma source(%arg8 : memref<128x272xf32, #tpu.memory_space<vmem>>) target(%dma_start3A_96 : memref<2560x272xf32, #tpu.memory_space<vmem_shared>>) offsets(%dma_start3A_93 : memref<128xi32, #tpu.memory_space<vmem>>) semaphore(%arg13 : memref<!tpu.dma_semaphore, #tpu.memory_space<semaphore_mem>>) {add = true}
      %dma_wait3A_97 = arith.constant 0 : i32
      %dma_wait3A_98 = arith.constant 0 : i32
      %dma_wait3A_99 = tpu.memref_slice %arg2[%dma_wait3A_97, %dma_wait3A_98] : memref<10000x272xf32, #tpu.memory_space<hbm>> -> memref<128x272xf32, #tpu.memory_space<hbm>>
      %dma_wait3A_100 = arith.constant 0 : i32
      %dma_wait3A_101 = arith.constant 0 : i32
      %dma_wait3A_102 = tpu.memref_slice %arg2[%dma_wait3A_100, %dma_wait3A_101] : memref<10000x272xf32, #tpu.memory_space<hbm>> -> memref<128x272xf32, #tpu.memory_space<hbm>>
      tpu.wait_dma2 semaphore(%arg12 : memref<!tpu.dma_semaphore, #tpu.memory_space<semaphore_mem>>) src(%dma_wait3A_102 : memref<128x272xf32, #tpu.memory_space<hbm>>) dst(%arg8 : memref<128x272xf32, #tpu.memory_space<vmem>>)
      %dma_start3A_103 = arith.constant 3 : i32
      %dma_start3A_104 = arith.constant 1 : i32
      %dma_start3A_105 = arith.constant 0 : i32
      %dma_start3A_106 = tpu.memref_slice %arg6[%dma_start3A_103, %dma_start3A_104, %dma_start3A_105] : memref<4x2x128xi32, #tpu.memory_space<vmem>> -> memref<1x1x128xi32, #tpu.memory_space<vmem>>
      %dma_start3A_107 = tpu.memref_squeeze %dma_start3A_106 : memref<1x1x128xi32, #tpu.memory_space<vmem>> -> memref<128xi32, #tpu.memory_space<vmem>>
      %dma_start3A_108 = arith.constant 0 : i32
      %dma_start3A_109 = arith.constant 0 : i32
      %dma_start3A_110 = tpu.memref_slice %arg10[%dma_start3A_108, %dma_start3A_109] : memref<2560x272xf32, #tpu.memory_space<vmem_shared>> -> memref<2560x272xf32, #tpu.memory_space<vmem_shared>>
      tpu.enqueue_indirect_dma source(%arg9 : memref<128x272xf32, #tpu.memory_space<vmem>>) target(%dma_start3A_110 : memref<2560x272xf32, #tpu.memory_space<vmem_shared>>) offsets(%dma_start3A_107 : memref<128xi32, #tpu.memory_space<vmem>>) semaphore(%arg14 : memref<!tpu.dma_semaphore, #tpu.memory_space<semaphore_mem>>) {add = true}
      %gt3A = arith.constant 0 : i32
      %gt3A_111 = arith.cmpi sgt, %scan3A_27, %gt3A : i32
      %convert_element_type3A = arith.extui %gt3A_111 : i1 to i32
      %cond3A = arith.constant 0 : i32
      %cond3A_112 = arith.cmpi ne, %convert_element_type3A, %cond3A : i32
      scf.if %cond3A_112 {
        %dma_wait3A_238 = arith.constant 0 : i32
        %dma_wait3A_239 = arith.constant 0 : i32
        %dma_wait3A_240 = arith.constant 0 : i32
        %dma_wait3A_241 = arith.constant 0 : i32
        %dma_wait3A_242 = tpu.memref_slice %arg3[%arg0, %arg1, %dma_wait3A_238, %dma_wait3A_239, %dma_wait3A_240, %dma_wait3A_241] : memref<2x16x20x4x2x128xi32, #tpu.memory_space<hbm>> -> memref<1x1x1x4x2x128xi32, #tpu.memory_space<hbm>>
        %dma_wait3A_243 = tpu.memref_squeeze %dma_wait3A_242 : memref<1x1x1x4x2x128xi32, #tpu.memory_space<hbm>> -> memref<4x2x128xi32, #tpu.memory_space<hbm>>
        %dma_wait3A_244 = arith.constant 0 : i32
        %dma_wait3A_245 = arith.constant 0 : i32
        %dma_wait3A_246 = arith.constant 0 : i32
        %dma_wait3A_247 = tpu.memref_slice %arg3[%arg0, %arg1, %dma_wait3A_238, %dma_wait3A_244, %dma_wait3A_245, %dma_wait3A_246] : memref<2x16x20x4x2x128xi32, #tpu.memory_space<hbm>> -> memref<1x1x1x4x2x128xi32, #tpu.memory_space<hbm>>
        %dma_wait3A_248 = tpu.memref_squeeze %dma_wait3A_247 : memref<1x1x1x4x2x128xi32, #tpu.memory_space<hbm>> -> memref<4x2x128xi32, #tpu.memory_space<hbm>>
        tpu.wait_dma2 semaphore(%arg16 : memref<!tpu.dma_semaphore, #tpu.memory_space<semaphore_mem>>) src(%dma_wait3A_248 : memref<4x2x128xi32, #tpu.memory_space<hbm>>) dst(%arg7 : memref<4x2x128xi32, #tpu.memory_space<vmem>>)
      } else {
      }
      %dma_wait3A_113 = arith.constant 0 : i32
      %dma_wait3A_114 = arith.constant 0 : i32
      %dma_wait3A_115 = tpu.memref_slice %arg2[%dma_wait3A_113, %dma_wait3A_114] : memref<10000x272xf32, #tpu.memory_space<hbm>> -> memref<128x272xf32, #tpu.memory_space<hbm>>
      %dma_wait3A_116 = arith.constant 0 : i32
      %dma_wait3A_117 = arith.constant 0 : i32
      %dma_wait3A_118 = tpu.memref_slice %arg2[%dma_wait3A_116, %dma_wait3A_117] : memref<10000x272xf32, #tpu.memory_space<hbm>> -> memref<128x272xf32, #tpu.memory_space<hbm>>
      tpu.wait_dma2 semaphore(%arg13 : memref<!tpu.dma_semaphore, #tpu.memory_space<semaphore_mem>>) src(%dma_wait3A_118 : memref<128x272xf32, #tpu.memory_space<hbm>>) dst(%arg8 : memref<128x272xf32, #tpu.memory_space<vmem>>)
      %dma_start3A_119 = arith.constant 0 : i32
      %dma_start3A_120 = arith.constant 0 : i32
      %dma_start3A_121 = arith.constant 0 : i32
      %dma_start3A_122 = tpu.memref_slice %arg7[%dma_start3A_119, %dma_start3A_120, %dma_start3A_121] : memref<4x2x128xi32, #tpu.memory_space<vmem>> -> memref<1x1x128xi32, #tpu.memory_space<vmem>>
      %dma_start3A_123 = tpu.memref_squeeze %dma_start3A_122 : memref<1x1x128xi32, #tpu.memory_space<vmem>> -> memref<128xi32, #tpu.memory_space<vmem>>
      %dma_start3A_124 = arith.constant 0 : i32
      %dma_start3A_125 = arith.constant 0 : i32
      %dma_start3A_126 = tpu.memref_slice %arg2[%dma_start3A_124, %dma_start3A_125] : memref<10000x272xf32, #tpu.memory_space<hbm>> -> memref<10000x272xf32, #tpu.memory_space<hbm>>
      tpu.enqueue_indirect_dma source(%dma_start3A_126 : memref<10000x272xf32, #tpu.memory_space<hbm>>) target(%arg8 : memref<128x272xf32, #tpu.memory_space<vmem>>) offsets(%dma_start3A_123 : memref<128xi32, #tpu.memory_space<vmem>>) semaphore(%arg11 : memref<!tpu.dma_semaphore, #tpu.memory_space<semaphore_mem>>)
      %dma_wait3A_127 = arith.constant 0 : i32
      %dma_wait3A_128 = arith.constant 0 : i32
      %dma_wait3A_129 = tpu.memref_slice %arg2[%dma_wait3A_127, %dma_wait3A_128] : memref<10000x272xf32, #tpu.memory_space<hbm>> -> memref<128x272xf32, #tpu.memory_space<hbm>>
      %dma_wait3A_130 = arith.constant 0 : i32
      %dma_wait3A_131 = arith.constant 0 : i32
      %dma_wait3A_132 = tpu.memref_slice %arg2[%dma_wait3A_130, %dma_wait3A_131] : memref<10000x272xf32, #tpu.memory_space<hbm>> -> memref<128x272xf32, #tpu.memory_space<hbm>>
      tpu.wait_dma2 semaphore(%arg14 : memref<!tpu.dma_semaphore, #tpu.memory_space<semaphore_mem>>) src(%dma_wait3A_132 : memref<128x272xf32, #tpu.memory_space<hbm>>) dst(%arg8 : memref<128x272xf32, #tpu.memory_space<vmem>>)
      %dma_start3A_133 = arith.constant 1 : i32
      %dma_start3A_134 = arith.constant 0 : i32
      %dma_start3A_135 = arith.constant 0 : i32
      %dma_start3A_136 = tpu.memref_slice %arg7[%dma_start3A_133, %dma_start3A_134, %dma_start3A_135] : memref<4x2x128xi32, #tpu.memory_space<vmem>> -> memref<1x1x128xi32, #tpu.memory_space<vmem>>
      %dma_start3A_137 = tpu.memref_squeeze %dma_start3A_136 : memref<1x1x128xi32, #tpu.memory_space<vmem>> -> memref<128xi32, #tpu.memory_space<vmem>>
      %dma_start3A_138 = arith.constant 0 : i32
      %dma_start3A_139 = arith.constant 0 : i32
      %dma_start3A_140 = tpu.memref_slice %arg2[%dma_start3A_138, %dma_start3A_139] : memref<10000x272xf32, #tpu.memory_space<hbm>> -> memref<10000x272xf32, #tpu.memory_space<hbm>>
      tpu.enqueue_indirect_dma source(%dma_start3A_140 : memref<10000x272xf32, #tpu.memory_space<hbm>>) target(%arg9 : memref<128x272xf32, #tpu.memory_space<vmem>>) offsets(%dma_start3A_137 : memref<128xi32, #tpu.memory_space<vmem>>) semaphore(%arg12 : memref<!tpu.dma_semaphore, #tpu.memory_space<semaphore_mem>>)
      %lt3A = arith.constant 9 : i32
      %lt3A_141 = arith.cmpi slt, %scan3A_27, %lt3A : i32
      %convert_element_type3A_142 = arith.extui %lt3A_141 : i1 to i32
      %cond3A_143 = arith.constant 0 : i32
      %cond3A_144 = arith.cmpi ne, %convert_element_type3A_142, %cond3A_143 : i32
      scf.if %cond3A_144 {
        %mul3A_238 = arith.constant 2 : i32
        %mul3A_239 = arith.muli %mul3A_238, %scan3A_27 : i32
        %add3A = arith.constant 2 : i32
        %add3A_240 = arith.addi %mul3A_239, %add3A : i32
        %dma_start3A_241 = arith.constant 0 : i32
        %dma_start3A_242 = arith.constant 0 : i32
        %dma_start3A_243 = arith.constant 0 : i32
        %dma_start3A_244 = tpu.memref_slice %arg3[%arg0, %arg1, %add3A_240, %dma_start3A_241, %dma_start3A_242, %dma_start3A_243] : memref<2x16x20x4x2x128xi32, #tpu.memory_space<hbm>> -> memref<1x1x1x4x2x128xi32, #tpu.memory_space<hbm>>
        %dma_start3A_245 = tpu.memref_squeeze %dma_start3A_244 : memref<1x1x1x4x2x128xi32, #tpu.memory_space<hbm>> -> memref<4x2x128xi32, #tpu.memory_space<hbm>>
        %dma_start3A_246 = arith.constant 0 : i32
        %dma_start3A_247 = arith.constant 0 : i32
        %dma_start3A_248 = arith.constant 0 : i32
        %dma_start3A_249 = tpu.memref_slice %arg3[%arg0, %arg1, %add3A_240, %dma_start3A_246, %dma_start3A_247, %dma_start3A_248] : memref<2x16x20x4x2x128xi32, #tpu.memory_space<hbm>> -> memref<1x1x1x4x2x128xi32, #tpu.memory_space<hbm>>
        %dma_start3A_250 = tpu.memref_squeeze %dma_start3A_249 : memref<1x1x1x4x2x128xi32, #tpu.memory_space<hbm>> -> memref<4x2x128xi32, #tpu.memory_space<hbm>>
        tpu.enqueue_dma source(%dma_start3A_250 : memref<4x2x128xi32, #tpu.memory_space<hbm>>) target(%arg6 : memref<4x2x128xi32, #tpu.memory_space<vmem>>) target_semaphore(%arg15 : memref<!tpu.dma_semaphore, #tpu.memory_space<semaphore_mem>>)
      } else {
      }
      %dma_wait3A_145 = arith.constant 0 : i32
      %dma_wait3A_146 = arith.constant 0 : i32
      %dma_wait3A_147 = tpu.memref_slice %arg2[%dma_wait3A_145, %dma_wait3A_146] : memref<10000x272xf32, #tpu.memory_space<hbm>> -> memref<128x272xf32, #tpu.memory_space<hbm>>
      %dma_wait3A_148 = arith.constant 0 : i32
      %dma_wait3A_149 = arith.constant 0 : i32
      %dma_wait3A_150 = tpu.memref_slice %arg2[%dma_wait3A_148, %dma_wait3A_149] : memref<10000x272xf32, #tpu.memory_space<hbm>> -> memref<128x272xf32, #tpu.memory_space<hbm>>
      tpu.wait_dma2 semaphore(%arg11 : memref<!tpu.dma_semaphore, #tpu.memory_space<semaphore_mem>>) src(%dma_wait3A_150 : memref<128x272xf32, #tpu.memory_space<hbm>>) dst(%arg8 : memref<128x272xf32, #tpu.memory_space<vmem>>)
      %dma_start3A_151 = arith.constant 0 : i32
      %dma_start3A_152 = arith.constant 1 : i32
      %dma_start3A_153 = arith.constant 0 : i32
      %dma_start3A_154 = tpu.memref_slice %arg7[%dma_start3A_151, %dma_start3A_152, %dma_start3A_153] : memref<4x2x128xi32, #tpu.memory_space<vmem>> -> memref<1x1x128xi32, #tpu.memory_space<vmem>>
      %dma_start3A_155 = tpu.memref_squeeze %dma_start3A_154 : memref<1x1x128xi32, #tpu.memory_space<vmem>> -> memref<128xi32, #tpu.memory_space<vmem>>
      %dma_start3A_156 = arith.constant 0 : i32
      %dma_start3A_157 = arith.constant 0 : i32
      %dma_start3A_158 = tpu.memref_slice %arg10[%dma_start3A_156, %dma_start3A_157] : memref<2560x272xf32, #tpu.memory_space<vmem_shared>> -> memref<2560x272xf32, #tpu.memory_space<vmem_shared>>
      tpu.enqueue_indirect_dma source(%arg8 : memref<128x272xf32, #tpu.memory_space<vmem>>) target(%dma_start3A_158 : memref<2560x272xf32, #tpu.memory_space<vmem_shared>>) offsets(%dma_start3A_155 : memref<128xi32, #tpu.memory_space<vmem>>) semaphore(%arg13 : memref<!tpu.dma_semaphore, #tpu.memory_space<semaphore_mem>>) {add = true}
      %dma_wait3A_159 = arith.constant 0 : i32
      %dma_wait3A_160 = arith.constant 0 : i32
      %dma_wait3A_161 = tpu.memref_slice %arg2[%dma_wait3A_159, %dma_wait3A_160] : memref<10000x272xf32, #tpu.memory_space<hbm>> -> memref<128x272xf32, #tpu.memory_space<hbm>>
      %dma_wait3A_162 = arith.constant 0 : i32
      %dma_wait3A_163 = arith.constant 0 : i32
      %dma_wait3A_164 = tpu.memref_slice %arg2[%dma_wait3A_162, %dma_wait3A_163] : memref<10000x272xf32, #tpu.memory_space<hbm>> -> memref<128x272xf32, #tpu.memory_space<hbm>>
      tpu.wait_dma2 semaphore(%arg12 : memref<!tpu.dma_semaphore, #tpu.memory_space<semaphore_mem>>) src(%dma_wait3A_164 : memref<128x272xf32, #tpu.memory_space<hbm>>) dst(%arg8 : memref<128x272xf32, #tpu.memory_space<vmem>>)
      %dma_start3A_165 = arith.constant 1 : i32
      %dma_start3A_166 = arith.constant 1 : i32
      %dma_start3A_167 = arith.constant 0 : i32
      %dma_start3A_168 = tpu.memref_slice %arg7[%dma_start3A_165, %dma_start3A_166, %dma_start3A_167] : memref<4x2x128xi32, #tpu.memory_space<vmem>> -> memref<1x1x128xi32, #tpu.memory_space<vmem>>
      %dma_start3A_169 = tpu.memref_squeeze %dma_start3A_168 : memref<1x1x128xi32, #tpu.memory_space<vmem>> -> memref<128xi32, #tpu.memory_space<vmem>>
      %dma_start3A_170 = arith.constant 0 : i32
      %dma_start3A_171 = arith.constant 0 : i32
      %dma_start3A_172 = tpu.memref_slice %arg10[%dma_start3A_170, %dma_start3A_171] : memref<2560x272xf32, #tpu.memory_space<vmem_shared>> -> memref<2560x272xf32, #tpu.memory_space<vmem_shared>>
      tpu.enqueue_indirect_dma source(%arg9 : memref<128x272xf32, #tpu.memory_space<vmem>>) target(%dma_start3A_172 : memref<2560x272xf32, #tpu.memory_space<vmem_shared>>) offsets(%dma_start3A_169 : memref<128xi32, #tpu.memory_space<vmem>>) semaphore(%arg14 : memref<!tpu.dma_semaphore, #tpu.memory_space<semaphore_mem>>) {add = true}
      %dma_wait3A_173 = arith.constant 0 : i32
      %dma_wait3A_174 = arith.constant 0 : i32
      %dma_wait3A_175 = tpu.memref_slice %arg2[%dma_wait3A_173, %dma_wait3A_174] : memref<10000x272xf32, #tpu.memory_space<hbm>> -> memref<128x272xf32, #tpu.memory_space<hbm>>
      %dma_wait3A_176 = arith.constant 0 : i32
      %dma_wait3A_177 = arith.constant 0 : i32
      %dma_wait3A_178 = tpu.memref_slice %arg2[%dma_wait3A_176, %dma_wait3A_177] : memref<10000x272xf32, #tpu.memory_space<hbm>> -> memref<128x272xf32, #tpu.memory_space<hbm>>
      tpu.wait_dma2 semaphore(%arg13 : memref<!tpu.dma_semaphore, #tpu.memory_space<semaphore_mem>>) src(%dma_wait3A_178 : memref<128x272xf32, #tpu.memory_space<hbm>>) dst(%arg8 : memref<128x272xf32, #tpu.memory_space<vmem>>)
      %dma_start3A_179 = arith.constant 2 : i32
      %dma_start3A_180 = arith.constant 0 : i32
      %dma_start3A_181 = arith.constant 0 : i32
      %dma_start3A_182 = tpu.memref_slice %arg7[%dma_start3A_179, %dma_start3A_180, %dma_start3A_181] : memref<4x2x128xi32, #tpu.memory_space<vmem>> -> memref<1x1x128xi32, #tpu.memory_space<vmem>>
      %dma_start3A_183 = tpu.memref_squeeze %dma_start3A_182 : memref<1x1x128xi32, #tpu.memory_space<vmem>> -> memref<128xi32, #tpu.memory_space<vmem>>
      %dma_start3A_184 = arith.constant 0 : i32
      %dma_start3A_185 = arith.constant 0 : i32
      %dma_start3A_186 = tpu.memref_slice %arg2[%dma_start3A_184, %dma_start3A_185] : memref<10000x272xf32, #tpu.memory_space<hbm>> -> memref<10000x272xf32, #tpu.memory_space<hbm>>
      tpu.enqueue_indirect_dma source(%dma_start3A_186 : memref<10000x272xf32, #tpu.memory_space<hbm>>) target(%arg8 : memref<128x272xf32, #tpu.memory_space<vmem>>) offsets(%dma_start3A_183 : memref<128xi32, #tpu.memory_space<vmem>>) semaphore(%arg11 : memref<!tpu.dma_semaphore, #tpu.memory_space<semaphore_mem>>)
      %dma_wait3A_187 = arith.constant 0 : i32
      %dma_wait3A_188 = arith.constant 0 : i32
      %dma_wait3A_189 = tpu.memref_slice %arg2[%dma_wait3A_187, %dma_wait3A_188] : memref<10000x272xf32, #tpu.memory_space<hbm>> -> memref<128x272xf32, #tpu.memory_space<hbm>>
      %dma_wait3A_190 = arith.constant 0 : i32
      %dma_wait3A_191 = arith.constant 0 : i32
      %dma_wait3A_192 = tpu.memref_slice %arg2[%dma_wait3A_190, %dma_wait3A_191] : memref<10000x272xf32, #tpu.memory_space<hbm>> -> memref<128x272xf32, #tpu.memory_space<hbm>>
      tpu.wait_dma2 semaphore(%arg14 : memref<!tpu.dma_semaphore, #tpu.memory_space<semaphore_mem>>) src(%dma_wait3A_192 : memref<128x272xf32, #tpu.memory_space<hbm>>) dst(%arg8 : memref<128x272xf32, #tpu.memory_space<vmem>>)
      %dma_start3A_193 = arith.constant 3 : i32
      %dma_start3A_194 = arith.constant 0 : i32
      %dma_start3A_195 = arith.constant 0 : i32
      %dma_start3A_196 = tpu.memref_slice %arg7[%dma_start3A_193, %dma_start3A_194, %dma_start3A_195] : memref<4x2x128xi32, #tpu.memory_space<vmem>> -> memref<1x1x128xi32, #tpu.memory_space<vmem>>
      %dma_start3A_197 = tpu.memref_squeeze %dma_start3A_196 : memref<1x1x128xi32, #tpu.memory_space<vmem>> -> memref<128xi32, #tpu.memory_space<vmem>>
      %dma_start3A_198 = arith.constant 0 : i32
      %dma_start3A_199 = arith.constant 0 : i32
      %dma_start3A_200 = tpu.memref_slice %arg2[%dma_start3A_198, %dma_start3A_199] : memref<10000x272xf32, #tpu.memory_space<hbm>> -> memref<10000x272xf32, #tpu.memory_space<hbm>>
      tpu.enqueue_indirect_dma source(%dma_start3A_200 : memref<10000x272xf32, #tpu.memory_space<hbm>>) target(%arg9 : memref<128x272xf32, #tpu.memory_space<vmem>>) offsets(%dma_start3A_197 : memref<128xi32, #tpu.memory_space<vmem>>) semaphore(%arg12 : memref<!tpu.dma_semaphore, #tpu.memory_space<semaphore_mem>>)
      %dma_wait3A_201 = arith.constant 0 : i32
      %dma_wait3A_202 = arith.constant 0 : i32
      %dma_wait3A_203 = tpu.memref_slice %arg2[%dma_wait3A_201, %dma_wait3A_202] : memref<10000x272xf32, #tpu.memory_space<hbm>> -> memref<128x272xf32, #tpu.memory_space<hbm>>
      %dma_wait3A_204 = arith.constant 0 : i32
      %dma_wait3A_205 = arith.constant 0 : i32
      %dma_wait3A_206 = tpu.memref_slice %arg2[%dma_wait3A_204, %dma_wait3A_205] : memref<10000x272xf32, #tpu.memory_space<hbm>> -> memref<128x272xf32, #tpu.memory_space<hbm>>
      tpu.wait_dma2 semaphore(%arg11 : memref<!tpu.dma_semaphore, #tpu.memory_space<semaphore_mem>>) src(%dma_wait3A_206 : memref<128x272xf32, #tpu.memory_space<hbm>>) dst(%arg8 : memref<128x272xf32, #tpu.memory_space<vmem>>)
      %dma_start3A_207 = arith.constant 2 : i32
      %dma_start3A_208 = arith.constant 1 : i32
      %dma_start3A_209 = arith.constant 0 : i32
      %dma_start3A_210 = tpu.memref_slice %arg7[%dma_start3A_207, %dma_start3A_208, %dma_start3A_209] : memref<4x2x128xi32, #tpu.memory_space<vmem>> -> memref<1x1x128xi32, #tpu.memory_space<vmem>>
      %dma_start3A_211 = tpu.memref_squeeze %dma_start3A_210 : memref<1x1x128xi32, #tpu.memory_space<vmem>> -> memref<128xi32, #tpu.memory_space<vmem>>
      %dma_start3A_212 = arith.constant 0 : i32
      %dma_start3A_213 = arith.constant 0 : i32
      %dma_start3A_214 = tpu.memref_slice %arg10[%dma_start3A_212, %dma_start3A_213] : memref<2560x272xf32, #tpu.memory_space<vmem_shared>> -> memref<2560x272xf32, #tpu.memory_space<vmem_shared>>
      tpu.enqueue_indirect_dma source(%arg8 : memref<128x272xf32, #tpu.memory_space<vmem>>) target(%dma_start3A_214 : memref<2560x272xf32, #tpu.memory_space<vmem_shared>>) offsets(%dma_start3A_211 : memref<128xi32, #tpu.memory_space<vmem>>) semaphore(%arg13 : memref<!tpu.dma_semaphore, #tpu.memory_space<semaphore_mem>>) {add = true}
      %dma_wait3A_215 = arith.constant 0 : i32
      %dma_wait3A_216 = arith.constant 0 : i32
      %dma_wait3A_217 = tpu.memref_slice %arg2[%dma_wait3A_215, %dma_wait3A_216] : memref<10000x272xf32, #tpu.memory_space<hbm>> -> memref<128x272xf32, #tpu.memory_space<hbm>>
      %dma_wait3A_218 = arith.constant 0 : i32
      %dma_wait3A_219 = arith.constant 0 : i32
      %dma_wait3A_220 = tpu.memref_slice %arg2[%dma_wait3A_218, %dma_wait3A_219] : memref<10000x272xf32, #tpu.memory_space<hbm>> -> memref<128x272xf32, #tpu.memory_space<hbm>>
      tpu.wait_dma2 semaphore(%arg12 : memref<!tpu.dma_semaphore, #tpu.memory_space<semaphore_mem>>) src(%dma_wait3A_220 : memref<128x272xf32, #tpu.memory_space<hbm>>) dst(%arg8 : memref<128x272xf32, #tpu.memory_space<vmem>>)
      %dma_start3A_221 = arith.constant 3 : i32
      %dma_start3A_222 = arith.constant 1 : i32
      %dma_start3A_223 = arith.constant 0 : i32
      %dma_start3A_224 = tpu.memref_slice %arg7[%dma_start3A_221, %dma_start3A_222, %dma_start3A_223] : memref<4x2x128xi32, #tpu.memory_space<vmem>> -> memref<1x1x128xi32, #tpu.memory_space<vmem>>
      %dma_start3A_225 = tpu.memref_squeeze %dma_start3A_224 : memref<1x1x128xi32, #tpu.memory_space<vmem>> -> memref<128xi32, #tpu.memory_space<vmem>>
      %dma_start3A_226 = arith.constant 0 : i32
      %dma_start3A_227 = arith.constant 0 : i32
      %dma_start3A_228 = tpu.memref_slice %arg10[%dma_start3A_226, %dma_start3A_227] : memref<2560x272xf32, #tpu.memory_space<vmem_shared>> -> memref<2560x272xf32, #tpu.memory_space<vmem_shared>>
      tpu.enqueue_indirect_dma source(%arg9 : memref<128x272xf32, #tpu.memory_space<vmem>>) target(%dma_start3A_228 : memref<2560x272xf32, #tpu.memory_space<vmem_shared>>) offsets(%dma_start3A_225 : memref<128xi32, #tpu.memory_space<vmem>>) semaphore(%arg14 : memref<!tpu.dma_semaphore, #tpu.memory_space<semaphore_mem>>) {add = true}
      %lt3A_229 = arith.constant 9 : i32
      %lt3A_230 = arith.cmpi slt, %scan3A_27, %lt3A_229 : i32
      %convert_element_type3A_231 = arith.extui %lt3A_230 : i1 to i32
      %cond3A_232 = arith.constant 0 : i32
      %cond3A_233 = arith.cmpi ne, %convert_element_type3A_231, %cond3A_232 : i32
      scf.if %cond3A_233 {
        %dma_wait3A_238 = arith.constant 0 : i32
        %dma_wait3A_239 = arith.constant 0 : i32
        %dma_wait3A_240 = arith.constant 0 : i32
        %dma_wait3A_241 = arith.constant 0 : i32
        %dma_wait3A_242 = tpu.memref_slice %arg3[%arg0, %arg1, %dma_wait3A_238, %dma_wait3A_239, %dma_wait3A_240, %dma_wait3A_241] : memref<2x16x20x4x2x128xi32, #tpu.memory_space<hbm>> -> memref<1x1x1x4x2x128xi32, #tpu.memory_space<hbm>>
        %dma_wait3A_243 = tpu.memref_squeeze %dma_wait3A_242 : memref<1x1x1x4x2x128xi32, #tpu.memory_space<hbm>> -> memref<4x2x128xi32, #tpu.memory_space<hbm>>
        %dma_wait3A_244 = arith.constant 0 : i32
        %dma_wait3A_245 = arith.constant 0 : i32
        %dma_wait3A_246 = arith.constant 0 : i32
        %dma_wait3A_247 = tpu.memref_slice %arg3[%arg0, %arg1, %dma_wait3A_238, %dma_wait3A_244, %dma_wait3A_245, %dma_wait3A_246] : memref<2x16x20x4x2x128xi32, #tpu.memory_space<hbm>> -> memref<1x1x1x4x2x128xi32, #tpu.memory_space<hbm>>
        %dma_wait3A_248 = tpu.memref_squeeze %dma_wait3A_247 : memref<1x1x1x4x2x128xi32, #tpu.memory_space<hbm>> -> memref<4x2x128xi32, #tpu.memory_space<hbm>>
        tpu.wait_dma2 semaphore(%arg15 : memref<!tpu.dma_semaphore, #tpu.memory_space<semaphore_mem>>) src(%dma_wait3A_248 : memref<4x2x128xi32, #tpu.memory_space<hbm>>) dst(%arg6 : memref<4x2x128xi32, #tpu.memory_space<vmem>>)
        %dma_wait3A_249 = arith.constant 0 : i32
        %dma_wait3A_250 = arith.constant 0 : i32
        %dma_wait3A_251 = tpu.memref_slice %arg2[%dma_wait3A_249, %dma_wait3A_250] : memref<10000x272xf32, #tpu.memory_space<hbm>> -> memref<128x272xf32, #tpu.memory_space<hbm>>
        %dma_wait3A_252 = arith.constant 0 : i32
        %dma_wait3A_253 = arith.constant 0 : i32
        %dma_wait3A_254 = tpu.memref_slice %arg2[%dma_wait3A_252, %dma_wait3A_253] : memref<10000x272xf32, #tpu.memory_space<hbm>> -> memref<128x272xf32, #tpu.memory_space<hbm>>
        tpu.wait_dma2 semaphore(%arg13 : memref<!tpu.dma_semaphore, #tpu.memory_space<semaphore_mem>>) src(%dma_wait3A_254 : memref<128x272xf32, #tpu.memory_space<hbm>>) dst(%arg8 : memref<128x272xf32, #tpu.memory_space<vmem>>)
        %dma_start3A_255 = arith.constant 0 : i32
        %dma_start3A_256 = arith.constant 0 : i32
        %dma_start3A_257 = arith.constant 0 : i32
        %dma_start3A_258 = tpu.memref_slice %arg6[%dma_start3A_255, %dma_start3A_256, %dma_start3A_257] : memref<4x2x128xi32, #tpu.memory_space<vmem>> -> memref<1x1x128xi32, #tpu.memory_space<vmem>>
        %dma_start3A_259 = tpu.memref_squeeze %dma_start3A_258 : memref<1x1x128xi32, #tpu.memory_space<vmem>> -> memref<128xi32, #tpu.memory_space<vmem>>
        %dma_start3A_260 = arith.constant 0 : i32
        %dma_start3A_261 = arith.constant 0 : i32
        %dma_start3A_262 = tpu.memref_slice %arg2[%dma_start3A_260, %dma_start3A_261] : memref<10000x272xf32, #tpu.memory_space<hbm>> -> memref<10000x272xf32, #tpu.memory_space<hbm>>
        tpu.enqueue_indirect_dma source(%dma_start3A_262 : memref<10000x272xf32, #tpu.memory_space<hbm>>) target(%arg8 : memref<128x272xf32, #tpu.memory_space<vmem>>) offsets(%dma_start3A_259 : memref<128xi32, #tpu.memory_space<vmem>>) semaphore(%arg11 : memref<!tpu.dma_semaphore, #tpu.memory_space<semaphore_mem>>)
        %dma_wait3A_263 = arith.constant 0 : i32
        %dma_wait3A_264 = arith.constant 0 : i32
        %dma_wait3A_265 = tpu.memref_slice %arg2[%dma_wait3A_263, %dma_wait3A_264] : memref<10000x272xf32, #tpu.memory_space<hbm>> -> memref<128x272xf32, #tpu.memory_space<hbm>>
        %dma_wait3A_266 = arith.constant 0 : i32
        %dma_wait3A_267 = arith.constant 0 : i32
        %dma_wait3A_268 = tpu.memref_slice %arg2[%dma_wait3A_266, %dma_wait3A_267] : memref<10000x272xf32, #tpu.memory_space<hbm>> -> memref<128x272xf32, #tpu.memory_space<hbm>>
        tpu.wait_dma2 semaphore(%arg14 : memref<!tpu.dma_semaphore, #tpu.memory_space<semaphore_mem>>) src(%dma_wait3A_268 : memref<128x272xf32, #tpu.memory_space<hbm>>) dst(%arg8 : memref<128x272xf32, #tpu.memory_space<vmem>>)
        %dma_start3A_269 = arith.constant 1 : i32
        %dma_start3A_270 = arith.constant 0 : i32
        %dma_start3A_271 = arith.constant 0 : i32
        %dma_start3A_272 = tpu.memref_slice %arg6[%dma_start3A_269, %dma_start3A_270, %dma_start3A_271] : memref<4x2x128xi32, #tpu.memory_space<vmem>> -> memref<1x1x128xi32, #tpu.memory_space<vmem>>
        %dma_start3A_273 = tpu.memref_squeeze %dma_start3A_272 : memref<1x1x128xi32, #tpu.memory_space<vmem>> -> memref<128xi32, #tpu.memory_space<vmem>>
        %dma_start3A_274 = arith.constant 0 : i32
        %dma_start3A_275 = arith.constant 0 : i32
        %dma_start3A_276 = tpu.memref_slice %arg2[%dma_start3A_274, %dma_start3A_275] : memref<10000x272xf32, #tpu.memory_space<hbm>> -> memref<10000x272xf32, #tpu.memory_space<hbm>>
        tpu.enqueue_indirect_dma source(%dma_start3A_276 : memref<10000x272xf32, #tpu.memory_space<hbm>>) target(%arg9 : memref<128x272xf32, #tpu.memory_space<vmem>>) offsets(%dma_start3A_273 : memref<128xi32, #tpu.memory_space<vmem>>) semaphore(%arg12 : memref<!tpu.dma_semaphore, #tpu.memory_space<semaphore_mem>>)
        %mul3A_277 = arith.constant 2 : i32
        %mul3A_278 = arith.muli %mul3A_277, %scan3A_27 : i32
        %add3A = arith.constant 3 : i32
        %add3A_279 = arith.addi %mul3A_278, %add3A : i32
        %dma_start3A_280 = arith.constant 0 : i32
        %dma_start3A_281 = arith.constant 0 : i32
        %dma_start3A_282 = arith.constant 0 : i32
        %dma_start3A_283 = tpu.memref_slice %arg3[%arg0, %arg1, %add3A_279, %dma_start3A_280, %dma_start3A_281, %dma_start3A_282] : memref<2x16x20x4x2x128xi32, #tpu.memory_space<hbm>> -> memref<1x1x1x4x2x128xi32, #tpu.memory_space<hbm>>
        %dma_start3A_284 = tpu.memref_squeeze %dma_start3A_283 : memref<1x1x1x4x2x128xi32, #tpu.memory_space<hbm>> -> memref<4x2x128xi32, #tpu.memory_space<hbm>>
        %dma_start3A_285 = arith.constant 0 : i32
        %dma_start3A_286 = arith.constant 0 : i32
        %dma_start3A_287 = arith.constant 0 : i32
        %dma_start3A_288 = tpu.memref_slice %arg3[%arg0, %arg1, %add3A_279, %dma_start3A_285, %dma_start3A_286, %dma_start3A_287] : memref<2x16x20x4x2x128xi32, #tpu.memory_space<hbm>> -> memref<1x1x1x4x2x128xi32, #tpu.memory_space<hbm>>
        %dma_start3A_289 = tpu.memref_squeeze %dma_start3A_288 : memref<1x1x1x4x2x128xi32, #tpu.memory_space<hbm>> -> memref<4x2x128xi32, #tpu.memory_space<hbm>>
        tpu.enqueue_dma source(%dma_start3A_289 : memref<4x2x128xi32, #tpu.memory_space<hbm>>) target(%arg7 : memref<4x2x128xi32, #tpu.memory_space<vmem>>) target_semaphore(%arg16 : memref<!tpu.dma_semaphore, #tpu.memory_space<semaphore_mem>>)
      } else {
      }
      %eq3A = arith.constant 9 : i32
      %eq3A_234 = arith.cmpi eq, %scan3A_27, %eq3A : i32
      %convert_element_type3A_235 = arith.extui %eq3A_234 : i1 to i32
      %cond3A_236 = arith.constant 0 : i32
      %cond3A_237 = arith.cmpi ne, %convert_element_type3A_235, %cond3A_236 : i32
      scf.if %cond3A_237 {
        %dma_wait3A_238 = arith.constant 0 : i32
        %dma_wait3A_239 = arith.constant 0 : i32
        %dma_wait3A_240 = tpu.memref_slice %arg2[%dma_wait3A_238, %dma_wait3A_239] : memref<10000x272xf32, #tpu.memory_space<hbm>> -> memref<128x272xf32, #tpu.memory_space<hbm>>
        %dma_wait3A_241 = arith.constant 0 : i32
        %dma_wait3A_242 = arith.constant 0 : i32
        %dma_wait3A_243 = tpu.memref_slice %arg2[%dma_wait3A_241, %dma_wait3A_242] : memref<10000x272xf32, #tpu.memory_space<hbm>> -> memref<128x272xf32, #tpu.memory_space<hbm>>
        tpu.wait_dma2 semaphore(%arg13 : memref<!tpu.dma_semaphore, #tpu.memory_space<semaphore_mem>>) src(%dma_wait3A_243 : memref<128x272xf32, #tpu.memory_space<hbm>>) dst(%arg8 : memref<128x272xf32, #tpu.memory_space<vmem>>)
        %dma_wait3A_244 = arith.constant 0 : i32
        %dma_wait3A_245 = arith.constant 0 : i32
        %dma_wait3A_246 = tpu.memref_slice %arg2[%dma_wait3A_244, %dma_wait3A_245] : memref<10000x272xf32, #tpu.memory_space<hbm>> -> memref<128x272xf32, #tpu.memory_space<hbm>>
        %dma_wait3A_247 = arith.constant 0 : i32
        %dma_wait3A_248 = arith.constant 0 : i32
        %dma_wait3A_249 = tpu.memref_slice %arg2[%dma_wait3A_247, %dma_wait3A_248] : memref<10000x272xf32, #tpu.memory_space<hbm>> -> memref<128x272xf32, #tpu.memory_space<hbm>>
        tpu.wait_dma2 semaphore(%arg14 : memref<!tpu.dma_semaphore, #tpu.memory_space<semaphore_mem>>) src(%dma_wait3A_249 : memref<128x272xf32, #tpu.memory_space<hbm>>) dst(%arg8 : memref<128x272xf32, #tpu.memory_space<vmem>>)
      } else {
      }
    }
    %scan3A_21 = arith.constant 10 : i32
    %barrier3A_22 = arith.constant 0 : index
    tpu.barrier barrier_id(%barrier3A_22)
    %mul3A_23 = arith.constant 160 : i32
    %mul3A_24 = arith.muli %arg1, %mul3A_23 : i32
    %mul3A_25 = arith.constant 160 : i32
    %mul3A_26 = arith.muli %arg1, %mul3A_25 : i32
    "tpu.region"() ({
      %run_scoped3A_27 = tpu.sem_alloc : memref<!tpu.dma_semaphore, #tpu.memory_space<semaphore_mem>>
      %dma_start3A_28 = arith.constant 0 : i32
      %dma_start3A_29 = tpu.memref_slice %arg5[%arg0, %mul3A_26, %dma_start3A_28] : memref<2x2560x272xf32, #tpu.memory_space<hbm>> -> memref<1x160x272xf32, #tpu.memory_space<hbm>>
      %dma_start3A_30 = tpu.memref_squeeze %dma_start3A_29 : memref<1x160x272xf32, #tpu.memory_space<hbm>> -> memref<160x272xf32, #tpu.memory_space<hbm>>
      %dma_start3A_31 = arith.constant 0 : i32
      %dma_start3A_32 = tpu.memref_slice %arg10[%mul3A_24, %dma_start3A_31] : memref<2560x272xf32, #tpu.memory_space<vmem_shared>> -> memref<160x272xf32, #tpu.memory_space<vmem_shared>>
      tpu.enqueue_dma source(%dma_start3A_32 : memref<160x272xf32, #tpu.memory_space<vmem_shared>>) target(%dma_start3A_30 : memref<160x272xf32, #tpu.memory_space<hbm>>) target_semaphore(%run_scoped3A_27 : memref<!tpu.dma_semaphore, #tpu.memory_space<semaphore_mem>>)
      %dma_wait3A = arith.constant 0 : i32
      %dma_wait3A_33 = tpu.memref_slice %arg5[%arg0, %mul3A_26, %dma_wait3A] : memref<2x2560x272xf32, #tpu.memory_space<hbm>> -> memref<1x160x272xf32, #tpu.memory_space<hbm>>
      %dma_wait3A_34 = tpu.memref_squeeze %dma_wait3A_33 : memref<1x160x272xf32, #tpu.memory_space<hbm>> -> memref<160x272xf32, #tpu.memory_space<hbm>>
      %dma_wait3A_35 = arith.constant 0 : i32
      %dma_wait3A_36 = tpu.memref_slice %arg10[%mul3A_24, %dma_wait3A_35] : memref<2560x272xf32, #tpu.memory_space<vmem_shared>> -> memref<160x272xf32, #tpu.memory_space<vmem_shared>>
      tpu.wait_dma2 semaphore(%run_scoped3A_27 : memref<!tpu.dma_semaphore, #tpu.memory_space<semaphore_mem>>) src(%dma_wait3A_36 : memref<160x272xf32, #tpu.memory_space<vmem_shared>>) dst(%dma_wait3A_34 : memref<160x272xf32, #tpu.memory_space<hbm>>)
      tpu.yield
    }) : () -> ()
    return
  }
}

#map = affine_map<(d0, d1) -> (0, 0)>
#map1 = affine_map<(d0, d1) -> (0, 0, 0, 0, 0, 0)>
#map2 = affine_map<(d0, d1) -> (0, 0, 0)>
module attributes {stable_mosaic.version = 14 : i64} {
  func.func @body(%arg0: i32, %arg1: i32, %arg2: memref<5000x144xf32, #tpu.memory_space<hbm>>, %arg3: memref<2x16x40x4x2x128xi32, #tpu.memory_space<hbm>>, %arg4: memref<632x144xf32, #tpu.memory_space<hbm>>, %arg5: memref<2x10112x144xf32, #tpu.memory_space<hbm>>, %arg6: memref<4x2x128xi32, #tpu.memory_space<vmem>>, %arg7: memref<4x2x128xi32, #tpu.memory_space<vmem>>, %arg8: memref<128x144xf32, #tpu.memory_space<vmem>>, %arg9: memref<128x144xf32, #tpu.memory_space<vmem>>, %arg10: memref<10112x144xf32, #tpu.memory_space<vmem_shared>>, %arg11: memref<!tpu.dma_semaphore, #tpu.memory_space<semaphore_mem>>, %arg12: memref<!tpu.dma_semaphore, #tpu.memory_space<semaphore_mem>>, %arg13: memref<!tpu.dma_semaphore, #tpu.memory_space<semaphore_mem>>, %arg14: memref<!tpu.dma_semaphore, #tpu.memory_space<semaphore_mem>>, %arg15: memref<!tpu.dma_semaphore, #tpu.memory_space<semaphore_mem>>, %arg16: memref<!tpu.dma_semaphore, #tpu.memory_space<semaphore_mem>>) attributes {dimension_semantics = [#tpu.dimension_semantics<core_parallel>, #tpu.dimension_semantics<subcore_parallel>], iteration_bounds = array<i64: 2, 16>, scalar_prefetch = 0 : i64, scratch_operands = 11 : i64, tpu.core_type = #tpu.core_type<sc_vector_subcore>, window_params = [{transform_indices = #map}, {transform_indices = #map1}, {transform_indices = #map}, {transform_indices = #map2}]} {
    %mul3A = arith.constant 632 : i32
    %mul3A_0 = arith.muli %arg1, %mul3A : i32
    "tpu.region"() ({
      %run_scoped3A_27 = tpu.sem_alloc : memref<!tpu.dma_semaphore, #tpu.memory_space<semaphore_mem>>
      %dma_start3A_28 = arith.constant 0 : i32
      %dma_start3A_29 = tpu.memref_slice %arg10[%mul3A_0, %dma_start3A_28] : memref<10112x144xf32, #tpu.memory_space<vmem_shared>> -> memref<632x144xf32, #tpu.memory_space<vmem_shared>>
      tpu.enqueue_dma source(%arg4 : memref<632x144xf32, #tpu.memory_space<hbm>>) target(%dma_start3A_29 : memref<632x144xf32, #tpu.memory_space<vmem_shared>>) target_semaphore(%run_scoped3A_27 : memref<!tpu.dma_semaphore, #tpu.memory_space<semaphore_mem>>)
      %dma_wait3A = arith.constant 0 : i32
      %dma_wait3A_30 = tpu.memref_slice %arg10[%mul3A_0, %dma_wait3A] : memref<10112x144xf32, #tpu.memory_space<vmem_shared>> -> memref<632x144xf32, #tpu.memory_space<vmem_shared>>
      tpu.wait_dma2 semaphore(%run_scoped3A_27 : memref<!tpu.dma_semaphore, #tpu.memory_space<semaphore_mem>>) src(%arg4 : memref<632x144xf32, #tpu.memory_space<hbm>>) dst(%dma_wait3A_30 : memref<632x144xf32, #tpu.memory_space<vmem_shared>>)
      tpu.yield
    }) : () -> ()
    %run_scoped3A = arith.constant 0 : i32
    "tpu.region"() ({
      %run_scoped3A_27 = tpu.sem_alloc : memref<!tpu.dma_semaphore, #tpu.memory_space<semaphore_mem>>
      %dma_start3A_28 = arith.constant 0 : i32
      %dma_start3A_29 = arith.constant 0 : i32
      %dma_start3A_30 = arith.constant 0 : i32
      %dma_start3A_31 = tpu.memref_slice %arg3[%arg0, %arg1, %run_scoped3A, %dma_start3A_28, %dma_start3A_29, %dma_start3A_30] : memref<2x16x40x4x2x128xi32, #tpu.memory_space<hbm>> -> memref<1x1x1x4x2x128xi32, #tpu.memory_space<hbm>>
      %dma_start3A_32 = tpu.memref_squeeze %dma_start3A_31 : memref<1x1x1x4x2x128xi32, #tpu.memory_space<hbm>> -> memref<4x2x128xi32, #tpu.memory_space<hbm>>
      %dma_start3A_33 = arith.constant 0 : i32
      %dma_start3A_34 = arith.constant 0 : i32
      %dma_start3A_35 = arith.constant 0 : i32
      %dma_start3A_36 = tpu.memref_slice %arg3[%arg0, %arg1, %run_scoped3A, %dma_start3A_33, %dma_start3A_34, %dma_start3A_35] : memref<2x16x40x4x2x128xi32, #tpu.memory_space<hbm>> -> memref<1x1x1x4x2x128xi32, #tpu.memory_space<hbm>>
      %dma_start3A_37 = tpu.memref_squeeze %dma_start3A_36 : memref<1x1x1x4x2x128xi32, #tpu.memory_space<hbm>> -> memref<4x2x128xi32, #tpu.memory_space<hbm>>
      tpu.enqueue_dma source(%dma_start3A_37 : memref<4x2x128xi32, #tpu.memory_space<hbm>>) target(%arg6 : memref<4x2x128xi32, #tpu.memory_space<vmem>>) target_semaphore(%run_scoped3A_27 : memref<!tpu.dma_semaphore, #tpu.memory_space<semaphore_mem>>)
      %dma_wait3A = arith.constant 0 : i32
      %dma_wait3A_38 = arith.constant 0 : i32
      %dma_wait3A_39 = arith.constant 0 : i32
      %dma_wait3A_40 = tpu.memref_slice %arg3[%arg0, %arg1, %run_scoped3A, %dma_wait3A, %dma_wait3A_38, %dma_wait3A_39] : memref<2x16x40x4x2x128xi32, #tpu.memory_space<hbm>> -> memref<1x1x1x4x2x128xi32, #tpu.memory_space<hbm>>
      %dma_wait3A_41 = tpu.memref_squeeze %dma_wait3A_40 : memref<1x1x1x4x2x128xi32, #tpu.memory_space<hbm>> -> memref<4x2x128xi32, #tpu.memory_space<hbm>>
      %dma_wait3A_42 = arith.constant 0 : i32
      %dma_wait3A_43 = arith.constant 0 : i32
      %dma_wait3A_44 = arith.constant 0 : i32
      %dma_wait3A_45 = tpu.memref_slice %arg3[%arg0, %arg1, %run_scoped3A, %dma_wait3A_42, %dma_wait3A_43, %dma_wait3A_44] : memref<2x16x40x4x2x128xi32, #tpu.memory_space<hbm>> -> memref<1x1x1x4x2x128xi32, #tpu.memory_space<hbm>>
      %dma_wait3A_46 = tpu.memref_squeeze %dma_wait3A_45 : memref<1x1x1x4x2x128xi32, #tpu.memory_space<hbm>> -> memref<4x2x128xi32, #tpu.memory_space<hbm>>
      tpu.wait_dma2 semaphore(%run_scoped3A_27 : memref<!tpu.dma_semaphore, #tpu.memory_space<semaphore_mem>>) src(%dma_wait3A_46 : memref<4x2x128xi32, #tpu.memory_space<hbm>>) dst(%arg6 : memref<4x2x128xi32, #tpu.memory_space<vmem>>)
      tpu.yield
    }) : () -> ()
    %run_scoped3A_1 = arith.constant 1 : i32
    "tpu.region"() ({
      %run_scoped3A_27 = tpu.sem_alloc : memref<!tpu.dma_semaphore, #tpu.memory_space<semaphore_mem>>
      %dma_start3A_28 = arith.constant 0 : i32
      %dma_start3A_29 = arith.constant 0 : i32
      %dma_start3A_30 = arith.constant 0 : i32
      %dma_start3A_31 = tpu.memref_slice %arg3[%arg0, %arg1, %run_scoped3A_1, %dma_start3A_28, %dma_start3A_29, %dma_start3A_30] : memref<2x16x40x4x2x128xi32, #tpu.memory_space<hbm>> -> memref<1x1x1x4x2x128xi32, #tpu.memory_space<hbm>>
      %dma_start3A_32 = tpu.memref_squeeze %dma_start3A_31 : memref<1x1x1x4x2x128xi32, #tpu.memory_space<hbm>> -> memref<4x2x128xi32, #tpu.memory_space<hbm>>
      %dma_start3A_33 = arith.constant 0 : i32
      %dma_start3A_34 = arith.constant 0 : i32
      %dma_start3A_35 = arith.constant 0 : i32
      %dma_start3A_36 = tpu.memref_slice %arg3[%arg0, %arg1, %run_scoped3A_1, %dma_start3A_33, %dma_start3A_34, %dma_start3A_35] : memref<2x16x40x4x2x128xi32, #tpu.memory_space<hbm>> -> memref<1x1x1x4x2x128xi32, #tpu.memory_space<hbm>>
      %dma_start3A_37 = tpu.memref_squeeze %dma_start3A_36 : memref<1x1x1x4x2x128xi32, #tpu.memory_space<hbm>> -> memref<4x2x128xi32, #tpu.memory_space<hbm>>
      tpu.enqueue_dma source(%dma_start3A_37 : memref<4x2x128xi32, #tpu.memory_space<hbm>>) target(%arg7 : memref<4x2x128xi32, #tpu.memory_space<vmem>>) target_semaphore(%run_scoped3A_27 : memref<!tpu.dma_semaphore, #tpu.memory_space<semaphore_mem>>)
      %dma_wait3A = arith.constant 0 : i32
      %dma_wait3A_38 = arith.constant 0 : i32
      %dma_wait3A_39 = arith.constant 0 : i32
      %dma_wait3A_40 = tpu.memref_slice %arg3[%arg0, %arg1, %run_scoped3A_1, %dma_wait3A, %dma_wait3A_38, %dma_wait3A_39] : memref<2x16x40x4x2x128xi32, #tpu.memory_space<hbm>> -> memref<1x1x1x4x2x128xi32, #tpu.memory_space<hbm>>
      %dma_wait3A_41 = tpu.memref_squeeze %dma_wait3A_40 : memref<1x1x1x4x2x128xi32, #tpu.memory_space<hbm>> -> memref<4x2x128xi32, #tpu.memory_space<hbm>>
      %dma_wait3A_42 = arith.constant 0 : i32
      %dma_wait3A_43 = arith.constant 0 : i32
      %dma_wait3A_44 = arith.constant 0 : i32
      %dma_wait3A_45 = tpu.memref_slice %arg3[%arg0, %arg1, %run_scoped3A_1, %dma_wait3A_42, %dma_wait3A_43, %dma_wait3A_44] : memref<2x16x40x4x2x128xi32, #tpu.memory_space<hbm>> -> memref<1x1x1x4x2x128xi32, #tpu.memory_space<hbm>>
      %dma_wait3A_46 = tpu.memref_squeeze %dma_wait3A_45 : memref<1x1x1x4x2x128xi32, #tpu.memory_space<hbm>> -> memref<4x2x128xi32, #tpu.memory_space<hbm>>
      tpu.wait_dma2 semaphore(%run_scoped3A_27 : memref<!tpu.dma_semaphore, #tpu.memory_space<semaphore_mem>>) src(%dma_wait3A_46 : memref<4x2x128xi32, #tpu.memory_space<hbm>>) dst(%arg7 : memref<4x2x128xi32, #tpu.memory_space<vmem>>)
      tpu.yield
    }) : () -> ()
    %barrier3A = arith.constant 0 : index
    tpu.barrier barrier_id(%barrier3A)
    %dma_start3A = arith.constant 0 : i32
    %dma_start3A_2 = arith.constant 0 : i32
    %dma_start3A_3 = arith.constant 0 : i32
    %dma_start3A_4 = tpu.memref_slice %arg6[%dma_start3A, %dma_start3A_2, %dma_start3A_3] : memref<4x2x128xi32, #tpu.memory_space<vmem>> -> memref<1x1x128xi32, #tpu.memory_space<vmem>>
    %dma_start3A_5 = tpu.memref_squeeze %dma_start3A_4 : memref<1x1x128xi32, #tpu.memory_space<vmem>> -> memref<128xi32, #tpu.memory_space<vmem>>
    %dma_start3A_6 = arith.constant 0 : i32
    %dma_start3A_7 = arith.constant 0 : i32
    %dma_start3A_8 = tpu.memref_slice %arg2[%dma_start3A_6, %dma_start3A_7] : memref<5000x144xf32, #tpu.memory_space<hbm>> -> memref<5000x144xf32, #tpu.memory_space<hbm>>
    tpu.enqueue_indirect_dma source(%dma_start3A_8 : memref<5000x144xf32, #tpu.memory_space<hbm>>) target(%arg8 : memref<128x144xf32, #tpu.memory_space<vmem>>) offsets(%dma_start3A_5 : memref<128xi32, #tpu.memory_space<vmem>>) semaphore(%arg11 : memref<!tpu.dma_semaphore, #tpu.memory_space<semaphore_mem>>)
    %dma_start3A_9 = arith.constant 1 : i32
    %dma_start3A_10 = arith.constant 0 : i32
    %dma_start3A_11 = arith.constant 0 : i32
    %dma_start3A_12 = tpu.memref_slice %arg6[%dma_start3A_9, %dma_start3A_10, %dma_start3A_11] : memref<4x2x128xi32, #tpu.memory_space<vmem>> -> memref<1x1x128xi32, #tpu.memory_space<vmem>>
    %dma_start3A_13 = tpu.memref_squeeze %dma_start3A_12 : memref<1x1x128xi32, #tpu.memory_space<vmem>> -> memref<128xi32, #tpu.memory_space<vmem>>
    %dma_start3A_14 = arith.constant 0 : i32
    %dma_start3A_15 = arith.constant 0 : i32
    %dma_start3A_16 = tpu.memref_slice %arg2[%dma_start3A_14, %dma_start3A_15] : memref<5000x144xf32, #tpu.memory_space<hbm>> -> memref<5000x144xf32, #tpu.memory_space<hbm>>
    tpu.enqueue_indirect_dma source(%dma_start3A_16 : memref<5000x144xf32, #tpu.memory_space<hbm>>) target(%arg9 : memref<128x144xf32, #tpu.memory_space<vmem>>) offsets(%dma_start3A_13 : memref<128xi32, #tpu.memory_space<vmem>>) semaphore(%arg12 : memref<!tpu.dma_semaphore, #tpu.memory_space<semaphore_mem>>)
    %scan3A = arith.constant 0 : i32
    %scan3A_17 = arith.constant 0 : i32
    %scan3A_18 = arith.constant 20 : i32
    %scan3A_19 = arith.addi %scan3A_17, %scan3A_18 : i32
    %scan3A_20 = arith.constant 1 : i32
    scf.for %scan3A_27 = %scan3A_17 to %scan3A_19 step %scan3A_20  : i32 {
      %dma_wait3A = arith.constant 0 : i32
      %dma_wait3A_28 = arith.constant 0 : i32
      %dma_wait3A_29 = tpu.memref_slice %arg2[%dma_wait3A, %dma_wait3A_28] : memref<5000x144xf32, #tpu.memory_space<hbm>> -> memref<128x144xf32, #tpu.memory_space<hbm>>
      %dma_wait3A_30 = arith.constant 0 : i32
      %dma_wait3A_31 = arith.constant 0 : i32
      %dma_wait3A_32 = tpu.memref_slice %arg2[%dma_wait3A_30, %dma_wait3A_31] : memref<5000x144xf32, #tpu.memory_space<hbm>> -> memref<128x144xf32, #tpu.memory_space<hbm>>
      tpu.wait_dma2 semaphore(%arg11 : memref<!tpu.dma_semaphore, #tpu.memory_space<semaphore_mem>>) src(%dma_wait3A_32 : memref<128x144xf32, #tpu.memory_space<hbm>>) dst(%arg8 : memref<128x144xf32, #tpu.memory_space<vmem>>)
      %dma_start3A_33 = arith.constant 0 : i32
      %dma_start3A_34 = arith.constant 1 : i32
      %dma_start3A_35 = arith.constant 0 : i32
      %dma_start3A_36 = tpu.memref_slice %arg6[%dma_start3A_33, %dma_start3A_34, %dma_start3A_35] : memref<4x2x128xi32, #tpu.memory_space<vmem>> -> memref<1x1x128xi32, #tpu.memory_space<vmem>>
      %dma_start3A_37 = tpu.memref_squeeze %dma_start3A_36 : memref<1x1x128xi32, #tpu.memory_space<vmem>> -> memref<128xi32, #tpu.memory_space<vmem>>
      %dma_start3A_38 = arith.constant 0 : i32
      %dma_start3A_39 = arith.constant 0 : i32
      %dma_start3A_40 = tpu.memref_slice %arg10[%dma_start3A_38, %dma_start3A_39] : memref<10112x144xf32, #tpu.memory_space<vmem_shared>> -> memref<10112x144xf32, #tpu.memory_space<vmem_shared>>
      tpu.enqueue_indirect_dma source(%arg8 : memref<128x144xf32, #tpu.memory_space<vmem>>) target(%dma_start3A_40 : memref<10112x144xf32, #tpu.memory_space<vmem_shared>>) offsets(%dma_start3A_37 : memref<128xi32, #tpu.memory_space<vmem>>) semaphore(%arg13 : memref<!tpu.dma_semaphore, #tpu.memory_space<semaphore_mem>>) {add = true}
      %dma_wait3A_41 = arith.constant 0 : i32
      %dma_wait3A_42 = arith.constant 0 : i32
      %dma_wait3A_43 = tpu.memref_slice %arg2[%dma_wait3A_41, %dma_wait3A_42] : memref<5000x144xf32, #tpu.memory_space<hbm>> -> memref<128x144xf32, #tpu.memory_space<hbm>>
      %dma_wait3A_44 = arith.constant 0 : i32
      %dma_wait3A_45 = arith.constant 0 : i32
      %dma_wait3A_46 = tpu.memref_slice %arg2[%dma_wait3A_44, %dma_wait3A_45] : memref<5000x144xf32, #tpu.memory_space<hbm>> -> memref<128x144xf32, #tpu.memory_space<hbm>>
      tpu.wait_dma2 semaphore(%arg12 : memref<!tpu.dma_semaphore, #tpu.memory_space<semaphore_mem>>) src(%dma_wait3A_46 : memref<128x144xf32, #tpu.memory_space<hbm>>) dst(%arg8 : memref<128x144xf32, #tpu.memory_space<vmem>>)
      %dma_start3A_47 = arith.constant 1 : i32
      %dma_start3A_48 = arith.constant 1 : i32
      %dma_start3A_49 = arith.constant 0 : i32
      %dma_start3A_50 = tpu.memref_slice %arg6[%dma_start3A_47, %dma_start3A_48, %dma_start3A_49] : memref<4x2x128xi32, #tpu.memory_space<vmem>> -> memref<1x1x128xi32, #tpu.memory_space<vmem>>
      %dma_start3A_51 = tpu.memref_squeeze %dma_start3A_50 : memref<1x1x128xi32, #tpu.memory_space<vmem>> -> memref<128xi32, #tpu.memory_space<vmem>>
      %dma_start3A_52 = arith.constant 0 : i32
      %dma_start3A_53 = arith.constant 0 : i32
      %dma_start3A_54 = tpu.memref_slice %arg10[%dma_start3A_52, %dma_start3A_53] : memref<10112x144xf32, #tpu.memory_space<vmem_shared>> -> memref<10112x144xf32, #tpu.memory_space<vmem_shared>>
      tpu.enqueue_indirect_dma source(%arg9 : memref<128x144xf32, #tpu.memory_space<vmem>>) target(%dma_start3A_54 : memref<10112x144xf32, #tpu.memory_space<vmem_shared>>) offsets(%dma_start3A_51 : memref<128xi32, #tpu.memory_space<vmem>>) semaphore(%arg14 : memref<!tpu.dma_semaphore, #tpu.memory_space<semaphore_mem>>) {add = true}
      %dma_wait3A_55 = arith.constant 0 : i32
      %dma_wait3A_56 = arith.constant 0 : i32
      %dma_wait3A_57 = tpu.memref_slice %arg2[%dma_wait3A_55, %dma_wait3A_56] : memref<5000x144xf32, #tpu.memory_space<hbm>> -> memref<128x144xf32, #tpu.memory_space<hbm>>
      %dma_wait3A_58 = arith.constant 0 : i32
      %dma_wait3A_59 = arith.constant 0 : i32
      %dma_wait3A_60 = tpu.memref_slice %arg2[%dma_wait3A_58, %dma_wait3A_59] : memref<5000x144xf32, #tpu.memory_space<hbm>> -> memref<128x144xf32, #tpu.memory_space<hbm>>
      tpu.wait_dma2 semaphore(%arg13 : memref<!tpu.dma_semaphore, #tpu.memory_space<semaphore_mem>>) src(%dma_wait3A_60 : memref<128x144xf32, #tpu.memory_space<hbm>>) dst(%arg8 : memref<128x144xf32, #tpu.memory_space<vmem>>)
      %dma_start3A_61 = arith.constant 2 : i32
      %dma_start3A_62 = arith.constant 0 : i32
      %dma_start3A_63 = arith.constant 0 : i32
      %dma_start3A_64 = tpu.memref_slice %arg6[%dma_start3A_61, %dma_start3A_62, %dma_start3A_63] : memref<4x2x128xi32, #tpu.memory_space<vmem>> -> memref<1x1x128xi32, #tpu.memory_space<vmem>>
      %dma_start3A_65 = tpu.memref_squeeze %dma_start3A_64 : memref<1x1x128xi32, #tpu.memory_space<vmem>> -> memref<128xi32, #tpu.memory_space<vmem>>
      %dma_start3A_66 = arith.constant 0 : i32
      %dma_start3A_67 = arith.constant 0 : i32
      %dma_start3A_68 = tpu.memref_slice %arg2[%dma_start3A_66, %dma_start3A_67] : memref<5000x144xf32, #tpu.memory_space<hbm>> -> memref<5000x144xf32, #tpu.memory_space<hbm>>
      tpu.enqueue_indirect_dma source(%dma_start3A_68 : memref<5000x144xf32, #tpu.memory_space<hbm>>) target(%arg8 : memref<128x144xf32, #tpu.memory_space<vmem>>) offsets(%dma_start3A_65 : memref<128xi32, #tpu.memory_space<vmem>>) semaphore(%arg11 : memref<!tpu.dma_semaphore, #tpu.memory_space<semaphore_mem>>)
      %dma_wait3A_69 = arith.constant 0 : i32
      %dma_wait3A_70 = arith.constant 0 : i32
      %dma_wait3A_71 = tpu.memref_slice %arg2[%dma_wait3A_69, %dma_wait3A_70] : memref<5000x144xf32, #tpu.memory_space<hbm>> -> memref<128x144xf32, #tpu.memory_space<hbm>>
      %dma_wait3A_72 = arith.constant 0 : i32
      %dma_wait3A_73 = arith.constant 0 : i32
      %dma_wait3A_74 = tpu.memref_slice %arg2[%dma_wait3A_72, %dma_wait3A_73] : memref<5000x144xf32, #tpu.memory_space<hbm>> -> memref<128x144xf32, #tpu.memory_space<hbm>>
      tpu.wait_dma2 semaphore(%arg14 : memref<!tpu.dma_semaphore, #tpu.memory_space<semaphore_mem>>) src(%dma_wait3A_74 : memref<128x144xf32, #tpu.memory_space<hbm>>) dst(%arg8 : memref<128x144xf32, #tpu.memory_space<vmem>>)
      %dma_start3A_75 = arith.constant 3 : i32
      %dma_start3A_76 = arith.constant 0 : i32
      %dma_start3A_77 = arith.constant 0 : i32
      %dma_start3A_78 = tpu.memref_slice %arg6[%dma_start3A_75, %dma_start3A_76, %dma_start3A_77] : memref<4x2x128xi32, #tpu.memory_space<vmem>> -> memref<1x1x128xi32, #tpu.memory_space<vmem>>
      %dma_start3A_79 = tpu.memref_squeeze %dma_start3A_78 : memref<1x1x128xi32, #tpu.memory_space<vmem>> -> memref<128xi32, #tpu.memory_space<vmem>>
      %dma_start3A_80 = arith.constant 0 : i32
      %dma_start3A_81 = arith.constant 0 : i32
      %dma_start3A_82 = tpu.memref_slice %arg2[%dma_start3A_80, %dma_start3A_81] : memref<5000x144xf32, #tpu.memory_space<hbm>> -> memref<5000x144xf32, #tpu.memory_space<hbm>>
      tpu.enqueue_indirect_dma source(%dma_start3A_82 : memref<5000x144xf32, #tpu.memory_space<hbm>>) target(%arg9 : memref<128x144xf32, #tpu.memory_space<vmem>>) offsets(%dma_start3A_79 : memref<128xi32, #tpu.memory_space<vmem>>) semaphore(%arg12 : memref<!tpu.dma_semaphore, #tpu.memory_space<semaphore_mem>>)
      %dma_wait3A_83 = arith.constant 0 : i32
      %dma_wait3A_84 = arith.constant 0 : i32
      %dma_wait3A_85 = tpu.memref_slice %arg2[%dma_wait3A_83, %dma_wait3A_84] : memref<5000x144xf32, #tpu.memory_space<hbm>> -> memref<128x144xf32, #tpu.memory_space<hbm>>
      %dma_wait3A_86 = arith.constant 0 : i32
      %dma_wait3A_87 = arith.constant 0 : i32
      %dma_wait3A_88 = tpu.memref_slice %arg2[%dma_wait3A_86, %dma_wait3A_87] : memref<5000x144xf32, #tpu.memory_space<hbm>> -> memref<128x144xf32, #tpu.memory_space<hbm>>
      tpu.wait_dma2 semaphore(%arg11 : memref<!tpu.dma_semaphore, #tpu.memory_space<semaphore_mem>>) src(%dma_wait3A_88 : memref<128x144xf32, #tpu.memory_space<hbm>>) dst(%arg8 : memref<128x144xf32, #tpu.memory_space<vmem>>)
      %dma_start3A_89 = arith.constant 2 : i32
      %dma_start3A_90 = arith.constant 1 : i32
      %dma_start3A_91 = arith.constant 0 : i32
      %dma_start3A_92 = tpu.memref_slice %arg6[%dma_start3A_89, %dma_start3A_90, %dma_start3A_91] : memref<4x2x128xi32, #tpu.memory_space<vmem>> -> memref<1x1x128xi32, #tpu.memory_space<vmem>>
      %dma_start3A_93 = tpu.memref_squeeze %dma_start3A_92 : memref<1x1x128xi32, #tpu.memory_space<vmem>> -> memref<128xi32, #tpu.memory_space<vmem>>
      %dma_start3A_94 = arith.constant 0 : i32
      %dma_start3A_95 = arith.constant 0 : i32
      %dma_start3A_96 = tpu.memref_slice %arg10[%dma_start3A_94, %dma_start3A_95] : memref<10112x144xf32, #tpu.memory_space<vmem_shared>> -> memref<10112x144xf32, #tpu.memory_space<vmem_shared>>
      tpu.enqueue_indirect_dma source(%arg8 : memref<128x144xf32, #tpu.memory_space<vmem>>) target(%dma_start3A_96 : memref<10112x144xf32, #tpu.memory_space<vmem_shared>>) offsets(%dma_start3A_93 : memref<128xi32, #tpu.memory_space<vmem>>) semaphore(%arg13 : memref<!tpu.dma_semaphore, #tpu.memory_space<semaphore_mem>>) {add = true}
      %dma_wait3A_97 = arith.constant 0 : i32
      %dma_wait3A_98 = arith.constant 0 : i32
      %dma_wait3A_99 = tpu.memref_slice %arg2[%dma_wait3A_97, %dma_wait3A_98] : memref<5000x144xf32, #tpu.memory_space<hbm>> -> memref<128x144xf32, #tpu.memory_space<hbm>>
      %dma_wait3A_100 = arith.constant 0 : i32
      %dma_wait3A_101 = arith.constant 0 : i32
      %dma_wait3A_102 = tpu.memref_slice %arg2[%dma_wait3A_100, %dma_wait3A_101] : memref<5000x144xf32, #tpu.memory_space<hbm>> -> memref<128x144xf32, #tpu.memory_space<hbm>>
      tpu.wait_dma2 semaphore(%arg12 : memref<!tpu.dma_semaphore, #tpu.memory_space<semaphore_mem>>) src(%dma_wait3A_102 : memref<128x144xf32, #tpu.memory_space<hbm>>) dst(%arg8 : memref<128x144xf32, #tpu.memory_space<vmem>>)
      %dma_start3A_103 = arith.constant 3 : i32
      %dma_start3A_104 = arith.constant 1 : i32
      %dma_start3A_105 = arith.constant 0 : i32
      %dma_start3A_106 = tpu.memref_slice %arg6[%dma_start3A_103, %dma_start3A_104, %dma_start3A_105] : memref<4x2x128xi32, #tpu.memory_space<vmem>> -> memref<1x1x128xi32, #tpu.memory_space<vmem>>
      %dma_start3A_107 = tpu.memref_squeeze %dma_start3A_106 : memref<1x1x128xi32, #tpu.memory_space<vmem>> -> memref<128xi32, #tpu.memory_space<vmem>>
      %dma_start3A_108 = arith.constant 0 : i32
      %dma_start3A_109 = arith.constant 0 : i32
      %dma_start3A_110 = tpu.memref_slice %arg10[%dma_start3A_108, %dma_start3A_109] : memref<10112x144xf32, #tpu.memory_space<vmem_shared>> -> memref<10112x144xf32, #tpu.memory_space<vmem_shared>>
      tpu.enqueue_indirect_dma source(%arg9 : memref<128x144xf32, #tpu.memory_space<vmem>>) target(%dma_start3A_110 : memref<10112x144xf32, #tpu.memory_space<vmem_shared>>) offsets(%dma_start3A_107 : memref<128xi32, #tpu.memory_space<vmem>>) semaphore(%arg14 : memref<!tpu.dma_semaphore, #tpu.memory_space<semaphore_mem>>) {add = true}
      %gt3A = arith.constant 0 : i32
      %gt3A_111 = arith.cmpi sgt, %scan3A_27, %gt3A : i32
      %convert_element_type3A = arith.extui %gt3A_111 : i1 to i32
      %cond3A = arith.constant 0 : i32
      %cond3A_112 = arith.cmpi ne, %convert_element_type3A, %cond3A : i32
      scf.if %cond3A_112 {
        %dma_wait3A_238 = arith.constant 0 : i32
        %dma_wait3A_239 = arith.constant 0 : i32
        %dma_wait3A_240 = arith.constant 0 : i32
        %dma_wait3A_241 = arith.constant 0 : i32
        %dma_wait3A_242 = tpu.memref_slice %arg3[%arg0, %arg1, %dma_wait3A_238, %dma_wait3A_239, %dma_wait3A_240, %dma_wait3A_241] : memref<2x16x40x4x2x128xi32, #tpu.memory_space<hbm>> -> memref<1x1x1x4x2x128xi32, #tpu.memory_space<hbm>>
        %dma_wait3A_243 = tpu.memref_squeeze %dma_wait3A_242 : memref<1x1x1x4x2x128xi32, #tpu.memory_space<hbm>> -> memref<4x2x128xi32, #tpu.memory_space<hbm>>
        %dma_wait3A_244 = arith.constant 0 : i32
        %dma_wait3A_245 = arith.constant 0 : i32
        %dma_wait3A_246 = arith.constant 0 : i32
        %dma_wait3A_247 = tpu.memref_slice %arg3[%arg0, %arg1, %dma_wait3A_238, %dma_wait3A_244, %dma_wait3A_245, %dma_wait3A_246] : memref<2x16x40x4x2x128xi32, #tpu.memory_space<hbm>> -> memref<1x1x1x4x2x128xi32, #tpu.memory_space<hbm>>
        %dma_wait3A_248 = tpu.memref_squeeze %dma_wait3A_247 : memref<1x1x1x4x2x128xi32, #tpu.memory_space<hbm>> -> memref<4x2x128xi32, #tpu.memory_space<hbm>>
        tpu.wait_dma2 semaphore(%arg16 : memref<!tpu.dma_semaphore, #tpu.memory_space<semaphore_mem>>) src(%dma_wait3A_248 : memref<4x2x128xi32, #tpu.memory_space<hbm>>) dst(%arg7 : memref<4x2x128xi32, #tpu.memory_space<vmem>>)
      } else {
      }
      %dma_wait3A_113 = arith.constant 0 : i32
      %dma_wait3A_114 = arith.constant 0 : i32
      %dma_wait3A_115 = tpu.memref_slice %arg2[%dma_wait3A_113, %dma_wait3A_114] : memref<5000x144xf32, #tpu.memory_space<hbm>> -> memref<128x144xf32, #tpu.memory_space<hbm>>
      %dma_wait3A_116 = arith.constant 0 : i32
      %dma_wait3A_117 = arith.constant 0 : i32
      %dma_wait3A_118 = tpu.memref_slice %arg2[%dma_wait3A_116, %dma_wait3A_117] : memref<5000x144xf32, #tpu.memory_space<hbm>> -> memref<128x144xf32, #tpu.memory_space<hbm>>
      tpu.wait_dma2 semaphore(%arg13 : memref<!tpu.dma_semaphore, #tpu.memory_space<semaphore_mem>>) src(%dma_wait3A_118 : memref<128x144xf32, #tpu.memory_space<hbm>>) dst(%arg8 : memref<128x144xf32, #tpu.memory_space<vmem>>)
      %dma_start3A_119 = arith.constant 0 : i32
      %dma_start3A_120 = arith.constant 0 : i32
      %dma_start3A_121 = arith.constant 0 : i32
      %dma_start3A_122 = tpu.memref_slice %arg7[%dma_start3A_119, %dma_start3A_120, %dma_start3A_121] : memref<4x2x128xi32, #tpu.memory_space<vmem>> -> memref<1x1x128xi32, #tpu.memory_space<vmem>>
      %dma_start3A_123 = tpu.memref_squeeze %dma_start3A_122 : memref<1x1x128xi32, #tpu.memory_space<vmem>> -> memref<128xi32, #tpu.memory_space<vmem>>
      %dma_start3A_124 = arith.constant 0 : i32
      %dma_start3A_125 = arith.constant 0 : i32
      %dma_start3A_126 = tpu.memref_slice %arg2[%dma_start3A_124, %dma_start3A_125] : memref<5000x144xf32, #tpu.memory_space<hbm>> -> memref<5000x144xf32, #tpu.memory_space<hbm>>
      tpu.enqueue_indirect_dma source(%dma_start3A_126 : memref<5000x144xf32, #tpu.memory_space<hbm>>) target(%arg8 : memref<128x144xf32, #tpu.memory_space<vmem>>) offsets(%dma_start3A_123 : memref<128xi32, #tpu.memory_space<vmem>>) semaphore(%arg11 : memref<!tpu.dma_semaphore, #tpu.memory_space<semaphore_mem>>)
      %dma_wait3A_127 = arith.constant 0 : i32
      %dma_wait3A_128 = arith.constant 0 : i32
      %dma_wait3A_129 = tpu.memref_slice %arg2[%dma_wait3A_127, %dma_wait3A_128] : memref<5000x144xf32, #tpu.memory_space<hbm>> -> memref<128x144xf32, #tpu.memory_space<hbm>>
      %dma_wait3A_130 = arith.constant 0 : i32
      %dma_wait3A_131 = arith.constant 0 : i32
      %dma_wait3A_132 = tpu.memref_slice %arg2[%dma_wait3A_130, %dma_wait3A_131] : memref<5000x144xf32, #tpu.memory_space<hbm>> -> memref<128x144xf32, #tpu.memory_space<hbm>>
      tpu.wait_dma2 semaphore(%arg14 : memref<!tpu.dma_semaphore, #tpu.memory_space<semaphore_mem>>) src(%dma_wait3A_132 : memref<128x144xf32, #tpu.memory_space<hbm>>) dst(%arg8 : memref<128x144xf32, #tpu.memory_space<vmem>>)
      %dma_start3A_133 = arith.constant 1 : i32
      %dma_start3A_134 = arith.constant 0 : i32
      %dma_start3A_135 = arith.constant 0 : i32
      %dma_start3A_136 = tpu.memref_slice %arg7[%dma_start3A_133, %dma_start3A_134, %dma_start3A_135] : memref<4x2x128xi32, #tpu.memory_space<vmem>> -> memref<1x1x128xi32, #tpu.memory_space<vmem>>
      %dma_start3A_137 = tpu.memref_squeeze %dma_start3A_136 : memref<1x1x128xi32, #tpu.memory_space<vmem>> -> memref<128xi32, #tpu.memory_space<vmem>>
      %dma_start3A_138 = arith.constant 0 : i32
      %dma_start3A_139 = arith.constant 0 : i32
      %dma_start3A_140 = tpu.memref_slice %arg2[%dma_start3A_138, %dma_start3A_139] : memref<5000x144xf32, #tpu.memory_space<hbm>> -> memref<5000x144xf32, #tpu.memory_space<hbm>>
      tpu.enqueue_indirect_dma source(%dma_start3A_140 : memref<5000x144xf32, #tpu.memory_space<hbm>>) target(%arg9 : memref<128x144xf32, #tpu.memory_space<vmem>>) offsets(%dma_start3A_137 : memref<128xi32, #tpu.memory_space<vmem>>) semaphore(%arg12 : memref<!tpu.dma_semaphore, #tpu.memory_space<semaphore_mem>>)
      %lt3A = arith.constant 19 : i32
      %lt3A_141 = arith.cmpi slt, %scan3A_27, %lt3A : i32
      %convert_element_type3A_142 = arith.extui %lt3A_141 : i1 to i32
      %cond3A_143 = arith.constant 0 : i32
      %cond3A_144 = arith.cmpi ne, %convert_element_type3A_142, %cond3A_143 : i32
      scf.if %cond3A_144 {
        %mul3A_238 = arith.constant 2 : i32
        %mul3A_239 = arith.muli %mul3A_238, %scan3A_27 : i32
        %add3A = arith.constant 2 : i32
        %add3A_240 = arith.addi %mul3A_239, %add3A : i32
        %dma_start3A_241 = arith.constant 0 : i32
        %dma_start3A_242 = arith.constant 0 : i32
        %dma_start3A_243 = arith.constant 0 : i32
        %dma_start3A_244 = tpu.memref_slice %arg3[%arg0, %arg1, %add3A_240, %dma_start3A_241, %dma_start3A_242, %dma_start3A_243] : memref<2x16x40x4x2x128xi32, #tpu.memory_space<hbm>> -> memref<1x1x1x4x2x128xi32, #tpu.memory_space<hbm>>
        %dma_start3A_245 = tpu.memref_squeeze %dma_start3A_244 : memref<1x1x1x4x2x128xi32, #tpu.memory_space<hbm>> -> memref<4x2x128xi32, #tpu.memory_space<hbm>>
        %dma_start3A_246 = arith.constant 0 : i32
        %dma_start3A_247 = arith.constant 0 : i32
        %dma_start3A_248 = arith.constant 0 : i32
        %dma_start3A_249 = tpu.memref_slice %arg3[%arg0, %arg1, %add3A_240, %dma_start3A_246, %dma_start3A_247, %dma_start3A_248] : memref<2x16x40x4x2x128xi32, #tpu.memory_space<hbm>> -> memref<1x1x1x4x2x128xi32, #tpu.memory_space<hbm>>
        %dma_start3A_250 = tpu.memref_squeeze %dma_start3A_249 : memref<1x1x1x4x2x128xi32, #tpu.memory_space<hbm>> -> memref<4x2x128xi32, #tpu.memory_space<hbm>>
        tpu.enqueue_dma source(%dma_start3A_250 : memref<4x2x128xi32, #tpu.memory_space<hbm>>) target(%arg6 : memref<4x2x128xi32, #tpu.memory_space<vmem>>) target_semaphore(%arg15 : memref<!tpu.dma_semaphore, #tpu.memory_space<semaphore_mem>>)
      } else {
      }
      %dma_wait3A_145 = arith.constant 0 : i32
      %dma_wait3A_146 = arith.constant 0 : i32
      %dma_wait3A_147 = tpu.memref_slice %arg2[%dma_wait3A_145, %dma_wait3A_146] : memref<5000x144xf32, #tpu.memory_space<hbm>> -> memref<128x144xf32, #tpu.memory_space<hbm>>
      %dma_wait3A_148 = arith.constant 0 : i32
      %dma_wait3A_149 = arith.constant 0 : i32
      %dma_wait3A_150 = tpu.memref_slice %arg2[%dma_wait3A_148, %dma_wait3A_149] : memref<5000x144xf32, #tpu.memory_space<hbm>> -> memref<128x144xf32, #tpu.memory_space<hbm>>
      tpu.wait_dma2 semaphore(%arg11 : memref<!tpu.dma_semaphore, #tpu.memory_space<semaphore_mem>>) src(%dma_wait3A_150 : memref<128x144xf32, #tpu.memory_space<hbm>>) dst(%arg8 : memref<128x144xf32, #tpu.memory_space<vmem>>)
      %dma_start3A_151 = arith.constant 0 : i32
      %dma_start3A_152 = arith.constant 1 : i32
      %dma_start3A_153 = arith.constant 0 : i32
      %dma_start3A_154 = tpu.memref_slice %arg7[%dma_start3A_151, %dma_start3A_152, %dma_start3A_153] : memref<4x2x128xi32, #tpu.memory_space<vmem>> -> memref<1x1x128xi32, #tpu.memory_space<vmem>>
      %dma_start3A_155 = tpu.memref_squeeze %dma_start3A_154 : memref<1x1x128xi32, #tpu.memory_space<vmem>> -> memref<128xi32, #tpu.memory_space<vmem>>
      %dma_start3A_156 = arith.constant 0 : i32
      %dma_start3A_157 = arith.constant 0 : i32
      %dma_start3A_158 = tpu.memref_slice %arg10[%dma_start3A_156, %dma_start3A_157] : memref<10112x144xf32, #tpu.memory_space<vmem_shared>> -> memref<10112x144xf32, #tpu.memory_space<vmem_shared>>
      tpu.enqueue_indirect_dma source(%arg8 : memref<128x144xf32, #tpu.memory_space<vmem>>) target(%dma_start3A_158 : memref<10112x144xf32, #tpu.memory_space<vmem_shared>>) offsets(%dma_start3A_155 : memref<128xi32, #tpu.memory_space<vmem>>) semaphore(%arg13 : memref<!tpu.dma_semaphore, #tpu.memory_space<semaphore_mem>>) {add = true}
      %dma_wait3A_159 = arith.constant 0 : i32
      %dma_wait3A_160 = arith.constant 0 : i32
      %dma_wait3A_161 = tpu.memref_slice %arg2[%dma_wait3A_159, %dma_wait3A_160] : memref<5000x144xf32, #tpu.memory_space<hbm>> -> memref<128x144xf32, #tpu.memory_space<hbm>>
      %dma_wait3A_162 = arith.constant 0 : i32
      %dma_wait3A_163 = arith.constant 0 : i32
      %dma_wait3A_164 = tpu.memref_slice %arg2[%dma_wait3A_162, %dma_wait3A_163] : memref<5000x144xf32, #tpu.memory_space<hbm>> -> memref<128x144xf32, #tpu.memory_space<hbm>>
      tpu.wait_dma2 semaphore(%arg12 : memref<!tpu.dma_semaphore, #tpu.memory_space<semaphore_mem>>) src(%dma_wait3A_164 : memref<128x144xf32, #tpu.memory_space<hbm>>) dst(%arg8 : memref<128x144xf32, #tpu.memory_space<vmem>>)
      %dma_start3A_165 = arith.constant 1 : i32
      %dma_start3A_166 = arith.constant 1 : i32
      %dma_start3A_167 = arith.constant 0 : i32
      %dma_start3A_168 = tpu.memref_slice %arg7[%dma_start3A_165, %dma_start3A_166, %dma_start3A_167] : memref<4x2x128xi32, #tpu.memory_space<vmem>> -> memref<1x1x128xi32, #tpu.memory_space<vmem>>
      %dma_start3A_169 = tpu.memref_squeeze %dma_start3A_168 : memref<1x1x128xi32, #tpu.memory_space<vmem>> -> memref<128xi32, #tpu.memory_space<vmem>>
      %dma_start3A_170 = arith.constant 0 : i32
      %dma_start3A_171 = arith.constant 0 : i32
      %dma_start3A_172 = tpu.memref_slice %arg10[%dma_start3A_170, %dma_start3A_171] : memref<10112x144xf32, #tpu.memory_space<vmem_shared>> -> memref<10112x144xf32, #tpu.memory_space<vmem_shared>>
      tpu.enqueue_indirect_dma source(%arg9 : memref<128x144xf32, #tpu.memory_space<vmem>>) target(%dma_start3A_172 : memref<10112x144xf32, #tpu.memory_space<vmem_shared>>) offsets(%dma_start3A_169 : memref<128xi32, #tpu.memory_space<vmem>>) semaphore(%arg14 : memref<!tpu.dma_semaphore, #tpu.memory_space<semaphore_mem>>) {add = true}
      %dma_wait3A_173 = arith.constant 0 : i32
      %dma_wait3A_174 = arith.constant 0 : i32
      %dma_wait3A_175 = tpu.memref_slice %arg2[%dma_wait3A_173, %dma_wait3A_174] : memref<5000x144xf32, #tpu.memory_space<hbm>> -> memref<128x144xf32, #tpu.memory_space<hbm>>
      %dma_wait3A_176 = arith.constant 0 : i32
      %dma_wait3A_177 = arith.constant 0 : i32
      %dma_wait3A_178 = tpu.memref_slice %arg2[%dma_wait3A_176, %dma_wait3A_177] : memref<5000x144xf32, #tpu.memory_space<hbm>> -> memref<128x144xf32, #tpu.memory_space<hbm>>
      tpu.wait_dma2 semaphore(%arg13 : memref<!tpu.dma_semaphore, #tpu.memory_space<semaphore_mem>>) src(%dma_wait3A_178 : memref<128x144xf32, #tpu.memory_space<hbm>>) dst(%arg8 : memref<128x144xf32, #tpu.memory_space<vmem>>)
      %dma_start3A_179 = arith.constant 2 : i32
      %dma_start3A_180 = arith.constant 0 : i32
      %dma_start3A_181 = arith.constant 0 : i32
      %dma_start3A_182 = tpu.memref_slice %arg7[%dma_start3A_179, %dma_start3A_180, %dma_start3A_181] : memref<4x2x128xi32, #tpu.memory_space<vmem>> -> memref<1x1x128xi32, #tpu.memory_space<vmem>>
      %dma_start3A_183 = tpu.memref_squeeze %dma_start3A_182 : memref<1x1x128xi32, #tpu.memory_space<vmem>> -> memref<128xi32, #tpu.memory_space<vmem>>
      %dma_start3A_184 = arith.constant 0 : i32
      %dma_start3A_185 = arith.constant 0 : i32
      %dma_start3A_186 = tpu.memref_slice %arg2[%dma_start3A_184, %dma_start3A_185] : memref<5000x144xf32, #tpu.memory_space<hbm>> -> memref<5000x144xf32, #tpu.memory_space<hbm>>
      tpu.enqueue_indirect_dma source(%dma_start3A_186 : memref<5000x144xf32, #tpu.memory_space<hbm>>) target(%arg8 : memref<128x144xf32, #tpu.memory_space<vmem>>) offsets(%dma_start3A_183 : memref<128xi32, #tpu.memory_space<vmem>>) semaphore(%arg11 : memref<!tpu.dma_semaphore, #tpu.memory_space<semaphore_mem>>)
      %dma_wait3A_187 = arith.constant 0 : i32
      %dma_wait3A_188 = arith.constant 0 : i32
      %dma_wait3A_189 = tpu.memref_slice %arg2[%dma_wait3A_187, %dma_wait3A_188] : memref<5000x144xf32, #tpu.memory_space<hbm>> -> memref<128x144xf32, #tpu.memory_space<hbm>>
      %dma_wait3A_190 = arith.constant 0 : i32
      %dma_wait3A_191 = arith.constant 0 : i32
      %dma_wait3A_192 = tpu.memref_slice %arg2[%dma_wait3A_190, %dma_wait3A_191] : memref<5000x144xf32, #tpu.memory_space<hbm>> -> memref<128x144xf32, #tpu.memory_space<hbm>>
      tpu.wait_dma2 semaphore(%arg14 : memref<!tpu.dma_semaphore, #tpu.memory_space<semaphore_mem>>) src(%dma_wait3A_192 : memref<128x144xf32, #tpu.memory_space<hbm>>) dst(%arg8 : memref<128x144xf32, #tpu.memory_space<vmem>>)
      %dma_start3A_193 = arith.constant 3 : i32
      %dma_start3A_194 = arith.constant 0 : i32
      %dma_start3A_195 = arith.constant 0 : i32
      %dma_start3A_196 = tpu.memref_slice %arg7[%dma_start3A_193, %dma_start3A_194, %dma_start3A_195] : memref<4x2x128xi32, #tpu.memory_space<vmem>> -> memref<1x1x128xi32, #tpu.memory_space<vmem>>
      %dma_start3A_197 = tpu.memref_squeeze %dma_start3A_196 : memref<1x1x128xi32, #tpu.memory_space<vmem>> -> memref<128xi32, #tpu.memory_space<vmem>>
      %dma_start3A_198 = arith.constant 0 : i32
      %dma_start3A_199 = arith.constant 0 : i32
      %dma_start3A_200 = tpu.memref_slice %arg2[%dma_start3A_198, %dma_start3A_199] : memref<5000x144xf32, #tpu.memory_space<hbm>> -> memref<5000x144xf32, #tpu.memory_space<hbm>>
      tpu.enqueue_indirect_dma source(%dma_start3A_200 : memref<5000x144xf32, #tpu.memory_space<hbm>>) target(%arg9 : memref<128x144xf32, #tpu.memory_space<vmem>>) offsets(%dma_start3A_197 : memref<128xi32, #tpu.memory_space<vmem>>) semaphore(%arg12 : memref<!tpu.dma_semaphore, #tpu.memory_space<semaphore_mem>>)
      %dma_wait3A_201 = arith.constant 0 : i32
      %dma_wait3A_202 = arith.constant 0 : i32
      %dma_wait3A_203 = tpu.memref_slice %arg2[%dma_wait3A_201, %dma_wait3A_202] : memref<5000x144xf32, #tpu.memory_space<hbm>> -> memref<128x144xf32, #tpu.memory_space<hbm>>
      %dma_wait3A_204 = arith.constant 0 : i32
      %dma_wait3A_205 = arith.constant 0 : i32
      %dma_wait3A_206 = tpu.memref_slice %arg2[%dma_wait3A_204, %dma_wait3A_205] : memref<5000x144xf32, #tpu.memory_space<hbm>> -> memref<128x144xf32, #tpu.memory_space<hbm>>
      tpu.wait_dma2 semaphore(%arg11 : memref<!tpu.dma_semaphore, #tpu.memory_space<semaphore_mem>>) src(%dma_wait3A_206 : memref<128x144xf32, #tpu.memory_space<hbm>>) dst(%arg8 : memref<128x144xf32, #tpu.memory_space<vmem>>)
      %dma_start3A_207 = arith.constant 2 : i32
      %dma_start3A_208 = arith.constant 1 : i32
      %dma_start3A_209 = arith.constant 0 : i32
      %dma_start3A_210 = tpu.memref_slice %arg7[%dma_start3A_207, %dma_start3A_208, %dma_start3A_209] : memref<4x2x128xi32, #tpu.memory_space<vmem>> -> memref<1x1x128xi32, #tpu.memory_space<vmem>>
      %dma_start3A_211 = tpu.memref_squeeze %dma_start3A_210 : memref<1x1x128xi32, #tpu.memory_space<vmem>> -> memref<128xi32, #tpu.memory_space<vmem>>
      %dma_start3A_212 = arith.constant 0 : i32
      %dma_start3A_213 = arith.constant 0 : i32
      %dma_start3A_214 = tpu.memref_slice %arg10[%dma_start3A_212, %dma_start3A_213] : memref<10112x144xf32, #tpu.memory_space<vmem_shared>> -> memref<10112x144xf32, #tpu.memory_space<vmem_shared>>
      tpu.enqueue_indirect_dma source(%arg8 : memref<128x144xf32, #tpu.memory_space<vmem>>) target(%dma_start3A_214 : memref<10112x144xf32, #tpu.memory_space<vmem_shared>>) offsets(%dma_start3A_211 : memref<128xi32, #tpu.memory_space<vmem>>) semaphore(%arg13 : memref<!tpu.dma_semaphore, #tpu.memory_space<semaphore_mem>>) {add = true}
      %dma_wait3A_215 = arith.constant 0 : i32
      %dma_wait3A_216 = arith.constant 0 : i32
      %dma_wait3A_217 = tpu.memref_slice %arg2[%dma_wait3A_215, %dma_wait3A_216] : memref<5000x144xf32, #tpu.memory_space<hbm>> -> memref<128x144xf32, #tpu.memory_space<hbm>>
      %dma_wait3A_218 = arith.constant 0 : i32
      %dma_wait3A_219 = arith.constant 0 : i32
      %dma_wait3A_220 = tpu.memref_slice %arg2[%dma_wait3A_218, %dma_wait3A_219] : memref<5000x144xf32, #tpu.memory_space<hbm>> -> memref<128x144xf32, #tpu.memory_space<hbm>>
      tpu.wait_dma2 semaphore(%arg12 : memref<!tpu.dma_semaphore, #tpu.memory_space<semaphore_mem>>) src(%dma_wait3A_220 : memref<128x144xf32, #tpu.memory_space<hbm>>) dst(%arg8 : memref<128x144xf32, #tpu.memory_space<vmem>>)
      %dma_start3A_221 = arith.constant 3 : i32
      %dma_start3A_222 = arith.constant 1 : i32
      %dma_start3A_223 = arith.constant 0 : i32
      %dma_start3A_224 = tpu.memref_slice %arg7[%dma_start3A_221, %dma_start3A_222, %dma_start3A_223] : memref<4x2x128xi32, #tpu.memory_space<vmem>> -> memref<1x1x128xi32, #tpu.memory_space<vmem>>
      %dma_start3A_225 = tpu.memref_squeeze %dma_start3A_224 : memref<1x1x128xi32, #tpu.memory_space<vmem>> -> memref<128xi32, #tpu.memory_space<vmem>>
      %dma_start3A_226 = arith.constant 0 : i32
      %dma_start3A_227 = arith.constant 0 : i32
      %dma_start3A_228 = tpu.memref_slice %arg10[%dma_start3A_226, %dma_start3A_227] : memref<10112x144xf32, #tpu.memory_space<vmem_shared>> -> memref<10112x144xf32, #tpu.memory_space<vmem_shared>>
      tpu.enqueue_indirect_dma source(%arg9 : memref<128x144xf32, #tpu.memory_space<vmem>>) target(%dma_start3A_228 : memref<10112x144xf32, #tpu.memory_space<vmem_shared>>) offsets(%dma_start3A_225 : memref<128xi32, #tpu.memory_space<vmem>>) semaphore(%arg14 : memref<!tpu.dma_semaphore, #tpu.memory_space<semaphore_mem>>) {add = true}
      %lt3A_229 = arith.constant 19 : i32
      %lt3A_230 = arith.cmpi slt, %scan3A_27, %lt3A_229 : i32
      %convert_element_type3A_231 = arith.extui %lt3A_230 : i1 to i32
      %cond3A_232 = arith.constant 0 : i32
      %cond3A_233 = arith.cmpi ne, %convert_element_type3A_231, %cond3A_232 : i32
      scf.if %cond3A_233 {
        %dma_wait3A_238 = arith.constant 0 : i32
        %dma_wait3A_239 = arith.constant 0 : i32
        %dma_wait3A_240 = arith.constant 0 : i32
        %dma_wait3A_241 = arith.constant 0 : i32
        %dma_wait3A_242 = tpu.memref_slice %arg3[%arg0, %arg1, %dma_wait3A_238, %dma_wait3A_239, %dma_wait3A_240, %dma_wait3A_241] : memref<2x16x40x4x2x128xi32, #tpu.memory_space<hbm>> -> memref<1x1x1x4x2x128xi32, #tpu.memory_space<hbm>>
        %dma_wait3A_243 = tpu.memref_squeeze %dma_wait3A_242 : memref<1x1x1x4x2x128xi32, #tpu.memory_space<hbm>> -> memref<4x2x128xi32, #tpu.memory_space<hbm>>
        %dma_wait3A_244 = arith.constant 0 : i32
        %dma_wait3A_245 = arith.constant 0 : i32
        %dma_wait3A_246 = arith.constant 0 : i32
        %dma_wait3A_247 = tpu.memref_slice %arg3[%arg0, %arg1, %dma_wait3A_238, %dma_wait3A_244, %dma_wait3A_245, %dma_wait3A_246] : memref<2x16x40x4x2x128xi32, #tpu.memory_space<hbm>> -> memref<1x1x1x4x2x128xi32, #tpu.memory_space<hbm>>
        %dma_wait3A_248 = tpu.memref_squeeze %dma_wait3A_247 : memref<1x1x1x4x2x128xi32, #tpu.memory_space<hbm>> -> memref<4x2x128xi32, #tpu.memory_space<hbm>>
        tpu.wait_dma2 semaphore(%arg15 : memref<!tpu.dma_semaphore, #tpu.memory_space<semaphore_mem>>) src(%dma_wait3A_248 : memref<4x2x128xi32, #tpu.memory_space<hbm>>) dst(%arg6 : memref<4x2x128xi32, #tpu.memory_space<vmem>>)
        %dma_wait3A_249 = arith.constant 0 : i32
        %dma_wait3A_250 = arith.constant 0 : i32
        %dma_wait3A_251 = tpu.memref_slice %arg2[%dma_wait3A_249, %dma_wait3A_250] : memref<5000x144xf32, #tpu.memory_space<hbm>> -> memref<128x144xf32, #tpu.memory_space<hbm>>
        %dma_wait3A_252 = arith.constant 0 : i32
        %dma_wait3A_253 = arith.constant 0 : i32
        %dma_wait3A_254 = tpu.memref_slice %arg2[%dma_wait3A_252, %dma_wait3A_253] : memref<5000x144xf32, #tpu.memory_space<hbm>> -> memref<128x144xf32, #tpu.memory_space<hbm>>
        tpu.wait_dma2 semaphore(%arg13 : memref<!tpu.dma_semaphore, #tpu.memory_space<semaphore_mem>>) src(%dma_wait3A_254 : memref<128x144xf32, #tpu.memory_space<hbm>>) dst(%arg8 : memref<128x144xf32, #tpu.memory_space<vmem>>)
        %dma_start3A_255 = arith.constant 0 : i32
        %dma_start3A_256 = arith.constant 0 : i32
        %dma_start3A_257 = arith.constant 0 : i32
        %dma_start3A_258 = tpu.memref_slice %arg6[%dma_start3A_255, %dma_start3A_256, %dma_start3A_257] : memref<4x2x128xi32, #tpu.memory_space<vmem>> -> memref<1x1x128xi32, #tpu.memory_space<vmem>>
        %dma_start3A_259 = tpu.memref_squeeze %dma_start3A_258 : memref<1x1x128xi32, #tpu.memory_space<vmem>> -> memref<128xi32, #tpu.memory_space<vmem>>
        %dma_start3A_260 = arith.constant 0 : i32
        %dma_start3A_261 = arith.constant 0 : i32
        %dma_start3A_262 = tpu.memref_slice %arg2[%dma_start3A_260, %dma_start3A_261] : memref<5000x144xf32, #tpu.memory_space<hbm>> -> memref<5000x144xf32, #tpu.memory_space<hbm>>
        tpu.enqueue_indirect_dma source(%dma_start3A_262 : memref<5000x144xf32, #tpu.memory_space<hbm>>) target(%arg8 : memref<128x144xf32, #tpu.memory_space<vmem>>) offsets(%dma_start3A_259 : memref<128xi32, #tpu.memory_space<vmem>>) semaphore(%arg11 : memref<!tpu.dma_semaphore, #tpu.memory_space<semaphore_mem>>)
        %dma_wait3A_263 = arith.constant 0 : i32
        %dma_wait3A_264 = arith.constant 0 : i32
        %dma_wait3A_265 = tpu.memref_slice %arg2[%dma_wait3A_263, %dma_wait3A_264] : memref<5000x144xf32, #tpu.memory_space<hbm>> -> memref<128x144xf32, #tpu.memory_space<hbm>>
        %dma_wait3A_266 = arith.constant 0 : i32
        %dma_wait3A_267 = arith.constant 0 : i32
        %dma_wait3A_268 = tpu.memref_slice %arg2[%dma_wait3A_266, %dma_wait3A_267] : memref<5000x144xf32, #tpu.memory_space<hbm>> -> memref<128x144xf32, #tpu.memory_space<hbm>>
        tpu.wait_dma2 semaphore(%arg14 : memref<!tpu.dma_semaphore, #tpu.memory_space<semaphore_mem>>) src(%dma_wait3A_268 : memref<128x144xf32, #tpu.memory_space<hbm>>) dst(%arg8 : memref<128x144xf32, #tpu.memory_space<vmem>>)
        %dma_start3A_269 = arith.constant 1 : i32
        %dma_start3A_270 = arith.constant 0 : i32
        %dma_start3A_271 = arith.constant 0 : i32
        %dma_start3A_272 = tpu.memref_slice %arg6[%dma_start3A_269, %dma_start3A_270, %dma_start3A_271] : memref<4x2x128xi32, #tpu.memory_space<vmem>> -> memref<1x1x128xi32, #tpu.memory_space<vmem>>
        %dma_start3A_273 = tpu.memref_squeeze %dma_start3A_272 : memref<1x1x128xi32, #tpu.memory_space<vmem>> -> memref<128xi32, #tpu.memory_space<vmem>>
        %dma_start3A_274 = arith.constant 0 : i32
        %dma_start3A_275 = arith.constant 0 : i32
        %dma_start3A_276 = tpu.memref_slice %arg2[%dma_start3A_274, %dma_start3A_275] : memref<5000x144xf32, #tpu.memory_space<hbm>> -> memref<5000x144xf32, #tpu.memory_space<hbm>>
        tpu.enqueue_indirect_dma source(%dma_start3A_276 : memref<5000x144xf32, #tpu.memory_space<hbm>>) target(%arg9 : memref<128x144xf32, #tpu.memory_space<vmem>>) offsets(%dma_start3A_273 : memref<128xi32, #tpu.memory_space<vmem>>) semaphore(%arg12 : memref<!tpu.dma_semaphore, #tpu.memory_space<semaphore_mem>>)
        %mul3A_277 = arith.constant 2 : i32
        %mul3A_278 = arith.muli %mul3A_277, %scan3A_27 : i32
        %add3A = arith.constant 3 : i32
        %add3A_279 = arith.addi %mul3A_278, %add3A : i32
        %dma_start3A_280 = arith.constant 0 : i32
        %dma_start3A_281 = arith.constant 0 : i32
        %dma_start3A_282 = arith.constant 0 : i32
        %dma_start3A_283 = tpu.memref_slice %arg3[%arg0, %arg1, %add3A_279, %dma_start3A_280, %dma_start3A_281, %dma_start3A_282] : memref<2x16x40x4x2x128xi32, #tpu.memory_space<hbm>> -> memref<1x1x1x4x2x128xi32, #tpu.memory_space<hbm>>
        %dma_start3A_284 = tpu.memref_squeeze %dma_start3A_283 : memref<1x1x1x4x2x128xi32, #tpu.memory_space<hbm>> -> memref<4x2x128xi32, #tpu.memory_space<hbm>>
        %dma_start3A_285 = arith.constant 0 : i32
        %dma_start3A_286 = arith.constant 0 : i32
        %dma_start3A_287 = arith.constant 0 : i32
        %dma_start3A_288 = tpu.memref_slice %arg3[%arg0, %arg1, %add3A_279, %dma_start3A_285, %dma_start3A_286, %dma_start3A_287] : memref<2x16x40x4x2x128xi32, #tpu.memory_space<hbm>> -> memref<1x1x1x4x2x128xi32, #tpu.memory_space<hbm>>
        %dma_start3A_289 = tpu.memref_squeeze %dma_start3A_288 : memref<1x1x1x4x2x128xi32, #tpu.memory_space<hbm>> -> memref<4x2x128xi32, #tpu.memory_space<hbm>>
        tpu.enqueue_dma source(%dma_start3A_289 : memref<4x2x128xi32, #tpu.memory_space<hbm>>) target(%arg7 : memref<4x2x128xi32, #tpu.memory_space<vmem>>) target_semaphore(%arg16 : memref<!tpu.dma_semaphore, #tpu.memory_space<semaphore_mem>>)
      } else {
      }
      %eq3A = arith.constant 19 : i32
      %eq3A_234 = arith.cmpi eq, %scan3A_27, %eq3A : i32
      %convert_element_type3A_235 = arith.extui %eq3A_234 : i1 to i32
      %cond3A_236 = arith.constant 0 : i32
      %cond3A_237 = arith.cmpi ne, %convert_element_type3A_235, %cond3A_236 : i32
      scf.if %cond3A_237 {
        %dma_wait3A_238 = arith.constant 0 : i32
        %dma_wait3A_239 = arith.constant 0 : i32
        %dma_wait3A_240 = tpu.memref_slice %arg2[%dma_wait3A_238, %dma_wait3A_239] : memref<5000x144xf32, #tpu.memory_space<hbm>> -> memref<128x144xf32, #tpu.memory_space<hbm>>
        %dma_wait3A_241 = arith.constant 0 : i32
        %dma_wait3A_242 = arith.constant 0 : i32
        %dma_wait3A_243 = tpu.memref_slice %arg2[%dma_wait3A_241, %dma_wait3A_242] : memref<5000x144xf32, #tpu.memory_space<hbm>> -> memref<128x144xf32, #tpu.memory_space<hbm>>
        tpu.wait_dma2 semaphore(%arg13 : memref<!tpu.dma_semaphore, #tpu.memory_space<semaphore_mem>>) src(%dma_wait3A_243 : memref<128x144xf32, #tpu.memory_space<hbm>>) dst(%arg8 : memref<128x144xf32, #tpu.memory_space<vmem>>)
        %dma_wait3A_244 = arith.constant 0 : i32
        %dma_wait3A_245 = arith.constant 0 : i32
        %dma_wait3A_246 = tpu.memref_slice %arg2[%dma_wait3A_244, %dma_wait3A_245] : memref<5000x144xf32, #tpu.memory_space<hbm>> -> memref<128x144xf32, #tpu.memory_space<hbm>>
        %dma_wait3A_247 = arith.constant 0 : i32
        %dma_wait3A_248 = arith.constant 0 : i32
        %dma_wait3A_249 = tpu.memref_slice %arg2[%dma_wait3A_247, %dma_wait3A_248] : memref<5000x144xf32, #tpu.memory_space<hbm>> -> memref<128x144xf32, #tpu.memory_space<hbm>>
        tpu.wait_dma2 semaphore(%arg14 : memref<!tpu.dma_semaphore, #tpu.memory_space<semaphore_mem>>) src(%dma_wait3A_249 : memref<128x144xf32, #tpu.memory_space<hbm>>) dst(%arg8 : memref<128x144xf32, #tpu.memory_space<vmem>>)
      } else {
      }
    }
    %scan3A_21 = arith.constant 20 : i32
    %barrier3A_22 = arith.constant 0 : index
    tpu.barrier barrier_id(%barrier3A_22)
    %mul3A_23 = arith.constant 632 : i32
    %mul3A_24 = arith.muli %arg1, %mul3A_23 : i32
    %mul3A_25 = arith.constant 632 : i32
    %mul3A_26 = arith.muli %arg1, %mul3A_25 : i32
    "tpu.region"() ({
      %run_scoped3A_27 = tpu.sem_alloc : memref<!tpu.dma_semaphore, #tpu.memory_space<semaphore_mem>>
      %dma_start3A_28 = arith.constant 0 : i32
      %dma_start3A_29 = tpu.memref_slice %arg5[%arg0, %mul3A_26, %dma_start3A_28] : memref<2x10112x144xf32, #tpu.memory_space<hbm>> -> memref<1x632x144xf32, #tpu.memory_space<hbm>>
      %dma_start3A_30 = tpu.memref_squeeze %dma_start3A_29 : memref<1x632x144xf32, #tpu.memory_space<hbm>> -> memref<632x144xf32, #tpu.memory_space<hbm>>
      %dma_start3A_31 = arith.constant 0 : i32
      %dma_start3A_32 = tpu.memref_slice %arg10[%mul3A_24, %dma_start3A_31] : memref<10112x144xf32, #tpu.memory_space<vmem_shared>> -> memref<632x144xf32, #tpu.memory_space<vmem_shared>>
      tpu.enqueue_dma source(%dma_start3A_32 : memref<632x144xf32, #tpu.memory_space<vmem_shared>>) target(%dma_start3A_30 : memref<632x144xf32, #tpu.memory_space<hbm>>) target_semaphore(%run_scoped3A_27 : memref<!tpu.dma_semaphore, #tpu.memory_space<semaphore_mem>>)
      %dma_wait3A = arith.constant 0 : i32
      %dma_wait3A_33 = tpu.memref_slice %arg5[%arg0, %mul3A_26, %dma_wait3A] : memref<2x10112x144xf32, #tpu.memory_space<hbm>> -> memref<1x632x144xf32, #tpu.memory_space<hbm>>
      %dma_wait3A_34 = tpu.memref_squeeze %dma_wait3A_33 : memref<1x632x144xf32, #tpu.memory_space<hbm>> -> memref<632x144xf32, #tpu.memory_space<hbm>>
      %dma_wait3A_35 = arith.constant 0 : i32
      %dma_wait3A_36 = tpu.memref_slice %arg10[%mul3A_24, %dma_wait3A_35] : memref<10112x144xf32, #tpu.memory_space<vmem_shared>> -> memref<632x144xf32, #tpu.memory_space<vmem_shared>>
      tpu.wait_dma2 semaphore(%run_scoped3A_27 : memref<!tpu.dma_semaphore, #tpu.memory_space<semaphore_mem>>) src(%dma_wait3A_36 : memref<632x144xf32, #tpu.memory_space<vmem_shared>>) dst(%dma_wait3A_34 : memref<632x144xf32, #tpu.memory_space<hbm>>)
      tpu.yield
    }) : () -> ()
    return
  }
}

#map = affine_map<(d0, d1) -> (0, 0)>
#map1 = affine_map<(d0, d1) -> (0, 0, 0, 0, 0, 0)>
#map2 = affine_map<(d0, d1) -> (0, 0, 0)>
module attributes {stable_mosaic.version = 14 : i64} {
  func.func @body(%arg0: i32, %arg1: i32, %arg2: memref<2500x48xf32, #tpu.memory_space<hbm>>, %arg3: memref<2x16x20x4x2x128xi32, #tpu.memory_space<hbm>>, %arg4: memref<632x48xf32, #tpu.memory_space<hbm>>, %arg5: memref<2x10112x48xf32, #tpu.memory_space<hbm>>, %arg6: memref<4x2x128xi32, #tpu.memory_space<vmem>>, %arg7: memref<4x2x128xi32, #tpu.memory_space<vmem>>, %arg8: memref<128x48xf32, #tpu.memory_space<vmem>>, %arg9: memref<128x48xf32, #tpu.memory_space<vmem>>, %arg10: memref<10112x48xf32, #tpu.memory_space<vmem_shared>>, %arg11: memref<!tpu.dma_semaphore, #tpu.memory_space<semaphore_mem>>, %arg12: memref<!tpu.dma_semaphore, #tpu.memory_space<semaphore_mem>>, %arg13: memref<!tpu.dma_semaphore, #tpu.memory_space<semaphore_mem>>, %arg14: memref<!tpu.dma_semaphore, #tpu.memory_space<semaphore_mem>>, %arg15: memref<!tpu.dma_semaphore, #tpu.memory_space<semaphore_mem>>, %arg16: memref<!tpu.dma_semaphore, #tpu.memory_space<semaphore_mem>>) attributes {dimension_semantics = [#tpu.dimension_semantics<core_parallel>, #tpu.dimension_semantics<subcore_parallel>], iteration_bounds = array<i64: 2, 16>, scalar_prefetch = 0 : i64, scratch_operands = 11 : i64, tpu.core_type = #tpu.core_type<sc_vector_subcore>, window_params = [{transform_indices = #map}, {transform_indices = #map1}, {transform_indices = #map}, {transform_indices = #map2}]} {
    %mul3A = arith.constant 632 : i32
    %mul3A_0 = arith.muli %arg1, %mul3A : i32
    "tpu.region"() ({
      %run_scoped3A_27 = tpu.sem_alloc : memref<!tpu.dma_semaphore, #tpu.memory_space<semaphore_mem>>
      %dma_start3A_28 = arith.constant 0 : i32
      %dma_start3A_29 = tpu.memref_slice %arg10[%mul3A_0, %dma_start3A_28] : memref<10112x48xf32, #tpu.memory_space<vmem_shared>> -> memref<632x48xf32, #tpu.memory_space<vmem_shared>>
      tpu.enqueue_dma source(%arg4 : memref<632x48xf32, #tpu.memory_space<hbm>>) target(%dma_start3A_29 : memref<632x48xf32, #tpu.memory_space<vmem_shared>>) target_semaphore(%run_scoped3A_27 : memref<!tpu.dma_semaphore, #tpu.memory_space<semaphore_mem>>)
      %dma_wait3A = arith.constant 0 : i32
      %dma_wait3A_30 = tpu.memref_slice %arg10[%mul3A_0, %dma_wait3A] : memref<10112x48xf32, #tpu.memory_space<vmem_shared>> -> memref<632x48xf32, #tpu.memory_space<vmem_shared>>
      tpu.wait_dma2 semaphore(%run_scoped3A_27 : memref<!tpu.dma_semaphore, #tpu.memory_space<semaphore_mem>>) src(%arg4 : memref<632x48xf32, #tpu.memory_space<hbm>>) dst(%dma_wait3A_30 : memref<632x48xf32, #tpu.memory_space<vmem_shared>>)
      tpu.yield
    }) : () -> ()
    %run_scoped3A = arith.constant 0 : i32
    "tpu.region"() ({
      %run_scoped3A_27 = tpu.sem_alloc : memref<!tpu.dma_semaphore, #tpu.memory_space<semaphore_mem>>
      %dma_start3A_28 = arith.constant 0 : i32
      %dma_start3A_29 = arith.constant 0 : i32
      %dma_start3A_30 = arith.constant 0 : i32
      %dma_start3A_31 = tpu.memref_slice %arg3[%arg0, %arg1, %run_scoped3A, %dma_start3A_28, %dma_start3A_29, %dma_start3A_30] : memref<2x16x20x4x2x128xi32, #tpu.memory_space<hbm>> -> memref<1x1x1x4x2x128xi32, #tpu.memory_space<hbm>>
      %dma_start3A_32 = tpu.memref_squeeze %dma_start3A_31 : memref<1x1x1x4x2x128xi32, #tpu.memory_space<hbm>> -> memref<4x2x128xi32, #tpu.memory_space<hbm>>
      %dma_start3A_33 = arith.constant 0 : i32
      %dma_start3A_34 = arith.constant 0 : i32
      %dma_start3A_35 = arith.constant 0 : i32
      %dma_start3A_36 = tpu.memref_slice %arg3[%arg0, %arg1, %run_scoped3A, %dma_start3A_33, %dma_start3A_34, %dma_start3A_35] : memref<2x16x20x4x2x128xi32, #tpu.memory_space<hbm>> -> memref<1x1x1x4x2x128xi32, #tpu.memory_space<hbm>>
      %dma_start3A_37 = tpu.memref_squeeze %dma_start3A_36 : memref<1x1x1x4x2x128xi32, #tpu.memory_space<hbm>> -> memref<4x2x128xi32, #tpu.memory_space<hbm>>
      tpu.enqueue_dma source(%dma_start3A_37 : memref<4x2x128xi32, #tpu.memory_space<hbm>>) target(%arg6 : memref<4x2x128xi32, #tpu.memory_space<vmem>>) target_semaphore(%run_scoped3A_27 : memref<!tpu.dma_semaphore, #tpu.memory_space<semaphore_mem>>)
      %dma_wait3A = arith.constant 0 : i32
      %dma_wait3A_38 = arith.constant 0 : i32
      %dma_wait3A_39 = arith.constant 0 : i32
      %dma_wait3A_40 = tpu.memref_slice %arg3[%arg0, %arg1, %run_scoped3A, %dma_wait3A, %dma_wait3A_38, %dma_wait3A_39] : memref<2x16x20x4x2x128xi32, #tpu.memory_space<hbm>> -> memref<1x1x1x4x2x128xi32, #tpu.memory_space<hbm>>
      %dma_wait3A_41 = tpu.memref_squeeze %dma_wait3A_40 : memref<1x1x1x4x2x128xi32, #tpu.memory_space<hbm>> -> memref<4x2x128xi32, #tpu.memory_space<hbm>>
      %dma_wait3A_42 = arith.constant 0 : i32
      %dma_wait3A_43 = arith.constant 0 : i32
      %dma_wait3A_44 = arith.constant 0 : i32
      %dma_wait3A_45 = tpu.memref_slice %arg3[%arg0, %arg1, %run_scoped3A, %dma_wait3A_42, %dma_wait3A_43, %dma_wait3A_44] : memref<2x16x20x4x2x128xi32, #tpu.memory_space<hbm>> -> memref<1x1x1x4x2x128xi32, #tpu.memory_space<hbm>>
      %dma_wait3A_46 = tpu.memref_squeeze %dma_wait3A_45 : memref<1x1x1x4x2x128xi32, #tpu.memory_space<hbm>> -> memref<4x2x128xi32, #tpu.memory_space<hbm>>
      tpu.wait_dma2 semaphore(%run_scoped3A_27 : memref<!tpu.dma_semaphore, #tpu.memory_space<semaphore_mem>>) src(%dma_wait3A_46 : memref<4x2x128xi32, #tpu.memory_space<hbm>>) dst(%arg6 : memref<4x2x128xi32, #tpu.memory_space<vmem>>)
      tpu.yield
    }) : () -> ()
    %run_scoped3A_1 = arith.constant 1 : i32
    "tpu.region"() ({
      %run_scoped3A_27 = tpu.sem_alloc : memref<!tpu.dma_semaphore, #tpu.memory_space<semaphore_mem>>
      %dma_start3A_28 = arith.constant 0 : i32
      %dma_start3A_29 = arith.constant 0 : i32
      %dma_start3A_30 = arith.constant 0 : i32
      %dma_start3A_31 = tpu.memref_slice %arg3[%arg0, %arg1, %run_scoped3A_1, %dma_start3A_28, %dma_start3A_29, %dma_start3A_30] : memref<2x16x20x4x2x128xi32, #tpu.memory_space<hbm>> -> memref<1x1x1x4x2x128xi32, #tpu.memory_space<hbm>>
      %dma_start3A_32 = tpu.memref_squeeze %dma_start3A_31 : memref<1x1x1x4x2x128xi32, #tpu.memory_space<hbm>> -> memref<4x2x128xi32, #tpu.memory_space<hbm>>
      %dma_start3A_33 = arith.constant 0 : i32
      %dma_start3A_34 = arith.constant 0 : i32
      %dma_start3A_35 = arith.constant 0 : i32
      %dma_start3A_36 = tpu.memref_slice %arg3[%arg0, %arg1, %run_scoped3A_1, %dma_start3A_33, %dma_start3A_34, %dma_start3A_35] : memref<2x16x20x4x2x128xi32, #tpu.memory_space<hbm>> -> memref<1x1x1x4x2x128xi32, #tpu.memory_space<hbm>>
      %dma_start3A_37 = tpu.memref_squeeze %dma_start3A_36 : memref<1x1x1x4x2x128xi32, #tpu.memory_space<hbm>> -> memref<4x2x128xi32, #tpu.memory_space<hbm>>
      tpu.enqueue_dma source(%dma_start3A_37 : memref<4x2x128xi32, #tpu.memory_space<hbm>>) target(%arg7 : memref<4x2x128xi32, #tpu.memory_space<vmem>>) target_semaphore(%run_scoped3A_27 : memref<!tpu.dma_semaphore, #tpu.memory_space<semaphore_mem>>)
      %dma_wait3A = arith.constant 0 : i32
      %dma_wait3A_38 = arith.constant 0 : i32
      %dma_wait3A_39 = arith.constant 0 : i32
      %dma_wait3A_40 = tpu.memref_slice %arg3[%arg0, %arg1, %run_scoped3A_1, %dma_wait3A, %dma_wait3A_38, %dma_wait3A_39] : memref<2x16x20x4x2x128xi32, #tpu.memory_space<hbm>> -> memref<1x1x1x4x2x128xi32, #tpu.memory_space<hbm>>
      %dma_wait3A_41 = tpu.memref_squeeze %dma_wait3A_40 : memref<1x1x1x4x2x128xi32, #tpu.memory_space<hbm>> -> memref<4x2x128xi32, #tpu.memory_space<hbm>>
      %dma_wait3A_42 = arith.constant 0 : i32
      %dma_wait3A_43 = arith.constant 0 : i32
      %dma_wait3A_44 = arith.constant 0 : i32
      %dma_wait3A_45 = tpu.memref_slice %arg3[%arg0, %arg1, %run_scoped3A_1, %dma_wait3A_42, %dma_wait3A_43, %dma_wait3A_44] : memref<2x16x20x4x2x128xi32, #tpu.memory_space<hbm>> -> memref<1x1x1x4x2x128xi32, #tpu.memory_space<hbm>>
      %dma_wait3A_46 = tpu.memref_squeeze %dma_wait3A_45 : memref<1x1x1x4x2x128xi32, #tpu.memory_space<hbm>> -> memref<4x2x128xi32, #tpu.memory_space<hbm>>
      tpu.wait_dma2 semaphore(%run_scoped3A_27 : memref<!tpu.dma_semaphore, #tpu.memory_space<semaphore_mem>>) src(%dma_wait3A_46 : memref<4x2x128xi32, #tpu.memory_space<hbm>>) dst(%arg7 : memref<4x2x128xi32, #tpu.memory_space<vmem>>)
      tpu.yield
    }) : () -> ()
    %barrier3A = arith.constant 0 : index
    tpu.barrier barrier_id(%barrier3A)
    %dma_start3A = arith.constant 0 : i32
    %dma_start3A_2 = arith.constant 0 : i32
    %dma_start3A_3 = arith.constant 0 : i32
    %dma_start3A_4 = tpu.memref_slice %arg6[%dma_start3A, %dma_start3A_2, %dma_start3A_3] : memref<4x2x128xi32, #tpu.memory_space<vmem>> -> memref<1x1x128xi32, #tpu.memory_space<vmem>>
    %dma_start3A_5 = tpu.memref_squeeze %dma_start3A_4 : memref<1x1x128xi32, #tpu.memory_space<vmem>> -> memref<128xi32, #tpu.memory_space<vmem>>
    %dma_start3A_6 = arith.constant 0 : i32
    %dma_start3A_7 = arith.constant 0 : i32
    %dma_start3A_8 = tpu.memref_slice %arg2[%dma_start3A_6, %dma_start3A_7] : memref<2500x48xf32, #tpu.memory_space<hbm>> -> memref<2500x48xf32, #tpu.memory_space<hbm>>
    tpu.enqueue_indirect_dma source(%dma_start3A_8 : memref<2500x48xf32, #tpu.memory_space<hbm>>) target(%arg8 : memref<128x48xf32, #tpu.memory_space<vmem>>) offsets(%dma_start3A_5 : memref<128xi32, #tpu.memory_space<vmem>>) semaphore(%arg11 : memref<!tpu.dma_semaphore, #tpu.memory_space<semaphore_mem>>)
    %dma_start3A_9 = arith.constant 1 : i32
    %dma_start3A_10 = arith.constant 0 : i32
    %dma_start3A_11 = arith.constant 0 : i32
    %dma_start3A_12 = tpu.memref_slice %arg6[%dma_start3A_9, %dma_start3A_10, %dma_start3A_11] : memref<4x2x128xi32, #tpu.memory_space<vmem>> -> memref<1x1x128xi32, #tpu.memory_space<vmem>>
    %dma_start3A_13 = tpu.memref_squeeze %dma_start3A_12 : memref<1x1x128xi32, #tpu.memory_space<vmem>> -> memref<128xi32, #tpu.memory_space<vmem>>
    %dma_start3A_14 = arith.constant 0 : i32
    %dma_start3A_15 = arith.constant 0 : i32
    %dma_start3A_16 = tpu.memref_slice %arg2[%dma_start3A_14, %dma_start3A_15] : memref<2500x48xf32, #tpu.memory_space<hbm>> -> memref<2500x48xf32, #tpu.memory_space<hbm>>
    tpu.enqueue_indirect_dma source(%dma_start3A_16 : memref<2500x48xf32, #tpu.memory_space<hbm>>) target(%arg9 : memref<128x48xf32, #tpu.memory_space<vmem>>) offsets(%dma_start3A_13 : memref<128xi32, #tpu.memory_space<vmem>>) semaphore(%arg12 : memref<!tpu.dma_semaphore, #tpu.memory_space<semaphore_mem>>)
    %scan3A = arith.constant 0 : i32
    %scan3A_17 = arith.constant 0 : i32
    %scan3A_18 = arith.constant 10 : i32
    %scan3A_19 = arith.addi %scan3A_17, %scan3A_18 : i32
    %scan3A_20 = arith.constant 1 : i32
    scf.for %scan3A_27 = %scan3A_17 to %scan3A_19 step %scan3A_20  : i32 {
      %dma_wait3A = arith.constant 0 : i32
      %dma_wait3A_28 = arith.constant 0 : i32
      %dma_wait3A_29 = tpu.memref_slice %arg2[%dma_wait3A, %dma_wait3A_28] : memref<2500x48xf32, #tpu.memory_space<hbm>> -> memref<128x48xf32, #tpu.memory_space<hbm>>
      %dma_wait3A_30 = arith.constant 0 : i32
      %dma_wait3A_31 = arith.constant 0 : i32
      %dma_wait3A_32 = tpu.memref_slice %arg2[%dma_wait3A_30, %dma_wait3A_31] : memref<2500x48xf32, #tpu.memory_space<hbm>> -> memref<128x48xf32, #tpu.memory_space<hbm>>
      tpu.wait_dma2 semaphore(%arg11 : memref<!tpu.dma_semaphore, #tpu.memory_space<semaphore_mem>>) src(%dma_wait3A_32 : memref<128x48xf32, #tpu.memory_space<hbm>>) dst(%arg8 : memref<128x48xf32, #tpu.memory_space<vmem>>)
      %dma_start3A_33 = arith.constant 0 : i32
      %dma_start3A_34 = arith.constant 1 : i32
      %dma_start3A_35 = arith.constant 0 : i32
      %dma_start3A_36 = tpu.memref_slice %arg6[%dma_start3A_33, %dma_start3A_34, %dma_start3A_35] : memref<4x2x128xi32, #tpu.memory_space<vmem>> -> memref<1x1x128xi32, #tpu.memory_space<vmem>>
      %dma_start3A_37 = tpu.memref_squeeze %dma_start3A_36 : memref<1x1x128xi32, #tpu.memory_space<vmem>> -> memref<128xi32, #tpu.memory_space<vmem>>
      %dma_start3A_38 = arith.constant 0 : i32
      %dma_start3A_39 = arith.constant 0 : i32
      %dma_start3A_40 = tpu.memref_slice %arg10[%dma_start3A_38, %dma_start3A_39] : memref<10112x48xf32, #tpu.memory_space<vmem_shared>> -> memref<10112x48xf32, #tpu.memory_space<vmem_shared>>
      tpu.enqueue_indirect_dma source(%arg8 : memref<128x48xf32, #tpu.memory_space<vmem>>) target(%dma_start3A_40 : memref<10112x48xf32, #tpu.memory_space<vmem_shared>>) offsets(%dma_start3A_37 : memref<128xi32, #tpu.memory_space<vmem>>) semaphore(%arg13 : memref<!tpu.dma_semaphore, #tpu.memory_space<semaphore_mem>>) {add = true}
      %dma_wait3A_41 = arith.constant 0 : i32
      %dma_wait3A_42 = arith.constant 0 : i32
      %dma_wait3A_43 = tpu.memref_slice %arg2[%dma_wait3A_41, %dma_wait3A_42] : memref<2500x48xf32, #tpu.memory_space<hbm>> -> memref<128x48xf32, #tpu.memory_space<hbm>>
      %dma_wait3A_44 = arith.constant 0 : i32
      %dma_wait3A_45 = arith.constant 0 : i32
      %dma_wait3A_46 = tpu.memref_slice %arg2[%dma_wait3A_44, %dma_wait3A_45] : memref<2500x48xf32, #tpu.memory_space<hbm>> -> memref<128x48xf32, #tpu.memory_space<hbm>>
      tpu.wait_dma2 semaphore(%arg12 : memref<!tpu.dma_semaphore, #tpu.memory_space<semaphore_mem>>) src(%dma_wait3A_46 : memref<128x48xf32, #tpu.memory_space<hbm>>) dst(%arg8 : memref<128x48xf32, #tpu.memory_space<vmem>>)
      %dma_start3A_47 = arith.constant 1 : i32
      %dma_start3A_48 = arith.constant 1 : i32
      %dma_start3A_49 = arith.constant 0 : i32
      %dma_start3A_50 = tpu.memref_slice %arg6[%dma_start3A_47, %dma_start3A_48, %dma_start3A_49] : memref<4x2x128xi32, #tpu.memory_space<vmem>> -> memref<1x1x128xi32, #tpu.memory_space<vmem>>
      %dma_start3A_51 = tpu.memref_squeeze %dma_start3A_50 : memref<1x1x128xi32, #tpu.memory_space<vmem>> -> memref<128xi32, #tpu.memory_space<vmem>>
      %dma_start3A_52 = arith.constant 0 : i32
      %dma_start3A_53 = arith.constant 0 : i32
      %dma_start3A_54 = tpu.memref_slice %arg10[%dma_start3A_52, %dma_start3A_53] : memref<10112x48xf32, #tpu.memory_space<vmem_shared>> -> memref<10112x48xf32, #tpu.memory_space<vmem_shared>>
      tpu.enqueue_indirect_dma source(%arg9 : memref<128x48xf32, #tpu.memory_space<vmem>>) target(%dma_start3A_54 : memref<10112x48xf32, #tpu.memory_space<vmem_shared>>) offsets(%dma_start3A_51 : memref<128xi32, #tpu.memory_space<vmem>>) semaphore(%arg14 : memref<!tpu.dma_semaphore, #tpu.memory_space<semaphore_mem>>) {add = true}
      %dma_wait3A_55 = arith.constant 0 : i32
      %dma_wait3A_56 = arith.constant 0 : i32
      %dma_wait3A_57 = tpu.memref_slice %arg2[%dma_wait3A_55, %dma_wait3A_56] : memref<2500x48xf32, #tpu.memory_space<hbm>> -> memref<128x48xf32, #tpu.memory_space<hbm>>
      %dma_wait3A_58 = arith.constant 0 : i32
      %dma_wait3A_59 = arith.constant 0 : i32
      %dma_wait3A_60 = tpu.memref_slice %arg2[%dma_wait3A_58, %dma_wait3A_59] : memref<2500x48xf32, #tpu.memory_space<hbm>> -> memref<128x48xf32, #tpu.memory_space<hbm>>
      tpu.wait_dma2 semaphore(%arg13 : memref<!tpu.dma_semaphore, #tpu.memory_space<semaphore_mem>>) src(%dma_wait3A_60 : memref<128x48xf32, #tpu.memory_space<hbm>>) dst(%arg8 : memref<128x48xf32, #tpu.memory_space<vmem>>)
      %dma_start3A_61 = arith.constant 2 : i32
      %dma_start3A_62 = arith.constant 0 : i32
      %dma_start3A_63 = arith.constant 0 : i32
      %dma_start3A_64 = tpu.memref_slice %arg6[%dma_start3A_61, %dma_start3A_62, %dma_start3A_63] : memref<4x2x128xi32, #tpu.memory_space<vmem>> -> memref<1x1x128xi32, #tpu.memory_space<vmem>>
      %dma_start3A_65 = tpu.memref_squeeze %dma_start3A_64 : memref<1x1x128xi32, #tpu.memory_space<vmem>> -> memref<128xi32, #tpu.memory_space<vmem>>
      %dma_start3A_66 = arith.constant 0 : i32
      %dma_start3A_67 = arith.constant 0 : i32
      %dma_start3A_68 = tpu.memref_slice %arg2[%dma_start3A_66, %dma_start3A_67] : memref<2500x48xf32, #tpu.memory_space<hbm>> -> memref<2500x48xf32, #tpu.memory_space<hbm>>
      tpu.enqueue_indirect_dma source(%dma_start3A_68 : memref<2500x48xf32, #tpu.memory_space<hbm>>) target(%arg8 : memref<128x48xf32, #tpu.memory_space<vmem>>) offsets(%dma_start3A_65 : memref<128xi32, #tpu.memory_space<vmem>>) semaphore(%arg11 : memref<!tpu.dma_semaphore, #tpu.memory_space<semaphore_mem>>)
      %dma_wait3A_69 = arith.constant 0 : i32
      %dma_wait3A_70 = arith.constant 0 : i32
      %dma_wait3A_71 = tpu.memref_slice %arg2[%dma_wait3A_69, %dma_wait3A_70] : memref<2500x48xf32, #tpu.memory_space<hbm>> -> memref<128x48xf32, #tpu.memory_space<hbm>>
      %dma_wait3A_72 = arith.constant 0 : i32
      %dma_wait3A_73 = arith.constant 0 : i32
      %dma_wait3A_74 = tpu.memref_slice %arg2[%dma_wait3A_72, %dma_wait3A_73] : memref<2500x48xf32, #tpu.memory_space<hbm>> -> memref<128x48xf32, #tpu.memory_space<hbm>>
      tpu.wait_dma2 semaphore(%arg14 : memref<!tpu.dma_semaphore, #tpu.memory_space<semaphore_mem>>) src(%dma_wait3A_74 : memref<128x48xf32, #tpu.memory_space<hbm>>) dst(%arg8 : memref<128x48xf32, #tpu.memory_space<vmem>>)
      %dma_start3A_75 = arith.constant 3 : i32
      %dma_start3A_76 = arith.constant 0 : i32
      %dma_start3A_77 = arith.constant 0 : i32
      %dma_start3A_78 = tpu.memref_slice %arg6[%dma_start3A_75, %dma_start3A_76, %dma_start3A_77] : memref<4x2x128xi32, #tpu.memory_space<vmem>> -> memref<1x1x128xi32, #tpu.memory_space<vmem>>
      %dma_start3A_79 = tpu.memref_squeeze %dma_start3A_78 : memref<1x1x128xi32, #tpu.memory_space<vmem>> -> memref<128xi32, #tpu.memory_space<vmem>>
      %dma_start3A_80 = arith.constant 0 : i32
      %dma_start3A_81 = arith.constant 0 : i32
      %dma_start3A_82 = tpu.memref_slice %arg2[%dma_start3A_80, %dma_start3A_81] : memref<2500x48xf32, #tpu.memory_space<hbm>> -> memref<2500x48xf32, #tpu.memory_space<hbm>>
      tpu.enqueue_indirect_dma source(%dma_start3A_82 : memref<2500x48xf32, #tpu.memory_space<hbm>>) target(%arg9 : memref<128x48xf32, #tpu.memory_space<vmem>>) offsets(%dma_start3A_79 : memref<128xi32, #tpu.memory_space<vmem>>) semaphore(%arg12 : memref<!tpu.dma_semaphore, #tpu.memory_space<semaphore_mem>>)
      %dma_wait3A_83 = arith.constant 0 : i32
      %dma_wait3A_84 = arith.constant 0 : i32
      %dma_wait3A_85 = tpu.memref_slice %arg2[%dma_wait3A_83, %dma_wait3A_84] : memref<2500x48xf32, #tpu.memory_space<hbm>> -> memref<128x48xf32, #tpu.memory_space<hbm>>
      %dma_wait3A_86 = arith.constant 0 : i32
      %dma_wait3A_87 = arith.constant 0 : i32
      %dma_wait3A_88 = tpu.memref_slice %arg2[%dma_wait3A_86, %dma_wait3A_87] : memref<2500x48xf32, #tpu.memory_space<hbm>> -> memref<128x48xf32, #tpu.memory_space<hbm>>
      tpu.wait_dma2 semaphore(%arg11 : memref<!tpu.dma_semaphore, #tpu.memory_space<semaphore_mem>>) src(%dma_wait3A_88 : memref<128x48xf32, #tpu.memory_space<hbm>>) dst(%arg8 : memref<128x48xf32, #tpu.memory_space<vmem>>)
      %dma_start3A_89 = arith.constant 2 : i32
      %dma_start3A_90 = arith.constant 1 : i32
      %dma_start3A_91 = arith.constant 0 : i32
      %dma_start3A_92 = tpu.memref_slice %arg6[%dma_start3A_89, %dma_start3A_90, %dma_start3A_91] : memref<4x2x128xi32, #tpu.memory_space<vmem>> -> memref<1x1x128xi32, #tpu.memory_space<vmem>>
      %dma_start3A_93 = tpu.memref_squeeze %dma_start3A_92 : memref<1x1x128xi32, #tpu.memory_space<vmem>> -> memref<128xi32, #tpu.memory_space<vmem>>
      %dma_start3A_94 = arith.constant 0 : i32
      %dma_start3A_95 = arith.constant 0 : i32
      %dma_start3A_96 = tpu.memref_slice %arg10[%dma_start3A_94, %dma_start3A_95] : memref<10112x48xf32, #tpu.memory_space<vmem_shared>> -> memref<10112x48xf32, #tpu.memory_space<vmem_shared>>
      tpu.enqueue_indirect_dma source(%arg8 : memref<128x48xf32, #tpu.memory_space<vmem>>) target(%dma_start3A_96 : memref<10112x48xf32, #tpu.memory_space<vmem_shared>>) offsets(%dma_start3A_93 : memref<128xi32, #tpu.memory_space<vmem>>) semaphore(%arg13 : memref<!tpu.dma_semaphore, #tpu.memory_space<semaphore_mem>>) {add = true}
      %dma_wait3A_97 = arith.constant 0 : i32
      %dma_wait3A_98 = arith.constant 0 : i32
      %dma_wait3A_99 = tpu.memref_slice %arg2[%dma_wait3A_97, %dma_wait3A_98] : memref<2500x48xf32, #tpu.memory_space<hbm>> -> memref<128x48xf32, #tpu.memory_space<hbm>>
      %dma_wait3A_100 = arith.constant 0 : i32
      %dma_wait3A_101 = arith.constant 0 : i32
      %dma_wait3A_102 = tpu.memref_slice %arg2[%dma_wait3A_100, %dma_wait3A_101] : memref<2500x48xf32, #tpu.memory_space<hbm>> -> memref<128x48xf32, #tpu.memory_space<hbm>>
      tpu.wait_dma2 semaphore(%arg12 : memref<!tpu.dma_semaphore, #tpu.memory_space<semaphore_mem>>) src(%dma_wait3A_102 : memref<128x48xf32, #tpu.memory_space<hbm>>) dst(%arg8 : memref<128x48xf32, #tpu.memory_space<vmem>>)
      %dma_start3A_103 = arith.constant 3 : i32
      %dma_start3A_104 = arith.constant 1 : i32
      %dma_start3A_105 = arith.constant 0 : i32
      %dma_start3A_106 = tpu.memref_slice %arg6[%dma_start3A_103, %dma_start3A_104, %dma_start3A_105] : memref<4x2x128xi32, #tpu.memory_space<vmem>> -> memref<1x1x128xi32, #tpu.memory_space<vmem>>
      %dma_start3A_107 = tpu.memref_squeeze %dma_start3A_106 : memref<1x1x128xi32, #tpu.memory_space<vmem>> -> memref<128xi32, #tpu.memory_space<vmem>>
      %dma_start3A_108 = arith.constant 0 : i32
      %dma_start3A_109 = arith.constant 0 : i32
      %dma_start3A_110 = tpu.memref_slice %arg10[%dma_start3A_108, %dma_start3A_109] : memref<10112x48xf32, #tpu.memory_space<vmem_shared>> -> memref<10112x48xf32, #tpu.memory_space<vmem_shared>>
      tpu.enqueue_indirect_dma source(%arg9 : memref<128x48xf32, #tpu.memory_space<vmem>>) target(%dma_start3A_110 : memref<10112x48xf32, #tpu.memory_space<vmem_shared>>) offsets(%dma_start3A_107 : memref<128xi32, #tpu.memory_space<vmem>>) semaphore(%arg14 : memref<!tpu.dma_semaphore, #tpu.memory_space<semaphore_mem>>) {add = true}
      %gt3A = arith.constant 0 : i32
      %gt3A_111 = arith.cmpi sgt, %scan3A_27, %gt3A : i32
      %convert_element_type3A = arith.extui %gt3A_111 : i1 to i32
      %cond3A = arith.constant 0 : i32
      %cond3A_112 = arith.cmpi ne, %convert_element_type3A, %cond3A : i32
      scf.if %cond3A_112 {
        %dma_wait3A_238 = arith.constant 0 : i32
        %dma_wait3A_239 = arith.constant 0 : i32
        %dma_wait3A_240 = arith.constant 0 : i32
        %dma_wait3A_241 = arith.constant 0 : i32
        %dma_wait3A_242 = tpu.memref_slice %arg3[%arg0, %arg1, %dma_wait3A_238, %dma_wait3A_239, %dma_wait3A_240, %dma_wait3A_241] : memref<2x16x20x4x2x128xi32, #tpu.memory_space<hbm>> -> memref<1x1x1x4x2x128xi32, #tpu.memory_space<hbm>>
        %dma_wait3A_243 = tpu.memref_squeeze %dma_wait3A_242 : memref<1x1x1x4x2x128xi32, #tpu.memory_space<hbm>> -> memref<4x2x128xi32, #tpu.memory_space<hbm>>
        %dma_wait3A_244 = arith.constant 0 : i32
        %dma_wait3A_245 = arith.constant 0 : i32
        %dma_wait3A_246 = arith.constant 0 : i32
        %dma_wait3A_247 = tpu.memref_slice %arg3[%arg0, %arg1, %dma_wait3A_238, %dma_wait3A_244, %dma_wait3A_245, %dma_wait3A_246] : memref<2x16x20x4x2x128xi32, #tpu.memory_space<hbm>> -> memref<1x1x1x4x2x128xi32, #tpu.memory_space<hbm>>
        %dma_wait3A_248 = tpu.memref_squeeze %dma_wait3A_247 : memref<1x1x1x4x2x128xi32, #tpu.memory_space<hbm>> -> memref<4x2x128xi32, #tpu.memory_space<hbm>>
        tpu.wait_dma2 semaphore(%arg16 : memref<!tpu.dma_semaphore, #tpu.memory_space<semaphore_mem>>) src(%dma_wait3A_248 : memref<4x2x128xi32, #tpu.memory_space<hbm>>) dst(%arg7 : memref<4x2x128xi32, #tpu.memory_space<vmem>>)
      } else {
      }
      %dma_wait3A_113 = arith.constant 0 : i32
      %dma_wait3A_114 = arith.constant 0 : i32
      %dma_wait3A_115 = tpu.memref_slice %arg2[%dma_wait3A_113, %dma_wait3A_114] : memref<2500x48xf32, #tpu.memory_space<hbm>> -> memref<128x48xf32, #tpu.memory_space<hbm>>
      %dma_wait3A_116 = arith.constant 0 : i32
      %dma_wait3A_117 = arith.constant 0 : i32
      %dma_wait3A_118 = tpu.memref_slice %arg2[%dma_wait3A_116, %dma_wait3A_117] : memref<2500x48xf32, #tpu.memory_space<hbm>> -> memref<128x48xf32, #tpu.memory_space<hbm>>
      tpu.wait_dma2 semaphore(%arg13 : memref<!tpu.dma_semaphore, #tpu.memory_space<semaphore_mem>>) src(%dma_wait3A_118 : memref<128x48xf32, #tpu.memory_space<hbm>>) dst(%arg8 : memref<128x48xf32, #tpu.memory_space<vmem>>)
      %dma_start3A_119 = arith.constant 0 : i32
      %dma_start3A_120 = arith.constant 0 : i32
      %dma_start3A_121 = arith.constant 0 : i32
      %dma_start3A_122 = tpu.memref_slice %arg7[%dma_start3A_119, %dma_start3A_120, %dma_start3A_121] : memref<4x2x128xi32, #tpu.memory_space<vmem>> -> memref<1x1x128xi32, #tpu.memory_space<vmem>>
      %dma_start3A_123 = tpu.memref_squeeze %dma_start3A_122 : memref<1x1x128xi32, #tpu.memory_space<vmem>> -> memref<128xi32, #tpu.memory_space<vmem>>
      %dma_start3A_124 = arith.constant 0 : i32
      %dma_start3A_125 = arith.constant 0 : i32
      %dma_start3A_126 = tpu.memref_slice %arg2[%dma_start3A_124, %dma_start3A_125] : memref<2500x48xf32, #tpu.memory_space<hbm>> -> memref<2500x48xf32, #tpu.memory_space<hbm>>
      tpu.enqueue_indirect_dma source(%dma_start3A_126 : memref<2500x48xf32, #tpu.memory_space<hbm>>) target(%arg8 : memref<128x48xf32, #tpu.memory_space<vmem>>) offsets(%dma_start3A_123 : memref<128xi32, #tpu.memory_space<vmem>>) semaphore(%arg11 : memref<!tpu.dma_semaphore, #tpu.memory_space<semaphore_mem>>)
      %dma_wait3A_127 = arith.constant 0 : i32
      %dma_wait3A_128 = arith.constant 0 : i32
      %dma_wait3A_129 = tpu.memref_slice %arg2[%dma_wait3A_127, %dma_wait3A_128] : memref<2500x48xf32, #tpu.memory_space<hbm>> -> memref<128x48xf32, #tpu.memory_space<hbm>>
      %dma_wait3A_130 = arith.constant 0 : i32
      %dma_wait3A_131 = arith.constant 0 : i32
      %dma_wait3A_132 = tpu.memref_slice %arg2[%dma_wait3A_130, %dma_wait3A_131] : memref<2500x48xf32, #tpu.memory_space<hbm>> -> memref<128x48xf32, #tpu.memory_space<hbm>>
      tpu.wait_dma2 semaphore(%arg14 : memref<!tpu.dma_semaphore, #tpu.memory_space<semaphore_mem>>) src(%dma_wait3A_132 : memref<128x48xf32, #tpu.memory_space<hbm>>) dst(%arg8 : memref<128x48xf32, #tpu.memory_space<vmem>>)
      %dma_start3A_133 = arith.constant 1 : i32
      %dma_start3A_134 = arith.constant 0 : i32
      %dma_start3A_135 = arith.constant 0 : i32
      %dma_start3A_136 = tpu.memref_slice %arg7[%dma_start3A_133, %dma_start3A_134, %dma_start3A_135] : memref<4x2x128xi32, #tpu.memory_space<vmem>> -> memref<1x1x128xi32, #tpu.memory_space<vmem>>
      %dma_start3A_137 = tpu.memref_squeeze %dma_start3A_136 : memref<1x1x128xi32, #tpu.memory_space<vmem>> -> memref<128xi32, #tpu.memory_space<vmem>>
      %dma_start3A_138 = arith.constant 0 : i32
      %dma_start3A_139 = arith.constant 0 : i32
      %dma_start3A_140 = tpu.memref_slice %arg2[%dma_start3A_138, %dma_start3A_139] : memref<2500x48xf32, #tpu.memory_space<hbm>> -> memref<2500x48xf32, #tpu.memory_space<hbm>>
      tpu.enqueue_indirect_dma source(%dma_start3A_140 : memref<2500x48xf32, #tpu.memory_space<hbm>>) target(%arg9 : memref<128x48xf32, #tpu.memory_space<vmem>>) offsets(%dma_start3A_137 : memref<128xi32, #tpu.memory_space<vmem>>) semaphore(%arg12 : memref<!tpu.dma_semaphore, #tpu.memory_space<semaphore_mem>>)
      %lt3A = arith.constant 9 : i32
      %lt3A_141 = arith.cmpi slt, %scan3A_27, %lt3A : i32
      %convert_element_type3A_142 = arith.extui %lt3A_141 : i1 to i32
      %cond3A_143 = arith.constant 0 : i32
      %cond3A_144 = arith.cmpi ne, %convert_element_type3A_142, %cond3A_143 : i32
      scf.if %cond3A_144 {
        %mul3A_238 = arith.constant 2 : i32
        %mul3A_239 = arith.muli %mul3A_238, %scan3A_27 : i32
        %add3A = arith.constant 2 : i32
        %add3A_240 = arith.addi %mul3A_239, %add3A : i32
        %dma_start3A_241 = arith.constant 0 : i32
        %dma_start3A_242 = arith.constant 0 : i32
        %dma_start3A_243 = arith.constant 0 : i32
        %dma_start3A_244 = tpu.memref_slice %arg3[%arg0, %arg1, %add3A_240, %dma_start3A_241, %dma_start3A_242, %dma_start3A_243] : memref<2x16x20x4x2x128xi32, #tpu.memory_space<hbm>> -> memref<1x1x1x4x2x128xi32, #tpu.memory_space<hbm>>
        %dma_start3A_245 = tpu.memref_squeeze %dma_start3A_244 : memref<1x1x1x4x2x128xi32, #tpu.memory_space<hbm>> -> memref<4x2x128xi32, #tpu.memory_space<hbm>>
        %dma_start3A_246 = arith.constant 0 : i32
        %dma_start3A_247 = arith.constant 0 : i32
        %dma_start3A_248 = arith.constant 0 : i32
        %dma_start3A_249 = tpu.memref_slice %arg3[%arg0, %arg1, %add3A_240, %dma_start3A_246, %dma_start3A_247, %dma_start3A_248] : memref<2x16x20x4x2x128xi32, #tpu.memory_space<hbm>> -> memref<1x1x1x4x2x128xi32, #tpu.memory_space<hbm>>
        %dma_start3A_250 = tpu.memref_squeeze %dma_start3A_249 : memref<1x1x1x4x2x128xi32, #tpu.memory_space<hbm>> -> memref<4x2x128xi32, #tpu.memory_space<hbm>>
        tpu.enqueue_dma source(%dma_start3A_250 : memref<4x2x128xi32, #tpu.memory_space<hbm>>) target(%arg6 : memref<4x2x128xi32, #tpu.memory_space<vmem>>) target_semaphore(%arg15 : memref<!tpu.dma_semaphore, #tpu.memory_space<semaphore_mem>>)
      } else {
      }
      %dma_wait3A_145 = arith.constant 0 : i32
      %dma_wait3A_146 = arith.constant 0 : i32
      %dma_wait3A_147 = tpu.memref_slice %arg2[%dma_wait3A_145, %dma_wait3A_146] : memref<2500x48xf32, #tpu.memory_space<hbm>> -> memref<128x48xf32, #tpu.memory_space<hbm>>
      %dma_wait3A_148 = arith.constant 0 : i32
      %dma_wait3A_149 = arith.constant 0 : i32
      %dma_wait3A_150 = tpu.memref_slice %arg2[%dma_wait3A_148, %dma_wait3A_149] : memref<2500x48xf32, #tpu.memory_space<hbm>> -> memref<128x48xf32, #tpu.memory_space<hbm>>
      tpu.wait_dma2 semaphore(%arg11 : memref<!tpu.dma_semaphore, #tpu.memory_space<semaphore_mem>>) src(%dma_wait3A_150 : memref<128x48xf32, #tpu.memory_space<hbm>>) dst(%arg8 : memref<128x48xf32, #tpu.memory_space<vmem>>)
      %dma_start3A_151 = arith.constant 0 : i32
      %dma_start3A_152 = arith.constant 1 : i32
      %dma_start3A_153 = arith.constant 0 : i32
      %dma_start3A_154 = tpu.memref_slice %arg7[%dma_start3A_151, %dma_start3A_152, %dma_start3A_153] : memref<4x2x128xi32, #tpu.memory_space<vmem>> -> memref<1x1x128xi32, #tpu.memory_space<vmem>>
      %dma_start3A_155 = tpu.memref_squeeze %dma_start3A_154 : memref<1x1x128xi32, #tpu.memory_space<vmem>> -> memref<128xi32, #tpu.memory_space<vmem>>
      %dma_start3A_156 = arith.constant 0 : i32
      %dma_start3A_157 = arith.constant 0 : i32
      %dma_start3A_158 = tpu.memref_slice %arg10[%dma_start3A_156, %dma_start3A_157] : memref<10112x48xf32, #tpu.memory_space<vmem_shared>> -> memref<10112x48xf32, #tpu.memory_space<vmem_shared>>
      tpu.enqueue_indirect_dma source(%arg8 : memref<128x48xf32, #tpu.memory_space<vmem>>) target(%dma_start3A_158 : memref<10112x48xf32, #tpu.memory_space<vmem_shared>>) offsets(%dma_start3A_155 : memref<128xi32, #tpu.memory_space<vmem>>) semaphore(%arg13 : memref<!tpu.dma_semaphore, #tpu.memory_space<semaphore_mem>>) {add = true}
      %dma_wait3A_159 = arith.constant 0 : i32
      %dma_wait3A_160 = arith.constant 0 : i32
      %dma_wait3A_161 = tpu.memref_slice %arg2[%dma_wait3A_159, %dma_wait3A_160] : memref<2500x48xf32, #tpu.memory_space<hbm>> -> memref<128x48xf32, #tpu.memory_space<hbm>>
      %dma_wait3A_162 = arith.constant 0 : i32
      %dma_wait3A_163 = arith.constant 0 : i32
      %dma_wait3A_164 = tpu.memref_slice %arg2[%dma_wait3A_162, %dma_wait3A_163] : memref<2500x48xf32, #tpu.memory_space<hbm>> -> memref<128x48xf32, #tpu.memory_space<hbm>>
      tpu.wait_dma2 semaphore(%arg12 : memref<!tpu.dma_semaphore, #tpu.memory_space<semaphore_mem>>) src(%dma_wait3A_164 : memref<128x48xf32, #tpu.memory_space<hbm>>) dst(%arg8 : memref<128x48xf32, #tpu.memory_space<vmem>>)
      %dma_start3A_165 = arith.constant 1 : i32
      %dma_start3A_166 = arith.constant 1 : i32
      %dma_start3A_167 = arith.constant 0 : i32
      %dma_start3A_168 = tpu.memref_slice %arg7[%dma_start3A_165, %dma_start3A_166, %dma_start3A_167] : memref<4x2x128xi32, #tpu.memory_space<vmem>> -> memref<1x1x128xi32, #tpu.memory_space<vmem>>
      %dma_start3A_169 = tpu.memref_squeeze %dma_start3A_168 : memref<1x1x128xi32, #tpu.memory_space<vmem>> -> memref<128xi32, #tpu.memory_space<vmem>>
      %dma_start3A_170 = arith.constant 0 : i32
      %dma_start3A_171 = arith.constant 0 : i32
      %dma_start3A_172 = tpu.memref_slice %arg10[%dma_start3A_170, %dma_start3A_171] : memref<10112x48xf32, #tpu.memory_space<vmem_shared>> -> memref<10112x48xf32, #tpu.memory_space<vmem_shared>>
      tpu.enqueue_indirect_dma source(%arg9 : memref<128x48xf32, #tpu.memory_space<vmem>>) target(%dma_start3A_172 : memref<10112x48xf32, #tpu.memory_space<vmem_shared>>) offsets(%dma_start3A_169 : memref<128xi32, #tpu.memory_space<vmem>>) semaphore(%arg14 : memref<!tpu.dma_semaphore, #tpu.memory_space<semaphore_mem>>) {add = true}
      %dma_wait3A_173 = arith.constant 0 : i32
      %dma_wait3A_174 = arith.constant 0 : i32
      %dma_wait3A_175 = tpu.memref_slice %arg2[%dma_wait3A_173, %dma_wait3A_174] : memref<2500x48xf32, #tpu.memory_space<hbm>> -> memref<128x48xf32, #tpu.memory_space<hbm>>
      %dma_wait3A_176 = arith.constant 0 : i32
      %dma_wait3A_177 = arith.constant 0 : i32
      %dma_wait3A_178 = tpu.memref_slice %arg2[%dma_wait3A_176, %dma_wait3A_177] : memref<2500x48xf32, #tpu.memory_space<hbm>> -> memref<128x48xf32, #tpu.memory_space<hbm>>
      tpu.wait_dma2 semaphore(%arg13 : memref<!tpu.dma_semaphore, #tpu.memory_space<semaphore_mem>>) src(%dma_wait3A_178 : memref<128x48xf32, #tpu.memory_space<hbm>>) dst(%arg8 : memref<128x48xf32, #tpu.memory_space<vmem>>)
      %dma_start3A_179 = arith.constant 2 : i32
      %dma_start3A_180 = arith.constant 0 : i32
      %dma_start3A_181 = arith.constant 0 : i32
      %dma_start3A_182 = tpu.memref_slice %arg7[%dma_start3A_179, %dma_start3A_180, %dma_start3A_181] : memref<4x2x128xi32, #tpu.memory_space<vmem>> -> memref<1x1x128xi32, #tpu.memory_space<vmem>>
      %dma_start3A_183 = tpu.memref_squeeze %dma_start3A_182 : memref<1x1x128xi32, #tpu.memory_space<vmem>> -> memref<128xi32, #tpu.memory_space<vmem>>
      %dma_start3A_184 = arith.constant 0 : i32
      %dma_start3A_185 = arith.constant 0 : i32
      %dma_start3A_186 = tpu.memref_slice %arg2[%dma_start3A_184, %dma_start3A_185] : memref<2500x48xf32, #tpu.memory_space<hbm>> -> memref<2500x48xf32, #tpu.memory_space<hbm>>
      tpu.enqueue_indirect_dma source(%dma_start3A_186 : memref<2500x48xf32, #tpu.memory_space<hbm>>) target(%arg8 : memref<128x48xf32, #tpu.memory_space<vmem>>) offsets(%dma_start3A_183 : memref<128xi32, #tpu.memory_space<vmem>>) semaphore(%arg11 : memref<!tpu.dma_semaphore, #tpu.memory_space<semaphore_mem>>)
      %dma_wait3A_187 = arith.constant 0 : i32
      %dma_wait3A_188 = arith.constant 0 : i32
      %dma_wait3A_189 = tpu.memref_slice %arg2[%dma_wait3A_187, %dma_wait3A_188] : memref<2500x48xf32, #tpu.memory_space<hbm>> -> memref<128x48xf32, #tpu.memory_space<hbm>>
      %dma_wait3A_190 = arith.constant 0 : i32
      %dma_wait3A_191 = arith.constant 0 : i32
      %dma_wait3A_192 = tpu.memref_slice %arg2[%dma_wait3A_190, %dma_wait3A_191] : memref<2500x48xf32, #tpu.memory_space<hbm>> -> memref<128x48xf32, #tpu.memory_space<hbm>>
      tpu.wait_dma2 semaphore(%arg14 : memref<!tpu.dma_semaphore, #tpu.memory_space<semaphore_mem>>) src(%dma_wait3A_192 : memref<128x48xf32, #tpu.memory_space<hbm>>) dst(%arg8 : memref<128x48xf32, #tpu.memory_space<vmem>>)
      %dma_start3A_193 = arith.constant 3 : i32
      %dma_start3A_194 = arith.constant 0 : i32
      %dma_start3A_195 = arith.constant 0 : i32
      %dma_start3A_196 = tpu.memref_slice %arg7[%dma_start3A_193, %dma_start3A_194, %dma_start3A_195] : memref<4x2x128xi32, #tpu.memory_space<vmem>> -> memref<1x1x128xi32, #tpu.memory_space<vmem>>
      %dma_start3A_197 = tpu.memref_squeeze %dma_start3A_196 : memref<1x1x128xi32, #tpu.memory_space<vmem>> -> memref<128xi32, #tpu.memory_space<vmem>>
      %dma_start3A_198 = arith.constant 0 : i32
      %dma_start3A_199 = arith.constant 0 : i32
      %dma_start3A_200 = tpu.memref_slice %arg2[%dma_start3A_198, %dma_start3A_199] : memref<2500x48xf32, #tpu.memory_space<hbm>> -> memref<2500x48xf32, #tpu.memory_space<hbm>>
      tpu.enqueue_indirect_dma source(%dma_start3A_200 : memref<2500x48xf32, #tpu.memory_space<hbm>>) target(%arg9 : memref<128x48xf32, #tpu.memory_space<vmem>>) offsets(%dma_start3A_197 : memref<128xi32, #tpu.memory_space<vmem>>) semaphore(%arg12 : memref<!tpu.dma_semaphore, #tpu.memory_space<semaphore_mem>>)
      %dma_wait3A_201 = arith.constant 0 : i32
      %dma_wait3A_202 = arith.constant 0 : i32
      %dma_wait3A_203 = tpu.memref_slice %arg2[%dma_wait3A_201, %dma_wait3A_202] : memref<2500x48xf32, #tpu.memory_space<hbm>> -> memref<128x48xf32, #tpu.memory_space<hbm>>
      %dma_wait3A_204 = arith.constant 0 : i32
      %dma_wait3A_205 = arith.constant 0 : i32
      %dma_wait3A_206 = tpu.memref_slice %arg2[%dma_wait3A_204, %dma_wait3A_205] : memref<2500x48xf32, #tpu.memory_space<hbm>> -> memref<128x48xf32, #tpu.memory_space<hbm>>
      tpu.wait_dma2 semaphore(%arg11 : memref<!tpu.dma_semaphore, #tpu.memory_space<semaphore_mem>>) src(%dma_wait3A_206 : memref<128x48xf32, #tpu.memory_space<hbm>>) dst(%arg8 : memref<128x48xf32, #tpu.memory_space<vmem>>)
      %dma_start3A_207 = arith.constant 2 : i32
      %dma_start3A_208 = arith.constant 1 : i32
      %dma_start3A_209 = arith.constant 0 : i32
      %dma_start3A_210 = tpu.memref_slice %arg7[%dma_start3A_207, %dma_start3A_208, %dma_start3A_209] : memref<4x2x128xi32, #tpu.memory_space<vmem>> -> memref<1x1x128xi32, #tpu.memory_space<vmem>>
      %dma_start3A_211 = tpu.memref_squeeze %dma_start3A_210 : memref<1x1x128xi32, #tpu.memory_space<vmem>> -> memref<128xi32, #tpu.memory_space<vmem>>
      %dma_start3A_212 = arith.constant 0 : i32
      %dma_start3A_213 = arith.constant 0 : i32
      %dma_start3A_214 = tpu.memref_slice %arg10[%dma_start3A_212, %dma_start3A_213] : memref<10112x48xf32, #tpu.memory_space<vmem_shared>> -> memref<10112x48xf32, #tpu.memory_space<vmem_shared>>
      tpu.enqueue_indirect_dma source(%arg8 : memref<128x48xf32, #tpu.memory_space<vmem>>) target(%dma_start3A_214 : memref<10112x48xf32, #tpu.memory_space<vmem_shared>>) offsets(%dma_start3A_211 : memref<128xi32, #tpu.memory_space<vmem>>) semaphore(%arg13 : memref<!tpu.dma_semaphore, #tpu.memory_space<semaphore_mem>>) {add = true}
      %dma_wait3A_215 = arith.constant 0 : i32
      %dma_wait3A_216 = arith.constant 0 : i32
      %dma_wait3A_217 = tpu.memref_slice %arg2[%dma_wait3A_215, %dma_wait3A_216] : memref<2500x48xf32, #tpu.memory_space<hbm>> -> memref<128x48xf32, #tpu.memory_space<hbm>>
      %dma_wait3A_218 = arith.constant 0 : i32
      %dma_wait3A_219 = arith.constant 0 : i32
      %dma_wait3A_220 = tpu.memref_slice %arg2[%dma_wait3A_218, %dma_wait3A_219] : memref<2500x48xf32, #tpu.memory_space<hbm>> -> memref<128x48xf32, #tpu.memory_space<hbm>>
      tpu.wait_dma2 semaphore(%arg12 : memref<!tpu.dma_semaphore, #tpu.memory_space<semaphore_mem>>) src(%dma_wait3A_220 : memref<128x48xf32, #tpu.memory_space<hbm>>) dst(%arg8 : memref<128x48xf32, #tpu.memory_space<vmem>>)
      %dma_start3A_221 = arith.constant 3 : i32
      %dma_start3A_222 = arith.constant 1 : i32
      %dma_start3A_223 = arith.constant 0 : i32
      %dma_start3A_224 = tpu.memref_slice %arg7[%dma_start3A_221, %dma_start3A_222, %dma_start3A_223] : memref<4x2x128xi32, #tpu.memory_space<vmem>> -> memref<1x1x128xi32, #tpu.memory_space<vmem>>
      %dma_start3A_225 = tpu.memref_squeeze %dma_start3A_224 : memref<1x1x128xi32, #tpu.memory_space<vmem>> -> memref<128xi32, #tpu.memory_space<vmem>>
      %dma_start3A_226 = arith.constant 0 : i32
      %dma_start3A_227 = arith.constant 0 : i32
      %dma_start3A_228 = tpu.memref_slice %arg10[%dma_start3A_226, %dma_start3A_227] : memref<10112x48xf32, #tpu.memory_space<vmem_shared>> -> memref<10112x48xf32, #tpu.memory_space<vmem_shared>>
      tpu.enqueue_indirect_dma source(%arg9 : memref<128x48xf32, #tpu.memory_space<vmem>>) target(%dma_start3A_228 : memref<10112x48xf32, #tpu.memory_space<vmem_shared>>) offsets(%dma_start3A_225 : memref<128xi32, #tpu.memory_space<vmem>>) semaphore(%arg14 : memref<!tpu.dma_semaphore, #tpu.memory_space<semaphore_mem>>) {add = true}
      %lt3A_229 = arith.constant 9 : i32
      %lt3A_230 = arith.cmpi slt, %scan3A_27, %lt3A_229 : i32
      %convert_element_type3A_231 = arith.extui %lt3A_230 : i1 to i32
      %cond3A_232 = arith.constant 0 : i32
      %cond3A_233 = arith.cmpi ne, %convert_element_type3A_231, %cond3A_232 : i32
      scf.if %cond3A_233 {
        %dma_wait3A_238 = arith.constant 0 : i32
        %dma_wait3A_239 = arith.constant 0 : i32
        %dma_wait3A_240 = arith.constant 0 : i32
        %dma_wait3A_241 = arith.constant 0 : i32
        %dma_wait3A_242 = tpu.memref_slice %arg3[%arg0, %arg1, %dma_wait3A_238, %dma_wait3A_239, %dma_wait3A_240, %dma_wait3A_241] : memref<2x16x20x4x2x128xi32, #tpu.memory_space<hbm>> -> memref<1x1x1x4x2x128xi32, #tpu.memory_space<hbm>>
        %dma_wait3A_243 = tpu.memref_squeeze %dma_wait3A_242 : memref<1x1x1x4x2x128xi32, #tpu.memory_space<hbm>> -> memref<4x2x128xi32, #tpu.memory_space<hbm>>
        %dma_wait3A_244 = arith.constant 0 : i32
        %dma_wait3A_245 = arith.constant 0 : i32
        %dma_wait3A_246 = arith.constant 0 : i32
        %dma_wait3A_247 = tpu.memref_slice %arg3[%arg0, %arg1, %dma_wait3A_238, %dma_wait3A_244, %dma_wait3A_245, %dma_wait3A_246] : memref<2x16x20x4x2x128xi32, #tpu.memory_space<hbm>> -> memref<1x1x1x4x2x128xi32, #tpu.memory_space<hbm>>
        %dma_wait3A_248 = tpu.memref_squeeze %dma_wait3A_247 : memref<1x1x1x4x2x128xi32, #tpu.memory_space<hbm>> -> memref<4x2x128xi32, #tpu.memory_space<hbm>>
        tpu.wait_dma2 semaphore(%arg15 : memref<!tpu.dma_semaphore, #tpu.memory_space<semaphore_mem>>) src(%dma_wait3A_248 : memref<4x2x128xi32, #tpu.memory_space<hbm>>) dst(%arg6 : memref<4x2x128xi32, #tpu.memory_space<vmem>>)
        %dma_wait3A_249 = arith.constant 0 : i32
        %dma_wait3A_250 = arith.constant 0 : i32
        %dma_wait3A_251 = tpu.memref_slice %arg2[%dma_wait3A_249, %dma_wait3A_250] : memref<2500x48xf32, #tpu.memory_space<hbm>> -> memref<128x48xf32, #tpu.memory_space<hbm>>
        %dma_wait3A_252 = arith.constant 0 : i32
        %dma_wait3A_253 = arith.constant 0 : i32
        %dma_wait3A_254 = tpu.memref_slice %arg2[%dma_wait3A_252, %dma_wait3A_253] : memref<2500x48xf32, #tpu.memory_space<hbm>> -> memref<128x48xf32, #tpu.memory_space<hbm>>
        tpu.wait_dma2 semaphore(%arg13 : memref<!tpu.dma_semaphore, #tpu.memory_space<semaphore_mem>>) src(%dma_wait3A_254 : memref<128x48xf32, #tpu.memory_space<hbm>>) dst(%arg8 : memref<128x48xf32, #tpu.memory_space<vmem>>)
        %dma_start3A_255 = arith.constant 0 : i32
        %dma_start3A_256 = arith.constant 0 : i32
        %dma_start3A_257 = arith.constant 0 : i32
        %dma_start3A_258 = tpu.memref_slice %arg6[%dma_start3A_255, %dma_start3A_256, %dma_start3A_257] : memref<4x2x128xi32, #tpu.memory_space<vmem>> -> memref<1x1x128xi32, #tpu.memory_space<vmem>>
        %dma_start3A_259 = tpu.memref_squeeze %dma_start3A_258 : memref<1x1x128xi32, #tpu.memory_space<vmem>> -> memref<128xi32, #tpu.memory_space<vmem>>
        %dma_start3A_260 = arith.constant 0 : i32
        %dma_start3A_261 = arith.constant 0 : i32
        %dma_start3A_262 = tpu.memref_slice %arg2[%dma_start3A_260, %dma_start3A_261] : memref<2500x48xf32, #tpu.memory_space<hbm>> -> memref<2500x48xf32, #tpu.memory_space<hbm>>
        tpu.enqueue_indirect_dma source(%dma_start3A_262 : memref<2500x48xf32, #tpu.memory_space<hbm>>) target(%arg8 : memref<128x48xf32, #tpu.memory_space<vmem>>) offsets(%dma_start3A_259 : memref<128xi32, #tpu.memory_space<vmem>>) semaphore(%arg11 : memref<!tpu.dma_semaphore, #tpu.memory_space<semaphore_mem>>)
        %dma_wait3A_263 = arith.constant 0 : i32
        %dma_wait3A_264 = arith.constant 0 : i32
        %dma_wait3A_265 = tpu.memref_slice %arg2[%dma_wait3A_263, %dma_wait3A_264] : memref<2500x48xf32, #tpu.memory_space<hbm>> -> memref<128x48xf32, #tpu.memory_space<hbm>>
        %dma_wait3A_266 = arith.constant 0 : i32
        %dma_wait3A_267 = arith.constant 0 : i32
        %dma_wait3A_268 = tpu.memref_slice %arg2[%dma_wait3A_266, %dma_wait3A_267] : memref<2500x48xf32, #tpu.memory_space<hbm>> -> memref<128x48xf32, #tpu.memory_space<hbm>>
        tpu.wait_dma2 semaphore(%arg14 : memref<!tpu.dma_semaphore, #tpu.memory_space<semaphore_mem>>) src(%dma_wait3A_268 : memref<128x48xf32, #tpu.memory_space<hbm>>) dst(%arg8 : memref<128x48xf32, #tpu.memory_space<vmem>>)
        %dma_start3A_269 = arith.constant 1 : i32
        %dma_start3A_270 = arith.constant 0 : i32
        %dma_start3A_271 = arith.constant 0 : i32
        %dma_start3A_272 = tpu.memref_slice %arg6[%dma_start3A_269, %dma_start3A_270, %dma_start3A_271] : memref<4x2x128xi32, #tpu.memory_space<vmem>> -> memref<1x1x128xi32, #tpu.memory_space<vmem>>
        %dma_start3A_273 = tpu.memref_squeeze %dma_start3A_272 : memref<1x1x128xi32, #tpu.memory_space<vmem>> -> memref<128xi32, #tpu.memory_space<vmem>>
        %dma_start3A_274 = arith.constant 0 : i32
        %dma_start3A_275 = arith.constant 0 : i32
        %dma_start3A_276 = tpu.memref_slice %arg2[%dma_start3A_274, %dma_start3A_275] : memref<2500x48xf32, #tpu.memory_space<hbm>> -> memref<2500x48xf32, #tpu.memory_space<hbm>>
        tpu.enqueue_indirect_dma source(%dma_start3A_276 : memref<2500x48xf32, #tpu.memory_space<hbm>>) target(%arg9 : memref<128x48xf32, #tpu.memory_space<vmem>>) offsets(%dma_start3A_273 : memref<128xi32, #tpu.memory_space<vmem>>) semaphore(%arg12 : memref<!tpu.dma_semaphore, #tpu.memory_space<semaphore_mem>>)
        %mul3A_277 = arith.constant 2 : i32
        %mul3A_278 = arith.muli %mul3A_277, %scan3A_27 : i32
        %add3A = arith.constant 3 : i32
        %add3A_279 = arith.addi %mul3A_278, %add3A : i32
        %dma_start3A_280 = arith.constant 0 : i32
        %dma_start3A_281 = arith.constant 0 : i32
        %dma_start3A_282 = arith.constant 0 : i32
        %dma_start3A_283 = tpu.memref_slice %arg3[%arg0, %arg1, %add3A_279, %dma_start3A_280, %dma_start3A_281, %dma_start3A_282] : memref<2x16x20x4x2x128xi32, #tpu.memory_space<hbm>> -> memref<1x1x1x4x2x128xi32, #tpu.memory_space<hbm>>
        %dma_start3A_284 = tpu.memref_squeeze %dma_start3A_283 : memref<1x1x1x4x2x128xi32, #tpu.memory_space<hbm>> -> memref<4x2x128xi32, #tpu.memory_space<hbm>>
        %dma_start3A_285 = arith.constant 0 : i32
        %dma_start3A_286 = arith.constant 0 : i32
        %dma_start3A_287 = arith.constant 0 : i32
        %dma_start3A_288 = tpu.memref_slice %arg3[%arg0, %arg1, %add3A_279, %dma_start3A_285, %dma_start3A_286, %dma_start3A_287] : memref<2x16x20x4x2x128xi32, #tpu.memory_space<hbm>> -> memref<1x1x1x4x2x128xi32, #tpu.memory_space<hbm>>
        %dma_start3A_289 = tpu.memref_squeeze %dma_start3A_288 : memref<1x1x1x4x2x128xi32, #tpu.memory_space<hbm>> -> memref<4x2x128xi32, #tpu.memory_space<hbm>>
        tpu.enqueue_dma source(%dma_start3A_289 : memref<4x2x128xi32, #tpu.memory_space<hbm>>) target(%arg7 : memref<4x2x128xi32, #tpu.memory_space<vmem>>) target_semaphore(%arg16 : memref<!tpu.dma_semaphore, #tpu.memory_space<semaphore_mem>>)
      } else {
      }
      %eq3A = arith.constant 9 : i32
      %eq3A_234 = arith.cmpi eq, %scan3A_27, %eq3A : i32
      %convert_element_type3A_235 = arith.extui %eq3A_234 : i1 to i32
      %cond3A_236 = arith.constant 0 : i32
      %cond3A_237 = arith.cmpi ne, %convert_element_type3A_235, %cond3A_236 : i32
      scf.if %cond3A_237 {
        %dma_wait3A_238 = arith.constant 0 : i32
        %dma_wait3A_239 = arith.constant 0 : i32
        %dma_wait3A_240 = tpu.memref_slice %arg2[%dma_wait3A_238, %dma_wait3A_239] : memref<2500x48xf32, #tpu.memory_space<hbm>> -> memref<128x48xf32, #tpu.memory_space<hbm>>
        %dma_wait3A_241 = arith.constant 0 : i32
        %dma_wait3A_242 = arith.constant 0 : i32
        %dma_wait3A_243 = tpu.memref_slice %arg2[%dma_wait3A_241, %dma_wait3A_242] : memref<2500x48xf32, #tpu.memory_space<hbm>> -> memref<128x48xf32, #tpu.memory_space<hbm>>
        tpu.wait_dma2 semaphore(%arg13 : memref<!tpu.dma_semaphore, #tpu.memory_space<semaphore_mem>>) src(%dma_wait3A_243 : memref<128x48xf32, #tpu.memory_space<hbm>>) dst(%arg8 : memref<128x48xf32, #tpu.memory_space<vmem>>)
        %dma_wait3A_244 = arith.constant 0 : i32
        %dma_wait3A_245 = arith.constant 0 : i32
        %dma_wait3A_246 = tpu.memref_slice %arg2[%dma_wait3A_244, %dma_wait3A_245] : memref<2500x48xf32, #tpu.memory_space<hbm>> -> memref<128x48xf32, #tpu.memory_space<hbm>>
        %dma_wait3A_247 = arith.constant 0 : i32
        %dma_wait3A_248 = arith.constant 0 : i32
        %dma_wait3A_249 = tpu.memref_slice %arg2[%dma_wait3A_247, %dma_wait3A_248] : memref<2500x48xf32, #tpu.memory_space<hbm>> -> memref<128x48xf32, #tpu.memory_space<hbm>>
        tpu.wait_dma2 semaphore(%arg14 : memref<!tpu.dma_semaphore, #tpu.memory_space<semaphore_mem>>) src(%dma_wait3A_249 : memref<128x48xf32, #tpu.memory_space<hbm>>) dst(%arg8 : memref<128x48xf32, #tpu.memory_space<vmem>>)
      } else {
      }
    }
    %scan3A_21 = arith.constant 10 : i32
    %barrier3A_22 = arith.constant 0 : index
    tpu.barrier barrier_id(%barrier3A_22)
    %mul3A_23 = arith.constant 632 : i32
    %mul3A_24 = arith.muli %arg1, %mul3A_23 : i32
    %mul3A_25 = arith.constant 632 : i32
    %mul3A_26 = arith.muli %arg1, %mul3A_25 : i32
    "tpu.region"() ({
      %run_scoped3A_27 = tpu.sem_alloc : memref<!tpu.dma_semaphore, #tpu.memory_space<semaphore_mem>>
      %dma_start3A_28 = arith.constant 0 : i32
      %dma_start3A_29 = tpu.memref_slice %arg5[%arg0, %mul3A_26, %dma_start3A_28] : memref<2x10112x48xf32, #tpu.memory_space<hbm>> -> memref<1x632x48xf32, #tpu.memory_space<hbm>>
      %dma_start3A_30 = tpu.memref_squeeze %dma_start3A_29 : memref<1x632x48xf32, #tpu.memory_space<hbm>> -> memref<632x48xf32, #tpu.memory_space<hbm>>
      %dma_start3A_31 = arith.constant 0 : i32
      %dma_start3A_32 = tpu.memref_slice %arg10[%mul3A_24, %dma_start3A_31] : memref<10112x48xf32, #tpu.memory_space<vmem_shared>> -> memref<632x48xf32, #tpu.memory_space<vmem_shared>>
      tpu.enqueue_dma source(%dma_start3A_32 : memref<632x48xf32, #tpu.memory_space<vmem_shared>>) target(%dma_start3A_30 : memref<632x48xf32, #tpu.memory_space<hbm>>) target_semaphore(%run_scoped3A_27 : memref<!tpu.dma_semaphore, #tpu.memory_space<semaphore_mem>>)
      %dma_wait3A = arith.constant 0 : i32
      %dma_wait3A_33 = tpu.memref_slice %arg5[%arg0, %mul3A_26, %dma_wait3A] : memref<2x10112x48xf32, #tpu.memory_space<hbm>> -> memref<1x632x48xf32, #tpu.memory_space<hbm>>
      %dma_wait3A_34 = tpu.memref_squeeze %dma_wait3A_33 : memref<1x632x48xf32, #tpu.memory_space<hbm>> -> memref<632x48xf32, #tpu.memory_space<hbm>>
      %dma_wait3A_35 = arith.constant 0 : i32
      %dma_wait3A_36 = tpu.memref_slice %arg10[%mul3A_24, %dma_wait3A_35] : memref<10112x48xf32, #tpu.memory_space<vmem_shared>> -> memref<632x48xf32, #tpu.memory_space<vmem_shared>>
      tpu.wait_dma2 semaphore(%run_scoped3A_27 : memref<!tpu.dma_semaphore, #tpu.memory_space<semaphore_mem>>) src(%dma_wait3A_36 : memref<632x48xf32, #tpu.memory_space<vmem_shared>>) dst(%dma_wait3A_34 : memref<632x48xf32, #tpu.memory_space<hbm>>)
      tpu.yield
    }) : () -> ()
    return
  }
}

#map = affine_map<(d0, d1) -> (0, 0)>
#map1 = affine_map<(d0, d1) -> (0, 0, 0, 0, 0, 0)>
#map2 = affine_map<(d0, d1) -> (0, 0, 0)>
module attributes {stable_mosaic.version = 14 : i64} {
  func.func @body(%arg0: i32, %arg1: i32, %arg2: memref<10112x48xf32, #tpu.memory_space<hbm>>, %arg3: memref<2x16x20x4x2x128xi32, #tpu.memory_space<hbm>>, %arg4: memref<160x48xf32, #tpu.memory_space<hbm>>, %arg5: memref<2x2560x48xf32, #tpu.memory_space<hbm>>, %arg6: memref<4x2x128xi32, #tpu.memory_space<vmem>>, %arg7: memref<4x2x128xi32, #tpu.memory_space<vmem>>, %arg8: memref<128x48xf32, #tpu.memory_space<vmem>>, %arg9: memref<128x48xf32, #tpu.memory_space<vmem>>, %arg10: memref<2560x48xf32, #tpu.memory_space<vmem_shared>>, %arg11: memref<!tpu.dma_semaphore, #tpu.memory_space<semaphore_mem>>, %arg12: memref<!tpu.dma_semaphore, #tpu.memory_space<semaphore_mem>>, %arg13: memref<!tpu.dma_semaphore, #tpu.memory_space<semaphore_mem>>, %arg14: memref<!tpu.dma_semaphore, #tpu.memory_space<semaphore_mem>>, %arg15: memref<!tpu.dma_semaphore, #tpu.memory_space<semaphore_mem>>, %arg16: memref<!tpu.dma_semaphore, #tpu.memory_space<semaphore_mem>>) attributes {dimension_semantics = [#tpu.dimension_semantics<core_parallel>, #tpu.dimension_semantics<subcore_parallel>], iteration_bounds = array<i64: 2, 16>, scalar_prefetch = 0 : i64, scratch_operands = 11 : i64, tpu.core_type = #tpu.core_type<sc_vector_subcore>, window_params = [{transform_indices = #map}, {transform_indices = #map1}, {transform_indices = #map}, {transform_indices = #map2}]} {
    %mul3A = arith.constant 160 : i32
    %mul3A_0 = arith.muli %arg1, %mul3A : i32
    "tpu.region"() ({
      %run_scoped3A_27 = tpu.sem_alloc : memref<!tpu.dma_semaphore, #tpu.memory_space<semaphore_mem>>
      %dma_start3A_28 = arith.constant 0 : i32
      %dma_start3A_29 = tpu.memref_slice %arg10[%mul3A_0, %dma_start3A_28] : memref<2560x48xf32, #tpu.memory_space<vmem_shared>> -> memref<160x48xf32, #tpu.memory_space<vmem_shared>>
      tpu.enqueue_dma source(%arg4 : memref<160x48xf32, #tpu.memory_space<hbm>>) target(%dma_start3A_29 : memref<160x48xf32, #tpu.memory_space<vmem_shared>>) target_semaphore(%run_scoped3A_27 : memref<!tpu.dma_semaphore, #tpu.memory_space<semaphore_mem>>)
      %dma_wait3A = arith.constant 0 : i32
      %dma_wait3A_30 = tpu.memref_slice %arg10[%mul3A_0, %dma_wait3A] : memref<2560x48xf32, #tpu.memory_space<vmem_shared>> -> memref<160x48xf32, #tpu.memory_space<vmem_shared>>
      tpu.wait_dma2 semaphore(%run_scoped3A_27 : memref<!tpu.dma_semaphore, #tpu.memory_space<semaphore_mem>>) src(%arg4 : memref<160x48xf32, #tpu.memory_space<hbm>>) dst(%dma_wait3A_30 : memref<160x48xf32, #tpu.memory_space<vmem_shared>>)
      tpu.yield
    }) : () -> ()
    %run_scoped3A = arith.constant 0 : i32
    "tpu.region"() ({
      %run_scoped3A_27 = tpu.sem_alloc : memref<!tpu.dma_semaphore, #tpu.memory_space<semaphore_mem>>
      %dma_start3A_28 = arith.constant 0 : i32
      %dma_start3A_29 = arith.constant 0 : i32
      %dma_start3A_30 = arith.constant 0 : i32
      %dma_start3A_31 = tpu.memref_slice %arg3[%arg0, %arg1, %run_scoped3A, %dma_start3A_28, %dma_start3A_29, %dma_start3A_30] : memref<2x16x20x4x2x128xi32, #tpu.memory_space<hbm>> -> memref<1x1x1x4x2x128xi32, #tpu.memory_space<hbm>>
      %dma_start3A_32 = tpu.memref_squeeze %dma_start3A_31 : memref<1x1x1x4x2x128xi32, #tpu.memory_space<hbm>> -> memref<4x2x128xi32, #tpu.memory_space<hbm>>
      %dma_start3A_33 = arith.constant 0 : i32
      %dma_start3A_34 = arith.constant 0 : i32
      %dma_start3A_35 = arith.constant 0 : i32
      %dma_start3A_36 = tpu.memref_slice %arg3[%arg0, %arg1, %run_scoped3A, %dma_start3A_33, %dma_start3A_34, %dma_start3A_35] : memref<2x16x20x4x2x128xi32, #tpu.memory_space<hbm>> -> memref<1x1x1x4x2x128xi32, #tpu.memory_space<hbm>>
      %dma_start3A_37 = tpu.memref_squeeze %dma_start3A_36 : memref<1x1x1x4x2x128xi32, #tpu.memory_space<hbm>> -> memref<4x2x128xi32, #tpu.memory_space<hbm>>
      tpu.enqueue_dma source(%dma_start3A_37 : memref<4x2x128xi32, #tpu.memory_space<hbm>>) target(%arg6 : memref<4x2x128xi32, #tpu.memory_space<vmem>>) target_semaphore(%run_scoped3A_27 : memref<!tpu.dma_semaphore, #tpu.memory_space<semaphore_mem>>)
      %dma_wait3A = arith.constant 0 : i32
      %dma_wait3A_38 = arith.constant 0 : i32
      %dma_wait3A_39 = arith.constant 0 : i32
      %dma_wait3A_40 = tpu.memref_slice %arg3[%arg0, %arg1, %run_scoped3A, %dma_wait3A, %dma_wait3A_38, %dma_wait3A_39] : memref<2x16x20x4x2x128xi32, #tpu.memory_space<hbm>> -> memref<1x1x1x4x2x128xi32, #tpu.memory_space<hbm>>
      %dma_wait3A_41 = tpu.memref_squeeze %dma_wait3A_40 : memref<1x1x1x4x2x128xi32, #tpu.memory_space<hbm>> -> memref<4x2x128xi32, #tpu.memory_space<hbm>>
      %dma_wait3A_42 = arith.constant 0 : i32
      %dma_wait3A_43 = arith.constant 0 : i32
      %dma_wait3A_44 = arith.constant 0 : i32
      %dma_wait3A_45 = tpu.memref_slice %arg3[%arg0, %arg1, %run_scoped3A, %dma_wait3A_42, %dma_wait3A_43, %dma_wait3A_44] : memref<2x16x20x4x2x128xi32, #tpu.memory_space<hbm>> -> memref<1x1x1x4x2x128xi32, #tpu.memory_space<hbm>>
      %dma_wait3A_46 = tpu.memref_squeeze %dma_wait3A_45 : memref<1x1x1x4x2x128xi32, #tpu.memory_space<hbm>> -> memref<4x2x128xi32, #tpu.memory_space<hbm>>
      tpu.wait_dma2 semaphore(%run_scoped3A_27 : memref<!tpu.dma_semaphore, #tpu.memory_space<semaphore_mem>>) src(%dma_wait3A_46 : memref<4x2x128xi32, #tpu.memory_space<hbm>>) dst(%arg6 : memref<4x2x128xi32, #tpu.memory_space<vmem>>)
      tpu.yield
    }) : () -> ()
    %run_scoped3A_1 = arith.constant 1 : i32
    "tpu.region"() ({
      %run_scoped3A_27 = tpu.sem_alloc : memref<!tpu.dma_semaphore, #tpu.memory_space<semaphore_mem>>
      %dma_start3A_28 = arith.constant 0 : i32
      %dma_start3A_29 = arith.constant 0 : i32
      %dma_start3A_30 = arith.constant 0 : i32
      %dma_start3A_31 = tpu.memref_slice %arg3[%arg0, %arg1, %run_scoped3A_1, %dma_start3A_28, %dma_start3A_29, %dma_start3A_30] : memref<2x16x20x4x2x128xi32, #tpu.memory_space<hbm>> -> memref<1x1x1x4x2x128xi32, #tpu.memory_space<hbm>>
      %dma_start3A_32 = tpu.memref_squeeze %dma_start3A_31 : memref<1x1x1x4x2x128xi32, #tpu.memory_space<hbm>> -> memref<4x2x128xi32, #tpu.memory_space<hbm>>
      %dma_start3A_33 = arith.constant 0 : i32
      %dma_start3A_34 = arith.constant 0 : i32
      %dma_start3A_35 = arith.constant 0 : i32
      %dma_start3A_36 = tpu.memref_slice %arg3[%arg0, %arg1, %run_scoped3A_1, %dma_start3A_33, %dma_start3A_34, %dma_start3A_35] : memref<2x16x20x4x2x128xi32, #tpu.memory_space<hbm>> -> memref<1x1x1x4x2x128xi32, #tpu.memory_space<hbm>>
      %dma_start3A_37 = tpu.memref_squeeze %dma_start3A_36 : memref<1x1x1x4x2x128xi32, #tpu.memory_space<hbm>> -> memref<4x2x128xi32, #tpu.memory_space<hbm>>
      tpu.enqueue_dma source(%dma_start3A_37 : memref<4x2x128xi32, #tpu.memory_space<hbm>>) target(%arg7 : memref<4x2x128xi32, #tpu.memory_space<vmem>>) target_semaphore(%run_scoped3A_27 : memref<!tpu.dma_semaphore, #tpu.memory_space<semaphore_mem>>)
      %dma_wait3A = arith.constant 0 : i32
      %dma_wait3A_38 = arith.constant 0 : i32
      %dma_wait3A_39 = arith.constant 0 : i32
      %dma_wait3A_40 = tpu.memref_slice %arg3[%arg0, %arg1, %run_scoped3A_1, %dma_wait3A, %dma_wait3A_38, %dma_wait3A_39] : memref<2x16x20x4x2x128xi32, #tpu.memory_space<hbm>> -> memref<1x1x1x4x2x128xi32, #tpu.memory_space<hbm>>
      %dma_wait3A_41 = tpu.memref_squeeze %dma_wait3A_40 : memref<1x1x1x4x2x128xi32, #tpu.memory_space<hbm>> -> memref<4x2x128xi32, #tpu.memory_space<hbm>>
      %dma_wait3A_42 = arith.constant 0 : i32
      %dma_wait3A_43 = arith.constant 0 : i32
      %dma_wait3A_44 = arith.constant 0 : i32
      %dma_wait3A_45 = tpu.memref_slice %arg3[%arg0, %arg1, %run_scoped3A_1, %dma_wait3A_42, %dma_wait3A_43, %dma_wait3A_44] : memref<2x16x20x4x2x128xi32, #tpu.memory_space<hbm>> -> memref<1x1x1x4x2x128xi32, #tpu.memory_space<hbm>>
      %dma_wait3A_46 = tpu.memref_squeeze %dma_wait3A_45 : memref<1x1x1x4x2x128xi32, #tpu.memory_space<hbm>> -> memref<4x2x128xi32, #tpu.memory_space<hbm>>
      tpu.wait_dma2 semaphore(%run_scoped3A_27 : memref<!tpu.dma_semaphore, #tpu.memory_space<semaphore_mem>>) src(%dma_wait3A_46 : memref<4x2x128xi32, #tpu.memory_space<hbm>>) dst(%arg7 : memref<4x2x128xi32, #tpu.memory_space<vmem>>)
      tpu.yield
    }) : () -> ()
    %barrier3A = arith.constant 0 : index
    tpu.barrier barrier_id(%barrier3A)
    %dma_start3A = arith.constant 0 : i32
    %dma_start3A_2 = arith.constant 0 : i32
    %dma_start3A_3 = arith.constant 0 : i32
    %dma_start3A_4 = tpu.memref_slice %arg6[%dma_start3A, %dma_start3A_2, %dma_start3A_3] : memref<4x2x128xi32, #tpu.memory_space<vmem>> -> memref<1x1x128xi32, #tpu.memory_space<vmem>>
    %dma_start3A_5 = tpu.memref_squeeze %dma_start3A_4 : memref<1x1x128xi32, #tpu.memory_space<vmem>> -> memref<128xi32, #tpu.memory_space<vmem>>
    %dma_start3A_6 = arith.constant 0 : i32
    %dma_start3A_7 = arith.constant 0 : i32
    %dma_start3A_8 = tpu.memref_slice %arg2[%dma_start3A_6, %dma_start3A_7] : memref<10112x48xf32, #tpu.memory_space<hbm>> -> memref<10112x48xf32, #tpu.memory_space<hbm>>
    tpu.enqueue_indirect_dma source(%dma_start3A_8 : memref<10112x48xf32, #tpu.memory_space<hbm>>) target(%arg8 : memref<128x48xf32, #tpu.memory_space<vmem>>) offsets(%dma_start3A_5 : memref<128xi32, #tpu.memory_space<vmem>>) semaphore(%arg11 : memref<!tpu.dma_semaphore, #tpu.memory_space<semaphore_mem>>)
    %dma_start3A_9 = arith.constant 1 : i32
    %dma_start3A_10 = arith.constant 0 : i32
    %dma_start3A_11 = arith.constant 0 : i32
    %dma_start3A_12 = tpu.memref_slice %arg6[%dma_start3A_9, %dma_start3A_10, %dma_start3A_11] : memref<4x2x128xi32, #tpu.memory_space<vmem>> -> memref<1x1x128xi32, #tpu.memory_space<vmem>>
    %dma_start3A_13 = tpu.memref_squeeze %dma_start3A_12 : memref<1x1x128xi32, #tpu.memory_space<vmem>> -> memref<128xi32, #tpu.memory_space<vmem>>
    %dma_start3A_14 = arith.constant 0 : i32
    %dma_start3A_15 = arith.constant 0 : i32
    %dma_start3A_16 = tpu.memref_slice %arg2[%dma_start3A_14, %dma_start3A_15] : memref<10112x48xf32, #tpu.memory_space<hbm>> -> memref<10112x48xf32, #tpu.memory_space<hbm>>
    tpu.enqueue_indirect_dma source(%dma_start3A_16 : memref<10112x48xf32, #tpu.memory_space<hbm>>) target(%arg9 : memref<128x48xf32, #tpu.memory_space<vmem>>) offsets(%dma_start3A_13 : memref<128xi32, #tpu.memory_space<vmem>>) semaphore(%arg12 : memref<!tpu.dma_semaphore, #tpu.memory_space<semaphore_mem>>)
    %scan3A = arith.constant 0 : i32
    %scan3A_17 = arith.constant 0 : i32
    %scan3A_18 = arith.constant 10 : i32
    %scan3A_19 = arith.addi %scan3A_17, %scan3A_18 : i32
    %scan3A_20 = arith.constant 1 : i32
    scf.for %scan3A_27 = %scan3A_17 to %scan3A_19 step %scan3A_20  : i32 {
      %dma_wait3A = arith.constant 0 : i32
      %dma_wait3A_28 = arith.constant 0 : i32
      %dma_wait3A_29 = tpu.memref_slice %arg2[%dma_wait3A, %dma_wait3A_28] : memref<10112x48xf32, #tpu.memory_space<hbm>> -> memref<128x48xf32, #tpu.memory_space<hbm>>
      %dma_wait3A_30 = arith.constant 0 : i32
      %dma_wait3A_31 = arith.constant 0 : i32
      %dma_wait3A_32 = tpu.memref_slice %arg2[%dma_wait3A_30, %dma_wait3A_31] : memref<10112x48xf32, #tpu.memory_space<hbm>> -> memref<128x48xf32, #tpu.memory_space<hbm>>
      tpu.wait_dma2 semaphore(%arg11 : memref<!tpu.dma_semaphore, #tpu.memory_space<semaphore_mem>>) src(%dma_wait3A_32 : memref<128x48xf32, #tpu.memory_space<hbm>>) dst(%arg8 : memref<128x48xf32, #tpu.memory_space<vmem>>)
      %dma_start3A_33 = arith.constant 0 : i32
      %dma_start3A_34 = arith.constant 1 : i32
      %dma_start3A_35 = arith.constant 0 : i32
      %dma_start3A_36 = tpu.memref_slice %arg6[%dma_start3A_33, %dma_start3A_34, %dma_start3A_35] : memref<4x2x128xi32, #tpu.memory_space<vmem>> -> memref<1x1x128xi32, #tpu.memory_space<vmem>>
      %dma_start3A_37 = tpu.memref_squeeze %dma_start3A_36 : memref<1x1x128xi32, #tpu.memory_space<vmem>> -> memref<128xi32, #tpu.memory_space<vmem>>
      %dma_start3A_38 = arith.constant 0 : i32
      %dma_start3A_39 = arith.constant 0 : i32
      %dma_start3A_40 = tpu.memref_slice %arg10[%dma_start3A_38, %dma_start3A_39] : memref<2560x48xf32, #tpu.memory_space<vmem_shared>> -> memref<2560x48xf32, #tpu.memory_space<vmem_shared>>
      tpu.enqueue_indirect_dma source(%arg8 : memref<128x48xf32, #tpu.memory_space<vmem>>) target(%dma_start3A_40 : memref<2560x48xf32, #tpu.memory_space<vmem_shared>>) offsets(%dma_start3A_37 : memref<128xi32, #tpu.memory_space<vmem>>) semaphore(%arg13 : memref<!tpu.dma_semaphore, #tpu.memory_space<semaphore_mem>>) {add = true}
      %dma_wait3A_41 = arith.constant 0 : i32
      %dma_wait3A_42 = arith.constant 0 : i32
      %dma_wait3A_43 = tpu.memref_slice %arg2[%dma_wait3A_41, %dma_wait3A_42] : memref<10112x48xf32, #tpu.memory_space<hbm>> -> memref<128x48xf32, #tpu.memory_space<hbm>>
      %dma_wait3A_44 = arith.constant 0 : i32
      %dma_wait3A_45 = arith.constant 0 : i32
      %dma_wait3A_46 = tpu.memref_slice %arg2[%dma_wait3A_44, %dma_wait3A_45] : memref<10112x48xf32, #tpu.memory_space<hbm>> -> memref<128x48xf32, #tpu.memory_space<hbm>>
      tpu.wait_dma2 semaphore(%arg12 : memref<!tpu.dma_semaphore, #tpu.memory_space<semaphore_mem>>) src(%dma_wait3A_46 : memref<128x48xf32, #tpu.memory_space<hbm>>) dst(%arg8 : memref<128x48xf32, #tpu.memory_space<vmem>>)
      %dma_start3A_47 = arith.constant 1 : i32
      %dma_start3A_48 = arith.constant 1 : i32
      %dma_start3A_49 = arith.constant 0 : i32
      %dma_start3A_50 = tpu.memref_slice %arg6[%dma_start3A_47, %dma_start3A_48, %dma_start3A_49] : memref<4x2x128xi32, #tpu.memory_space<vmem>> -> memref<1x1x128xi32, #tpu.memory_space<vmem>>
      %dma_start3A_51 = tpu.memref_squeeze %dma_start3A_50 : memref<1x1x128xi32, #tpu.memory_space<vmem>> -> memref<128xi32, #tpu.memory_space<vmem>>
      %dma_start3A_52 = arith.constant 0 : i32
      %dma_start3A_53 = arith.constant 0 : i32
      %dma_start3A_54 = tpu.memref_slice %arg10[%dma_start3A_52, %dma_start3A_53] : memref<2560x48xf32, #tpu.memory_space<vmem_shared>> -> memref<2560x48xf32, #tpu.memory_space<vmem_shared>>
      tpu.enqueue_indirect_dma source(%arg9 : memref<128x48xf32, #tpu.memory_space<vmem>>) target(%dma_start3A_54 : memref<2560x48xf32, #tpu.memory_space<vmem_shared>>) offsets(%dma_start3A_51 : memref<128xi32, #tpu.memory_space<vmem>>) semaphore(%arg14 : memref<!tpu.dma_semaphore, #tpu.memory_space<semaphore_mem>>) {add = true}
      %dma_wait3A_55 = arith.constant 0 : i32
      %dma_wait3A_56 = arith.constant 0 : i32
      %dma_wait3A_57 = tpu.memref_slice %arg2[%dma_wait3A_55, %dma_wait3A_56] : memref<10112x48xf32, #tpu.memory_space<hbm>> -> memref<128x48xf32, #tpu.memory_space<hbm>>
      %dma_wait3A_58 = arith.constant 0 : i32
      %dma_wait3A_59 = arith.constant 0 : i32
      %dma_wait3A_60 = tpu.memref_slice %arg2[%dma_wait3A_58, %dma_wait3A_59] : memref<10112x48xf32, #tpu.memory_space<hbm>> -> memref<128x48xf32, #tpu.memory_space<hbm>>
      tpu.wait_dma2 semaphore(%arg13 : memref<!tpu.dma_semaphore, #tpu.memory_space<semaphore_mem>>) src(%dma_wait3A_60 : memref<128x48xf32, #tpu.memory_space<hbm>>) dst(%arg8 : memref<128x48xf32, #tpu.memory_space<vmem>>)
      %dma_start3A_61 = arith.constant 2 : i32
      %dma_start3A_62 = arith.constant 0 : i32
      %dma_start3A_63 = arith.constant 0 : i32
      %dma_start3A_64 = tpu.memref_slice %arg6[%dma_start3A_61, %dma_start3A_62, %dma_start3A_63] : memref<4x2x128xi32, #tpu.memory_space<vmem>> -> memref<1x1x128xi32, #tpu.memory_space<vmem>>
      %dma_start3A_65 = tpu.memref_squeeze %dma_start3A_64 : memref<1x1x128xi32, #tpu.memory_space<vmem>> -> memref<128xi32, #tpu.memory_space<vmem>>
      %dma_start3A_66 = arith.constant 0 : i32
      %dma_start3A_67 = arith.constant 0 : i32
      %dma_start3A_68 = tpu.memref_slice %arg2[%dma_start3A_66, %dma_start3A_67] : memref<10112x48xf32, #tpu.memory_space<hbm>> -> memref<10112x48xf32, #tpu.memory_space<hbm>>
      tpu.enqueue_indirect_dma source(%dma_start3A_68 : memref<10112x48xf32, #tpu.memory_space<hbm>>) target(%arg8 : memref<128x48xf32, #tpu.memory_space<vmem>>) offsets(%dma_start3A_65 : memref<128xi32, #tpu.memory_space<vmem>>) semaphore(%arg11 : memref<!tpu.dma_semaphore, #tpu.memory_space<semaphore_mem>>)
      %dma_wait3A_69 = arith.constant 0 : i32
      %dma_wait3A_70 = arith.constant 0 : i32
      %dma_wait3A_71 = tpu.memref_slice %arg2[%dma_wait3A_69, %dma_wait3A_70] : memref<10112x48xf32, #tpu.memory_space<hbm>> -> memref<128x48xf32, #tpu.memory_space<hbm>>
      %dma_wait3A_72 = arith.constant 0 : i32
      %dma_wait3A_73 = arith.constant 0 : i32
      %dma_wait3A_74 = tpu.memref_slice %arg2[%dma_wait3A_72, %dma_wait3A_73] : memref<10112x48xf32, #tpu.memory_space<hbm>> -> memref<128x48xf32, #tpu.memory_space<hbm>>
      tpu.wait_dma2 semaphore(%arg14 : memref<!tpu.dma_semaphore, #tpu.memory_space<semaphore_mem>>) src(%dma_wait3A_74 : memref<128x48xf32, #tpu.memory_space<hbm>>) dst(%arg8 : memref<128x48xf32, #tpu.memory_space<vmem>>)
      %dma_start3A_75 = arith.constant 3 : i32
      %dma_start3A_76 = arith.constant 0 : i32
      %dma_start3A_77 = arith.constant 0 : i32
      %dma_start3A_78 = tpu.memref_slice %arg6[%dma_start3A_75, %dma_start3A_76, %dma_start3A_77] : memref<4x2x128xi32, #tpu.memory_space<vmem>> -> memref<1x1x128xi32, #tpu.memory_space<vmem>>
      %dma_start3A_79 = tpu.memref_squeeze %dma_start3A_78 : memref<1x1x128xi32, #tpu.memory_space<vmem>> -> memref<128xi32, #tpu.memory_space<vmem>>
      %dma_start3A_80 = arith.constant 0 : i32
      %dma_start3A_81 = arith.constant 0 : i32
      %dma_start3A_82 = tpu.memref_slice %arg2[%dma_start3A_80, %dma_start3A_81] : memref<10112x48xf32, #tpu.memory_space<hbm>> -> memref<10112x48xf32, #tpu.memory_space<hbm>>
      tpu.enqueue_indirect_dma source(%dma_start3A_82 : memref<10112x48xf32, #tpu.memory_space<hbm>>) target(%arg9 : memref<128x48xf32, #tpu.memory_space<vmem>>) offsets(%dma_start3A_79 : memref<128xi32, #tpu.memory_space<vmem>>) semaphore(%arg12 : memref<!tpu.dma_semaphore, #tpu.memory_space<semaphore_mem>>)
      %dma_wait3A_83 = arith.constant 0 : i32
      %dma_wait3A_84 = arith.constant 0 : i32
      %dma_wait3A_85 = tpu.memref_slice %arg2[%dma_wait3A_83, %dma_wait3A_84] : memref<10112x48xf32, #tpu.memory_space<hbm>> -> memref<128x48xf32, #tpu.memory_space<hbm>>
      %dma_wait3A_86 = arith.constant 0 : i32
      %dma_wait3A_87 = arith.constant 0 : i32
      %dma_wait3A_88 = tpu.memref_slice %arg2[%dma_wait3A_86, %dma_wait3A_87] : memref<10112x48xf32, #tpu.memory_space<hbm>> -> memref<128x48xf32, #tpu.memory_space<hbm>>
      tpu.wait_dma2 semaphore(%arg11 : memref<!tpu.dma_semaphore, #tpu.memory_space<semaphore_mem>>) src(%dma_wait3A_88 : memref<128x48xf32, #tpu.memory_space<hbm>>) dst(%arg8 : memref<128x48xf32, #tpu.memory_space<vmem>>)
      %dma_start3A_89 = arith.constant 2 : i32
      %dma_start3A_90 = arith.constant 1 : i32
      %dma_start3A_91 = arith.constant 0 : i32
      %dma_start3A_92 = tpu.memref_slice %arg6[%dma_start3A_89, %dma_start3A_90, %dma_start3A_91] : memref<4x2x128xi32, #tpu.memory_space<vmem>> -> memref<1x1x128xi32, #tpu.memory_space<vmem>>
      %dma_start3A_93 = tpu.memref_squeeze %dma_start3A_92 : memref<1x1x128xi32, #tpu.memory_space<vmem>> -> memref<128xi32, #tpu.memory_space<vmem>>
      %dma_start3A_94 = arith.constant 0 : i32
      %dma_start3A_95 = arith.constant 0 : i32
      %dma_start3A_96 = tpu.memref_slice %arg10[%dma_start3A_94, %dma_start3A_95] : memref<2560x48xf32, #tpu.memory_space<vmem_shared>> -> memref<2560x48xf32, #tpu.memory_space<vmem_shared>>
      tpu.enqueue_indirect_dma source(%arg8 : memref<128x48xf32, #tpu.memory_space<vmem>>) target(%dma_start3A_96 : memref<2560x48xf32, #tpu.memory_space<vmem_shared>>) offsets(%dma_start3A_93 : memref<128xi32, #tpu.memory_space<vmem>>) semaphore(%arg13 : memref<!tpu.dma_semaphore, #tpu.memory_space<semaphore_mem>>) {add = true}
      %dma_wait3A_97 = arith.constant 0 : i32
      %dma_wait3A_98 = arith.constant 0 : i32
      %dma_wait3A_99 = tpu.memref_slice %arg2[%dma_wait3A_97, %dma_wait3A_98] : memref<10112x48xf32, #tpu.memory_space<hbm>> -> memref<128x48xf32, #tpu.memory_space<hbm>>
      %dma_wait3A_100 = arith.constant 0 : i32
      %dma_wait3A_101 = arith.constant 0 : i32
      %dma_wait3A_102 = tpu.memref_slice %arg2[%dma_wait3A_100, %dma_wait3A_101] : memref<10112x48xf32, #tpu.memory_space<hbm>> -> memref<128x48xf32, #tpu.memory_space<hbm>>
      tpu.wait_dma2 semaphore(%arg12 : memref<!tpu.dma_semaphore, #tpu.memory_space<semaphore_mem>>) src(%dma_wait3A_102 : memref<128x48xf32, #tpu.memory_space<hbm>>) dst(%arg8 : memref<128x48xf32, #tpu.memory_space<vmem>>)
      %dma_start3A_103 = arith.constant 3 : i32
      %dma_start3A_104 = arith.constant 1 : i32
      %dma_start3A_105 = arith.constant 0 : i32
      %dma_start3A_106 = tpu.memref_slice %arg6[%dma_start3A_103, %dma_start3A_104, %dma_start3A_105] : memref<4x2x128xi32, #tpu.memory_space<vmem>> -> memref<1x1x128xi32, #tpu.memory_space<vmem>>
      %dma_start3A_107 = tpu.memref_squeeze %dma_start3A_106 : memref<1x1x128xi32, #tpu.memory_space<vmem>> -> memref<128xi32, #tpu.memory_space<vmem>>
      %dma_start3A_108 = arith.constant 0 : i32
      %dma_start3A_109 = arith.constant 0 : i32
      %dma_start3A_110 = tpu.memref_slice %arg10[%dma_start3A_108, %dma_start3A_109] : memref<2560x48xf32, #tpu.memory_space<vmem_shared>> -> memref<2560x48xf32, #tpu.memory_space<vmem_shared>>
      tpu.enqueue_indirect_dma source(%arg9 : memref<128x48xf32, #tpu.memory_space<vmem>>) target(%dma_start3A_110 : memref<2560x48xf32, #tpu.memory_space<vmem_shared>>) offsets(%dma_start3A_107 : memref<128xi32, #tpu.memory_space<vmem>>) semaphore(%arg14 : memref<!tpu.dma_semaphore, #tpu.memory_space<semaphore_mem>>) {add = true}
      %gt3A = arith.constant 0 : i32
      %gt3A_111 = arith.cmpi sgt, %scan3A_27, %gt3A : i32
      %convert_element_type3A = arith.extui %gt3A_111 : i1 to i32
      %cond3A = arith.constant 0 : i32
      %cond3A_112 = arith.cmpi ne, %convert_element_type3A, %cond3A : i32
      scf.if %cond3A_112 {
        %dma_wait3A_238 = arith.constant 0 : i32
        %dma_wait3A_239 = arith.constant 0 : i32
        %dma_wait3A_240 = arith.constant 0 : i32
        %dma_wait3A_241 = arith.constant 0 : i32
        %dma_wait3A_242 = tpu.memref_slice %arg3[%arg0, %arg1, %dma_wait3A_238, %dma_wait3A_239, %dma_wait3A_240, %dma_wait3A_241] : memref<2x16x20x4x2x128xi32, #tpu.memory_space<hbm>> -> memref<1x1x1x4x2x128xi32, #tpu.memory_space<hbm>>
        %dma_wait3A_243 = tpu.memref_squeeze %dma_wait3A_242 : memref<1x1x1x4x2x128xi32, #tpu.memory_space<hbm>> -> memref<4x2x128xi32, #tpu.memory_space<hbm>>
        %dma_wait3A_244 = arith.constant 0 : i32
        %dma_wait3A_245 = arith.constant 0 : i32
        %dma_wait3A_246 = arith.constant 0 : i32
        %dma_wait3A_247 = tpu.memref_slice %arg3[%arg0, %arg1, %dma_wait3A_238, %dma_wait3A_244, %dma_wait3A_245, %dma_wait3A_246] : memref<2x16x20x4x2x128xi32, #tpu.memory_space<hbm>> -> memref<1x1x1x4x2x128xi32, #tpu.memory_space<hbm>>
        %dma_wait3A_248 = tpu.memref_squeeze %dma_wait3A_247 : memref<1x1x1x4x2x128xi32, #tpu.memory_space<hbm>> -> memref<4x2x128xi32, #tpu.memory_space<hbm>>
        tpu.wait_dma2 semaphore(%arg16 : memref<!tpu.dma_semaphore, #tpu.memory_space<semaphore_mem>>) src(%dma_wait3A_248 : memref<4x2x128xi32, #tpu.memory_space<hbm>>) dst(%arg7 : memref<4x2x128xi32, #tpu.memory_space<vmem>>)
      } else {
      }
      %dma_wait3A_113 = arith.constant 0 : i32
      %dma_wait3A_114 = arith.constant 0 : i32
      %dma_wait3A_115 = tpu.memref_slice %arg2[%dma_wait3A_113, %dma_wait3A_114] : memref<10112x48xf32, #tpu.memory_space<hbm>> -> memref<128x48xf32, #tpu.memory_space<hbm>>
      %dma_wait3A_116 = arith.constant 0 : i32
      %dma_wait3A_117 = arith.constant 0 : i32
      %dma_wait3A_118 = tpu.memref_slice %arg2[%dma_wait3A_116, %dma_wait3A_117] : memref<10112x48xf32, #tpu.memory_space<hbm>> -> memref<128x48xf32, #tpu.memory_space<hbm>>
      tpu.wait_dma2 semaphore(%arg13 : memref<!tpu.dma_semaphore, #tpu.memory_space<semaphore_mem>>) src(%dma_wait3A_118 : memref<128x48xf32, #tpu.memory_space<hbm>>) dst(%arg8 : memref<128x48xf32, #tpu.memory_space<vmem>>)
      %dma_start3A_119 = arith.constant 0 : i32
      %dma_start3A_120 = arith.constant 0 : i32
      %dma_start3A_121 = arith.constant 0 : i32
      %dma_start3A_122 = tpu.memref_slice %arg7[%dma_start3A_119, %dma_start3A_120, %dma_start3A_121] : memref<4x2x128xi32, #tpu.memory_space<vmem>> -> memref<1x1x128xi32, #tpu.memory_space<vmem>>
      %dma_start3A_123 = tpu.memref_squeeze %dma_start3A_122 : memref<1x1x128xi32, #tpu.memory_space<vmem>> -> memref<128xi32, #tpu.memory_space<vmem>>
      %dma_start3A_124 = arith.constant 0 : i32
      %dma_start3A_125 = arith.constant 0 : i32
      %dma_start3A_126 = tpu.memref_slice %arg2[%dma_start3A_124, %dma_start3A_125] : memref<10112x48xf32, #tpu.memory_space<hbm>> -> memref<10112x48xf32, #tpu.memory_space<hbm>>
      tpu.enqueue_indirect_dma source(%dma_start3A_126 : memref<10112x48xf32, #tpu.memory_space<hbm>>) target(%arg8 : memref<128x48xf32, #tpu.memory_space<vmem>>) offsets(%dma_start3A_123 : memref<128xi32, #tpu.memory_space<vmem>>) semaphore(%arg11 : memref<!tpu.dma_semaphore, #tpu.memory_space<semaphore_mem>>)
      %dma_wait3A_127 = arith.constant 0 : i32
      %dma_wait3A_128 = arith.constant 0 : i32
      %dma_wait3A_129 = tpu.memref_slice %arg2[%dma_wait3A_127, %dma_wait3A_128] : memref<10112x48xf32, #tpu.memory_space<hbm>> -> memref<128x48xf32, #tpu.memory_space<hbm>>
      %dma_wait3A_130 = arith.constant 0 : i32
      %dma_wait3A_131 = arith.constant 0 : i32
      %dma_wait3A_132 = tpu.memref_slice %arg2[%dma_wait3A_130, %dma_wait3A_131] : memref<10112x48xf32, #tpu.memory_space<hbm>> -> memref<128x48xf32, #tpu.memory_space<hbm>>
      tpu.wait_dma2 semaphore(%arg14 : memref<!tpu.dma_semaphore, #tpu.memory_space<semaphore_mem>>) src(%dma_wait3A_132 : memref<128x48xf32, #tpu.memory_space<hbm>>) dst(%arg8 : memref<128x48xf32, #tpu.memory_space<vmem>>)
      %dma_start3A_133 = arith.constant 1 : i32
      %dma_start3A_134 = arith.constant 0 : i32
      %dma_start3A_135 = arith.constant 0 : i32
      %dma_start3A_136 = tpu.memref_slice %arg7[%dma_start3A_133, %dma_start3A_134, %dma_start3A_135] : memref<4x2x128xi32, #tpu.memory_space<vmem>> -> memref<1x1x128xi32, #tpu.memory_space<vmem>>
      %dma_start3A_137 = tpu.memref_squeeze %dma_start3A_136 : memref<1x1x128xi32, #tpu.memory_space<vmem>> -> memref<128xi32, #tpu.memory_space<vmem>>
      %dma_start3A_138 = arith.constant 0 : i32
      %dma_start3A_139 = arith.constant 0 : i32
      %dma_start3A_140 = tpu.memref_slice %arg2[%dma_start3A_138, %dma_start3A_139] : memref<10112x48xf32, #tpu.memory_space<hbm>> -> memref<10112x48xf32, #tpu.memory_space<hbm>>
      tpu.enqueue_indirect_dma source(%dma_start3A_140 : memref<10112x48xf32, #tpu.memory_space<hbm>>) target(%arg9 : memref<128x48xf32, #tpu.memory_space<vmem>>) offsets(%dma_start3A_137 : memref<128xi32, #tpu.memory_space<vmem>>) semaphore(%arg12 : memref<!tpu.dma_semaphore, #tpu.memory_space<semaphore_mem>>)
      %lt3A = arith.constant 9 : i32
      %lt3A_141 = arith.cmpi slt, %scan3A_27, %lt3A : i32
      %convert_element_type3A_142 = arith.extui %lt3A_141 : i1 to i32
      %cond3A_143 = arith.constant 0 : i32
      %cond3A_144 = arith.cmpi ne, %convert_element_type3A_142, %cond3A_143 : i32
      scf.if %cond3A_144 {
        %mul3A_238 = arith.constant 2 : i32
        %mul3A_239 = arith.muli %mul3A_238, %scan3A_27 : i32
        %add3A = arith.constant 2 : i32
        %add3A_240 = arith.addi %mul3A_239, %add3A : i32
        %dma_start3A_241 = arith.constant 0 : i32
        %dma_start3A_242 = arith.constant 0 : i32
        %dma_start3A_243 = arith.constant 0 : i32
        %dma_start3A_244 = tpu.memref_slice %arg3[%arg0, %arg1, %add3A_240, %dma_start3A_241, %dma_start3A_242, %dma_start3A_243] : memref<2x16x20x4x2x128xi32, #tpu.memory_space<hbm>> -> memref<1x1x1x4x2x128xi32, #tpu.memory_space<hbm>>
        %dma_start3A_245 = tpu.memref_squeeze %dma_start3A_244 : memref<1x1x1x4x2x128xi32, #tpu.memory_space<hbm>> -> memref<4x2x128xi32, #tpu.memory_space<hbm>>
        %dma_start3A_246 = arith.constant 0 : i32
        %dma_start3A_247 = arith.constant 0 : i32
        %dma_start3A_248 = arith.constant 0 : i32
        %dma_start3A_249 = tpu.memref_slice %arg3[%arg0, %arg1, %add3A_240, %dma_start3A_246, %dma_start3A_247, %dma_start3A_248] : memref<2x16x20x4x2x128xi32, #tpu.memory_space<hbm>> -> memref<1x1x1x4x2x128xi32, #tpu.memory_space<hbm>>
        %dma_start3A_250 = tpu.memref_squeeze %dma_start3A_249 : memref<1x1x1x4x2x128xi32, #tpu.memory_space<hbm>> -> memref<4x2x128xi32, #tpu.memory_space<hbm>>
        tpu.enqueue_dma source(%dma_start3A_250 : memref<4x2x128xi32, #tpu.memory_space<hbm>>) target(%arg6 : memref<4x2x128xi32, #tpu.memory_space<vmem>>) target_semaphore(%arg15 : memref<!tpu.dma_semaphore, #tpu.memory_space<semaphore_mem>>)
      } else {
      }
      %dma_wait3A_145 = arith.constant 0 : i32
      %dma_wait3A_146 = arith.constant 0 : i32
      %dma_wait3A_147 = tpu.memref_slice %arg2[%dma_wait3A_145, %dma_wait3A_146] : memref<10112x48xf32, #tpu.memory_space<hbm>> -> memref<128x48xf32, #tpu.memory_space<hbm>>
      %dma_wait3A_148 = arith.constant 0 : i32
      %dma_wait3A_149 = arith.constant 0 : i32
      %dma_wait3A_150 = tpu.memref_slice %arg2[%dma_wait3A_148, %dma_wait3A_149] : memref<10112x48xf32, #tpu.memory_space<hbm>> -> memref<128x48xf32, #tpu.memory_space<hbm>>
      tpu.wait_dma2 semaphore(%arg11 : memref<!tpu.dma_semaphore, #tpu.memory_space<semaphore_mem>>) src(%dma_wait3A_150 : memref<128x48xf32, #tpu.memory_space<hbm>>) dst(%arg8 : memref<128x48xf32, #tpu.memory_space<vmem>>)
      %dma_start3A_151 = arith.constant 0 : i32
      %dma_start3A_152 = arith.constant 1 : i32
      %dma_start3A_153 = arith.constant 0 : i32
      %dma_start3A_154 = tpu.memref_slice %arg7[%dma_start3A_151, %dma_start3A_152, %dma_start3A_153] : memref<4x2x128xi32, #tpu.memory_space<vmem>> -> memref<1x1x128xi32, #tpu.memory_space<vmem>>
      %dma_start3A_155 = tpu.memref_squeeze %dma_start3A_154 : memref<1x1x128xi32, #tpu.memory_space<vmem>> -> memref<128xi32, #tpu.memory_space<vmem>>
      %dma_start3A_156 = arith.constant 0 : i32
      %dma_start3A_157 = arith.constant 0 : i32
      %dma_start3A_158 = tpu.memref_slice %arg10[%dma_start3A_156, %dma_start3A_157] : memref<2560x48xf32, #tpu.memory_space<vmem_shared>> -> memref<2560x48xf32, #tpu.memory_space<vmem_shared>>
      tpu.enqueue_indirect_dma source(%arg8 : memref<128x48xf32, #tpu.memory_space<vmem>>) target(%dma_start3A_158 : memref<2560x48xf32, #tpu.memory_space<vmem_shared>>) offsets(%dma_start3A_155 : memref<128xi32, #tpu.memory_space<vmem>>) semaphore(%arg13 : memref<!tpu.dma_semaphore, #tpu.memory_space<semaphore_mem>>) {add = true}
      %dma_wait3A_159 = arith.constant 0 : i32
      %dma_wait3A_160 = arith.constant 0 : i32
      %dma_wait3A_161 = tpu.memref_slice %arg2[%dma_wait3A_159, %dma_wait3A_160] : memref<10112x48xf32, #tpu.memory_space<hbm>> -> memref<128x48xf32, #tpu.memory_space<hbm>>
      %dma_wait3A_162 = arith.constant 0 : i32
      %dma_wait3A_163 = arith.constant 0 : i32
      %dma_wait3A_164 = tpu.memref_slice %arg2[%dma_wait3A_162, %dma_wait3A_163] : memref<10112x48xf32, #tpu.memory_space<hbm>> -> memref<128x48xf32, #tpu.memory_space<hbm>>
      tpu.wait_dma2 semaphore(%arg12 : memref<!tpu.dma_semaphore, #tpu.memory_space<semaphore_mem>>) src(%dma_wait3A_164 : memref<128x48xf32, #tpu.memory_space<hbm>>) dst(%arg8 : memref<128x48xf32, #tpu.memory_space<vmem>>)
      %dma_start3A_165 = arith.constant 1 : i32
      %dma_start3A_166 = arith.constant 1 : i32
      %dma_start3A_167 = arith.constant 0 : i32
      %dma_start3A_168 = tpu.memref_slice %arg7[%dma_start3A_165, %dma_start3A_166, %dma_start3A_167] : memref<4x2x128xi32, #tpu.memory_space<vmem>> -> memref<1x1x128xi32, #tpu.memory_space<vmem>>
      %dma_start3A_169 = tpu.memref_squeeze %dma_start3A_168 : memref<1x1x128xi32, #tpu.memory_space<vmem>> -> memref<128xi32, #tpu.memory_space<vmem>>
      %dma_start3A_170 = arith.constant 0 : i32
      %dma_start3A_171 = arith.constant 0 : i32
      %dma_start3A_172 = tpu.memref_slice %arg10[%dma_start3A_170, %dma_start3A_171] : memref<2560x48xf32, #tpu.memory_space<vmem_shared>> -> memref<2560x48xf32, #tpu.memory_space<vmem_shared>>
      tpu.enqueue_indirect_dma source(%arg9 : memref<128x48xf32, #tpu.memory_space<vmem>>) target(%dma_start3A_172 : memref<2560x48xf32, #tpu.memory_space<vmem_shared>>) offsets(%dma_start3A_169 : memref<128xi32, #tpu.memory_space<vmem>>) semaphore(%arg14 : memref<!tpu.dma_semaphore, #tpu.memory_space<semaphore_mem>>) {add = true}
      %dma_wait3A_173 = arith.constant 0 : i32
      %dma_wait3A_174 = arith.constant 0 : i32
      %dma_wait3A_175 = tpu.memref_slice %arg2[%dma_wait3A_173, %dma_wait3A_174] : memref<10112x48xf32, #tpu.memory_space<hbm>> -> memref<128x48xf32, #tpu.memory_space<hbm>>
      %dma_wait3A_176 = arith.constant 0 : i32
      %dma_wait3A_177 = arith.constant 0 : i32
      %dma_wait3A_178 = tpu.memref_slice %arg2[%dma_wait3A_176, %dma_wait3A_177] : memref<10112x48xf32, #tpu.memory_space<hbm>> -> memref<128x48xf32, #tpu.memory_space<hbm>>
      tpu.wait_dma2 semaphore(%arg13 : memref<!tpu.dma_semaphore, #tpu.memory_space<semaphore_mem>>) src(%dma_wait3A_178 : memref<128x48xf32, #tpu.memory_space<hbm>>) dst(%arg8 : memref<128x48xf32, #tpu.memory_space<vmem>>)
      %dma_start3A_179 = arith.constant 2 : i32
      %dma_start3A_180 = arith.constant 0 : i32
      %dma_start3A_181 = arith.constant 0 : i32
      %dma_start3A_182 = tpu.memref_slice %arg7[%dma_start3A_179, %dma_start3A_180, %dma_start3A_181] : memref<4x2x128xi32, #tpu.memory_space<vmem>> -> memref<1x1x128xi32, #tpu.memory_space<vmem>>
      %dma_start3A_183 = tpu.memref_squeeze %dma_start3A_182 : memref<1x1x128xi32, #tpu.memory_space<vmem>> -> memref<128xi32, #tpu.memory_space<vmem>>
      %dma_start3A_184 = arith.constant 0 : i32
      %dma_start3A_185 = arith.constant 0 : i32
      %dma_start3A_186 = tpu.memref_slice %arg2[%dma_start3A_184, %dma_start3A_185] : memref<10112x48xf32, #tpu.memory_space<hbm>> -> memref<10112x48xf32, #tpu.memory_space<hbm>>
      tpu.enqueue_indirect_dma source(%dma_start3A_186 : memref<10112x48xf32, #tpu.memory_space<hbm>>) target(%arg8 : memref<128x48xf32, #tpu.memory_space<vmem>>) offsets(%dma_start3A_183 : memref<128xi32, #tpu.memory_space<vmem>>) semaphore(%arg11 : memref<!tpu.dma_semaphore, #tpu.memory_space<semaphore_mem>>)
      %dma_wait3A_187 = arith.constant 0 : i32
      %dma_wait3A_188 = arith.constant 0 : i32
      %dma_wait3A_189 = tpu.memref_slice %arg2[%dma_wait3A_187, %dma_wait3A_188] : memref<10112x48xf32, #tpu.memory_space<hbm>> -> memref<128x48xf32, #tpu.memory_space<hbm>>
      %dma_wait3A_190 = arith.constant 0 : i32
      %dma_wait3A_191 = arith.constant 0 : i32
      %dma_wait3A_192 = tpu.memref_slice %arg2[%dma_wait3A_190, %dma_wait3A_191] : memref<10112x48xf32, #tpu.memory_space<hbm>> -> memref<128x48xf32, #tpu.memory_space<hbm>>
      tpu.wait_dma2 semaphore(%arg14 : memref<!tpu.dma_semaphore, #tpu.memory_space<semaphore_mem>>) src(%dma_wait3A_192 : memref<128x48xf32, #tpu.memory_space<hbm>>) dst(%arg8 : memref<128x48xf32, #tpu.memory_space<vmem>>)
      %dma_start3A_193 = arith.constant 3 : i32
      %dma_start3A_194 = arith.constant 0 : i32
      %dma_start3A_195 = arith.constant 0 : i32
      %dma_start3A_196 = tpu.memref_slice %arg7[%dma_start3A_193, %dma_start3A_194, %dma_start3A_195] : memref<4x2x128xi32, #tpu.memory_space<vmem>> -> memref<1x1x128xi32, #tpu.memory_space<vmem>>
      %dma_start3A_197 = tpu.memref_squeeze %dma_start3A_196 : memref<1x1x128xi32, #tpu.memory_space<vmem>> -> memref<128xi32, #tpu.memory_space<vmem>>
      %dma_start3A_198 = arith.constant 0 : i32
      %dma_start3A_199 = arith.constant 0 : i32
      %dma_start3A_200 = tpu.memref_slice %arg2[%dma_start3A_198, %dma_start3A_199] : memref<10112x48xf32, #tpu.memory_space<hbm>> -> memref<10112x48xf32, #tpu.memory_space<hbm>>
      tpu.enqueue_indirect_dma source(%dma_start3A_200 : memref<10112x48xf32, #tpu.memory_space<hbm>>) target(%arg9 : memref<128x48xf32, #tpu.memory_space<vmem>>) offsets(%dma_start3A_197 : memref<128xi32, #tpu.memory_space<vmem>>) semaphore(%arg12 : memref<!tpu.dma_semaphore, #tpu.memory_space<semaphore_mem>>)
      %dma_wait3A_201 = arith.constant 0 : i32
      %dma_wait3A_202 = arith.constant 0 : i32
      %dma_wait3A_203 = tpu.memref_slice %arg2[%dma_wait3A_201, %dma_wait3A_202] : memref<10112x48xf32, #tpu.memory_space<hbm>> -> memref<128x48xf32, #tpu.memory_space<hbm>>
      %dma_wait3A_204 = arith.constant 0 : i32
      %dma_wait3A_205 = arith.constant 0 : i32
      %dma_wait3A_206 = tpu.memref_slice %arg2[%dma_wait3A_204, %dma_wait3A_205] : memref<10112x48xf32, #tpu.memory_space<hbm>> -> memref<128x48xf32, #tpu.memory_space<hbm>>
      tpu.wait_dma2 semaphore(%arg11 : memref<!tpu.dma_semaphore, #tpu.memory_space<semaphore_mem>>) src(%dma_wait3A_206 : memref<128x48xf32, #tpu.memory_space<hbm>>) dst(%arg8 : memref<128x48xf32, #tpu.memory_space<vmem>>)
      %dma_start3A_207 = arith.constant 2 : i32
      %dma_start3A_208 = arith.constant 1 : i32
      %dma_start3A_209 = arith.constant 0 : i32
      %dma_start3A_210 = tpu.memref_slice %arg7[%dma_start3A_207, %dma_start3A_208, %dma_start3A_209] : memref<4x2x128xi32, #tpu.memory_space<vmem>> -> memref<1x1x128xi32, #tpu.memory_space<vmem>>
      %dma_start3A_211 = tpu.memref_squeeze %dma_start3A_210 : memref<1x1x128xi32, #tpu.memory_space<vmem>> -> memref<128xi32, #tpu.memory_space<vmem>>
      %dma_start3A_212 = arith.constant 0 : i32
      %dma_start3A_213 = arith.constant 0 : i32
      %dma_start3A_214 = tpu.memref_slice %arg10[%dma_start3A_212, %dma_start3A_213] : memref<2560x48xf32, #tpu.memory_space<vmem_shared>> -> memref<2560x48xf32, #tpu.memory_space<vmem_shared>>
      tpu.enqueue_indirect_dma source(%arg8 : memref<128x48xf32, #tpu.memory_space<vmem>>) target(%dma_start3A_214 : memref<2560x48xf32, #tpu.memory_space<vmem_shared>>) offsets(%dma_start3A_211 : memref<128xi32, #tpu.memory_space<vmem>>) semaphore(%arg13 : memref<!tpu.dma_semaphore, #tpu.memory_space<semaphore_mem>>) {add = true}
      %dma_wait3A_215 = arith.constant 0 : i32
      %dma_wait3A_216 = arith.constant 0 : i32
      %dma_wait3A_217 = tpu.memref_slice %arg2[%dma_wait3A_215, %dma_wait3A_216] : memref<10112x48xf32, #tpu.memory_space<hbm>> -> memref<128x48xf32, #tpu.memory_space<hbm>>
      %dma_wait3A_218 = arith.constant 0 : i32
      %dma_wait3A_219 = arith.constant 0 : i32
      %dma_wait3A_220 = tpu.memref_slice %arg2[%dma_wait3A_218, %dma_wait3A_219] : memref<10112x48xf32, #tpu.memory_space<hbm>> -> memref<128x48xf32, #tpu.memory_space<hbm>>
      tpu.wait_dma2 semaphore(%arg12 : memref<!tpu.dma_semaphore, #tpu.memory_space<semaphore_mem>>) src(%dma_wait3A_220 : memref<128x48xf32, #tpu.memory_space<hbm>>) dst(%arg8 : memref<128x48xf32, #tpu.memory_space<vmem>>)
      %dma_start3A_221 = arith.constant 3 : i32
      %dma_start3A_222 = arith.constant 1 : i32
      %dma_start3A_223 = arith.constant 0 : i32
      %dma_start3A_224 = tpu.memref_slice %arg7[%dma_start3A_221, %dma_start3A_222, %dma_start3A_223] : memref<4x2x128xi32, #tpu.memory_space<vmem>> -> memref<1x1x128xi32, #tpu.memory_space<vmem>>
      %dma_start3A_225 = tpu.memref_squeeze %dma_start3A_224 : memref<1x1x128xi32, #tpu.memory_space<vmem>> -> memref<128xi32, #tpu.memory_space<vmem>>
      %dma_start3A_226 = arith.constant 0 : i32
      %dma_start3A_227 = arith.constant 0 : i32
      %dma_start3A_228 = tpu.memref_slice %arg10[%dma_start3A_226, %dma_start3A_227] : memref<2560x48xf32, #tpu.memory_space<vmem_shared>> -> memref<2560x48xf32, #tpu.memory_space<vmem_shared>>
      tpu.enqueue_indirect_dma source(%arg9 : memref<128x48xf32, #tpu.memory_space<vmem>>) target(%dma_start3A_228 : memref<2560x48xf32, #tpu.memory_space<vmem_shared>>) offsets(%dma_start3A_225 : memref<128xi32, #tpu.memory_space<vmem>>) semaphore(%arg14 : memref<!tpu.dma_semaphore, #tpu.memory_space<semaphore_mem>>) {add = true}
      %lt3A_229 = arith.constant 9 : i32
      %lt3A_230 = arith.cmpi slt, %scan3A_27, %lt3A_229 : i32
      %convert_element_type3A_231 = arith.extui %lt3A_230 : i1 to i32
      %cond3A_232 = arith.constant 0 : i32
      %cond3A_233 = arith.cmpi ne, %convert_element_type3A_231, %cond3A_232 : i32
      scf.if %cond3A_233 {
        %dma_wait3A_238 = arith.constant 0 : i32
        %dma_wait3A_239 = arith.constant 0 : i32
        %dma_wait3A_240 = arith.constant 0 : i32
        %dma_wait3A_241 = arith.constant 0 : i32
        %dma_wait3A_242 = tpu.memref_slice %arg3[%arg0, %arg1, %dma_wait3A_238, %dma_wait3A_239, %dma_wait3A_240, %dma_wait3A_241] : memref<2x16x20x4x2x128xi32, #tpu.memory_space<hbm>> -> memref<1x1x1x4x2x128xi32, #tpu.memory_space<hbm>>
        %dma_wait3A_243 = tpu.memref_squeeze %dma_wait3A_242 : memref<1x1x1x4x2x128xi32, #tpu.memory_space<hbm>> -> memref<4x2x128xi32, #tpu.memory_space<hbm>>
        %dma_wait3A_244 = arith.constant 0 : i32
        %dma_wait3A_245 = arith.constant 0 : i32
        %dma_wait3A_246 = arith.constant 0 : i32
        %dma_wait3A_247 = tpu.memref_slice %arg3[%arg0, %arg1, %dma_wait3A_238, %dma_wait3A_244, %dma_wait3A_245, %dma_wait3A_246] : memref<2x16x20x4x2x128xi32, #tpu.memory_space<hbm>> -> memref<1x1x1x4x2x128xi32, #tpu.memory_space<hbm>>
        %dma_wait3A_248 = tpu.memref_squeeze %dma_wait3A_247 : memref<1x1x1x4x2x128xi32, #tpu.memory_space<hbm>> -> memref<4x2x128xi32, #tpu.memory_space<hbm>>
        tpu.wait_dma2 semaphore(%arg15 : memref<!tpu.dma_semaphore, #tpu.memory_space<semaphore_mem>>) src(%dma_wait3A_248 : memref<4x2x128xi32, #tpu.memory_space<hbm>>) dst(%arg6 : memref<4x2x128xi32, #tpu.memory_space<vmem>>)
        %dma_wait3A_249 = arith.constant 0 : i32
        %dma_wait3A_250 = arith.constant 0 : i32
        %dma_wait3A_251 = tpu.memref_slice %arg2[%dma_wait3A_249, %dma_wait3A_250] : memref<10112x48xf32, #tpu.memory_space<hbm>> -> memref<128x48xf32, #tpu.memory_space<hbm>>
        %dma_wait3A_252 = arith.constant 0 : i32
        %dma_wait3A_253 = arith.constant 0 : i32
        %dma_wait3A_254 = tpu.memref_slice %arg2[%dma_wait3A_252, %dma_wait3A_253] : memref<10112x48xf32, #tpu.memory_space<hbm>> -> memref<128x48xf32, #tpu.memory_space<hbm>>
        tpu.wait_dma2 semaphore(%arg13 : memref<!tpu.dma_semaphore, #tpu.memory_space<semaphore_mem>>) src(%dma_wait3A_254 : memref<128x48xf32, #tpu.memory_space<hbm>>) dst(%arg8 : memref<128x48xf32, #tpu.memory_space<vmem>>)
        %dma_start3A_255 = arith.constant 0 : i32
        %dma_start3A_256 = arith.constant 0 : i32
        %dma_start3A_257 = arith.constant 0 : i32
        %dma_start3A_258 = tpu.memref_slice %arg6[%dma_start3A_255, %dma_start3A_256, %dma_start3A_257] : memref<4x2x128xi32, #tpu.memory_space<vmem>> -> memref<1x1x128xi32, #tpu.memory_space<vmem>>
        %dma_start3A_259 = tpu.memref_squeeze %dma_start3A_258 : memref<1x1x128xi32, #tpu.memory_space<vmem>> -> memref<128xi32, #tpu.memory_space<vmem>>
        %dma_start3A_260 = arith.constant 0 : i32
        %dma_start3A_261 = arith.constant 0 : i32
        %dma_start3A_262 = tpu.memref_slice %arg2[%dma_start3A_260, %dma_start3A_261] : memref<10112x48xf32, #tpu.memory_space<hbm>> -> memref<10112x48xf32, #tpu.memory_space<hbm>>
        tpu.enqueue_indirect_dma source(%dma_start3A_262 : memref<10112x48xf32, #tpu.memory_space<hbm>>) target(%arg8 : memref<128x48xf32, #tpu.memory_space<vmem>>) offsets(%dma_start3A_259 : memref<128xi32, #tpu.memory_space<vmem>>) semaphore(%arg11 : memref<!tpu.dma_semaphore, #tpu.memory_space<semaphore_mem>>)
        %dma_wait3A_263 = arith.constant 0 : i32
        %dma_wait3A_264 = arith.constant 0 : i32
        %dma_wait3A_265 = tpu.memref_slice %arg2[%dma_wait3A_263, %dma_wait3A_264] : memref<10112x48xf32, #tpu.memory_space<hbm>> -> memref<128x48xf32, #tpu.memory_space<hbm>>
        %dma_wait3A_266 = arith.constant 0 : i32
        %dma_wait3A_267 = arith.constant 0 : i32
        %dma_wait3A_268 = tpu.memref_slice %arg2[%dma_wait3A_266, %dma_wait3A_267] : memref<10112x48xf32, #tpu.memory_space<hbm>> -> memref<128x48xf32, #tpu.memory_space<hbm>>
        tpu.wait_dma2 semaphore(%arg14 : memref<!tpu.dma_semaphore, #tpu.memory_space<semaphore_mem>>) src(%dma_wait3A_268 : memref<128x48xf32, #tpu.memory_space<hbm>>) dst(%arg8 : memref<128x48xf32, #tpu.memory_space<vmem>>)
        %dma_start3A_269 = arith.constant 1 : i32
        %dma_start3A_270 = arith.constant 0 : i32
        %dma_start3A_271 = arith.constant 0 : i32
        %dma_start3A_272 = tpu.memref_slice %arg6[%dma_start3A_269, %dma_start3A_270, %dma_start3A_271] : memref<4x2x128xi32, #tpu.memory_space<vmem>> -> memref<1x1x128xi32, #tpu.memory_space<vmem>>
        %dma_start3A_273 = tpu.memref_squeeze %dma_start3A_272 : memref<1x1x128xi32, #tpu.memory_space<vmem>> -> memref<128xi32, #tpu.memory_space<vmem>>
        %dma_start3A_274 = arith.constant 0 : i32
        %dma_start3A_275 = arith.constant 0 : i32
        %dma_start3A_276 = tpu.memref_slice %arg2[%dma_start3A_274, %dma_start3A_275] : memref<10112x48xf32, #tpu.memory_space<hbm>> -> memref<10112x48xf32, #tpu.memory_space<hbm>>
        tpu.enqueue_indirect_dma source(%dma_start3A_276 : memref<10112x48xf32, #tpu.memory_space<hbm>>) target(%arg9 : memref<128x48xf32, #tpu.memory_space<vmem>>) offsets(%dma_start3A_273 : memref<128xi32, #tpu.memory_space<vmem>>) semaphore(%arg12 : memref<!tpu.dma_semaphore, #tpu.memory_space<semaphore_mem>>)
        %mul3A_277 = arith.constant 2 : i32
        %mul3A_278 = arith.muli %mul3A_277, %scan3A_27 : i32
        %add3A = arith.constant 3 : i32
        %add3A_279 = arith.addi %mul3A_278, %add3A : i32
        %dma_start3A_280 = arith.constant 0 : i32
        %dma_start3A_281 = arith.constant 0 : i32
        %dma_start3A_282 = arith.constant 0 : i32
        %dma_start3A_283 = tpu.memref_slice %arg3[%arg0, %arg1, %add3A_279, %dma_start3A_280, %dma_start3A_281, %dma_start3A_282] : memref<2x16x20x4x2x128xi32, #tpu.memory_space<hbm>> -> memref<1x1x1x4x2x128xi32, #tpu.memory_space<hbm>>
        %dma_start3A_284 = tpu.memref_squeeze %dma_start3A_283 : memref<1x1x1x4x2x128xi32, #tpu.memory_space<hbm>> -> memref<4x2x128xi32, #tpu.memory_space<hbm>>
        %dma_start3A_285 = arith.constant 0 : i32
        %dma_start3A_286 = arith.constant 0 : i32
        %dma_start3A_287 = arith.constant 0 : i32
        %dma_start3A_288 = tpu.memref_slice %arg3[%arg0, %arg1, %add3A_279, %dma_start3A_285, %dma_start3A_286, %dma_start3A_287] : memref<2x16x20x4x2x128xi32, #tpu.memory_space<hbm>> -> memref<1x1x1x4x2x128xi32, #tpu.memory_space<hbm>>
        %dma_start3A_289 = tpu.memref_squeeze %dma_start3A_288 : memref<1x1x1x4x2x128xi32, #tpu.memory_space<hbm>> -> memref<4x2x128xi32, #tpu.memory_space<hbm>>
        tpu.enqueue_dma source(%dma_start3A_289 : memref<4x2x128xi32, #tpu.memory_space<hbm>>) target(%arg7 : memref<4x2x128xi32, #tpu.memory_space<vmem>>) target_semaphore(%arg16 : memref<!tpu.dma_semaphore, #tpu.memory_space<semaphore_mem>>)
      } else {
      }
      %eq3A = arith.constant 9 : i32
      %eq3A_234 = arith.cmpi eq, %scan3A_27, %eq3A : i32
      %convert_element_type3A_235 = arith.extui %eq3A_234 : i1 to i32
      %cond3A_236 = arith.constant 0 : i32
      %cond3A_237 = arith.cmpi ne, %convert_element_type3A_235, %cond3A_236 : i32
      scf.if %cond3A_237 {
        %dma_wait3A_238 = arith.constant 0 : i32
        %dma_wait3A_239 = arith.constant 0 : i32
        %dma_wait3A_240 = tpu.memref_slice %arg2[%dma_wait3A_238, %dma_wait3A_239] : memref<10112x48xf32, #tpu.memory_space<hbm>> -> memref<128x48xf32, #tpu.memory_space<hbm>>
        %dma_wait3A_241 = arith.constant 0 : i32
        %dma_wait3A_242 = arith.constant 0 : i32
        %dma_wait3A_243 = tpu.memref_slice %arg2[%dma_wait3A_241, %dma_wait3A_242] : memref<10112x48xf32, #tpu.memory_space<hbm>> -> memref<128x48xf32, #tpu.memory_space<hbm>>
        tpu.wait_dma2 semaphore(%arg13 : memref<!tpu.dma_semaphore, #tpu.memory_space<semaphore_mem>>) src(%dma_wait3A_243 : memref<128x48xf32, #tpu.memory_space<hbm>>) dst(%arg8 : memref<128x48xf32, #tpu.memory_space<vmem>>)
        %dma_wait3A_244 = arith.constant 0 : i32
        %dma_wait3A_245 = arith.constant 0 : i32
        %dma_wait3A_246 = tpu.memref_slice %arg2[%dma_wait3A_244, %dma_wait3A_245] : memref<10112x48xf32, #tpu.memory_space<hbm>> -> memref<128x48xf32, #tpu.memory_space<hbm>>
        %dma_wait3A_247 = arith.constant 0 : i32
        %dma_wait3A_248 = arith.constant 0 : i32
        %dma_wait3A_249 = tpu.memref_slice %arg2[%dma_wait3A_247, %dma_wait3A_248] : memref<10112x48xf32, #tpu.memory_space<hbm>> -> memref<128x48xf32, #tpu.memory_space<hbm>>
        tpu.wait_dma2 semaphore(%arg14 : memref<!tpu.dma_semaphore, #tpu.memory_space<semaphore_mem>>) src(%dma_wait3A_249 : memref<128x48xf32, #tpu.memory_space<hbm>>) dst(%arg8 : memref<128x48xf32, #tpu.memory_space<vmem>>)
      } else {
      }
    }
    %scan3A_21 = arith.constant 10 : i32
    %barrier3A_22 = arith.constant 0 : index
    tpu.barrier barrier_id(%barrier3A_22)
    %mul3A_23 = arith.constant 160 : i32
    %mul3A_24 = arith.muli %arg1, %mul3A_23 : i32
    %mul3A_25 = arith.constant 160 : i32
    %mul3A_26 = arith.muli %arg1, %mul3A_25 : i32
    "tpu.region"() ({
      %run_scoped3A_27 = tpu.sem_alloc : memref<!tpu.dma_semaphore, #tpu.memory_space<semaphore_mem>>
      %dma_start3A_28 = arith.constant 0 : i32
      %dma_start3A_29 = tpu.memref_slice %arg5[%arg0, %mul3A_26, %dma_start3A_28] : memref<2x2560x48xf32, #tpu.memory_space<hbm>> -> memref<1x160x48xf32, #tpu.memory_space<hbm>>
      %dma_start3A_30 = tpu.memref_squeeze %dma_start3A_29 : memref<1x160x48xf32, #tpu.memory_space<hbm>> -> memref<160x48xf32, #tpu.memory_space<hbm>>
      %dma_start3A_31 = arith.constant 0 : i32
      %dma_start3A_32 = tpu.memref_slice %arg10[%mul3A_24, %dma_start3A_31] : memref<2560x48xf32, #tpu.memory_space<vmem_shared>> -> memref<160x48xf32, #tpu.memory_space<vmem_shared>>
      tpu.enqueue_dma source(%dma_start3A_32 : memref<160x48xf32, #tpu.memory_space<vmem_shared>>) target(%dma_start3A_30 : memref<160x48xf32, #tpu.memory_space<hbm>>) target_semaphore(%run_scoped3A_27 : memref<!tpu.dma_semaphore, #tpu.memory_space<semaphore_mem>>)
      %dma_wait3A = arith.constant 0 : i32
      %dma_wait3A_33 = tpu.memref_slice %arg5[%arg0, %mul3A_26, %dma_wait3A] : memref<2x2560x48xf32, #tpu.memory_space<hbm>> -> memref<1x160x48xf32, #tpu.memory_space<hbm>>
      %dma_wait3A_34 = tpu.memref_squeeze %dma_wait3A_33 : memref<1x160x48xf32, #tpu.memory_space<hbm>> -> memref<160x48xf32, #tpu.memory_space<hbm>>
      %dma_wait3A_35 = arith.constant 0 : i32
      %dma_wait3A_36 = tpu.memref_slice %arg10[%mul3A_24, %dma_wait3A_35] : memref<2560x48xf32, #tpu.memory_space<vmem_shared>> -> memref<160x48xf32, #tpu.memory_space<vmem_shared>>
      tpu.wait_dma2 semaphore(%run_scoped3A_27 : memref<!tpu.dma_semaphore, #tpu.memory_space<semaphore_mem>>) src(%dma_wait3A_36 : memref<160x48xf32, #tpu.memory_space<vmem_shared>>) dst(%dma_wait3A_34 : memref<160x48xf32, #tpu.memory_space<hbm>>)
      tpu.yield
    }) : () -> ()
    return
  }
}

#map = affine_map<(d0, d1) -> (0, 0)>
#map1 = affine_map<(d0, d1) -> (0, 0, 0, 0, 0, 0)>
#map2 = affine_map<(d0, d1) -> (0, 0, 0)>
module attributes {stable_mosaic.version = 14 : i64} {
  func.func @body(%arg0: i32, %arg1: i32, %arg2: memref<10112x48xf32, #tpu.memory_space<hbm>>, %arg3: memref<2x16x20x4x2x128xi32, #tpu.memory_space<hbm>>, %arg4: memref<160x48xf32, #tpu.memory_space<hbm>>, %arg5: memref<2x2560x48xf32, #tpu.memory_space<hbm>>, %arg6: memref<4x2x128xi32, #tpu.memory_space<vmem>>, %arg7: memref<4x2x128xi32, #tpu.memory_space<vmem>>, %arg8: memref<128x48xf32, #tpu.memory_space<vmem>>, %arg9: memref<128x48xf32, #tpu.memory_space<vmem>>, %arg10: memref<2560x48xf32, #tpu.memory_space<vmem_shared>>, %arg11: memref<!tpu.dma_semaphore, #tpu.memory_space<semaphore_mem>>, %arg12: memref<!tpu.dma_semaphore, #tpu.memory_space<semaphore_mem>>, %arg13: memref<!tpu.dma_semaphore, #tpu.memory_space<semaphore_mem>>, %arg14: memref<!tpu.dma_semaphore, #tpu.memory_space<semaphore_mem>>, %arg15: memref<!tpu.dma_semaphore, #tpu.memory_space<semaphore_mem>>, %arg16: memref<!tpu.dma_semaphore, #tpu.memory_space<semaphore_mem>>) attributes {dimension_semantics = [#tpu.dimension_semantics<core_parallel>, #tpu.dimension_semantics<subcore_parallel>], iteration_bounds = array<i64: 2, 16>, scalar_prefetch = 0 : i64, scratch_operands = 11 : i64, tpu.core_type = #tpu.core_type<sc_vector_subcore>, window_params = [{transform_indices = #map}, {transform_indices = #map1}, {transform_indices = #map}, {transform_indices = #map2}]} {
    %mul3A = arith.constant 160 : i32
    %mul3A_0 = arith.muli %arg1, %mul3A : i32
    "tpu.region"() ({
      %run_scoped3A_27 = tpu.sem_alloc : memref<!tpu.dma_semaphore, #tpu.memory_space<semaphore_mem>>
      %dma_start3A_28 = arith.constant 0 : i32
      %dma_start3A_29 = tpu.memref_slice %arg10[%mul3A_0, %dma_start3A_28] : memref<2560x48xf32, #tpu.memory_space<vmem_shared>> -> memref<160x48xf32, #tpu.memory_space<vmem_shared>>
      tpu.enqueue_dma source(%arg4 : memref<160x48xf32, #tpu.memory_space<hbm>>) target(%dma_start3A_29 : memref<160x48xf32, #tpu.memory_space<vmem_shared>>) target_semaphore(%run_scoped3A_27 : memref<!tpu.dma_semaphore, #tpu.memory_space<semaphore_mem>>)
      %dma_wait3A = arith.constant 0 : i32
      %dma_wait3A_30 = tpu.memref_slice %arg10[%mul3A_0, %dma_wait3A] : memref<2560x48xf32, #tpu.memory_space<vmem_shared>> -> memref<160x48xf32, #tpu.memory_space<vmem_shared>>
      tpu.wait_dma2 semaphore(%run_scoped3A_27 : memref<!tpu.dma_semaphore, #tpu.memory_space<semaphore_mem>>) src(%arg4 : memref<160x48xf32, #tpu.memory_space<hbm>>) dst(%dma_wait3A_30 : memref<160x48xf32, #tpu.memory_space<vmem_shared>>)
      tpu.yield
    }) : () -> ()
    %run_scoped3A = arith.constant 0 : i32
    "tpu.region"() ({
      %run_scoped3A_27 = tpu.sem_alloc : memref<!tpu.dma_semaphore, #tpu.memory_space<semaphore_mem>>
      %dma_start3A_28 = arith.constant 0 : i32
      %dma_start3A_29 = arith.constant 0 : i32
      %dma_start3A_30 = arith.constant 0 : i32
      %dma_start3A_31 = tpu.memref_slice %arg3[%arg0, %arg1, %run_scoped3A, %dma_start3A_28, %dma_start3A_29, %dma_start3A_30] : memref<2x16x20x4x2x128xi32, #tpu.memory_space<hbm>> -> memref<1x1x1x4x2x128xi32, #tpu.memory_space<hbm>>
      %dma_start3A_32 = tpu.memref_squeeze %dma_start3A_31 : memref<1x1x1x4x2x128xi32, #tpu.memory_space<hbm>> -> memref<4x2x128xi32, #tpu.memory_space<hbm>>
      %dma_start3A_33 = arith.constant 0 : i32
      %dma_start3A_34 = arith.constant 0 : i32
      %dma_start3A_35 = arith.constant 0 : i32
      %dma_start3A_36 = tpu.memref_slice %arg3[%arg0, %arg1, %run_scoped3A, %dma_start3A_33, %dma_start3A_34, %dma_start3A_35] : memref<2x16x20x4x2x128xi32, #tpu.memory_space<hbm>> -> memref<1x1x1x4x2x128xi32, #tpu.memory_space<hbm>>
      %dma_start3A_37 = tpu.memref_squeeze %dma_start3A_36 : memref<1x1x1x4x2x128xi32, #tpu.memory_space<hbm>> -> memref<4x2x128xi32, #tpu.memory_space<hbm>>
      tpu.enqueue_dma source(%dma_start3A_37 : memref<4x2x128xi32, #tpu.memory_space<hbm>>) target(%arg6 : memref<4x2x128xi32, #tpu.memory_space<vmem>>) target_semaphore(%run_scoped3A_27 : memref<!tpu.dma_semaphore, #tpu.memory_space<semaphore_mem>>)
      %dma_wait3A = arith.constant 0 : i32
      %dma_wait3A_38 = arith.constant 0 : i32
      %dma_wait3A_39 = arith.constant 0 : i32
      %dma_wait3A_40 = tpu.memref_slice %arg3[%arg0, %arg1, %run_scoped3A, %dma_wait3A, %dma_wait3A_38, %dma_wait3A_39] : memref<2x16x20x4x2x128xi32, #tpu.memory_space<hbm>> -> memref<1x1x1x4x2x128xi32, #tpu.memory_space<hbm>>
      %dma_wait3A_41 = tpu.memref_squeeze %dma_wait3A_40 : memref<1x1x1x4x2x128xi32, #tpu.memory_space<hbm>> -> memref<4x2x128xi32, #tpu.memory_space<hbm>>
      %dma_wait3A_42 = arith.constant 0 : i32
      %dma_wait3A_43 = arith.constant 0 : i32
      %dma_wait3A_44 = arith.constant 0 : i32
      %dma_wait3A_45 = tpu.memref_slice %arg3[%arg0, %arg1, %run_scoped3A, %dma_wait3A_42, %dma_wait3A_43, %dma_wait3A_44] : memref<2x16x20x4x2x128xi32, #tpu.memory_space<hbm>> -> memref<1x1x1x4x2x128xi32, #tpu.memory_space<hbm>>
      %dma_wait3A_46 = tpu.memref_squeeze %dma_wait3A_45 : memref<1x1x1x4x2x128xi32, #tpu.memory_space<hbm>> -> memref<4x2x128xi32, #tpu.memory_space<hbm>>
      tpu.wait_dma2 semaphore(%run_scoped3A_27 : memref<!tpu.dma_semaphore, #tpu.memory_space<semaphore_mem>>) src(%dma_wait3A_46 : memref<4x2x128xi32, #tpu.memory_space<hbm>>) dst(%arg6 : memref<4x2x128xi32, #tpu.memory_space<vmem>>)
      tpu.yield
    }) : () -> ()
    %run_scoped3A_1 = arith.constant 1 : i32
    "tpu.region"() ({
      %run_scoped3A_27 = tpu.sem_alloc : memref<!tpu.dma_semaphore, #tpu.memory_space<semaphore_mem>>
      %dma_start3A_28 = arith.constant 0 : i32
      %dma_start3A_29 = arith.constant 0 : i32
      %dma_start3A_30 = arith.constant 0 : i32
      %dma_start3A_31 = tpu.memref_slice %arg3[%arg0, %arg1, %run_scoped3A_1, %dma_start3A_28, %dma_start3A_29, %dma_start3A_30] : memref<2x16x20x4x2x128xi32, #tpu.memory_space<hbm>> -> memref<1x1x1x4x2x128xi32, #tpu.memory_space<hbm>>
      %dma_start3A_32 = tpu.memref_squeeze %dma_start3A_31 : memref<1x1x1x4x2x128xi32, #tpu.memory_space<hbm>> -> memref<4x2x128xi32, #tpu.memory_space<hbm>>
      %dma_start3A_33 = arith.constant 0 : i32
      %dma_start3A_34 = arith.constant 0 : i32
      %dma_start3A_35 = arith.constant 0 : i32
      %dma_start3A_36 = tpu.memref_slice %arg3[%arg0, %arg1, %run_scoped3A_1, %dma_start3A_33, %dma_start3A_34, %dma_start3A_35] : memref<2x16x20x4x2x128xi32, #tpu.memory_space<hbm>> -> memref<1x1x1x4x2x128xi32, #tpu.memory_space<hbm>>
      %dma_start3A_37 = tpu.memref_squeeze %dma_start3A_36 : memref<1x1x1x4x2x128xi32, #tpu.memory_space<hbm>> -> memref<4x2x128xi32, #tpu.memory_space<hbm>>
      tpu.enqueue_dma source(%dma_start3A_37 : memref<4x2x128xi32, #tpu.memory_space<hbm>>) target(%arg7 : memref<4x2x128xi32, #tpu.memory_space<vmem>>) target_semaphore(%run_scoped3A_27 : memref<!tpu.dma_semaphore, #tpu.memory_space<semaphore_mem>>)
      %dma_wait3A = arith.constant 0 : i32
      %dma_wait3A_38 = arith.constant 0 : i32
      %dma_wait3A_39 = arith.constant 0 : i32
      %dma_wait3A_40 = tpu.memref_slice %arg3[%arg0, %arg1, %run_scoped3A_1, %dma_wait3A, %dma_wait3A_38, %dma_wait3A_39] : memref<2x16x20x4x2x128xi32, #tpu.memory_space<hbm>> -> memref<1x1x1x4x2x128xi32, #tpu.memory_space<hbm>>
      %dma_wait3A_41 = tpu.memref_squeeze %dma_wait3A_40 : memref<1x1x1x4x2x128xi32, #tpu.memory_space<hbm>> -> memref<4x2x128xi32, #tpu.memory_space<hbm>>
      %dma_wait3A_42 = arith.constant 0 : i32
      %dma_wait3A_43 = arith.constant 0 : i32
      %dma_wait3A_44 = arith.constant 0 : i32
      %dma_wait3A_45 = tpu.memref_slice %arg3[%arg0, %arg1, %run_scoped3A_1, %dma_wait3A_42, %dma_wait3A_43, %dma_wait3A_44] : memref<2x16x20x4x2x128xi32, #tpu.memory_space<hbm>> -> memref<1x1x1x4x2x128xi32, #tpu.memory_space<hbm>>
      %dma_wait3A_46 = tpu.memref_squeeze %dma_wait3A_45 : memref<1x1x1x4x2x128xi32, #tpu.memory_space<hbm>> -> memref<4x2x128xi32, #tpu.memory_space<hbm>>
      tpu.wait_dma2 semaphore(%run_scoped3A_27 : memref<!tpu.dma_semaphore, #tpu.memory_space<semaphore_mem>>) src(%dma_wait3A_46 : memref<4x2x128xi32, #tpu.memory_space<hbm>>) dst(%arg7 : memref<4x2x128xi32, #tpu.memory_space<vmem>>)
      tpu.yield
    }) : () -> ()
    %barrier3A = arith.constant 0 : index
    tpu.barrier barrier_id(%barrier3A)
    %dma_start3A = arith.constant 0 : i32
    %dma_start3A_2 = arith.constant 0 : i32
    %dma_start3A_3 = arith.constant 0 : i32
    %dma_start3A_4 = tpu.memref_slice %arg6[%dma_start3A, %dma_start3A_2, %dma_start3A_3] : memref<4x2x128xi32, #tpu.memory_space<vmem>> -> memref<1x1x128xi32, #tpu.memory_space<vmem>>
    %dma_start3A_5 = tpu.memref_squeeze %dma_start3A_4 : memref<1x1x128xi32, #tpu.memory_space<vmem>> -> memref<128xi32, #tpu.memory_space<vmem>>
    %dma_start3A_6 = arith.constant 0 : i32
    %dma_start3A_7 = arith.constant 0 : i32
    %dma_start3A_8 = tpu.memref_slice %arg2[%dma_start3A_6, %dma_start3A_7] : memref<10112x48xf32, #tpu.memory_space<hbm>> -> memref<10112x48xf32, #tpu.memory_space<hbm>>
    tpu.enqueue_indirect_dma source(%dma_start3A_8 : memref<10112x48xf32, #tpu.memory_space<hbm>>) target(%arg8 : memref<128x48xf32, #tpu.memory_space<vmem>>) offsets(%dma_start3A_5 : memref<128xi32, #tpu.memory_space<vmem>>) semaphore(%arg11 : memref<!tpu.dma_semaphore, #tpu.memory_space<semaphore_mem>>)
    %dma_start3A_9 = arith.constant 1 : i32
    %dma_start3A_10 = arith.constant 0 : i32
    %dma_start3A_11 = arith.constant 0 : i32
    %dma_start3A_12 = tpu.memref_slice %arg6[%dma_start3A_9, %dma_start3A_10, %dma_start3A_11] : memref<4x2x128xi32, #tpu.memory_space<vmem>> -> memref<1x1x128xi32, #tpu.memory_space<vmem>>
    %dma_start3A_13 = tpu.memref_squeeze %dma_start3A_12 : memref<1x1x128xi32, #tpu.memory_space<vmem>> -> memref<128xi32, #tpu.memory_space<vmem>>
    %dma_start3A_14 = arith.constant 0 : i32
    %dma_start3A_15 = arith.constant 0 : i32
    %dma_start3A_16 = tpu.memref_slice %arg2[%dma_start3A_14, %dma_start3A_15] : memref<10112x48xf32, #tpu.memory_space<hbm>> -> memref<10112x48xf32, #tpu.memory_space<hbm>>
    tpu.enqueue_indirect_dma source(%dma_start3A_16 : memref<10112x48xf32, #tpu.memory_space<hbm>>) target(%arg9 : memref<128x48xf32, #tpu.memory_space<vmem>>) offsets(%dma_start3A_13 : memref<128xi32, #tpu.memory_space<vmem>>) semaphore(%arg12 : memref<!tpu.dma_semaphore, #tpu.memory_space<semaphore_mem>>)
    %scan3A = arith.constant 0 : i32
    %scan3A_17 = arith.constant 0 : i32
    %scan3A_18 = arith.constant 10 : i32
    %scan3A_19 = arith.addi %scan3A_17, %scan3A_18 : i32
    %scan3A_20 = arith.constant 1 : i32
    scf.for %scan3A_27 = %scan3A_17 to %scan3A_19 step %scan3A_20  : i32 {
      %dma_wait3A = arith.constant 0 : i32
      %dma_wait3A_28 = arith.constant 0 : i32
      %dma_wait3A_29 = tpu.memref_slice %arg2[%dma_wait3A, %dma_wait3A_28] : memref<10112x48xf32, #tpu.memory_space<hbm>> -> memref<128x48xf32, #tpu.memory_space<hbm>>
      %dma_wait3A_30 = arith.constant 0 : i32
      %dma_wait3A_31 = arith.constant 0 : i32
      %dma_wait3A_32 = tpu.memref_slice %arg2[%dma_wait3A_30, %dma_wait3A_31] : memref<10112x48xf32, #tpu.memory_space<hbm>> -> memref<128x48xf32, #tpu.memory_space<hbm>>
      tpu.wait_dma2 semaphore(%arg11 : memref<!tpu.dma_semaphore, #tpu.memory_space<semaphore_mem>>) src(%dma_wait3A_32 : memref<128x48xf32, #tpu.memory_space<hbm>>) dst(%arg8 : memref<128x48xf32, #tpu.memory_space<vmem>>)
      %dma_start3A_33 = arith.constant 0 : i32
      %dma_start3A_34 = arith.constant 1 : i32
      %dma_start3A_35 = arith.constant 0 : i32
      %dma_start3A_36 = tpu.memref_slice %arg6[%dma_start3A_33, %dma_start3A_34, %dma_start3A_35] : memref<4x2x128xi32, #tpu.memory_space<vmem>> -> memref<1x1x128xi32, #tpu.memory_space<vmem>>
      %dma_start3A_37 = tpu.memref_squeeze %dma_start3A_36 : memref<1x1x128xi32, #tpu.memory_space<vmem>> -> memref<128xi32, #tpu.memory_space<vmem>>
      %dma_start3A_38 = arith.constant 0 : i32
      %dma_start3A_39 = arith.constant 0 : i32
      %dma_start3A_40 = tpu.memref_slice %arg10[%dma_start3A_38, %dma_start3A_39] : memref<2560x48xf32, #tpu.memory_space<vmem_shared>> -> memref<2560x48xf32, #tpu.memory_space<vmem_shared>>
      tpu.enqueue_indirect_dma source(%arg8 : memref<128x48xf32, #tpu.memory_space<vmem>>) target(%dma_start3A_40 : memref<2560x48xf32, #tpu.memory_space<vmem_shared>>) offsets(%dma_start3A_37 : memref<128xi32, #tpu.memory_space<vmem>>) semaphore(%arg13 : memref<!tpu.dma_semaphore, #tpu.memory_space<semaphore_mem>>) {add = true}
      %dma_wait3A_41 = arith.constant 0 : i32
      %dma_wait3A_42 = arith.constant 0 : i32
      %dma_wait3A_43 = tpu.memref_slice %arg2[%dma_wait3A_41, %dma_wait3A_42] : memref<10112x48xf32, #tpu.memory_space<hbm>> -> memref<128x48xf32, #tpu.memory_space<hbm>>
      %dma_wait3A_44 = arith.constant 0 : i32
      %dma_wait3A_45 = arith.constant 0 : i32
      %dma_wait3A_46 = tpu.memref_slice %arg2[%dma_wait3A_44, %dma_wait3A_45] : memref<10112x48xf32, #tpu.memory_space<hbm>> -> memref<128x48xf32, #tpu.memory_space<hbm>>
      tpu.wait_dma2 semaphore(%arg12 : memref<!tpu.dma_semaphore, #tpu.memory_space<semaphore_mem>>) src(%dma_wait3A_46 : memref<128x48xf32, #tpu.memory_space<hbm>>) dst(%arg8 : memref<128x48xf32, #tpu.memory_space<vmem>>)
      %dma_start3A_47 = arith.constant 1 : i32
      %dma_start3A_48 = arith.constant 1 : i32
      %dma_start3A_49 = arith.constant 0 : i32
      %dma_start3A_50 = tpu.memref_slice %arg6[%dma_start3A_47, %dma_start3A_48, %dma_start3A_49] : memref<4x2x128xi32, #tpu.memory_space<vmem>> -> memref<1x1x128xi32, #tpu.memory_space<vmem>>
      %dma_start3A_51 = tpu.memref_squeeze %dma_start3A_50 : memref<1x1x128xi32, #tpu.memory_space<vmem>> -> memref<128xi32, #tpu.memory_space<vmem>>
      %dma_start3A_52 = arith.constant 0 : i32
      %dma_start3A_53 = arith.constant 0 : i32
      %dma_start3A_54 = tpu.memref_slice %arg10[%dma_start3A_52, %dma_start3A_53] : memref<2560x48xf32, #tpu.memory_space<vmem_shared>> -> memref<2560x48xf32, #tpu.memory_space<vmem_shared>>
      tpu.enqueue_indirect_dma source(%arg9 : memref<128x48xf32, #tpu.memory_space<vmem>>) target(%dma_start3A_54 : memref<2560x48xf32, #tpu.memory_space<vmem_shared>>) offsets(%dma_start3A_51 : memref<128xi32, #tpu.memory_space<vmem>>) semaphore(%arg14 : memref<!tpu.dma_semaphore, #tpu.memory_space<semaphore_mem>>) {add = true}
      %dma_wait3A_55 = arith.constant 0 : i32
      %dma_wait3A_56 = arith.constant 0 : i32
      %dma_wait3A_57 = tpu.memref_slice %arg2[%dma_wait3A_55, %dma_wait3A_56] : memref<10112x48xf32, #tpu.memory_space<hbm>> -> memref<128x48xf32, #tpu.memory_space<hbm>>
      %dma_wait3A_58 = arith.constant 0 : i32
      %dma_wait3A_59 = arith.constant 0 : i32
      %dma_wait3A_60 = tpu.memref_slice %arg2[%dma_wait3A_58, %dma_wait3A_59] : memref<10112x48xf32, #tpu.memory_space<hbm>> -> memref<128x48xf32, #tpu.memory_space<hbm>>
      tpu.wait_dma2 semaphore(%arg13 : memref<!tpu.dma_semaphore, #tpu.memory_space<semaphore_mem>>) src(%dma_wait3A_60 : memref<128x48xf32, #tpu.memory_space<hbm>>) dst(%arg8 : memref<128x48xf32, #tpu.memory_space<vmem>>)
      %dma_start3A_61 = arith.constant 2 : i32
      %dma_start3A_62 = arith.constant 0 : i32
      %dma_start3A_63 = arith.constant 0 : i32
      %dma_start3A_64 = tpu.memref_slice %arg6[%dma_start3A_61, %dma_start3A_62, %dma_start3A_63] : memref<4x2x128xi32, #tpu.memory_space<vmem>> -> memref<1x1x128xi32, #tpu.memory_space<vmem>>
      %dma_start3A_65 = tpu.memref_squeeze %dma_start3A_64 : memref<1x1x128xi32, #tpu.memory_space<vmem>> -> memref<128xi32, #tpu.memory_space<vmem>>
      %dma_start3A_66 = arith.constant 0 : i32
      %dma_start3A_67 = arith.constant 0 : i32
      %dma_start3A_68 = tpu.memref_slice %arg2[%dma_start3A_66, %dma_start3A_67] : memref<10112x48xf32, #tpu.memory_space<hbm>> -> memref<10112x48xf32, #tpu.memory_space<hbm>>
      tpu.enqueue_indirect_dma source(%dma_start3A_68 : memref<10112x48xf32, #tpu.memory_space<hbm>>) target(%arg8 : memref<128x48xf32, #tpu.memory_space<vmem>>) offsets(%dma_start3A_65 : memref<128xi32, #tpu.memory_space<vmem>>) semaphore(%arg11 : memref<!tpu.dma_semaphore, #tpu.memory_space<semaphore_mem>>)
      %dma_wait3A_69 = arith.constant 0 : i32
      %dma_wait3A_70 = arith.constant 0 : i32
      %dma_wait3A_71 = tpu.memref_slice %arg2[%dma_wait3A_69, %dma_wait3A_70] : memref<10112x48xf32, #tpu.memory_space<hbm>> -> memref<128x48xf32, #tpu.memory_space<hbm>>
      %dma_wait3A_72 = arith.constant 0 : i32
      %dma_wait3A_73 = arith.constant 0 : i32
      %dma_wait3A_74 = tpu.memref_slice %arg2[%dma_wait3A_72, %dma_wait3A_73] : memref<10112x48xf32, #tpu.memory_space<hbm>> -> memref<128x48xf32, #tpu.memory_space<hbm>>
      tpu.wait_dma2 semaphore(%arg14 : memref<!tpu.dma_semaphore, #tpu.memory_space<semaphore_mem>>) src(%dma_wait3A_74 : memref<128x48xf32, #tpu.memory_space<hbm>>) dst(%arg8 : memref<128x48xf32, #tpu.memory_space<vmem>>)
      %dma_start3A_75 = arith.constant 3 : i32
      %dma_start3A_76 = arith.constant 0 : i32
      %dma_start3A_77 = arith.constant 0 : i32
      %dma_start3A_78 = tpu.memref_slice %arg6[%dma_start3A_75, %dma_start3A_76, %dma_start3A_77] : memref<4x2x128xi32, #tpu.memory_space<vmem>> -> memref<1x1x128xi32, #tpu.memory_space<vmem>>
      %dma_start3A_79 = tpu.memref_squeeze %dma_start3A_78 : memref<1x1x128xi32, #tpu.memory_space<vmem>> -> memref<128xi32, #tpu.memory_space<vmem>>
      %dma_start3A_80 = arith.constant 0 : i32
      %dma_start3A_81 = arith.constant 0 : i32
      %dma_start3A_82 = tpu.memref_slice %arg2[%dma_start3A_80, %dma_start3A_81] : memref<10112x48xf32, #tpu.memory_space<hbm>> -> memref<10112x48xf32, #tpu.memory_space<hbm>>
      tpu.enqueue_indirect_dma source(%dma_start3A_82 : memref<10112x48xf32, #tpu.memory_space<hbm>>) target(%arg9 : memref<128x48xf32, #tpu.memory_space<vmem>>) offsets(%dma_start3A_79 : memref<128xi32, #tpu.memory_space<vmem>>) semaphore(%arg12 : memref<!tpu.dma_semaphore, #tpu.memory_space<semaphore_mem>>)
      %dma_wait3A_83 = arith.constant 0 : i32
      %dma_wait3A_84 = arith.constant 0 : i32
      %dma_wait3A_85 = tpu.memref_slice %arg2[%dma_wait3A_83, %dma_wait3A_84] : memref<10112x48xf32, #tpu.memory_space<hbm>> -> memref<128x48xf32, #tpu.memory_space<hbm>>
      %dma_wait3A_86 = arith.constant 0 : i32
      %dma_wait3A_87 = arith.constant 0 : i32
      %dma_wait3A_88 = tpu.memref_slice %arg2[%dma_wait3A_86, %dma_wait3A_87] : memref<10112x48xf32, #tpu.memory_space<hbm>> -> memref<128x48xf32, #tpu.memory_space<hbm>>
      tpu.wait_dma2 semaphore(%arg11 : memref<!tpu.dma_semaphore, #tpu.memory_space<semaphore_mem>>) src(%dma_wait3A_88 : memref<128x48xf32, #tpu.memory_space<hbm>>) dst(%arg8 : memref<128x48xf32, #tpu.memory_space<vmem>>)
      %dma_start3A_89 = arith.constant 2 : i32
      %dma_start3A_90 = arith.constant 1 : i32
      %dma_start3A_91 = arith.constant 0 : i32
      %dma_start3A_92 = tpu.memref_slice %arg6[%dma_start3A_89, %dma_start3A_90, %dma_start3A_91] : memref<4x2x128xi32, #tpu.memory_space<vmem>> -> memref<1x1x128xi32, #tpu.memory_space<vmem>>
      %dma_start3A_93 = tpu.memref_squeeze %dma_start3A_92 : memref<1x1x128xi32, #tpu.memory_space<vmem>> -> memref<128xi32, #tpu.memory_space<vmem>>
      %dma_start3A_94 = arith.constant 0 : i32
      %dma_start3A_95 = arith.constant 0 : i32
      %dma_start3A_96 = tpu.memref_slice %arg10[%dma_start3A_94, %dma_start3A_95] : memref<2560x48xf32, #tpu.memory_space<vmem_shared>> -> memref<2560x48xf32, #tpu.memory_space<vmem_shared>>
      tpu.enqueue_indirect_dma source(%arg8 : memref<128x48xf32, #tpu.memory_space<vmem>>) target(%dma_start3A_96 : memref<2560x48xf32, #tpu.memory_space<vmem_shared>>) offsets(%dma_start3A_93 : memref<128xi32, #tpu.memory_space<vmem>>) semaphore(%arg13 : memref<!tpu.dma_semaphore, #tpu.memory_space<semaphore_mem>>) {add = true}
      %dma_wait3A_97 = arith.constant 0 : i32
      %dma_wait3A_98 = arith.constant 0 : i32
      %dma_wait3A_99 = tpu.memref_slice %arg2[%dma_wait3A_97, %dma_wait3A_98] : memref<10112x48xf32, #tpu.memory_space<hbm>> -> memref<128x48xf32, #tpu.memory_space<hbm>>
      %dma_wait3A_100 = arith.constant 0 : i32
      %dma_wait3A_101 = arith.constant 0 : i32
      %dma_wait3A_102 = tpu.memref_slice %arg2[%dma_wait3A_100, %dma_wait3A_101] : memref<10112x48xf32, #tpu.memory_space<hbm>> -> memref<128x48xf32, #tpu.memory_space<hbm>>
      tpu.wait_dma2 semaphore(%arg12 : memref<!tpu.dma_semaphore, #tpu.memory_space<semaphore_mem>>) src(%dma_wait3A_102 : memref<128x48xf32, #tpu.memory_space<hbm>>) dst(%arg8 : memref<128x48xf32, #tpu.memory_space<vmem>>)
      %dma_start3A_103 = arith.constant 3 : i32
      %dma_start3A_104 = arith.constant 1 : i32
      %dma_start3A_105 = arith.constant 0 : i32
      %dma_start3A_106 = tpu.memref_slice %arg6[%dma_start3A_103, %dma_start3A_104, %dma_start3A_105] : memref<4x2x128xi32, #tpu.memory_space<vmem>> -> memref<1x1x128xi32, #tpu.memory_space<vmem>>
      %dma_start3A_107 = tpu.memref_squeeze %dma_start3A_106 : memref<1x1x128xi32, #tpu.memory_space<vmem>> -> memref<128xi32, #tpu.memory_space<vmem>>
      %dma_start3A_108 = arith.constant 0 : i32
      %dma_start3A_109 = arith.constant 0 : i32
      %dma_start3A_110 = tpu.memref_slice %arg10[%dma_start3A_108, %dma_start3A_109] : memref<2560x48xf32, #tpu.memory_space<vmem_shared>> -> memref<2560x48xf32, #tpu.memory_space<vmem_shared>>
      tpu.enqueue_indirect_dma source(%arg9 : memref<128x48xf32, #tpu.memory_space<vmem>>) target(%dma_start3A_110 : memref<2560x48xf32, #tpu.memory_space<vmem_shared>>) offsets(%dma_start3A_107 : memref<128xi32, #tpu.memory_space<vmem>>) semaphore(%arg14 : memref<!tpu.dma_semaphore, #tpu.memory_space<semaphore_mem>>) {add = true}
      %gt3A = arith.constant 0 : i32
      %gt3A_111 = arith.cmpi sgt, %scan3A_27, %gt3A : i32
      %convert_element_type3A = arith.extui %gt3A_111 : i1 to i32
      %cond3A = arith.constant 0 : i32
      %cond3A_112 = arith.cmpi ne, %convert_element_type3A, %cond3A : i32
      scf.if %cond3A_112 {
        %dma_wait3A_238 = arith.constant 0 : i32
        %dma_wait3A_239 = arith.constant 0 : i32
        %dma_wait3A_240 = arith.constant 0 : i32
        %dma_wait3A_241 = arith.constant 0 : i32
        %dma_wait3A_242 = tpu.memref_slice %arg3[%arg0, %arg1, %dma_wait3A_238, %dma_wait3A_239, %dma_wait3A_240, %dma_wait3A_241] : memref<2x16x20x4x2x128xi32, #tpu.memory_space<hbm>> -> memref<1x1x1x4x2x128xi32, #tpu.memory_space<hbm>>
        %dma_wait3A_243 = tpu.memref_squeeze %dma_wait3A_242 : memref<1x1x1x4x2x128xi32, #tpu.memory_space<hbm>> -> memref<4x2x128xi32, #tpu.memory_space<hbm>>
        %dma_wait3A_244 = arith.constant 0 : i32
        %dma_wait3A_245 = arith.constant 0 : i32
        %dma_wait3A_246 = arith.constant 0 : i32
        %dma_wait3A_247 = tpu.memref_slice %arg3[%arg0, %arg1, %dma_wait3A_238, %dma_wait3A_244, %dma_wait3A_245, %dma_wait3A_246] : memref<2x16x20x4x2x128xi32, #tpu.memory_space<hbm>> -> memref<1x1x1x4x2x128xi32, #tpu.memory_space<hbm>>
        %dma_wait3A_248 = tpu.memref_squeeze %dma_wait3A_247 : memref<1x1x1x4x2x128xi32, #tpu.memory_space<hbm>> -> memref<4x2x128xi32, #tpu.memory_space<hbm>>
        tpu.wait_dma2 semaphore(%arg16 : memref<!tpu.dma_semaphore, #tpu.memory_space<semaphore_mem>>) src(%dma_wait3A_248 : memref<4x2x128xi32, #tpu.memory_space<hbm>>) dst(%arg7 : memref<4x2x128xi32, #tpu.memory_space<vmem>>)
      } else {
      }
      %dma_wait3A_113 = arith.constant 0 : i32
      %dma_wait3A_114 = arith.constant 0 : i32
      %dma_wait3A_115 = tpu.memref_slice %arg2[%dma_wait3A_113, %dma_wait3A_114] : memref<10112x48xf32, #tpu.memory_space<hbm>> -> memref<128x48xf32, #tpu.memory_space<hbm>>
      %dma_wait3A_116 = arith.constant 0 : i32
      %dma_wait3A_117 = arith.constant 0 : i32
      %dma_wait3A_118 = tpu.memref_slice %arg2[%dma_wait3A_116, %dma_wait3A_117] : memref<10112x48xf32, #tpu.memory_space<hbm>> -> memref<128x48xf32, #tpu.memory_space<hbm>>
      tpu.wait_dma2 semaphore(%arg13 : memref<!tpu.dma_semaphore, #tpu.memory_space<semaphore_mem>>) src(%dma_wait3A_118 : memref<128x48xf32, #tpu.memory_space<hbm>>) dst(%arg8 : memref<128x48xf32, #tpu.memory_space<vmem>>)
      %dma_start3A_119 = arith.constant 0 : i32
      %dma_start3A_120 = arith.constant 0 : i32
      %dma_start3A_121 = arith.constant 0 : i32
      %dma_start3A_122 = tpu.memref_slice %arg7[%dma_start3A_119, %dma_start3A_120, %dma_start3A_121] : memref<4x2x128xi32, #tpu.memory_space<vmem>> -> memref<1x1x128xi32, #tpu.memory_space<vmem>>
      %dma_start3A_123 = tpu.memref_squeeze %dma_start3A_122 : memref<1x1x128xi32, #tpu.memory_space<vmem>> -> memref<128xi32, #tpu.memory_space<vmem>>
      %dma_start3A_124 = arith.constant 0 : i32
      %dma_start3A_125 = arith.constant 0 : i32
      %dma_start3A_126 = tpu.memref_slice %arg2[%dma_start3A_124, %dma_start3A_125] : memref<10112x48xf32, #tpu.memory_space<hbm>> -> memref<10112x48xf32, #tpu.memory_space<hbm>>
      tpu.enqueue_indirect_dma source(%dma_start3A_126 : memref<10112x48xf32, #tpu.memory_space<hbm>>) target(%arg8 : memref<128x48xf32, #tpu.memory_space<vmem>>) offsets(%dma_start3A_123 : memref<128xi32, #tpu.memory_space<vmem>>) semaphore(%arg11 : memref<!tpu.dma_semaphore, #tpu.memory_space<semaphore_mem>>)
      %dma_wait3A_127 = arith.constant 0 : i32
      %dma_wait3A_128 = arith.constant 0 : i32
      %dma_wait3A_129 = tpu.memref_slice %arg2[%dma_wait3A_127, %dma_wait3A_128] : memref<10112x48xf32, #tpu.memory_space<hbm>> -> memref<128x48xf32, #tpu.memory_space<hbm>>
      %dma_wait3A_130 = arith.constant 0 : i32
      %dma_wait3A_131 = arith.constant 0 : i32
      %dma_wait3A_132 = tpu.memref_slice %arg2[%dma_wait3A_130, %dma_wait3A_131] : memref<10112x48xf32, #tpu.memory_space<hbm>> -> memref<128x48xf32, #tpu.memory_space<hbm>>
      tpu.wait_dma2 semaphore(%arg14 : memref<!tpu.dma_semaphore, #tpu.memory_space<semaphore_mem>>) src(%dma_wait3A_132 : memref<128x48xf32, #tpu.memory_space<hbm>>) dst(%arg8 : memref<128x48xf32, #tpu.memory_space<vmem>>)
      %dma_start3A_133 = arith.constant 1 : i32
      %dma_start3A_134 = arith.constant 0 : i32
      %dma_start3A_135 = arith.constant 0 : i32
      %dma_start3A_136 = tpu.memref_slice %arg7[%dma_start3A_133, %dma_start3A_134, %dma_start3A_135] : memref<4x2x128xi32, #tpu.memory_space<vmem>> -> memref<1x1x128xi32, #tpu.memory_space<vmem>>
      %dma_start3A_137 = tpu.memref_squeeze %dma_start3A_136 : memref<1x1x128xi32, #tpu.memory_space<vmem>> -> memref<128xi32, #tpu.memory_space<vmem>>
      %dma_start3A_138 = arith.constant 0 : i32
      %dma_start3A_139 = arith.constant 0 : i32
      %dma_start3A_140 = tpu.memref_slice %arg2[%dma_start3A_138, %dma_start3A_139] : memref<10112x48xf32, #tpu.memory_space<hbm>> -> memref<10112x48xf32, #tpu.memory_space<hbm>>
      tpu.enqueue_indirect_dma source(%dma_start3A_140 : memref<10112x48xf32, #tpu.memory_space<hbm>>) target(%arg9 : memref<128x48xf32, #tpu.memory_space<vmem>>) offsets(%dma_start3A_137 : memref<128xi32, #tpu.memory_space<vmem>>) semaphore(%arg12 : memref<!tpu.dma_semaphore, #tpu.memory_space<semaphore_mem>>)
      %lt3A = arith.constant 9 : i32
      %lt3A_141 = arith.cmpi slt, %scan3A_27, %lt3A : i32
      %convert_element_type3A_142 = arith.extui %lt3A_141 : i1 to i32
      %cond3A_143 = arith.constant 0 : i32
      %cond3A_144 = arith.cmpi ne, %convert_element_type3A_142, %cond3A_143 : i32
      scf.if %cond3A_144 {
        %mul3A_238 = arith.constant 2 : i32
        %mul3A_239 = arith.muli %mul3A_238, %scan3A_27 : i32
        %add3A = arith.constant 2 : i32
        %add3A_240 = arith.addi %mul3A_239, %add3A : i32
        %dma_start3A_241 = arith.constant 0 : i32
        %dma_start3A_242 = arith.constant 0 : i32
        %dma_start3A_243 = arith.constant 0 : i32
        %dma_start3A_244 = tpu.memref_slice %arg3[%arg0, %arg1, %add3A_240, %dma_start3A_241, %dma_start3A_242, %dma_start3A_243] : memref<2x16x20x4x2x128xi32, #tpu.memory_space<hbm>> -> memref<1x1x1x4x2x128xi32, #tpu.memory_space<hbm>>
        %dma_start3A_245 = tpu.memref_squeeze %dma_start3A_244 : memref<1x1x1x4x2x128xi32, #tpu.memory_space<hbm>> -> memref<4x2x128xi32, #tpu.memory_space<hbm>>
        %dma_start3A_246 = arith.constant 0 : i32
        %dma_start3A_247 = arith.constant 0 : i32
        %dma_start3A_248 = arith.constant 0 : i32
        %dma_start3A_249 = tpu.memref_slice %arg3[%arg0, %arg1, %add3A_240, %dma_start3A_246, %dma_start3A_247, %dma_start3A_248] : memref<2x16x20x4x2x128xi32, #tpu.memory_space<hbm>> -> memref<1x1x1x4x2x128xi32, #tpu.memory_space<hbm>>
        %dma_start3A_250 = tpu.memref_squeeze %dma_start3A_249 : memref<1x1x1x4x2x128xi32, #tpu.memory_space<hbm>> -> memref<4x2x128xi32, #tpu.memory_space<hbm>>
        tpu.enqueue_dma source(%dma_start3A_250 : memref<4x2x128xi32, #tpu.memory_space<hbm>>) target(%arg6 : memref<4x2x128xi32, #tpu.memory_space<vmem>>) target_semaphore(%arg15 : memref<!tpu.dma_semaphore, #tpu.memory_space<semaphore_mem>>)
      } else {
      }
      %dma_wait3A_145 = arith.constant 0 : i32
      %dma_wait3A_146 = arith.constant 0 : i32
      %dma_wait3A_147 = tpu.memref_slice %arg2[%dma_wait3A_145, %dma_wait3A_146] : memref<10112x48xf32, #tpu.memory_space<hbm>> -> memref<128x48xf32, #tpu.memory_space<hbm>>
      %dma_wait3A_148 = arith.constant 0 : i32
      %dma_wait3A_149 = arith.constant 0 : i32
      %dma_wait3A_150 = tpu.memref_slice %arg2[%dma_wait3A_148, %dma_wait3A_149] : memref<10112x48xf32, #tpu.memory_space<hbm>> -> memref<128x48xf32, #tpu.memory_space<hbm>>
      tpu.wait_dma2 semaphore(%arg11 : memref<!tpu.dma_semaphore, #tpu.memory_space<semaphore_mem>>) src(%dma_wait3A_150 : memref<128x48xf32, #tpu.memory_space<hbm>>) dst(%arg8 : memref<128x48xf32, #tpu.memory_space<vmem>>)
      %dma_start3A_151 = arith.constant 0 : i32
      %dma_start3A_152 = arith.constant 1 : i32
      %dma_start3A_153 = arith.constant 0 : i32
      %dma_start3A_154 = tpu.memref_slice %arg7[%dma_start3A_151, %dma_start3A_152, %dma_start3A_153] : memref<4x2x128xi32, #tpu.memory_space<vmem>> -> memref<1x1x128xi32, #tpu.memory_space<vmem>>
      %dma_start3A_155 = tpu.memref_squeeze %dma_start3A_154 : memref<1x1x128xi32, #tpu.memory_space<vmem>> -> memref<128xi32, #tpu.memory_space<vmem>>
      %dma_start3A_156 = arith.constant 0 : i32
      %dma_start3A_157 = arith.constant 0 : i32
      %dma_start3A_158 = tpu.memref_slice %arg10[%dma_start3A_156, %dma_start3A_157] : memref<2560x48xf32, #tpu.memory_space<vmem_shared>> -> memref<2560x48xf32, #tpu.memory_space<vmem_shared>>
      tpu.enqueue_indirect_dma source(%arg8 : memref<128x48xf32, #tpu.memory_space<vmem>>) target(%dma_start3A_158 : memref<2560x48xf32, #tpu.memory_space<vmem_shared>>) offsets(%dma_start3A_155 : memref<128xi32, #tpu.memory_space<vmem>>) semaphore(%arg13 : memref<!tpu.dma_semaphore, #tpu.memory_space<semaphore_mem>>) {add = true}
      %dma_wait3A_159 = arith.constant 0 : i32
      %dma_wait3A_160 = arith.constant 0 : i32
      %dma_wait3A_161 = tpu.memref_slice %arg2[%dma_wait3A_159, %dma_wait3A_160] : memref<10112x48xf32, #tpu.memory_space<hbm>> -> memref<128x48xf32, #tpu.memory_space<hbm>>
      %dma_wait3A_162 = arith.constant 0 : i32
      %dma_wait3A_163 = arith.constant 0 : i32
      %dma_wait3A_164 = tpu.memref_slice %arg2[%dma_wait3A_162, %dma_wait3A_163] : memref<10112x48xf32, #tpu.memory_space<hbm>> -> memref<128x48xf32, #tpu.memory_space<hbm>>
      tpu.wait_dma2 semaphore(%arg12 : memref<!tpu.dma_semaphore, #tpu.memory_space<semaphore_mem>>) src(%dma_wait3A_164 : memref<128x48xf32, #tpu.memory_space<hbm>>) dst(%arg8 : memref<128x48xf32, #tpu.memory_space<vmem>>)
      %dma_start3A_165 = arith.constant 1 : i32
      %dma_start3A_166 = arith.constant 1 : i32
      %dma_start3A_167 = arith.constant 0 : i32
      %dma_start3A_168 = tpu.memref_slice %arg7[%dma_start3A_165, %dma_start3A_166, %dma_start3A_167] : memref<4x2x128xi32, #tpu.memory_space<vmem>> -> memref<1x1x128xi32, #tpu.memory_space<vmem>>
      %dma_start3A_169 = tpu.memref_squeeze %dma_start3A_168 : memref<1x1x128xi32, #tpu.memory_space<vmem>> -> memref<128xi32, #tpu.memory_space<vmem>>
      %dma_start3A_170 = arith.constant 0 : i32
      %dma_start3A_171 = arith.constant 0 : i32
      %dma_start3A_172 = tpu.memref_slice %arg10[%dma_start3A_170, %dma_start3A_171] : memref<2560x48xf32, #tpu.memory_space<vmem_shared>> -> memref<2560x48xf32, #tpu.memory_space<vmem_shared>>
      tpu.enqueue_indirect_dma source(%arg9 : memref<128x48xf32, #tpu.memory_space<vmem>>) target(%dma_start3A_172 : memref<2560x48xf32, #tpu.memory_space<vmem_shared>>) offsets(%dma_start3A_169 : memref<128xi32, #tpu.memory_space<vmem>>) semaphore(%arg14 : memref<!tpu.dma_semaphore, #tpu.memory_space<semaphore_mem>>) {add = true}
      %dma_wait3A_173 = arith.constant 0 : i32
      %dma_wait3A_174 = arith.constant 0 : i32
      %dma_wait3A_175 = tpu.memref_slice %arg2[%dma_wait3A_173, %dma_wait3A_174] : memref<10112x48xf32, #tpu.memory_space<hbm>> -> memref<128x48xf32, #tpu.memory_space<hbm>>
      %dma_wait3A_176 = arith.constant 0 : i32
      %dma_wait3A_177 = arith.constant 0 : i32
      %dma_wait3A_178 = tpu.memref_slice %arg2[%dma_wait3A_176, %dma_wait3A_177] : memref<10112x48xf32, #tpu.memory_space<hbm>> -> memref<128x48xf32, #tpu.memory_space<hbm>>
      tpu.wait_dma2 semaphore(%arg13 : memref<!tpu.dma_semaphore, #tpu.memory_space<semaphore_mem>>) src(%dma_wait3A_178 : memref<128x48xf32, #tpu.memory_space<hbm>>) dst(%arg8 : memref<128x48xf32, #tpu.memory_space<vmem>>)
      %dma_start3A_179 = arith.constant 2 : i32
      %dma_start3A_180 = arith.constant 0 : i32
      %dma_start3A_181 = arith.constant 0 : i32
      %dma_start3A_182 = tpu.memref_slice %arg7[%dma_start3A_179, %dma_start3A_180, %dma_start3A_181] : memref<4x2x128xi32, #tpu.memory_space<vmem>> -> memref<1x1x128xi32, #tpu.memory_space<vmem>>
      %dma_start3A_183 = tpu.memref_squeeze %dma_start3A_182 : memref<1x1x128xi32, #tpu.memory_space<vmem>> -> memref<128xi32, #tpu.memory_space<vmem>>
      %dma_start3A_184 = arith.constant 0 : i32
      %dma_start3A_185 = arith.constant 0 : i32
      %dma_start3A_186 = tpu.memref_slice %arg2[%dma_start3A_184, %dma_start3A_185] : memref<10112x48xf32, #tpu.memory_space<hbm>> -> memref<10112x48xf32, #tpu.memory_space<hbm>>
      tpu.enqueue_indirect_dma source(%dma_start3A_186 : memref<10112x48xf32, #tpu.memory_space<hbm>>) target(%arg8 : memref<128x48xf32, #tpu.memory_space<vmem>>) offsets(%dma_start3A_183 : memref<128xi32, #tpu.memory_space<vmem>>) semaphore(%arg11 : memref<!tpu.dma_semaphore, #tpu.memory_space<semaphore_mem>>)
      %dma_wait3A_187 = arith.constant 0 : i32
      %dma_wait3A_188 = arith.constant 0 : i32
      %dma_wait3A_189 = tpu.memref_slice %arg2[%dma_wait3A_187, %dma_wait3A_188] : memref<10112x48xf32, #tpu.memory_space<hbm>> -> memref<128x48xf32, #tpu.memory_space<hbm>>
      %dma_wait3A_190 = arith.constant 0 : i32
      %dma_wait3A_191 = arith.constant 0 : i32
      %dma_wait3A_192 = tpu.memref_slice %arg2[%dma_wait3A_190, %dma_wait3A_191] : memref<10112x48xf32, #tpu.memory_space<hbm>> -> memref<128x48xf32, #tpu.memory_space<hbm>>
      tpu.wait_dma2 semaphore(%arg14 : memref<!tpu.dma_semaphore, #tpu.memory_space<semaphore_mem>>) src(%dma_wait3A_192 : memref<128x48xf32, #tpu.memory_space<hbm>>) dst(%arg8 : memref<128x48xf32, #tpu.memory_space<vmem>>)
      %dma_start3A_193 = arith.constant 3 : i32
      %dma_start3A_194 = arith.constant 0 : i32
      %dma_start3A_195 = arith.constant 0 : i32
      %dma_start3A_196 = tpu.memref_slice %arg7[%dma_start3A_193, %dma_start3A_194, %dma_start3A_195] : memref<4x2x128xi32, #tpu.memory_space<vmem>> -> memref<1x1x128xi32, #tpu.memory_space<vmem>>
      %dma_start3A_197 = tpu.memref_squeeze %dma_start3A_196 : memref<1x1x128xi32, #tpu.memory_space<vmem>> -> memref<128xi32, #tpu.memory_space<vmem>>
      %dma_start3A_198 = arith.constant 0 : i32
      %dma_start3A_199 = arith.constant 0 : i32
      %dma_start3A_200 = tpu.memref_slice %arg2[%dma_start3A_198, %dma_start3A_199] : memref<10112x48xf32, #tpu.memory_space<hbm>> -> memref<10112x48xf32, #tpu.memory_space<hbm>>
      tpu.enqueue_indirect_dma source(%dma_start3A_200 : memref<10112x48xf32, #tpu.memory_space<hbm>>) target(%arg9 : memref<128x48xf32, #tpu.memory_space<vmem>>) offsets(%dma_start3A_197 : memref<128xi32, #tpu.memory_space<vmem>>) semaphore(%arg12 : memref<!tpu.dma_semaphore, #tpu.memory_space<semaphore_mem>>)
      %dma_wait3A_201 = arith.constant 0 : i32
      %dma_wait3A_202 = arith.constant 0 : i32
      %dma_wait3A_203 = tpu.memref_slice %arg2[%dma_wait3A_201, %dma_wait3A_202] : memref<10112x48xf32, #tpu.memory_space<hbm>> -> memref<128x48xf32, #tpu.memory_space<hbm>>
      %dma_wait3A_204 = arith.constant 0 : i32
      %dma_wait3A_205 = arith.constant 0 : i32
      %dma_wait3A_206 = tpu.memref_slice %arg2[%dma_wait3A_204, %dma_wait3A_205] : memref<10112x48xf32, #tpu.memory_space<hbm>> -> memref<128x48xf32, #tpu.memory_space<hbm>>
      tpu.wait_dma2 semaphore(%arg11 : memref<!tpu.dma_semaphore, #tpu.memory_space<semaphore_mem>>) src(%dma_wait3A_206 : memref<128x48xf32, #tpu.memory_space<hbm>>) dst(%arg8 : memref<128x48xf32, #tpu.memory_space<vmem>>)
      %dma_start3A_207 = arith.constant 2 : i32
      %dma_start3A_208 = arith.constant 1 : i32
      %dma_start3A_209 = arith.constant 0 : i32
      %dma_start3A_210 = tpu.memref_slice %arg7[%dma_start3A_207, %dma_start3A_208, %dma_start3A_209] : memref<4x2x128xi32, #tpu.memory_space<vmem>> -> memref<1x1x128xi32, #tpu.memory_space<vmem>>
      %dma_start3A_211 = tpu.memref_squeeze %dma_start3A_210 : memref<1x1x128xi32, #tpu.memory_space<vmem>> -> memref<128xi32, #tpu.memory_space<vmem>>
      %dma_start3A_212 = arith.constant 0 : i32
      %dma_start3A_213 = arith.constant 0 : i32
      %dma_start3A_214 = tpu.memref_slice %arg10[%dma_start3A_212, %dma_start3A_213] : memref<2560x48xf32, #tpu.memory_space<vmem_shared>> -> memref<2560x48xf32, #tpu.memory_space<vmem_shared>>
      tpu.enqueue_indirect_dma source(%arg8 : memref<128x48xf32, #tpu.memory_space<vmem>>) target(%dma_start3A_214 : memref<2560x48xf32, #tpu.memory_space<vmem_shared>>) offsets(%dma_start3A_211 : memref<128xi32, #tpu.memory_space<vmem>>) semaphore(%arg13 : memref<!tpu.dma_semaphore, #tpu.memory_space<semaphore_mem>>) {add = true}
      %dma_wait3A_215 = arith.constant 0 : i32
      %dma_wait3A_216 = arith.constant 0 : i32
      %dma_wait3A_217 = tpu.memref_slice %arg2[%dma_wait3A_215, %dma_wait3A_216] : memref<10112x48xf32, #tpu.memory_space<hbm>> -> memref<128x48xf32, #tpu.memory_space<hbm>>
      %dma_wait3A_218 = arith.constant 0 : i32
      %dma_wait3A_219 = arith.constant 0 : i32
      %dma_wait3A_220 = tpu.memref_slice %arg2[%dma_wait3A_218, %dma_wait3A_219] : memref<10112x48xf32, #tpu.memory_space<hbm>> -> memref<128x48xf32, #tpu.memory_space<hbm>>
      tpu.wait_dma2 semaphore(%arg12 : memref<!tpu.dma_semaphore, #tpu.memory_space<semaphore_mem>>) src(%dma_wait3A_220 : memref<128x48xf32, #tpu.memory_space<hbm>>) dst(%arg8 : memref<128x48xf32, #tpu.memory_space<vmem>>)
      %dma_start3A_221 = arith.constant 3 : i32
      %dma_start3A_222 = arith.constant 1 : i32
      %dma_start3A_223 = arith.constant 0 : i32
      %dma_start3A_224 = tpu.memref_slice %arg7[%dma_start3A_221, %dma_start3A_222, %dma_start3A_223] : memref<4x2x128xi32, #tpu.memory_space<vmem>> -> memref<1x1x128xi32, #tpu.memory_space<vmem>>
      %dma_start3A_225 = tpu.memref_squeeze %dma_start3A_224 : memref<1x1x128xi32, #tpu.memory_space<vmem>> -> memref<128xi32, #tpu.memory_space<vmem>>
      %dma_start3A_226 = arith.constant 0 : i32
      %dma_start3A_227 = arith.constant 0 : i32
      %dma_start3A_228 = tpu.memref_slice %arg10[%dma_start3A_226, %dma_start3A_227] : memref<2560x48xf32, #tpu.memory_space<vmem_shared>> -> memref<2560x48xf32, #tpu.memory_space<vmem_shared>>
      tpu.enqueue_indirect_dma source(%arg9 : memref<128x48xf32, #tpu.memory_space<vmem>>) target(%dma_start3A_228 : memref<2560x48xf32, #tpu.memory_space<vmem_shared>>) offsets(%dma_start3A_225 : memref<128xi32, #tpu.memory_space<vmem>>) semaphore(%arg14 : memref<!tpu.dma_semaphore, #tpu.memory_space<semaphore_mem>>) {add = true}
      %lt3A_229 = arith.constant 9 : i32
      %lt3A_230 = arith.cmpi slt, %scan3A_27, %lt3A_229 : i32
      %convert_element_type3A_231 = arith.extui %lt3A_230 : i1 to i32
      %cond3A_232 = arith.constant 0 : i32
      %cond3A_233 = arith.cmpi ne, %convert_element_type3A_231, %cond3A_232 : i32
      scf.if %cond3A_233 {
        %dma_wait3A_238 = arith.constant 0 : i32
        %dma_wait3A_239 = arith.constant 0 : i32
        %dma_wait3A_240 = arith.constant 0 : i32
        %dma_wait3A_241 = arith.constant 0 : i32
        %dma_wait3A_242 = tpu.memref_slice %arg3[%arg0, %arg1, %dma_wait3A_238, %dma_wait3A_239, %dma_wait3A_240, %dma_wait3A_241] : memref<2x16x20x4x2x128xi32, #tpu.memory_space<hbm>> -> memref<1x1x1x4x2x128xi32, #tpu.memory_space<hbm>>
        %dma_wait3A_243 = tpu.memref_squeeze %dma_wait3A_242 : memref<1x1x1x4x2x128xi32, #tpu.memory_space<hbm>> -> memref<4x2x128xi32, #tpu.memory_space<hbm>>
        %dma_wait3A_244 = arith.constant 0 : i32
        %dma_wait3A_245 = arith.constant 0 : i32
        %dma_wait3A_246 = arith.constant 0 : i32
        %dma_wait3A_247 = tpu.memref_slice %arg3[%arg0, %arg1, %dma_wait3A_238, %dma_wait3A_244, %dma_wait3A_245, %dma_wait3A_246] : memref<2x16x20x4x2x128xi32, #tpu.memory_space<hbm>> -> memref<1x1x1x4x2x128xi32, #tpu.memory_space<hbm>>
        %dma_wait3A_248 = tpu.memref_squeeze %dma_wait3A_247 : memref<1x1x1x4x2x128xi32, #tpu.memory_space<hbm>> -> memref<4x2x128xi32, #tpu.memory_space<hbm>>
        tpu.wait_dma2 semaphore(%arg15 : memref<!tpu.dma_semaphore, #tpu.memory_space<semaphore_mem>>) src(%dma_wait3A_248 : memref<4x2x128xi32, #tpu.memory_space<hbm>>) dst(%arg6 : memref<4x2x128xi32, #tpu.memory_space<vmem>>)
        %dma_wait3A_249 = arith.constant 0 : i32
        %dma_wait3A_250 = arith.constant 0 : i32
        %dma_wait3A_251 = tpu.memref_slice %arg2[%dma_wait3A_249, %dma_wait3A_250] : memref<10112x48xf32, #tpu.memory_space<hbm>> -> memref<128x48xf32, #tpu.memory_space<hbm>>
        %dma_wait3A_252 = arith.constant 0 : i32
        %dma_wait3A_253 = arith.constant 0 : i32
        %dma_wait3A_254 = tpu.memref_slice %arg2[%dma_wait3A_252, %dma_wait3A_253] : memref<10112x48xf32, #tpu.memory_space<hbm>> -> memref<128x48xf32, #tpu.memory_space<hbm>>
        tpu.wait_dma2 semaphore(%arg13 : memref<!tpu.dma_semaphore, #tpu.memory_space<semaphore_mem>>) src(%dma_wait3A_254 : memref<128x48xf32, #tpu.memory_space<hbm>>) dst(%arg8 : memref<128x48xf32, #tpu.memory_space<vmem>>)
        %dma_start3A_255 = arith.constant 0 : i32
        %dma_start3A_256 = arith.constant 0 : i32
        %dma_start3A_257 = arith.constant 0 : i32
        %dma_start3A_258 = tpu.memref_slice %arg6[%dma_start3A_255, %dma_start3A_256, %dma_start3A_257] : memref<4x2x128xi32, #tpu.memory_space<vmem>> -> memref<1x1x128xi32, #tpu.memory_space<vmem>>
        %dma_start3A_259 = tpu.memref_squeeze %dma_start3A_258 : memref<1x1x128xi32, #tpu.memory_space<vmem>> -> memref<128xi32, #tpu.memory_space<vmem>>
        %dma_start3A_260 = arith.constant 0 : i32
        %dma_start3A_261 = arith.constant 0 : i32
        %dma_start3A_262 = tpu.memref_slice %arg2[%dma_start3A_260, %dma_start3A_261] : memref<10112x48xf32, #tpu.memory_space<hbm>> -> memref<10112x48xf32, #tpu.memory_space<hbm>>
        tpu.enqueue_indirect_dma source(%dma_start3A_262 : memref<10112x48xf32, #tpu.memory_space<hbm>>) target(%arg8 : memref<128x48xf32, #tpu.memory_space<vmem>>) offsets(%dma_start3A_259 : memref<128xi32, #tpu.memory_space<vmem>>) semaphore(%arg11 : memref<!tpu.dma_semaphore, #tpu.memory_space<semaphore_mem>>)
        %dma_wait3A_263 = arith.constant 0 : i32
        %dma_wait3A_264 = arith.constant 0 : i32
        %dma_wait3A_265 = tpu.memref_slice %arg2[%dma_wait3A_263, %dma_wait3A_264] : memref<10112x48xf32, #tpu.memory_space<hbm>> -> memref<128x48xf32, #tpu.memory_space<hbm>>
        %dma_wait3A_266 = arith.constant 0 : i32
        %dma_wait3A_267 = arith.constant 0 : i32
        %dma_wait3A_268 = tpu.memref_slice %arg2[%dma_wait3A_266, %dma_wait3A_267] : memref<10112x48xf32, #tpu.memory_space<hbm>> -> memref<128x48xf32, #tpu.memory_space<hbm>>
        tpu.wait_dma2 semaphore(%arg14 : memref<!tpu.dma_semaphore, #tpu.memory_space<semaphore_mem>>) src(%dma_wait3A_268 : memref<128x48xf32, #tpu.memory_space<hbm>>) dst(%arg8 : memref<128x48xf32, #tpu.memory_space<vmem>>)
        %dma_start3A_269 = arith.constant 1 : i32
        %dma_start3A_270 = arith.constant 0 : i32
        %dma_start3A_271 = arith.constant 0 : i32
        %dma_start3A_272 = tpu.memref_slice %arg6[%dma_start3A_269, %dma_start3A_270, %dma_start3A_271] : memref<4x2x128xi32, #tpu.memory_space<vmem>> -> memref<1x1x128xi32, #tpu.memory_space<vmem>>
        %dma_start3A_273 = tpu.memref_squeeze %dma_start3A_272 : memref<1x1x128xi32, #tpu.memory_space<vmem>> -> memref<128xi32, #tpu.memory_space<vmem>>
        %dma_start3A_274 = arith.constant 0 : i32
        %dma_start3A_275 = arith.constant 0 : i32
        %dma_start3A_276 = tpu.memref_slice %arg2[%dma_start3A_274, %dma_start3A_275] : memref<10112x48xf32, #tpu.memory_space<hbm>> -> memref<10112x48xf32, #tpu.memory_space<hbm>>
        tpu.enqueue_indirect_dma source(%dma_start3A_276 : memref<10112x48xf32, #tpu.memory_space<hbm>>) target(%arg9 : memref<128x48xf32, #tpu.memory_space<vmem>>) offsets(%dma_start3A_273 : memref<128xi32, #tpu.memory_space<vmem>>) semaphore(%arg12 : memref<!tpu.dma_semaphore, #tpu.memory_space<semaphore_mem>>)
        %mul3A_277 = arith.constant 2 : i32
        %mul3A_278 = arith.muli %mul3A_277, %scan3A_27 : i32
        %add3A = arith.constant 3 : i32
        %add3A_279 = arith.addi %mul3A_278, %add3A : i32
        %dma_start3A_280 = arith.constant 0 : i32
        %dma_start3A_281 = arith.constant 0 : i32
        %dma_start3A_282 = arith.constant 0 : i32
        %dma_start3A_283 = tpu.memref_slice %arg3[%arg0, %arg1, %add3A_279, %dma_start3A_280, %dma_start3A_281, %dma_start3A_282] : memref<2x16x20x4x2x128xi32, #tpu.memory_space<hbm>> -> memref<1x1x1x4x2x128xi32, #tpu.memory_space<hbm>>
        %dma_start3A_284 = tpu.memref_squeeze %dma_start3A_283 : memref<1x1x1x4x2x128xi32, #tpu.memory_space<hbm>> -> memref<4x2x128xi32, #tpu.memory_space<hbm>>
        %dma_start3A_285 = arith.constant 0 : i32
        %dma_start3A_286 = arith.constant 0 : i32
        %dma_start3A_287 = arith.constant 0 : i32
        %dma_start3A_288 = tpu.memref_slice %arg3[%arg0, %arg1, %add3A_279, %dma_start3A_285, %dma_start3A_286, %dma_start3A_287] : memref<2x16x20x4x2x128xi32, #tpu.memory_space<hbm>> -> memref<1x1x1x4x2x128xi32, #tpu.memory_space<hbm>>
        %dma_start3A_289 = tpu.memref_squeeze %dma_start3A_288 : memref<1x1x1x4x2x128xi32, #tpu.memory_space<hbm>> -> memref<4x2x128xi32, #tpu.memory_space<hbm>>
        tpu.enqueue_dma source(%dma_start3A_289 : memref<4x2x128xi32, #tpu.memory_space<hbm>>) target(%arg7 : memref<4x2x128xi32, #tpu.memory_space<vmem>>) target_semaphore(%arg16 : memref<!tpu.dma_semaphore, #tpu.memory_space<semaphore_mem>>)
      } else {
      }
      %eq3A = arith.constant 9 : i32
      %eq3A_234 = arith.cmpi eq, %scan3A_27, %eq3A : i32
      %convert_element_type3A_235 = arith.extui %eq3A_234 : i1 to i32
      %cond3A_236 = arith.constant 0 : i32
      %cond3A_237 = arith.cmpi ne, %convert_element_type3A_235, %cond3A_236 : i32
      scf.if %cond3A_237 {
        %dma_wait3A_238 = arith.constant 0 : i32
        %dma_wait3A_239 = arith.constant 0 : i32
        %dma_wait3A_240 = tpu.memref_slice %arg2[%dma_wait3A_238, %dma_wait3A_239] : memref<10112x48xf32, #tpu.memory_space<hbm>> -> memref<128x48xf32, #tpu.memory_space<hbm>>
        %dma_wait3A_241 = arith.constant 0 : i32
        %dma_wait3A_242 = arith.constant 0 : i32
        %dma_wait3A_243 = tpu.memref_slice %arg2[%dma_wait3A_241, %dma_wait3A_242] : memref<10112x48xf32, #tpu.memory_space<hbm>> -> memref<128x48xf32, #tpu.memory_space<hbm>>
        tpu.wait_dma2 semaphore(%arg13 : memref<!tpu.dma_semaphore, #tpu.memory_space<semaphore_mem>>) src(%dma_wait3A_243 : memref<128x48xf32, #tpu.memory_space<hbm>>) dst(%arg8 : memref<128x48xf32, #tpu.memory_space<vmem>>)
        %dma_wait3A_244 = arith.constant 0 : i32
        %dma_wait3A_245 = arith.constant 0 : i32
        %dma_wait3A_246 = tpu.memref_slice %arg2[%dma_wait3A_244, %dma_wait3A_245] : memref<10112x48xf32, #tpu.memory_space<hbm>> -> memref<128x48xf32, #tpu.memory_space<hbm>>
        %dma_wait3A_247 = arith.constant 0 : i32
        %dma_wait3A_248 = arith.constant 0 : i32
        %dma_wait3A_249 = tpu.memref_slice %arg2[%dma_wait3A_247, %dma_wait3A_248] : memref<10112x48xf32, #tpu.memory_space<hbm>> -> memref<128x48xf32, #tpu.memory_space<hbm>>
        tpu.wait_dma2 semaphore(%arg14 : memref<!tpu.dma_semaphore, #tpu.memory_space<semaphore_mem>>) src(%dma_wait3A_249 : memref<128x48xf32, #tpu.memory_space<hbm>>) dst(%arg8 : memref<128x48xf32, #tpu.memory_space<vmem>>)
      } else {
      }
    }
    %scan3A_21 = arith.constant 10 : i32
    %barrier3A_22 = arith.constant 0 : index
    tpu.barrier barrier_id(%barrier3A_22)
    %mul3A_23 = arith.constant 160 : i32
    %mul3A_24 = arith.muli %arg1, %mul3A_23 : i32
    %mul3A_25 = arith.constant 160 : i32
    %mul3A_26 = arith.muli %arg1, %mul3A_25 : i32
    "tpu.region"() ({
      %run_scoped3A_27 = tpu.sem_alloc : memref<!tpu.dma_semaphore, #tpu.memory_space<semaphore_mem>>
      %dma_start3A_28 = arith.constant 0 : i32
      %dma_start3A_29 = tpu.memref_slice %arg5[%arg0, %mul3A_26, %dma_start3A_28] : memref<2x2560x48xf32, #tpu.memory_space<hbm>> -> memref<1x160x48xf32, #tpu.memory_space<hbm>>
      %dma_start3A_30 = tpu.memref_squeeze %dma_start3A_29 : memref<1x160x48xf32, #tpu.memory_space<hbm>> -> memref<160x48xf32, #tpu.memory_space<hbm>>
      %dma_start3A_31 = arith.constant 0 : i32
      %dma_start3A_32 = tpu.memref_slice %arg10[%mul3A_24, %dma_start3A_31] : memref<2560x48xf32, #tpu.memory_space<vmem_shared>> -> memref<160x48xf32, #tpu.memory_space<vmem_shared>>
      tpu.enqueue_dma source(%dma_start3A_32 : memref<160x48xf32, #tpu.memory_space<vmem_shared>>) target(%dma_start3A_30 : memref<160x48xf32, #tpu.memory_space<hbm>>) target_semaphore(%run_scoped3A_27 : memref<!tpu.dma_semaphore, #tpu.memory_space<semaphore_mem>>)
      %dma_wait3A = arith.constant 0 : i32
      %dma_wait3A_33 = tpu.memref_slice %arg5[%arg0, %mul3A_26, %dma_wait3A] : memref<2x2560x48xf32, #tpu.memory_space<hbm>> -> memref<1x160x48xf32, #tpu.memory_space<hbm>>
      %dma_wait3A_34 = tpu.memref_squeeze %dma_wait3A_33 : memref<1x160x48xf32, #tpu.memory_space<hbm>> -> memref<160x48xf32, #tpu.memory_space<hbm>>
      %dma_wait3A_35 = arith.constant 0 : i32
      %dma_wait3A_36 = tpu.memref_slice %arg10[%mul3A_24, %dma_wait3A_35] : memref<2560x48xf32, #tpu.memory_space<vmem_shared>> -> memref<160x48xf32, #tpu.memory_space<vmem_shared>>
      tpu.wait_dma2 semaphore(%run_scoped3A_27 : memref<!tpu.dma_semaphore, #tpu.memory_space<semaphore_mem>>) src(%dma_wait3A_36 : memref<160x48xf32, #tpu.memory_space<vmem_shared>>) dst(%dma_wait3A_34 : memref<160x48xf32, #tpu.memory_space<hbm>>)
      tpu.yield
    }) : () -> ()
    return
  }
}

#map = affine_map<(d0, d1) -> (0, 0)>
#map1 = affine_map<(d0, d1) -> (0, 0, 0, 0, 0, 0)>
#map2 = affine_map<(d0, d1) -> (0, 0, 0)>
module attributes {stable_mosaic.version = 14 : i64} {
  func.func @body(%arg0: i32, %arg1: i32, %arg2: memref<2500x48xf32, #tpu.memory_space<hbm>>, %arg3: memref<2x16x20x4x2x128xi32, #tpu.memory_space<hbm>>, %arg4: memref<632x48xf32, #tpu.memory_space<hbm>>, %arg5: memref<2x10112x48xf32, #tpu.memory_space<hbm>>, %arg6: memref<4x2x128xi32, #tpu.memory_space<vmem>>, %arg7: memref<4x2x128xi32, #tpu.memory_space<vmem>>, %arg8: memref<128x48xf32, #tpu.memory_space<vmem>>, %arg9: memref<128x48xf32, #tpu.memory_space<vmem>>, %arg10: memref<10112x48xf32, #tpu.memory_space<vmem_shared>>, %arg11: memref<!tpu.dma_semaphore, #tpu.memory_space<semaphore_mem>>, %arg12: memref<!tpu.dma_semaphore, #tpu.memory_space<semaphore_mem>>, %arg13: memref<!tpu.dma_semaphore, #tpu.memory_space<semaphore_mem>>, %arg14: memref<!tpu.dma_semaphore, #tpu.memory_space<semaphore_mem>>, %arg15: memref<!tpu.dma_semaphore, #tpu.memory_space<semaphore_mem>>, %arg16: memref<!tpu.dma_semaphore, #tpu.memory_space<semaphore_mem>>) attributes {dimension_semantics = [#tpu.dimension_semantics<core_parallel>, #tpu.dimension_semantics<subcore_parallel>], iteration_bounds = array<i64: 2, 16>, scalar_prefetch = 0 : i64, scratch_operands = 11 : i64, tpu.core_type = #tpu.core_type<sc_vector_subcore>, window_params = [{transform_indices = #map}, {transform_indices = #map1}, {transform_indices = #map}, {transform_indices = #map2}]} {
    %mul3A = arith.constant 632 : i32
    %mul3A_0 = arith.muli %arg1, %mul3A : i32
    "tpu.region"() ({
      %run_scoped3A_27 = tpu.sem_alloc : memref<!tpu.dma_semaphore, #tpu.memory_space<semaphore_mem>>
      %dma_start3A_28 = arith.constant 0 : i32
      %dma_start3A_29 = tpu.memref_slice %arg10[%mul3A_0, %dma_start3A_28] : memref<10112x48xf32, #tpu.memory_space<vmem_shared>> -> memref<632x48xf32, #tpu.memory_space<vmem_shared>>
      tpu.enqueue_dma source(%arg4 : memref<632x48xf32, #tpu.memory_space<hbm>>) target(%dma_start3A_29 : memref<632x48xf32, #tpu.memory_space<vmem_shared>>) target_semaphore(%run_scoped3A_27 : memref<!tpu.dma_semaphore, #tpu.memory_space<semaphore_mem>>)
      %dma_wait3A = arith.constant 0 : i32
      %dma_wait3A_30 = tpu.memref_slice %arg10[%mul3A_0, %dma_wait3A] : memref<10112x48xf32, #tpu.memory_space<vmem_shared>> -> memref<632x48xf32, #tpu.memory_space<vmem_shared>>
      tpu.wait_dma2 semaphore(%run_scoped3A_27 : memref<!tpu.dma_semaphore, #tpu.memory_space<semaphore_mem>>) src(%arg4 : memref<632x48xf32, #tpu.memory_space<hbm>>) dst(%dma_wait3A_30 : memref<632x48xf32, #tpu.memory_space<vmem_shared>>)
      tpu.yield
    }) : () -> ()
    %run_scoped3A = arith.constant 0 : i32
    "tpu.region"() ({
      %run_scoped3A_27 = tpu.sem_alloc : memref<!tpu.dma_semaphore, #tpu.memory_space<semaphore_mem>>
      %dma_start3A_28 = arith.constant 0 : i32
      %dma_start3A_29 = arith.constant 0 : i32
      %dma_start3A_30 = arith.constant 0 : i32
      %dma_start3A_31 = tpu.memref_slice %arg3[%arg0, %arg1, %run_scoped3A, %dma_start3A_28, %dma_start3A_29, %dma_start3A_30] : memref<2x16x20x4x2x128xi32, #tpu.memory_space<hbm>> -> memref<1x1x1x4x2x128xi32, #tpu.memory_space<hbm>>
      %dma_start3A_32 = tpu.memref_squeeze %dma_start3A_31 : memref<1x1x1x4x2x128xi32, #tpu.memory_space<hbm>> -> memref<4x2x128xi32, #tpu.memory_space<hbm>>
      %dma_start3A_33 = arith.constant 0 : i32
      %dma_start3A_34 = arith.constant 0 : i32
      %dma_start3A_35 = arith.constant 0 : i32
      %dma_start3A_36 = tpu.memref_slice %arg3[%arg0, %arg1, %run_scoped3A, %dma_start3A_33, %dma_start3A_34, %dma_start3A_35] : memref<2x16x20x4x2x128xi32, #tpu.memory_space<hbm>> -> memref<1x1x1x4x2x128xi32, #tpu.memory_space<hbm>>
      %dma_start3A_37 = tpu.memref_squeeze %dma_start3A_36 : memref<1x1x1x4x2x128xi32, #tpu.memory_space<hbm>> -> memref<4x2x128xi32, #tpu.memory_space<hbm>>
      tpu.enqueue_dma source(%dma_start3A_37 : memref<4x2x128xi32, #tpu.memory_space<hbm>>) target(%arg6 : memref<4x2x128xi32, #tpu.memory_space<vmem>>) target_semaphore(%run_scoped3A_27 : memref<!tpu.dma_semaphore, #tpu.memory_space<semaphore_mem>>)
      %dma_wait3A = arith.constant 0 : i32
      %dma_wait3A_38 = arith.constant 0 : i32
      %dma_wait3A_39 = arith.constant 0 : i32
      %dma_wait3A_40 = tpu.memref_slice %arg3[%arg0, %arg1, %run_scoped3A, %dma_wait3A, %dma_wait3A_38, %dma_wait3A_39] : memref<2x16x20x4x2x128xi32, #tpu.memory_space<hbm>> -> memref<1x1x1x4x2x128xi32, #tpu.memory_space<hbm>>
      %dma_wait3A_41 = tpu.memref_squeeze %dma_wait3A_40 : memref<1x1x1x4x2x128xi32, #tpu.memory_space<hbm>> -> memref<4x2x128xi32, #tpu.memory_space<hbm>>
      %dma_wait3A_42 = arith.constant 0 : i32
      %dma_wait3A_43 = arith.constant 0 : i32
      %dma_wait3A_44 = arith.constant 0 : i32
      %dma_wait3A_45 = tpu.memref_slice %arg3[%arg0, %arg1, %run_scoped3A, %dma_wait3A_42, %dma_wait3A_43, %dma_wait3A_44] : memref<2x16x20x4x2x128xi32, #tpu.memory_space<hbm>> -> memref<1x1x1x4x2x128xi32, #tpu.memory_space<hbm>>
      %dma_wait3A_46 = tpu.memref_squeeze %dma_wait3A_45 : memref<1x1x1x4x2x128xi32, #tpu.memory_space<hbm>> -> memref<4x2x128xi32, #tpu.memory_space<hbm>>
      tpu.wait_dma2 semaphore(%run_scoped3A_27 : memref<!tpu.dma_semaphore, #tpu.memory_space<semaphore_mem>>) src(%dma_wait3A_46 : memref<4x2x128xi32, #tpu.memory_space<hbm>>) dst(%arg6 : memref<4x2x128xi32, #tpu.memory_space<vmem>>)
      tpu.yield
    }) : () -> ()
    %run_scoped3A_1 = arith.constant 1 : i32
    "tpu.region"() ({
      %run_scoped3A_27 = tpu.sem_alloc : memref<!tpu.dma_semaphore, #tpu.memory_space<semaphore_mem>>
      %dma_start3A_28 = arith.constant 0 : i32
      %dma_start3A_29 = arith.constant 0 : i32
      %dma_start3A_30 = arith.constant 0 : i32
      %dma_start3A_31 = tpu.memref_slice %arg3[%arg0, %arg1, %run_scoped3A_1, %dma_start3A_28, %dma_start3A_29, %dma_start3A_30] : memref<2x16x20x4x2x128xi32, #tpu.memory_space<hbm>> -> memref<1x1x1x4x2x128xi32, #tpu.memory_space<hbm>>
      %dma_start3A_32 = tpu.memref_squeeze %dma_start3A_31 : memref<1x1x1x4x2x128xi32, #tpu.memory_space<hbm>> -> memref<4x2x128xi32, #tpu.memory_space<hbm>>
      %dma_start3A_33 = arith.constant 0 : i32
      %dma_start3A_34 = arith.constant 0 : i32
      %dma_start3A_35 = arith.constant 0 : i32
      %dma_start3A_36 = tpu.memref_slice %arg3[%arg0, %arg1, %run_scoped3A_1, %dma_start3A_33, %dma_start3A_34, %dma_start3A_35] : memref<2x16x20x4x2x128xi32, #tpu.memory_space<hbm>> -> memref<1x1x1x4x2x128xi32, #tpu.memory_space<hbm>>
      %dma_start3A_37 = tpu.memref_squeeze %dma_start3A_36 : memref<1x1x1x4x2x128xi32, #tpu.memory_space<hbm>> -> memref<4x2x128xi32, #tpu.memory_space<hbm>>
      tpu.enqueue_dma source(%dma_start3A_37 : memref<4x2x128xi32, #tpu.memory_space<hbm>>) target(%arg7 : memref<4x2x128xi32, #tpu.memory_space<vmem>>) target_semaphore(%run_scoped3A_27 : memref<!tpu.dma_semaphore, #tpu.memory_space<semaphore_mem>>)
      %dma_wait3A = arith.constant 0 : i32
      %dma_wait3A_38 = arith.constant 0 : i32
      %dma_wait3A_39 = arith.constant 0 : i32
      %dma_wait3A_40 = tpu.memref_slice %arg3[%arg0, %arg1, %run_scoped3A_1, %dma_wait3A, %dma_wait3A_38, %dma_wait3A_39] : memref<2x16x20x4x2x128xi32, #tpu.memory_space<hbm>> -> memref<1x1x1x4x2x128xi32, #tpu.memory_space<hbm>>
      %dma_wait3A_41 = tpu.memref_squeeze %dma_wait3A_40 : memref<1x1x1x4x2x128xi32, #tpu.memory_space<hbm>> -> memref<4x2x128xi32, #tpu.memory_space<hbm>>
      %dma_wait3A_42 = arith.constant 0 : i32
      %dma_wait3A_43 = arith.constant 0 : i32
      %dma_wait3A_44 = arith.constant 0 : i32
      %dma_wait3A_45 = tpu.memref_slice %arg3[%arg0, %arg1, %run_scoped3A_1, %dma_wait3A_42, %dma_wait3A_43, %dma_wait3A_44] : memref<2x16x20x4x2x128xi32, #tpu.memory_space<hbm>> -> memref<1x1x1x4x2x128xi32, #tpu.memory_space<hbm>>
      %dma_wait3A_46 = tpu.memref_squeeze %dma_wait3A_45 : memref<1x1x1x4x2x128xi32, #tpu.memory_space<hbm>> -> memref<4x2x128xi32, #tpu.memory_space<hbm>>
      tpu.wait_dma2 semaphore(%run_scoped3A_27 : memref<!tpu.dma_semaphore, #tpu.memory_space<semaphore_mem>>) src(%dma_wait3A_46 : memref<4x2x128xi32, #tpu.memory_space<hbm>>) dst(%arg7 : memref<4x2x128xi32, #tpu.memory_space<vmem>>)
      tpu.yield
    }) : () -> ()
    %barrier3A = arith.constant 0 : index
    tpu.barrier barrier_id(%barrier3A)
    %dma_start3A = arith.constant 0 : i32
    %dma_start3A_2 = arith.constant 0 : i32
    %dma_start3A_3 = arith.constant 0 : i32
    %dma_start3A_4 = tpu.memref_slice %arg6[%dma_start3A, %dma_start3A_2, %dma_start3A_3] : memref<4x2x128xi32, #tpu.memory_space<vmem>> -> memref<1x1x128xi32, #tpu.memory_space<vmem>>
    %dma_start3A_5 = tpu.memref_squeeze %dma_start3A_4 : memref<1x1x128xi32, #tpu.memory_space<vmem>> -> memref<128xi32, #tpu.memory_space<vmem>>
    %dma_start3A_6 = arith.constant 0 : i32
    %dma_start3A_7 = arith.constant 0 : i32
    %dma_start3A_8 = tpu.memref_slice %arg2[%dma_start3A_6, %dma_start3A_7] : memref<2500x48xf32, #tpu.memory_space<hbm>> -> memref<2500x48xf32, #tpu.memory_space<hbm>>
    tpu.enqueue_indirect_dma source(%dma_start3A_8 : memref<2500x48xf32, #tpu.memory_space<hbm>>) target(%arg8 : memref<128x48xf32, #tpu.memory_space<vmem>>) offsets(%dma_start3A_5 : memref<128xi32, #tpu.memory_space<vmem>>) semaphore(%arg11 : memref<!tpu.dma_semaphore, #tpu.memory_space<semaphore_mem>>)
    %dma_start3A_9 = arith.constant 1 : i32
    %dma_start3A_10 = arith.constant 0 : i32
    %dma_start3A_11 = arith.constant 0 : i32
    %dma_start3A_12 = tpu.memref_slice %arg6[%dma_start3A_9, %dma_start3A_10, %dma_start3A_11] : memref<4x2x128xi32, #tpu.memory_space<vmem>> -> memref<1x1x128xi32, #tpu.memory_space<vmem>>
    %dma_start3A_13 = tpu.memref_squeeze %dma_start3A_12 : memref<1x1x128xi32, #tpu.memory_space<vmem>> -> memref<128xi32, #tpu.memory_space<vmem>>
    %dma_start3A_14 = arith.constant 0 : i32
    %dma_start3A_15 = arith.constant 0 : i32
    %dma_start3A_16 = tpu.memref_slice %arg2[%dma_start3A_14, %dma_start3A_15] : memref<2500x48xf32, #tpu.memory_space<hbm>> -> memref<2500x48xf32, #tpu.memory_space<hbm>>
    tpu.enqueue_indirect_dma source(%dma_start3A_16 : memref<2500x48xf32, #tpu.memory_space<hbm>>) target(%arg9 : memref<128x48xf32, #tpu.memory_space<vmem>>) offsets(%dma_start3A_13 : memref<128xi32, #tpu.memory_space<vmem>>) semaphore(%arg12 : memref<!tpu.dma_semaphore, #tpu.memory_space<semaphore_mem>>)
    %scan3A = arith.constant 0 : i32
    %scan3A_17 = arith.constant 0 : i32
    %scan3A_18 = arith.constant 10 : i32
    %scan3A_19 = arith.addi %scan3A_17, %scan3A_18 : i32
    %scan3A_20 = arith.constant 1 : i32
    scf.for %scan3A_27 = %scan3A_17 to %scan3A_19 step %scan3A_20  : i32 {
      %dma_wait3A = arith.constant 0 : i32
      %dma_wait3A_28 = arith.constant 0 : i32
      %dma_wait3A_29 = tpu.memref_slice %arg2[%dma_wait3A, %dma_wait3A_28] : memref<2500x48xf32, #tpu.memory_space<hbm>> -> memref<128x48xf32, #tpu.memory_space<hbm>>
      %dma_wait3A_30 = arith.constant 0 : i32
      %dma_wait3A_31 = arith.constant 0 : i32
      %dma_wait3A_32 = tpu.memref_slice %arg2[%dma_wait3A_30, %dma_wait3A_31] : memref<2500x48xf32, #tpu.memory_space<hbm>> -> memref<128x48xf32, #tpu.memory_space<hbm>>
      tpu.wait_dma2 semaphore(%arg11 : memref<!tpu.dma_semaphore, #tpu.memory_space<semaphore_mem>>) src(%dma_wait3A_32 : memref<128x48xf32, #tpu.memory_space<hbm>>) dst(%arg8 : memref<128x48xf32, #tpu.memory_space<vmem>>)
      %dma_start3A_33 = arith.constant 0 : i32
      %dma_start3A_34 = arith.constant 1 : i32
      %dma_start3A_35 = arith.constant 0 : i32
      %dma_start3A_36 = tpu.memref_slice %arg6[%dma_start3A_33, %dma_start3A_34, %dma_start3A_35] : memref<4x2x128xi32, #tpu.memory_space<vmem>> -> memref<1x1x128xi32, #tpu.memory_space<vmem>>
      %dma_start3A_37 = tpu.memref_squeeze %dma_start3A_36 : memref<1x1x128xi32, #tpu.memory_space<vmem>> -> memref<128xi32, #tpu.memory_space<vmem>>
      %dma_start3A_38 = arith.constant 0 : i32
      %dma_start3A_39 = arith.constant 0 : i32
      %dma_start3A_40 = tpu.memref_slice %arg10[%dma_start3A_38, %dma_start3A_39] : memref<10112x48xf32, #tpu.memory_space<vmem_shared>> -> memref<10112x48xf32, #tpu.memory_space<vmem_shared>>
      tpu.enqueue_indirect_dma source(%arg8 : memref<128x48xf32, #tpu.memory_space<vmem>>) target(%dma_start3A_40 : memref<10112x48xf32, #tpu.memory_space<vmem_shared>>) offsets(%dma_start3A_37 : memref<128xi32, #tpu.memory_space<vmem>>) semaphore(%arg13 : memref<!tpu.dma_semaphore, #tpu.memory_space<semaphore_mem>>) {add = true}
      %dma_wait3A_41 = arith.constant 0 : i32
      %dma_wait3A_42 = arith.constant 0 : i32
      %dma_wait3A_43 = tpu.memref_slice %arg2[%dma_wait3A_41, %dma_wait3A_42] : memref<2500x48xf32, #tpu.memory_space<hbm>> -> memref<128x48xf32, #tpu.memory_space<hbm>>
      %dma_wait3A_44 = arith.constant 0 : i32
      %dma_wait3A_45 = arith.constant 0 : i32
      %dma_wait3A_46 = tpu.memref_slice %arg2[%dma_wait3A_44, %dma_wait3A_45] : memref<2500x48xf32, #tpu.memory_space<hbm>> -> memref<128x48xf32, #tpu.memory_space<hbm>>
      tpu.wait_dma2 semaphore(%arg12 : memref<!tpu.dma_semaphore, #tpu.memory_space<semaphore_mem>>) src(%dma_wait3A_46 : memref<128x48xf32, #tpu.memory_space<hbm>>) dst(%arg8 : memref<128x48xf32, #tpu.memory_space<vmem>>)
      %dma_start3A_47 = arith.constant 1 : i32
      %dma_start3A_48 = arith.constant 1 : i32
      %dma_start3A_49 = arith.constant 0 : i32
      %dma_start3A_50 = tpu.memref_slice %arg6[%dma_start3A_47, %dma_start3A_48, %dma_start3A_49] : memref<4x2x128xi32, #tpu.memory_space<vmem>> -> memref<1x1x128xi32, #tpu.memory_space<vmem>>
      %dma_start3A_51 = tpu.memref_squeeze %dma_start3A_50 : memref<1x1x128xi32, #tpu.memory_space<vmem>> -> memref<128xi32, #tpu.memory_space<vmem>>
      %dma_start3A_52 = arith.constant 0 : i32
      %dma_start3A_53 = arith.constant 0 : i32
      %dma_start3A_54 = tpu.memref_slice %arg10[%dma_start3A_52, %dma_start3A_53] : memref<10112x48xf32, #tpu.memory_space<vmem_shared>> -> memref<10112x48xf32, #tpu.memory_space<vmem_shared>>
      tpu.enqueue_indirect_dma source(%arg9 : memref<128x48xf32, #tpu.memory_space<vmem>>) target(%dma_start3A_54 : memref<10112x48xf32, #tpu.memory_space<vmem_shared>>) offsets(%dma_start3A_51 : memref<128xi32, #tpu.memory_space<vmem>>) semaphore(%arg14 : memref<!tpu.dma_semaphore, #tpu.memory_space<semaphore_mem>>) {add = true}
      %dma_wait3A_55 = arith.constant 0 : i32
      %dma_wait3A_56 = arith.constant 0 : i32
      %dma_wait3A_57 = tpu.memref_slice %arg2[%dma_wait3A_55, %dma_wait3A_56] : memref<2500x48xf32, #tpu.memory_space<hbm>> -> memref<128x48xf32, #tpu.memory_space<hbm>>
      %dma_wait3A_58 = arith.constant 0 : i32
      %dma_wait3A_59 = arith.constant 0 : i32
      %dma_wait3A_60 = tpu.memref_slice %arg2[%dma_wait3A_58, %dma_wait3A_59] : memref<2500x48xf32, #tpu.memory_space<hbm>> -> memref<128x48xf32, #tpu.memory_space<hbm>>
      tpu.wait_dma2 semaphore(%arg13 : memref<!tpu.dma_semaphore, #tpu.memory_space<semaphore_mem>>) src(%dma_wait3A_60 : memref<128x48xf32, #tpu.memory_space<hbm>>) dst(%arg8 : memref<128x48xf32, #tpu.memory_space<vmem>>)
      %dma_start3A_61 = arith.constant 2 : i32
      %dma_start3A_62 = arith.constant 0 : i32
      %dma_start3A_63 = arith.constant 0 : i32
      %dma_start3A_64 = tpu.memref_slice %arg6[%dma_start3A_61, %dma_start3A_62, %dma_start3A_63] : memref<4x2x128xi32, #tpu.memory_space<vmem>> -> memref<1x1x128xi32, #tpu.memory_space<vmem>>
      %dma_start3A_65 = tpu.memref_squeeze %dma_start3A_64 : memref<1x1x128xi32, #tpu.memory_space<vmem>> -> memref<128xi32, #tpu.memory_space<vmem>>
      %dma_start3A_66 = arith.constant 0 : i32
      %dma_start3A_67 = arith.constant 0 : i32
      %dma_start3A_68 = tpu.memref_slice %arg2[%dma_start3A_66, %dma_start3A_67] : memref<2500x48xf32, #tpu.memory_space<hbm>> -> memref<2500x48xf32, #tpu.memory_space<hbm>>
      tpu.enqueue_indirect_dma source(%dma_start3A_68 : memref<2500x48xf32, #tpu.memory_space<hbm>>) target(%arg8 : memref<128x48xf32, #tpu.memory_space<vmem>>) offsets(%dma_start3A_65 : memref<128xi32, #tpu.memory_space<vmem>>) semaphore(%arg11 : memref<!tpu.dma_semaphore, #tpu.memory_space<semaphore_mem>>)
      %dma_wait3A_69 = arith.constant 0 : i32
      %dma_wait3A_70 = arith.constant 0 : i32
      %dma_wait3A_71 = tpu.memref_slice %arg2[%dma_wait3A_69, %dma_wait3A_70] : memref<2500x48xf32, #tpu.memory_space<hbm>> -> memref<128x48xf32, #tpu.memory_space<hbm>>
      %dma_wait3A_72 = arith.constant 0 : i32
      %dma_wait3A_73 = arith.constant 0 : i32
      %dma_wait3A_74 = tpu.memref_slice %arg2[%dma_wait3A_72, %dma_wait3A_73] : memref<2500x48xf32, #tpu.memory_space<hbm>> -> memref<128x48xf32, #tpu.memory_space<hbm>>
      tpu.wait_dma2 semaphore(%arg14 : memref<!tpu.dma_semaphore, #tpu.memory_space<semaphore_mem>>) src(%dma_wait3A_74 : memref<128x48xf32, #tpu.memory_space<hbm>>) dst(%arg8 : memref<128x48xf32, #tpu.memory_space<vmem>>)
      %dma_start3A_75 = arith.constant 3 : i32
      %dma_start3A_76 = arith.constant 0 : i32
      %dma_start3A_77 = arith.constant 0 : i32
      %dma_start3A_78 = tpu.memref_slice %arg6[%dma_start3A_75, %dma_start3A_76, %dma_start3A_77] : memref<4x2x128xi32, #tpu.memory_space<vmem>> -> memref<1x1x128xi32, #tpu.memory_space<vmem>>
      %dma_start3A_79 = tpu.memref_squeeze %dma_start3A_78 : memref<1x1x128xi32, #tpu.memory_space<vmem>> -> memref<128xi32, #tpu.memory_space<vmem>>
      %dma_start3A_80 = arith.constant 0 : i32
      %dma_start3A_81 = arith.constant 0 : i32
      %dma_start3A_82 = tpu.memref_slice %arg2[%dma_start3A_80, %dma_start3A_81] : memref<2500x48xf32, #tpu.memory_space<hbm>> -> memref<2500x48xf32, #tpu.memory_space<hbm>>
      tpu.enqueue_indirect_dma source(%dma_start3A_82 : memref<2500x48xf32, #tpu.memory_space<hbm>>) target(%arg9 : memref<128x48xf32, #tpu.memory_space<vmem>>) offsets(%dma_start3A_79 : memref<128xi32, #tpu.memory_space<vmem>>) semaphore(%arg12 : memref<!tpu.dma_semaphore, #tpu.memory_space<semaphore_mem>>)
      %dma_wait3A_83 = arith.constant 0 : i32
      %dma_wait3A_84 = arith.constant 0 : i32
      %dma_wait3A_85 = tpu.memref_slice %arg2[%dma_wait3A_83, %dma_wait3A_84] : memref<2500x48xf32, #tpu.memory_space<hbm>> -> memref<128x48xf32, #tpu.memory_space<hbm>>
      %dma_wait3A_86 = arith.constant 0 : i32
      %dma_wait3A_87 = arith.constant 0 : i32
      %dma_wait3A_88 = tpu.memref_slice %arg2[%dma_wait3A_86, %dma_wait3A_87] : memref<2500x48xf32, #tpu.memory_space<hbm>> -> memref<128x48xf32, #tpu.memory_space<hbm>>
      tpu.wait_dma2 semaphore(%arg11 : memref<!tpu.dma_semaphore, #tpu.memory_space<semaphore_mem>>) src(%dma_wait3A_88 : memref<128x48xf32, #tpu.memory_space<hbm>>) dst(%arg8 : memref<128x48xf32, #tpu.memory_space<vmem>>)
      %dma_start3A_89 = arith.constant 2 : i32
      %dma_start3A_90 = arith.constant 1 : i32
      %dma_start3A_91 = arith.constant 0 : i32
      %dma_start3A_92 = tpu.memref_slice %arg6[%dma_start3A_89, %dma_start3A_90, %dma_start3A_91] : memref<4x2x128xi32, #tpu.memory_space<vmem>> -> memref<1x1x128xi32, #tpu.memory_space<vmem>>
      %dma_start3A_93 = tpu.memref_squeeze %dma_start3A_92 : memref<1x1x128xi32, #tpu.memory_space<vmem>> -> memref<128xi32, #tpu.memory_space<vmem>>
      %dma_start3A_94 = arith.constant 0 : i32
      %dma_start3A_95 = arith.constant 0 : i32
      %dma_start3A_96 = tpu.memref_slice %arg10[%dma_start3A_94, %dma_start3A_95] : memref<10112x48xf32, #tpu.memory_space<vmem_shared>> -> memref<10112x48xf32, #tpu.memory_space<vmem_shared>>
      tpu.enqueue_indirect_dma source(%arg8 : memref<128x48xf32, #tpu.memory_space<vmem>>) target(%dma_start3A_96 : memref<10112x48xf32, #tpu.memory_space<vmem_shared>>) offsets(%dma_start3A_93 : memref<128xi32, #tpu.memory_space<vmem>>) semaphore(%arg13 : memref<!tpu.dma_semaphore, #tpu.memory_space<semaphore_mem>>) {add = true}
      %dma_wait3A_97 = arith.constant 0 : i32
      %dma_wait3A_98 = arith.constant 0 : i32
      %dma_wait3A_99 = tpu.memref_slice %arg2[%dma_wait3A_97, %dma_wait3A_98] : memref<2500x48xf32, #tpu.memory_space<hbm>> -> memref<128x48xf32, #tpu.memory_space<hbm>>
      %dma_wait3A_100 = arith.constant 0 : i32
      %dma_wait3A_101 = arith.constant 0 : i32
      %dma_wait3A_102 = tpu.memref_slice %arg2[%dma_wait3A_100, %dma_wait3A_101] : memref<2500x48xf32, #tpu.memory_space<hbm>> -> memref<128x48xf32, #tpu.memory_space<hbm>>
      tpu.wait_dma2 semaphore(%arg12 : memref<!tpu.dma_semaphore, #tpu.memory_space<semaphore_mem>>) src(%dma_wait3A_102 : memref<128x48xf32, #tpu.memory_space<hbm>>) dst(%arg8 : memref<128x48xf32, #tpu.memory_space<vmem>>)
      %dma_start3A_103 = arith.constant 3 : i32
      %dma_start3A_104 = arith.constant 1 : i32
      %dma_start3A_105 = arith.constant 0 : i32
      %dma_start3A_106 = tpu.memref_slice %arg6[%dma_start3A_103, %dma_start3A_104, %dma_start3A_105] : memref<4x2x128xi32, #tpu.memory_space<vmem>> -> memref<1x1x128xi32, #tpu.memory_space<vmem>>
      %dma_start3A_107 = tpu.memref_squeeze %dma_start3A_106 : memref<1x1x128xi32, #tpu.memory_space<vmem>> -> memref<128xi32, #tpu.memory_space<vmem>>
      %dma_start3A_108 = arith.constant 0 : i32
      %dma_start3A_109 = arith.constant 0 : i32
      %dma_start3A_110 = tpu.memref_slice %arg10[%dma_start3A_108, %dma_start3A_109] : memref<10112x48xf32, #tpu.memory_space<vmem_shared>> -> memref<10112x48xf32, #tpu.memory_space<vmem_shared>>
      tpu.enqueue_indirect_dma source(%arg9 : memref<128x48xf32, #tpu.memory_space<vmem>>) target(%dma_start3A_110 : memref<10112x48xf32, #tpu.memory_space<vmem_shared>>) offsets(%dma_start3A_107 : memref<128xi32, #tpu.memory_space<vmem>>) semaphore(%arg14 : memref<!tpu.dma_semaphore, #tpu.memory_space<semaphore_mem>>) {add = true}
      %gt3A = arith.constant 0 : i32
      %gt3A_111 = arith.cmpi sgt, %scan3A_27, %gt3A : i32
      %convert_element_type3A = arith.extui %gt3A_111 : i1 to i32
      %cond3A = arith.constant 0 : i32
      %cond3A_112 = arith.cmpi ne, %convert_element_type3A, %cond3A : i32
      scf.if %cond3A_112 {
        %dma_wait3A_238 = arith.constant 0 : i32
        %dma_wait3A_239 = arith.constant 0 : i32
        %dma_wait3A_240 = arith.constant 0 : i32
        %dma_wait3A_241 = arith.constant 0 : i32
        %dma_wait3A_242 = tpu.memref_slice %arg3[%arg0, %arg1, %dma_wait3A_238, %dma_wait3A_239, %dma_wait3A_240, %dma_wait3A_241] : memref<2x16x20x4x2x128xi32, #tpu.memory_space<hbm>> -> memref<1x1x1x4x2x128xi32, #tpu.memory_space<hbm>>
        %dma_wait3A_243 = tpu.memref_squeeze %dma_wait3A_242 : memref<1x1x1x4x2x128xi32, #tpu.memory_space<hbm>> -> memref<4x2x128xi32, #tpu.memory_space<hbm>>
        %dma_wait3A_244 = arith.constant 0 : i32
        %dma_wait3A_245 = arith.constant 0 : i32
        %dma_wait3A_246 = arith.constant 0 : i32
        %dma_wait3A_247 = tpu.memref_slice %arg3[%arg0, %arg1, %dma_wait3A_238, %dma_wait3A_244, %dma_wait3A_245, %dma_wait3A_246] : memref<2x16x20x4x2x128xi32, #tpu.memory_space<hbm>> -> memref<1x1x1x4x2x128xi32, #tpu.memory_space<hbm>>
        %dma_wait3A_248 = tpu.memref_squeeze %dma_wait3A_247 : memref<1x1x1x4x2x128xi32, #tpu.memory_space<hbm>> -> memref<4x2x128xi32, #tpu.memory_space<hbm>>
        tpu.wait_dma2 semaphore(%arg16 : memref<!tpu.dma_semaphore, #tpu.memory_space<semaphore_mem>>) src(%dma_wait3A_248 : memref<4x2x128xi32, #tpu.memory_space<hbm>>) dst(%arg7 : memref<4x2x128xi32, #tpu.memory_space<vmem>>)
      } else {
      }
      %dma_wait3A_113 = arith.constant 0 : i32
      %dma_wait3A_114 = arith.constant 0 : i32
      %dma_wait3A_115 = tpu.memref_slice %arg2[%dma_wait3A_113, %dma_wait3A_114] : memref<2500x48xf32, #tpu.memory_space<hbm>> -> memref<128x48xf32, #tpu.memory_space<hbm>>
      %dma_wait3A_116 = arith.constant 0 : i32
      %dma_wait3A_117 = arith.constant 0 : i32
      %dma_wait3A_118 = tpu.memref_slice %arg2[%dma_wait3A_116, %dma_wait3A_117] : memref<2500x48xf32, #tpu.memory_space<hbm>> -> memref<128x48xf32, #tpu.memory_space<hbm>>
      tpu.wait_dma2 semaphore(%arg13 : memref<!tpu.dma_semaphore, #tpu.memory_space<semaphore_mem>>) src(%dma_wait3A_118 : memref<128x48xf32, #tpu.memory_space<hbm>>) dst(%arg8 : memref<128x48xf32, #tpu.memory_space<vmem>>)
      %dma_start3A_119 = arith.constant 0 : i32
      %dma_start3A_120 = arith.constant 0 : i32
      %dma_start3A_121 = arith.constant 0 : i32
      %dma_start3A_122 = tpu.memref_slice %arg7[%dma_start3A_119, %dma_start3A_120, %dma_start3A_121] : memref<4x2x128xi32, #tpu.memory_space<vmem>> -> memref<1x1x128xi32, #tpu.memory_space<vmem>>
      %dma_start3A_123 = tpu.memref_squeeze %dma_start3A_122 : memref<1x1x128xi32, #tpu.memory_space<vmem>> -> memref<128xi32, #tpu.memory_space<vmem>>
      %dma_start3A_124 = arith.constant 0 : i32
      %dma_start3A_125 = arith.constant 0 : i32
      %dma_start3A_126 = tpu.memref_slice %arg2[%dma_start3A_124, %dma_start3A_125] : memref<2500x48xf32, #tpu.memory_space<hbm>> -> memref<2500x48xf32, #tpu.memory_space<hbm>>
      tpu.enqueue_indirect_dma source(%dma_start3A_126 : memref<2500x48xf32, #tpu.memory_space<hbm>>) target(%arg8 : memref<128x48xf32, #tpu.memory_space<vmem>>) offsets(%dma_start3A_123 : memref<128xi32, #tpu.memory_space<vmem>>) semaphore(%arg11 : memref<!tpu.dma_semaphore, #tpu.memory_space<semaphore_mem>>)
      %dma_wait3A_127 = arith.constant 0 : i32
      %dma_wait3A_128 = arith.constant 0 : i32
      %dma_wait3A_129 = tpu.memref_slice %arg2[%dma_wait3A_127, %dma_wait3A_128] : memref<2500x48xf32, #tpu.memory_space<hbm>> -> memref<128x48xf32, #tpu.memory_space<hbm>>
      %dma_wait3A_130 = arith.constant 0 : i32
      %dma_wait3A_131 = arith.constant 0 : i32
      %dma_wait3A_132 = tpu.memref_slice %arg2[%dma_wait3A_130, %dma_wait3A_131] : memref<2500x48xf32, #tpu.memory_space<hbm>> -> memref<128x48xf32, #tpu.memory_space<hbm>>
      tpu.wait_dma2 semaphore(%arg14 : memref<!tpu.dma_semaphore, #tpu.memory_space<semaphore_mem>>) src(%dma_wait3A_132 : memref<128x48xf32, #tpu.memory_space<hbm>>) dst(%arg8 : memref<128x48xf32, #tpu.memory_space<vmem>>)
      %dma_start3A_133 = arith.constant 1 : i32
      %dma_start3A_134 = arith.constant 0 : i32
      %dma_start3A_135 = arith.constant 0 : i32
      %dma_start3A_136 = tpu.memref_slice %arg7[%dma_start3A_133, %dma_start3A_134, %dma_start3A_135] : memref<4x2x128xi32, #tpu.memory_space<vmem>> -> memref<1x1x128xi32, #tpu.memory_space<vmem>>
      %dma_start3A_137 = tpu.memref_squeeze %dma_start3A_136 : memref<1x1x128xi32, #tpu.memory_space<vmem>> -> memref<128xi32, #tpu.memory_space<vmem>>
      %dma_start3A_138 = arith.constant 0 : i32
      %dma_start3A_139 = arith.constant 0 : i32
      %dma_start3A_140 = tpu.memref_slice %arg2[%dma_start3A_138, %dma_start3A_139] : memref<2500x48xf32, #tpu.memory_space<hbm>> -> memref<2500x48xf32, #tpu.memory_space<hbm>>
      tpu.enqueue_indirect_dma source(%dma_start3A_140 : memref<2500x48xf32, #tpu.memory_space<hbm>>) target(%arg9 : memref<128x48xf32, #tpu.memory_space<vmem>>) offsets(%dma_start3A_137 : memref<128xi32, #tpu.memory_space<vmem>>) semaphore(%arg12 : memref<!tpu.dma_semaphore, #tpu.memory_space<semaphore_mem>>)
      %lt3A = arith.constant 9 : i32
      %lt3A_141 = arith.cmpi slt, %scan3A_27, %lt3A : i32
      %convert_element_type3A_142 = arith.extui %lt3A_141 : i1 to i32
      %cond3A_143 = arith.constant 0 : i32
      %cond3A_144 = arith.cmpi ne, %convert_element_type3A_142, %cond3A_143 : i32
      scf.if %cond3A_144 {
        %mul3A_238 = arith.constant 2 : i32
        %mul3A_239 = arith.muli %mul3A_238, %scan3A_27 : i32
        %add3A = arith.constant 2 : i32
        %add3A_240 = arith.addi %mul3A_239, %add3A : i32
        %dma_start3A_241 = arith.constant 0 : i32
        %dma_start3A_242 = arith.constant 0 : i32
        %dma_start3A_243 = arith.constant 0 : i32
        %dma_start3A_244 = tpu.memref_slice %arg3[%arg0, %arg1, %add3A_240, %dma_start3A_241, %dma_start3A_242, %dma_start3A_243] : memref<2x16x20x4x2x128xi32, #tpu.memory_space<hbm>> -> memref<1x1x1x4x2x128xi32, #tpu.memory_space<hbm>>
        %dma_start3A_245 = tpu.memref_squeeze %dma_start3A_244 : memref<1x1x1x4x2x128xi32, #tpu.memory_space<hbm>> -> memref<4x2x128xi32, #tpu.memory_space<hbm>>
        %dma_start3A_246 = arith.constant 0 : i32
        %dma_start3A_247 = arith.constant 0 : i32
        %dma_start3A_248 = arith.constant 0 : i32
        %dma_start3A_249 = tpu.memref_slice %arg3[%arg0, %arg1, %add3A_240, %dma_start3A_246, %dma_start3A_247, %dma_start3A_248] : memref<2x16x20x4x2x128xi32, #tpu.memory_space<hbm>> -> memref<1x1x1x4x2x128xi32, #tpu.memory_space<hbm>>
        %dma_start3A_250 = tpu.memref_squeeze %dma_start3A_249 : memref<1x1x1x4x2x128xi32, #tpu.memory_space<hbm>> -> memref<4x2x128xi32, #tpu.memory_space<hbm>>
        tpu.enqueue_dma source(%dma_start3A_250 : memref<4x2x128xi32, #tpu.memory_space<hbm>>) target(%arg6 : memref<4x2x128xi32, #tpu.memory_space<vmem>>) target_semaphore(%arg15 : memref<!tpu.dma_semaphore, #tpu.memory_space<semaphore_mem>>)
      } else {
      }
      %dma_wait3A_145 = arith.constant 0 : i32
      %dma_wait3A_146 = arith.constant 0 : i32
      %dma_wait3A_147 = tpu.memref_slice %arg2[%dma_wait3A_145, %dma_wait3A_146] : memref<2500x48xf32, #tpu.memory_space<hbm>> -> memref<128x48xf32, #tpu.memory_space<hbm>>
      %dma_wait3A_148 = arith.constant 0 : i32
      %dma_wait3A_149 = arith.constant 0 : i32
      %dma_wait3A_150 = tpu.memref_slice %arg2[%dma_wait3A_148, %dma_wait3A_149] : memref<2500x48xf32, #tpu.memory_space<hbm>> -> memref<128x48xf32, #tpu.memory_space<hbm>>
      tpu.wait_dma2 semaphore(%arg11 : memref<!tpu.dma_semaphore, #tpu.memory_space<semaphore_mem>>) src(%dma_wait3A_150 : memref<128x48xf32, #tpu.memory_space<hbm>>) dst(%arg8 : memref<128x48xf32, #tpu.memory_space<vmem>>)
      %dma_start3A_151 = arith.constant 0 : i32
      %dma_start3A_152 = arith.constant 1 : i32
      %dma_start3A_153 = arith.constant 0 : i32
      %dma_start3A_154 = tpu.memref_slice %arg7[%dma_start3A_151, %dma_start3A_152, %dma_start3A_153] : memref<4x2x128xi32, #tpu.memory_space<vmem>> -> memref<1x1x128xi32, #tpu.memory_space<vmem>>
      %dma_start3A_155 = tpu.memref_squeeze %dma_start3A_154 : memref<1x1x128xi32, #tpu.memory_space<vmem>> -> memref<128xi32, #tpu.memory_space<vmem>>
      %dma_start3A_156 = arith.constant 0 : i32
      %dma_start3A_157 = arith.constant 0 : i32
      %dma_start3A_158 = tpu.memref_slice %arg10[%dma_start3A_156, %dma_start3A_157] : memref<10112x48xf32, #tpu.memory_space<vmem_shared>> -> memref<10112x48xf32, #tpu.memory_space<vmem_shared>>
      tpu.enqueue_indirect_dma source(%arg8 : memref<128x48xf32, #tpu.memory_space<vmem>>) target(%dma_start3A_158 : memref<10112x48xf32, #tpu.memory_space<vmem_shared>>) offsets(%dma_start3A_155 : memref<128xi32, #tpu.memory_space<vmem>>) semaphore(%arg13 : memref<!tpu.dma_semaphore, #tpu.memory_space<semaphore_mem>>) {add = true}
      %dma_wait3A_159 = arith.constant 0 : i32
      %dma_wait3A_160 = arith.constant 0 : i32
      %dma_wait3A_161 = tpu.memref_slice %arg2[%dma_wait3A_159, %dma_wait3A_160] : memref<2500x48xf32, #tpu.memory_space<hbm>> -> memref<128x48xf32, #tpu.memory_space<hbm>>
      %dma_wait3A_162 = arith.constant 0 : i32
      %dma_wait3A_163 = arith.constant 0 : i32
      %dma_wait3A_164 = tpu.memref_slice %arg2[%dma_wait3A_162, %dma_wait3A_163] : memref<2500x48xf32, #tpu.memory_space<hbm>> -> memref<128x48xf32, #tpu.memory_space<hbm>>
      tpu.wait_dma2 semaphore(%arg12 : memref<!tpu.dma_semaphore, #tpu.memory_space<semaphore_mem>>) src(%dma_wait3A_164 : memref<128x48xf32, #tpu.memory_space<hbm>>) dst(%arg8 : memref<128x48xf32, #tpu.memory_space<vmem>>)
      %dma_start3A_165 = arith.constant 1 : i32
      %dma_start3A_166 = arith.constant 1 : i32
      %dma_start3A_167 = arith.constant 0 : i32
      %dma_start3A_168 = tpu.memref_slice %arg7[%dma_start3A_165, %dma_start3A_166, %dma_start3A_167] : memref<4x2x128xi32, #tpu.memory_space<vmem>> -> memref<1x1x128xi32, #tpu.memory_space<vmem>>
      %dma_start3A_169 = tpu.memref_squeeze %dma_start3A_168 : memref<1x1x128xi32, #tpu.memory_space<vmem>> -> memref<128xi32, #tpu.memory_space<vmem>>
      %dma_start3A_170 = arith.constant 0 : i32
      %dma_start3A_171 = arith.constant 0 : i32
      %dma_start3A_172 = tpu.memref_slice %arg10[%dma_start3A_170, %dma_start3A_171] : memref<10112x48xf32, #tpu.memory_space<vmem_shared>> -> memref<10112x48xf32, #tpu.memory_space<vmem_shared>>
      tpu.enqueue_indirect_dma source(%arg9 : memref<128x48xf32, #tpu.memory_space<vmem>>) target(%dma_start3A_172 : memref<10112x48xf32, #tpu.memory_space<vmem_shared>>) offsets(%dma_start3A_169 : memref<128xi32, #tpu.memory_space<vmem>>) semaphore(%arg14 : memref<!tpu.dma_semaphore, #tpu.memory_space<semaphore_mem>>) {add = true}
      %dma_wait3A_173 = arith.constant 0 : i32
      %dma_wait3A_174 = arith.constant 0 : i32
      %dma_wait3A_175 = tpu.memref_slice %arg2[%dma_wait3A_173, %dma_wait3A_174] : memref<2500x48xf32, #tpu.memory_space<hbm>> -> memref<128x48xf32, #tpu.memory_space<hbm>>
      %dma_wait3A_176 = arith.constant 0 : i32
      %dma_wait3A_177 = arith.constant 0 : i32
      %dma_wait3A_178 = tpu.memref_slice %arg2[%dma_wait3A_176, %dma_wait3A_177] : memref<2500x48xf32, #tpu.memory_space<hbm>> -> memref<128x48xf32, #tpu.memory_space<hbm>>
      tpu.wait_dma2 semaphore(%arg13 : memref<!tpu.dma_semaphore, #tpu.memory_space<semaphore_mem>>) src(%dma_wait3A_178 : memref<128x48xf32, #tpu.memory_space<hbm>>) dst(%arg8 : memref<128x48xf32, #tpu.memory_space<vmem>>)
      %dma_start3A_179 = arith.constant 2 : i32
      %dma_start3A_180 = arith.constant 0 : i32
      %dma_start3A_181 = arith.constant 0 : i32
      %dma_start3A_182 = tpu.memref_slice %arg7[%dma_start3A_179, %dma_start3A_180, %dma_start3A_181] : memref<4x2x128xi32, #tpu.memory_space<vmem>> -> memref<1x1x128xi32, #tpu.memory_space<vmem>>
      %dma_start3A_183 = tpu.memref_squeeze %dma_start3A_182 : memref<1x1x128xi32, #tpu.memory_space<vmem>> -> memref<128xi32, #tpu.memory_space<vmem>>
      %dma_start3A_184 = arith.constant 0 : i32
      %dma_start3A_185 = arith.constant 0 : i32
      %dma_start3A_186 = tpu.memref_slice %arg2[%dma_start3A_184, %dma_start3A_185] : memref<2500x48xf32, #tpu.memory_space<hbm>> -> memref<2500x48xf32, #tpu.memory_space<hbm>>
      tpu.enqueue_indirect_dma source(%dma_start3A_186 : memref<2500x48xf32, #tpu.memory_space<hbm>>) target(%arg8 : memref<128x48xf32, #tpu.memory_space<vmem>>) offsets(%dma_start3A_183 : memref<128xi32, #tpu.memory_space<vmem>>) semaphore(%arg11 : memref<!tpu.dma_semaphore, #tpu.memory_space<semaphore_mem>>)
      %dma_wait3A_187 = arith.constant 0 : i32
      %dma_wait3A_188 = arith.constant 0 : i32
      %dma_wait3A_189 = tpu.memref_slice %arg2[%dma_wait3A_187, %dma_wait3A_188] : memref<2500x48xf32, #tpu.memory_space<hbm>> -> memref<128x48xf32, #tpu.memory_space<hbm>>
      %dma_wait3A_190 = arith.constant 0 : i32
      %dma_wait3A_191 = arith.constant 0 : i32
      %dma_wait3A_192 = tpu.memref_slice %arg2[%dma_wait3A_190, %dma_wait3A_191] : memref<2500x48xf32, #tpu.memory_space<hbm>> -> memref<128x48xf32, #tpu.memory_space<hbm>>
      tpu.wait_dma2 semaphore(%arg14 : memref<!tpu.dma_semaphore, #tpu.memory_space<semaphore_mem>>) src(%dma_wait3A_192 : memref<128x48xf32, #tpu.memory_space<hbm>>) dst(%arg8 : memref<128x48xf32, #tpu.memory_space<vmem>>)
      %dma_start3A_193 = arith.constant 3 : i32
      %dma_start3A_194 = arith.constant 0 : i32
      %dma_start3A_195 = arith.constant 0 : i32
      %dma_start3A_196 = tpu.memref_slice %arg7[%dma_start3A_193, %dma_start3A_194, %dma_start3A_195] : memref<4x2x128xi32, #tpu.memory_space<vmem>> -> memref<1x1x128xi32, #tpu.memory_space<vmem>>
      %dma_start3A_197 = tpu.memref_squeeze %dma_start3A_196 : memref<1x1x128xi32, #tpu.memory_space<vmem>> -> memref<128xi32, #tpu.memory_space<vmem>>
      %dma_start3A_198 = arith.constant 0 : i32
      %dma_start3A_199 = arith.constant 0 : i32
      %dma_start3A_200 = tpu.memref_slice %arg2[%dma_start3A_198, %dma_start3A_199] : memref<2500x48xf32, #tpu.memory_space<hbm>> -> memref<2500x48xf32, #tpu.memory_space<hbm>>
      tpu.enqueue_indirect_dma source(%dma_start3A_200 : memref<2500x48xf32, #tpu.memory_space<hbm>>) target(%arg9 : memref<128x48xf32, #tpu.memory_space<vmem>>) offsets(%dma_start3A_197 : memref<128xi32, #tpu.memory_space<vmem>>) semaphore(%arg12 : memref<!tpu.dma_semaphore, #tpu.memory_space<semaphore_mem>>)
      %dma_wait3A_201 = arith.constant 0 : i32
      %dma_wait3A_202 = arith.constant 0 : i32
      %dma_wait3A_203 = tpu.memref_slice %arg2[%dma_wait3A_201, %dma_wait3A_202] : memref<2500x48xf32, #tpu.memory_space<hbm>> -> memref<128x48xf32, #tpu.memory_space<hbm>>
      %dma_wait3A_204 = arith.constant 0 : i32
      %dma_wait3A_205 = arith.constant 0 : i32
      %dma_wait3A_206 = tpu.memref_slice %arg2[%dma_wait3A_204, %dma_wait3A_205] : memref<2500x48xf32, #tpu.memory_space<hbm>> -> memref<128x48xf32, #tpu.memory_space<hbm>>
      tpu.wait_dma2 semaphore(%arg11 : memref<!tpu.dma_semaphore, #tpu.memory_space<semaphore_mem>>) src(%dma_wait3A_206 : memref<128x48xf32, #tpu.memory_space<hbm>>) dst(%arg8 : memref<128x48xf32, #tpu.memory_space<vmem>>)
      %dma_start3A_207 = arith.constant 2 : i32
      %dma_start3A_208 = arith.constant 1 : i32
      %dma_start3A_209 = arith.constant 0 : i32
      %dma_start3A_210 = tpu.memref_slice %arg7[%dma_start3A_207, %dma_start3A_208, %dma_start3A_209] : memref<4x2x128xi32, #tpu.memory_space<vmem>> -> memref<1x1x128xi32, #tpu.memory_space<vmem>>
      %dma_start3A_211 = tpu.memref_squeeze %dma_start3A_210 : memref<1x1x128xi32, #tpu.memory_space<vmem>> -> memref<128xi32, #tpu.memory_space<vmem>>
      %dma_start3A_212 = arith.constant 0 : i32
      %dma_start3A_213 = arith.constant 0 : i32
      %dma_start3A_214 = tpu.memref_slice %arg10[%dma_start3A_212, %dma_start3A_213] : memref<10112x48xf32, #tpu.memory_space<vmem_shared>> -> memref<10112x48xf32, #tpu.memory_space<vmem_shared>>
      tpu.enqueue_indirect_dma source(%arg8 : memref<128x48xf32, #tpu.memory_space<vmem>>) target(%dma_start3A_214 : memref<10112x48xf32, #tpu.memory_space<vmem_shared>>) offsets(%dma_start3A_211 : memref<128xi32, #tpu.memory_space<vmem>>) semaphore(%arg13 : memref<!tpu.dma_semaphore, #tpu.memory_space<semaphore_mem>>) {add = true}
      %dma_wait3A_215 = arith.constant 0 : i32
      %dma_wait3A_216 = arith.constant 0 : i32
      %dma_wait3A_217 = tpu.memref_slice %arg2[%dma_wait3A_215, %dma_wait3A_216] : memref<2500x48xf32, #tpu.memory_space<hbm>> -> memref<128x48xf32, #tpu.memory_space<hbm>>
      %dma_wait3A_218 = arith.constant 0 : i32
      %dma_wait3A_219 = arith.constant 0 : i32
      %dma_wait3A_220 = tpu.memref_slice %arg2[%dma_wait3A_218, %dma_wait3A_219] : memref<2500x48xf32, #tpu.memory_space<hbm>> -> memref<128x48xf32, #tpu.memory_space<hbm>>
      tpu.wait_dma2 semaphore(%arg12 : memref<!tpu.dma_semaphore, #tpu.memory_space<semaphore_mem>>) src(%dma_wait3A_220 : memref<128x48xf32, #tpu.memory_space<hbm>>) dst(%arg8 : memref<128x48xf32, #tpu.memory_space<vmem>>)
      %dma_start3A_221 = arith.constant 3 : i32
      %dma_start3A_222 = arith.constant 1 : i32
      %dma_start3A_223 = arith.constant 0 : i32
      %dma_start3A_224 = tpu.memref_slice %arg7[%dma_start3A_221, %dma_start3A_222, %dma_start3A_223] : memref<4x2x128xi32, #tpu.memory_space<vmem>> -> memref<1x1x128xi32, #tpu.memory_space<vmem>>
      %dma_start3A_225 = tpu.memref_squeeze %dma_start3A_224 : memref<1x1x128xi32, #tpu.memory_space<vmem>> -> memref<128xi32, #tpu.memory_space<vmem>>
      %dma_start3A_226 = arith.constant 0 : i32
      %dma_start3A_227 = arith.constant 0 : i32
      %dma_start3A_228 = tpu.memref_slice %arg10[%dma_start3A_226, %dma_start3A_227] : memref<10112x48xf32, #tpu.memory_space<vmem_shared>> -> memref<10112x48xf32, #tpu.memory_space<vmem_shared>>
      tpu.enqueue_indirect_dma source(%arg9 : memref<128x48xf32, #tpu.memory_space<vmem>>) target(%dma_start3A_228 : memref<10112x48xf32, #tpu.memory_space<vmem_shared>>) offsets(%dma_start3A_225 : memref<128xi32, #tpu.memory_space<vmem>>) semaphore(%arg14 : memref<!tpu.dma_semaphore, #tpu.memory_space<semaphore_mem>>) {add = true}
      %lt3A_229 = arith.constant 9 : i32
      %lt3A_230 = arith.cmpi slt, %scan3A_27, %lt3A_229 : i32
      %convert_element_type3A_231 = arith.extui %lt3A_230 : i1 to i32
      %cond3A_232 = arith.constant 0 : i32
      %cond3A_233 = arith.cmpi ne, %convert_element_type3A_231, %cond3A_232 : i32
      scf.if %cond3A_233 {
        %dma_wait3A_238 = arith.constant 0 : i32
        %dma_wait3A_239 = arith.constant 0 : i32
        %dma_wait3A_240 = arith.constant 0 : i32
        %dma_wait3A_241 = arith.constant 0 : i32
        %dma_wait3A_242 = tpu.memref_slice %arg3[%arg0, %arg1, %dma_wait3A_238, %dma_wait3A_239, %dma_wait3A_240, %dma_wait3A_241] : memref<2x16x20x4x2x128xi32, #tpu.memory_space<hbm>> -> memref<1x1x1x4x2x128xi32, #tpu.memory_space<hbm>>
        %dma_wait3A_243 = tpu.memref_squeeze %dma_wait3A_242 : memref<1x1x1x4x2x128xi32, #tpu.memory_space<hbm>> -> memref<4x2x128xi32, #tpu.memory_space<hbm>>
        %dma_wait3A_244 = arith.constant 0 : i32
        %dma_wait3A_245 = arith.constant 0 : i32
        %dma_wait3A_246 = arith.constant 0 : i32
        %dma_wait3A_247 = tpu.memref_slice %arg3[%arg0, %arg1, %dma_wait3A_238, %dma_wait3A_244, %dma_wait3A_245, %dma_wait3A_246] : memref<2x16x20x4x2x128xi32, #tpu.memory_space<hbm>> -> memref<1x1x1x4x2x128xi32, #tpu.memory_space<hbm>>
        %dma_wait3A_248 = tpu.memref_squeeze %dma_wait3A_247 : memref<1x1x1x4x2x128xi32, #tpu.memory_space<hbm>> -> memref<4x2x128xi32, #tpu.memory_space<hbm>>
        tpu.wait_dma2 semaphore(%arg15 : memref<!tpu.dma_semaphore, #tpu.memory_space<semaphore_mem>>) src(%dma_wait3A_248 : memref<4x2x128xi32, #tpu.memory_space<hbm>>) dst(%arg6 : memref<4x2x128xi32, #tpu.memory_space<vmem>>)
        %dma_wait3A_249 = arith.constant 0 : i32
        %dma_wait3A_250 = arith.constant 0 : i32
        %dma_wait3A_251 = tpu.memref_slice %arg2[%dma_wait3A_249, %dma_wait3A_250] : memref<2500x48xf32, #tpu.memory_space<hbm>> -> memref<128x48xf32, #tpu.memory_space<hbm>>
        %dma_wait3A_252 = arith.constant 0 : i32
        %dma_wait3A_253 = arith.constant 0 : i32
        %dma_wait3A_254 = tpu.memref_slice %arg2[%dma_wait3A_252, %dma_wait3A_253] : memref<2500x48xf32, #tpu.memory_space<hbm>> -> memref<128x48xf32, #tpu.memory_space<hbm>>
        tpu.wait_dma2 semaphore(%arg13 : memref<!tpu.dma_semaphore, #tpu.memory_space<semaphore_mem>>) src(%dma_wait3A_254 : memref<128x48xf32, #tpu.memory_space<hbm>>) dst(%arg8 : memref<128x48xf32, #tpu.memory_space<vmem>>)
        %dma_start3A_255 = arith.constant 0 : i32
        %dma_start3A_256 = arith.constant 0 : i32
        %dma_start3A_257 = arith.constant 0 : i32
        %dma_start3A_258 = tpu.memref_slice %arg6[%dma_start3A_255, %dma_start3A_256, %dma_start3A_257] : memref<4x2x128xi32, #tpu.memory_space<vmem>> -> memref<1x1x128xi32, #tpu.memory_space<vmem>>
        %dma_start3A_259 = tpu.memref_squeeze %dma_start3A_258 : memref<1x1x128xi32, #tpu.memory_space<vmem>> -> memref<128xi32, #tpu.memory_space<vmem>>
        %dma_start3A_260 = arith.constant 0 : i32
        %dma_start3A_261 = arith.constant 0 : i32
        %dma_start3A_262 = tpu.memref_slice %arg2[%dma_start3A_260, %dma_start3A_261] : memref<2500x48xf32, #tpu.memory_space<hbm>> -> memref<2500x48xf32, #tpu.memory_space<hbm>>
        tpu.enqueue_indirect_dma source(%dma_start3A_262 : memref<2500x48xf32, #tpu.memory_space<hbm>>) target(%arg8 : memref<128x48xf32, #tpu.memory_space<vmem>>) offsets(%dma_start3A_259 : memref<128xi32, #tpu.memory_space<vmem>>) semaphore(%arg11 : memref<!tpu.dma_semaphore, #tpu.memory_space<semaphore_mem>>)
        %dma_wait3A_263 = arith.constant 0 : i32
        %dma_wait3A_264 = arith.constant 0 : i32
        %dma_wait3A_265 = tpu.memref_slice %arg2[%dma_wait3A_263, %dma_wait3A_264] : memref<2500x48xf32, #tpu.memory_space<hbm>> -> memref<128x48xf32, #tpu.memory_space<hbm>>
        %dma_wait3A_266 = arith.constant 0 : i32
        %dma_wait3A_267 = arith.constant 0 : i32
        %dma_wait3A_268 = tpu.memref_slice %arg2[%dma_wait3A_266, %dma_wait3A_267] : memref<2500x48xf32, #tpu.memory_space<hbm>> -> memref<128x48xf32, #tpu.memory_space<hbm>>
        tpu.wait_dma2 semaphore(%arg14 : memref<!tpu.dma_semaphore, #tpu.memory_space<semaphore_mem>>) src(%dma_wait3A_268 : memref<128x48xf32, #tpu.memory_space<hbm>>) dst(%arg8 : memref<128x48xf32, #tpu.memory_space<vmem>>)
        %dma_start3A_269 = arith.constant 1 : i32
        %dma_start3A_270 = arith.constant 0 : i32
        %dma_start3A_271 = arith.constant 0 : i32
        %dma_start3A_272 = tpu.memref_slice %arg6[%dma_start3A_269, %dma_start3A_270, %dma_start3A_271] : memref<4x2x128xi32, #tpu.memory_space<vmem>> -> memref<1x1x128xi32, #tpu.memory_space<vmem>>
        %dma_start3A_273 = tpu.memref_squeeze %dma_start3A_272 : memref<1x1x128xi32, #tpu.memory_space<vmem>> -> memref<128xi32, #tpu.memory_space<vmem>>
        %dma_start3A_274 = arith.constant 0 : i32
        %dma_start3A_275 = arith.constant 0 : i32
        %dma_start3A_276 = tpu.memref_slice %arg2[%dma_start3A_274, %dma_start3A_275] : memref<2500x48xf32, #tpu.memory_space<hbm>> -> memref<2500x48xf32, #tpu.memory_space<hbm>>
        tpu.enqueue_indirect_dma source(%dma_start3A_276 : memref<2500x48xf32, #tpu.memory_space<hbm>>) target(%arg9 : memref<128x48xf32, #tpu.memory_space<vmem>>) offsets(%dma_start3A_273 : memref<128xi32, #tpu.memory_space<vmem>>) semaphore(%arg12 : memref<!tpu.dma_semaphore, #tpu.memory_space<semaphore_mem>>)
        %mul3A_277 = arith.constant 2 : i32
        %mul3A_278 = arith.muli %mul3A_277, %scan3A_27 : i32
        %add3A = arith.constant 3 : i32
        %add3A_279 = arith.addi %mul3A_278, %add3A : i32
        %dma_start3A_280 = arith.constant 0 : i32
        %dma_start3A_281 = arith.constant 0 : i32
        %dma_start3A_282 = arith.constant 0 : i32
        %dma_start3A_283 = tpu.memref_slice %arg3[%arg0, %arg1, %add3A_279, %dma_start3A_280, %dma_start3A_281, %dma_start3A_282] : memref<2x16x20x4x2x128xi32, #tpu.memory_space<hbm>> -> memref<1x1x1x4x2x128xi32, #tpu.memory_space<hbm>>
        %dma_start3A_284 = tpu.memref_squeeze %dma_start3A_283 : memref<1x1x1x4x2x128xi32, #tpu.memory_space<hbm>> -> memref<4x2x128xi32, #tpu.memory_space<hbm>>
        %dma_start3A_285 = arith.constant 0 : i32
        %dma_start3A_286 = arith.constant 0 : i32
        %dma_start3A_287 = arith.constant 0 : i32
        %dma_start3A_288 = tpu.memref_slice %arg3[%arg0, %arg1, %add3A_279, %dma_start3A_285, %dma_start3A_286, %dma_start3A_287] : memref<2x16x20x4x2x128xi32, #tpu.memory_space<hbm>> -> memref<1x1x1x4x2x128xi32, #tpu.memory_space<hbm>>
        %dma_start3A_289 = tpu.memref_squeeze %dma_start3A_288 : memref<1x1x1x4x2x128xi32, #tpu.memory_space<hbm>> -> memref<4x2x128xi32, #tpu.memory_space<hbm>>
        tpu.enqueue_dma source(%dma_start3A_289 : memref<4x2x128xi32, #tpu.memory_space<hbm>>) target(%arg7 : memref<4x2x128xi32, #tpu.memory_space<vmem>>) target_semaphore(%arg16 : memref<!tpu.dma_semaphore, #tpu.memory_space<semaphore_mem>>)
      } else {
      }
      %eq3A = arith.constant 9 : i32
      %eq3A_234 = arith.cmpi eq, %scan3A_27, %eq3A : i32
      %convert_element_type3A_235 = arith.extui %eq3A_234 : i1 to i32
      %cond3A_236 = arith.constant 0 : i32
      %cond3A_237 = arith.cmpi ne, %convert_element_type3A_235, %cond3A_236 : i32
      scf.if %cond3A_237 {
        %dma_wait3A_238 = arith.constant 0 : i32
        %dma_wait3A_239 = arith.constant 0 : i32
        %dma_wait3A_240 = tpu.memref_slice %arg2[%dma_wait3A_238, %dma_wait3A_239] : memref<2500x48xf32, #tpu.memory_space<hbm>> -> memref<128x48xf32, #tpu.memory_space<hbm>>
        %dma_wait3A_241 = arith.constant 0 : i32
        %dma_wait3A_242 = arith.constant 0 : i32
        %dma_wait3A_243 = tpu.memref_slice %arg2[%dma_wait3A_241, %dma_wait3A_242] : memref<2500x48xf32, #tpu.memory_space<hbm>> -> memref<128x48xf32, #tpu.memory_space<hbm>>
        tpu.wait_dma2 semaphore(%arg13 : memref<!tpu.dma_semaphore, #tpu.memory_space<semaphore_mem>>) src(%dma_wait3A_243 : memref<128x48xf32, #tpu.memory_space<hbm>>) dst(%arg8 : memref<128x48xf32, #tpu.memory_space<vmem>>)
        %dma_wait3A_244 = arith.constant 0 : i32
        %dma_wait3A_245 = arith.constant 0 : i32
        %dma_wait3A_246 = tpu.memref_slice %arg2[%dma_wait3A_244, %dma_wait3A_245] : memref<2500x48xf32, #tpu.memory_space<hbm>> -> memref<128x48xf32, #tpu.memory_space<hbm>>
        %dma_wait3A_247 = arith.constant 0 : i32
        %dma_wait3A_248 = arith.constant 0 : i32
        %dma_wait3A_249 = tpu.memref_slice %arg2[%dma_wait3A_247, %dma_wait3A_248] : memref<2500x48xf32, #tpu.memory_space<hbm>> -> memref<128x48xf32, #tpu.memory_space<hbm>>
        tpu.wait_dma2 semaphore(%arg14 : memref<!tpu.dma_semaphore, #tpu.memory_space<semaphore_mem>>) src(%dma_wait3A_249 : memref<128x48xf32, #tpu.memory_space<hbm>>) dst(%arg8 : memref<128x48xf32, #tpu.memory_space<vmem>>)
      } else {
      }
    }
    %scan3A_21 = arith.constant 10 : i32
    %barrier3A_22 = arith.constant 0 : index
    tpu.barrier barrier_id(%barrier3A_22)
    %mul3A_23 = arith.constant 632 : i32
    %mul3A_24 = arith.muli %arg1, %mul3A_23 : i32
    %mul3A_25 = arith.constant 632 : i32
    %mul3A_26 = arith.muli %arg1, %mul3A_25 : i32
    "tpu.region"() ({
      %run_scoped3A_27 = tpu.sem_alloc : memref<!tpu.dma_semaphore, #tpu.memory_space<semaphore_mem>>
      %dma_start3A_28 = arith.constant 0 : i32
      %dma_start3A_29 = tpu.memref_slice %arg5[%arg0, %mul3A_26, %dma_start3A_28] : memref<2x10112x48xf32, #tpu.memory_space<hbm>> -> memref<1x632x48xf32, #tpu.memory_space<hbm>>
      %dma_start3A_30 = tpu.memref_squeeze %dma_start3A_29 : memref<1x632x48xf32, #tpu.memory_space<hbm>> -> memref<632x48xf32, #tpu.memory_space<hbm>>
      %dma_start3A_31 = arith.constant 0 : i32
      %dma_start3A_32 = tpu.memref_slice %arg10[%mul3A_24, %dma_start3A_31] : memref<10112x48xf32, #tpu.memory_space<vmem_shared>> -> memref<632x48xf32, #tpu.memory_space<vmem_shared>>
      tpu.enqueue_dma source(%dma_start3A_32 : memref<632x48xf32, #tpu.memory_space<vmem_shared>>) target(%dma_start3A_30 : memref<632x48xf32, #tpu.memory_space<hbm>>) target_semaphore(%run_scoped3A_27 : memref<!tpu.dma_semaphore, #tpu.memory_space<semaphore_mem>>)
      %dma_wait3A = arith.constant 0 : i32
      %dma_wait3A_33 = tpu.memref_slice %arg5[%arg0, %mul3A_26, %dma_wait3A] : memref<2x10112x48xf32, #tpu.memory_space<hbm>> -> memref<1x632x48xf32, #tpu.memory_space<hbm>>
      %dma_wait3A_34 = tpu.memref_squeeze %dma_wait3A_33 : memref<1x632x48xf32, #tpu.memory_space<hbm>> -> memref<632x48xf32, #tpu.memory_space<hbm>>
      %dma_wait3A_35 = arith.constant 0 : i32
      %dma_wait3A_36 = tpu.memref_slice %arg10[%mul3A_24, %dma_wait3A_35] : memref<10112x48xf32, #tpu.memory_space<vmem_shared>> -> memref<632x48xf32, #tpu.memory_space<vmem_shared>>
      tpu.wait_dma2 semaphore(%run_scoped3A_27 : memref<!tpu.dma_semaphore, #tpu.memory_space<semaphore_mem>>) src(%dma_wait3A_36 : memref<632x48xf32, #tpu.memory_space<vmem_shared>>) dst(%dma_wait3A_34 : memref<632x48xf32, #tpu.memory_space<hbm>>)
      tpu.yield
    }) : () -> ()
    return
  }
}

module attributes {stable_mosaic.version = 14 : i64} {
  func.func @_ka_body(%arg0: i32, %arg1: memref<1000x128xf32, #tpu.memory_space<vmem>>, %arg2: memref<128x256xf32, #tpu.memory_space<vmem>>, %arg3: memref<1x256xf32, #tpu.memory_space<vmem>>, %arg4: memref<1x256xf32, #tpu.memory_space<vmem>>, %arg5: memref<1000x256xf32, #tpu.memory_space<vmem>>, %arg6: memref<1000x4xf32, #tpu.memory_space<vmem>>, %arg7: memref<1x4xf32, #tpu.memory_space<vmem>>) attributes {dimension_semantics = [#tpu.dimension_semantics<arbitrary>], iteration_bounds = array<i64: 10>, scalar_prefetch = 0 : i64, scratch_operands = 0 : i64, tpu.core_type = #tpu.core_type<tc>, window_params = [{transform_indices = @transform_0, window_bounds = array<i64: 1000, 128>}, {pipeline_mode = #tpu.pipeline_mode<synchronous>, transform_indices = @transform_1, window_bounds = array<i64: 128, 256>}, {pipeline_mode = #tpu.pipeline_mode<synchronous>, transform_indices = @transform_2, window_bounds = array<i64: 1, 256>}, {pipeline_mode = #tpu.pipeline_mode<synchronous>, transform_indices = @transform_3, window_bounds = array<i64: 1, 256>}, {transform_indices = @transform_4, window_bounds = array<i64: 1000, 256>}, {transform_indices = @transform_5, window_bounds = array<i64: 1000, 4>}, {pipeline_mode = #tpu.pipeline_mode<synchronous>, transform_indices = @transform_6, window_bounds = array<i64: 1, 4>}]} {
    %get3A = arith.constant 0 : index
    %get3A_0 = arith.constant 0 : index
    %get3A_1 = vector.load %arg1[%get3A, %get3A_0] : memref<1000x128xf32, #tpu.memory_space<vmem>>, vector<1000x128xf32>
    %get3A_2 = arith.constant 0 : index
    %get3A_3 = arith.constant 0 : index
    %get3A_4 = vector.load %arg2[%get3A_2, %get3A_3] : memref<128x256xf32, #tpu.memory_space<vmem>>, vector<128x256xf32>
    %dot_general3A = arith.constant dense<0.000000e+00> : vector<1000x256xf32>
    %dot_general3A_5 = tpu.matmul %get3A_1, %get3A_4, %dot_general3A {dimension_numbers = #tpu.dot_dimension_numbers<[1], [0], [0], [1], [0, 0, 1, 1], [], []>, transpose_lhs_hint = false} : vector<1000x128xf32>, vector<128x256xf32>, vector<1000x256xf32> -> vector<1000x256xf32>
    %get3A_6 = arith.constant 0 : index
    %get3A_7 = arith.constant 0 : index
    %get3A_8 = vector.load %arg3[%get3A_6, %get3A_7] : memref<1x256xf32, #tpu.memory_space<vmem>>, vector<1x256xf32>
    %add3A = vector.broadcast %get3A_8 : vector<1x256xf32> to vector<1000x256xf32>
    %add3A_9 = arith.addf %dot_general3A_5, %add3A : vector<1000x256xf32>
    %swap3A = arith.constant 0 : index
    %swap3A_10 = arith.constant 0 : index
    %swap3A_11 = vector.load %arg5[%swap3A, %swap3A_10] : memref<1000x256xf32, #tpu.memory_space<vmem>>, vector<1000x256xf32>
    tpu.vector_store %arg5[%swap3A, %swap3A_10], %add3A_9 {strides = array<i32>} : memref<1000x256xf32, #tpu.memory_space<vmem>>, vector<1000x256xf32>,
    %get3A_12 = arith.constant 0 : index
    %get3A_13 = arith.constant 0 : index
    %get3A_14 = vector.load %arg4[%get3A_12, %get3A_13] : memref<1x256xf32, #tpu.memory_space<vmem>>, vector<1x256xf32>
    %mul3A = vector.broadcast %get3A_14 : vector<1x256xf32> to vector<1000x256xf32>
    %mul3A_15 = arith.mulf %add3A_9, %mul3A : vector<1000x256xf32>
    %reshape3A = vector.shape_cast %mul3A_15 : vector<1000x256xf32> to vector<1000x4x64xf32>
    %reduce_sum3A = arith.constant dense<0.000000e+00> : vector<1000x4xf32>
    %reduce_sum3A_16 = vector.multi_reduction <add>, %reshape3A, %reduce_sum3A [2] : vector<1000x4x64xf32> to vector<1000x4xf32>
    %jit3A = arith.constant 2.000000e-01 : f32
    %ge3A = arith.constant 0.000000e+00 : f32
    %ge3A_17 = vector.broadcast %ge3A : f32 to vector<1000x4xf32>
    %ge3A_18 = arith.cmpf oge, %reduce_sum3A_16, %ge3A_17 : vector<1000x4xf32>
    %mul3A_19 = vector.broadcast %jit3A : f32 to vector<1000x4xf32>
    %mul3A_20 = arith.mulf %mul3A_19, %reduce_sum3A_16 : vector<1000x4xf32>
    %select_n3A = arith.select %ge3A_18, %reduce_sum3A_16, %mul3A_20 : vector<1000x4xi1>, vector<1000x4xf32>
    %swap3A_21 = arith.constant 0 : index
    %swap3A_22 = arith.constant 0 : index
    %swap3A_23 = vector.load %arg6[%swap3A_21, %swap3A_22] : memref<1000x4xf32, #tpu.memory_space<vmem>>, vector<1000x4xf32>
    tpu.vector_store %arg6[%swap3A_21, %swap3A_22], %select_n3A {strides = array<i32>} : memref<1000x4xf32, #tpu.memory_space<vmem>>, vector<1000x4xf32>,
    %eq3A = arith.constant 0 : i32
    %eq3A_24 = arith.cmpi eq, %arg0, %eq3A : i32
    %convert_element_type3A = arith.extui %eq3A_24 : i1 to i32
    %cond3A = arith.constant 0 : i32
    %cond3A_25 = arith.cmpi ne, %convert_element_type3A, %cond3A : i32
    scf.if %cond3A_25 {
      %broadcast_in_dim3A_33 = arith.constant 0xFF800000 : f32
      %broadcast_in_dim3A_34 = vector.broadcast %broadcast_in_dim3A_33 : f32 to vector<1x4xf32>
      %swap3A_35 = arith.constant 0 : index
      %swap3A_36 = arith.constant 0 : index
      %swap3A_37 = vector.load %arg7[%swap3A_35, %swap3A_36] : memref<1x4xf32, #tpu.memory_space<vmem>>, vector<1x4xf32>
      tpu.vector_store %arg7[%swap3A_35, %swap3A_36], %broadcast_in_dim3A_34 {strides = array<i32>} : memref<1x4xf32, #tpu.memory_space<vmem>>, vector<1x4xf32>,
    } else {
    }
    %get3A_26 = arith.constant 0 : index
    %get3A_27 = arith.constant 0 : index
    %get3A_28 = vector.load %arg7[%get3A_26, %get3A_27] : memref<1x4xf32, #tpu.memory_space<vmem>>, vector<1x4xf32>
    %reduce_max3A = arith.constant dense<0xFF800000> : vector<4xf32>
    %reduce_max3A_29 = vector.multi_reduction <maximumf>, %select_n3A, %reduce_max3A [0] : vector<1000x4xf32> to vector<4xf32>
    %broadcast_in_dim3A = vector.shape_cast %reduce_max3A_29 : vector<4xf32> to vector<1x4xf32>
    %max3A = arith.maximumf %get3A_28, %broadcast_in_dim3A : vector<1x4xf32>
    %swap3A_30 = arith.constant 0 : index
    %swap3A_31 = arith.constant 0 : index
    %swap3A_32 = vector.load %arg7[%swap3A_30, %swap3A_31] : memref<1x4xf32, #tpu.memory_space<vmem>>, vector<1x4xf32>
    tpu.vector_store %arg7[%swap3A_30, %swap3A_31], %max3A {strides = array<i32>} : memref<1x4xf32, #tpu.memory_space<vmem>>, vector<1x4xf32>,
    return
  }
  func.func @transform_0(%arg0: i32) -> (i32, i32) {
    %c0_i32 = arith.constant 0 : i32
    %c0_i32_0 = arith.constant 0 : i32
    return %arg0, %c0_i32 : i32, i32
  }
  func.func @transform_1(%arg0: i32) -> (i32, i32) {
    %c0_i32 = arith.constant 0 : i32
    %c0_i32_0 = arith.constant 0 : i32
    %c0_i32_1 = arith.constant 0 : i32
    return %c0_i32, %c0_i32_0 : i32, i32
  }
  func.func @transform_2(%arg0: i32) -> (i32, i32) {
    %c0_i32 = arith.constant 0 : i32
    %c0_i32_0 = arith.constant 0 : i32
    %c0_i32_1 = arith.constant 0 : i32
    return %c0_i32, %c0_i32_0 : i32, i32
  }
  func.func @transform_3(%arg0: i32) -> (i32, i32) {
    %c0_i32 = arith.constant 0 : i32
    %c0_i32_0 = arith.constant 0 : i32
    %c0_i32_1 = arith.constant 0 : i32
    return %c0_i32, %c0_i32_0 : i32, i32
  }
  func.func @transform_4(%arg0: i32) -> (i32, i32) {
    %c0_i32 = arith.constant 0 : i32
    %c0_i32_0 = arith.constant 0 : i32
    return %arg0, %c0_i32 : i32, i32
  }
  func.func @transform_5(%arg0: i32) -> (i32, i32) {
    %c0_i32 = arith.constant 0 : i32
    %c0_i32_0 = arith.constant 0 : i32
    return %arg0, %c0_i32 : i32, i32
  }
  func.func @transform_6(%arg0: i32) -> (i32, i32) {
    %c0_i32 = arith.constant 0 : i32
    %c0_i32_0 = arith.constant 0 : i32
    %c0_i32_1 = arith.constant 0 : i32
    return %c0_i32, %c0_i32_0 : i32, i32
  }
}

module attributes {stable_mosaic.version = 14 : i64} {
  func.func @_kb_body(%arg0: i32, %arg1: memref<1000x256xf32, #tpu.memory_space<vmem>>, %arg2: memref<1000x4xf32, #tpu.memory_space<vmem>>, %arg3: memref<1x4xf32, #tpu.memory_space<vmem>>, %arg4: memref<1000x272xf32, #tpu.memory_space<vmem>>) attributes {dimension_semantics = [#tpu.dimension_semantics<arbitrary>], iteration_bounds = array<i64: 10>, scalar_prefetch = 0 : i64, scratch_operands = 0 : i64, tpu.core_type = #tpu.core_type<tc>, window_params = [{transform_indices = @transform_0, window_bounds = array<i64: 1000, 256>}, {transform_indices = @transform_1, window_bounds = array<i64: 1000, 4>}, {pipeline_mode = #tpu.pipeline_mode<synchronous>, transform_indices = @transform_2, window_bounds = array<i64: 1, 4>}, {transform_indices = @transform_3, window_bounds = array<i64: 1000, 272>}]} {
    %get3A = arith.constant 0 : index
    %get3A_0 = arith.constant 0 : index
    %get3A_1 = vector.load %arg1[%get3A, %get3A_0] : memref<1000x256xf32, #tpu.memory_space<vmem>>, vector<1000x256xf32>
    %get3A_2 = arith.constant 0 : index
    %get3A_3 = arith.constant 0 : index
    %get3A_4 = vector.load %arg2[%get3A_2, %get3A_3] : memref<1000x4xf32, #tpu.memory_space<vmem>>, vector<1000x4xf32>
    %get3A_5 = arith.constant 0 : index
    %get3A_6 = arith.constant 0 : index
    %get3A_7 = vector.load %arg3[%get3A_5, %get3A_6] : memref<1x4xf32, #tpu.memory_space<vmem>>, vector<1x4xf32>
    %sub3A = vector.broadcast %get3A_7 : vector<1x4xf32> to vector<1000x4xf32>
    %sub3A_8 = arith.subf %get3A_4, %sub3A : vector<1000x4xf32>
    %exp3A = math.exp %sub3A_8 : vector<1000x4xf32>
    %slice3A = vector.extract_strided_slice %get3A_1 {offsets = [0, 0], sizes = [1000, 64], strides = [1, 1]} : vector<1000x256xf32> to vector<1000x64xf32>
    %slice3A_9 = vector.extract_strided_slice %exp3A {offsets = [0, 0], sizes = [1000, 1], strides = [1, 1]} : vector<1000x4xf32> to vector<1000x1xf32>
    %mul3A = vector.broadcast %slice3A_9 : vector<1000x1xf32> to vector<1000x64xf32>
    %mul3A_10 = arith.mulf %slice3A, %mul3A : vector<1000x64xf32>
    %slice3A_11 = vector.extract_strided_slice %get3A_1 {offsets = [0, 64], sizes = [1000, 64], strides = [1, 1]} : vector<1000x256xf32> to vector<1000x64xf32>
    %slice3A_12 = vector.extract_strided_slice %exp3A {offsets = [0, 1], sizes = [1000, 1], strides = [1, 1]} : vector<1000x4xf32> to vector<1000x1xf32>
    %mul3A_13 = vector.broadcast %slice3A_12 : vector<1000x1xf32> to vector<1000x64xf32>
    %mul3A_14 = arith.mulf %slice3A_11, %mul3A_13 : vector<1000x64xf32>
    %slice3A_15 = vector.extract_strided_slice %get3A_1 {offsets = [0, 128], sizes = [1000, 64], strides = [1, 1]} : vector<1000x256xf32> to vector<1000x64xf32>
    %slice3A_16 = vector.extract_strided_slice %exp3A {offsets = [0, 2], sizes = [1000, 1], strides = [1, 1]} : vector<1000x4xf32> to vector<1000x1xf32>
    %mul3A_17 = vector.broadcast %slice3A_16 : vector<1000x1xf32> to vector<1000x64xf32>
    %mul3A_18 = arith.mulf %slice3A_15, %mul3A_17 : vector<1000x64xf32>
    %slice3A_19 = vector.extract_strided_slice %get3A_1 {offsets = [0, 192], sizes = [1000, 64], strides = [1, 1]} : vector<1000x256xf32> to vector<1000x64xf32>
    %slice3A_20 = vector.extract_strided_slice %exp3A {offsets = [0, 3], sizes = [1000, 1], strides = [1, 1]} : vector<1000x4xf32> to vector<1000x1xf32>
    %mul3A_21 = vector.broadcast %slice3A_20 : vector<1000x1xf32> to vector<1000x64xf32>
    %mul3A_22 = arith.mulf %slice3A_19, %mul3A_21 : vector<1000x64xf32>
    %broadcast_in_dim3A = arith.constant 1.000000e+00 : f32
    %broadcast_in_dim3A_23 = vector.broadcast %broadcast_in_dim3A : f32 to vector<1000x1xf32>
    %broadcast_in_dim3A_24 = arith.constant 0.000000e+00 : f32
    %broadcast_in_dim3A_25 = vector.broadcast %broadcast_in_dim3A_24 : f32 to vector<1000x11xf32>
    %concatenate3A = tpu.concatenate %mul3A_10, %mul3A_14, %mul3A_18, %mul3A_22, %exp3A, %broadcast_in_dim3A_23, %broadcast_in_dim3A_25 in 1 : vector<1000x64xf32>, vector<1000x64xf32>, vector<1000x64xf32>, vector<1000x64xf32>, vector<1000x4xf32>, vector<1000x1xf32>, vector<1000x11xf32> -> vector<1000x272xf32>
    %swap3A = arith.constant 0 : index
    %swap3A_26 = arith.constant 0 : index
    %swap3A_27 = vector.load %arg4[%swap3A, %swap3A_26] : memref<1000x272xf32, #tpu.memory_space<vmem>>, vector<1000x272xf32>
    tpu.vector_store %arg4[%swap3A, %swap3A_26], %concatenate3A {strides = array<i32>} : memref<1000x272xf32, #tpu.memory_space<vmem>>, vector<1000x272xf32>,
    return
  }
  func.func @transform_0(%arg0: i32) -> (i32, i32) {
    %c0_i32 = arith.constant 0 : i32
    %c0_i32_0 = arith.constant 0 : i32
    return %arg0, %c0_i32 : i32, i32
  }
  func.func @transform_1(%arg0: i32) -> (i32, i32) {
    %c0_i32 = arith.constant 0 : i32
    %c0_i32_0 = arith.constant 0 : i32
    return %arg0, %c0_i32 : i32, i32
  }
  func.func @transform_2(%arg0: i32) -> (i32, i32) {
    %c0_i32 = arith.constant 0 : i32
    %c0_i32_0 = arith.constant 0 : i32
    %c0_i32_1 = arith.constant 0 : i32
    return %c0_i32, %c0_i32_0 : i32, i32
  }
  func.func @transform_3(%arg0: i32) -> (i32, i32) {
    %c0_i32 = arith.constant 0 : i32
    %c0_i32_0 = arith.constant 0 : i32
    return %arg0, %c0_i32 : i32, i32
  }
}

module attributes {stable_mosaic.version = 14 : i64} {
  func.func @_kc_body(%arg0: memref<2x2560x272xf32, #tpu.memory_space<vmem>>, %arg1: memref<4x64xf32, #tpu.memory_space<vmem>>, %arg2: memref<2x2500x144xf32, #tpu.memory_space<vmem>>) attributes {dimension_semantics = [], scalar_prefetch = 0 : i64, scratch_operands = 0 : i64, tpu.core_type = #tpu.core_type<tc>} {
    %broadcast_in_dim3A = arith.constant 1.000000e+00 : f32
    %broadcast_in_dim3A_0 = vector.broadcast %broadcast_in_dim3A : f32 to vector<2500x1xf32>
    %broadcast_in_dim3A_1 = arith.constant 0.000000e+00 : f32
    %broadcast_in_dim3A_2 = vector.broadcast %broadcast_in_dim3A_1 : f32 to vector<2500x13xf32>
    %get3A = arith.constant 0 : index
    %get3A_3 = arith.constant 0 : index
    %get3A_4 = arith.constant 0 : index
    %get3A_5 = vector.load %arg0[%get3A, %get3A_3, %get3A_4] : memref<2x2560x272xf32, #tpu.memory_space<vmem>>, vector<1x2560x272xf32>
    %get3A_6 = vector.shape_cast %get3A_5 : vector<1x2560x272xf32> to vector<2560x272xf32>
    %slice3A = vector.extract_strided_slice %get3A_6 {offsets = [0, 0], sizes = [2500, 272], strides = [1, 1]} : vector<2560x272xf32> to vector<2500x272xf32>
    %get3A_7 = arith.constant 1 : index
    %get3A_8 = arith.constant 0 : index
    %get3A_9 = arith.constant 0 : index
    %get3A_10 = vector.load %arg0[%get3A_7, %get3A_8, %get3A_9] : memref<2x2560x272xf32, #tpu.memory_space<vmem>>, vector<1x2560x272xf32>
    %get3A_11 = vector.shape_cast %get3A_10 : vector<1x2560x272xf32> to vector<2560x272xf32>
    %slice3A_12 = vector.extract_strided_slice %get3A_11 {offsets = [0, 0], sizes = [2500, 272], strides = [1, 1]} : vector<2560x272xf32> to vector<2500x272xf32>
    %add3A = arith.addf %slice3A, %slice3A_12 : vector<2500x272xf32>
    %slice3A_13 = vector.extract_strided_slice %add3A {offsets = [0, 0], sizes = [2500, 64], strides = [1, 1]} : vector<2500x272xf32> to vector<2500x64xf32>
    %slice3A_14 = vector.extract_strided_slice %add3A {offsets = [0, 256], sizes = [2500, 1], strides = [1, 1]} : vector<2500x272xf32> to vector<2500x1xf32>
    %gt3A = arith.constant 0.000000e+00 : f32
    %gt3A_15 = vector.broadcast %gt3A : f32 to vector<2500x1xf32>
    %gt3A_16 = arith.cmpf ogt, %slice3A_14, %gt3A_15 : vector<2500x1xf32>
    %max3A = arith.constant 1.000000e-30 : f32
    %max3A_17 = vector.broadcast %max3A : f32 to vector<2500x1xf32>
    %max3A_18 = arith.maximumf %slice3A_14, %max3A_17 : vector<2500x1xf32>
    %div3A = vector.broadcast %max3A_18 : vector<2500x1xf32> to vector<2500x64xf32>
    %div3A_19 = arith.divf %slice3A_13, %div3A : vector<2500x64xf32>
    %jit3A = arith.constant 0.000000e+00 : f32
    %broadcast_in_dim3A_20 = vector.shape_cast %gt3A_16 : vector<2500x1xi1> to vector<2500x1xi1>
    %broadcast_in_dim3A_21 = vector.broadcast %broadcast_in_dim3A_20 : vector<2500x1xi1> to vector<2500x64xi1>
    %broadcast_in_dim3A_22 = vector.broadcast %jit3A : f32 to vector<2500x64xf32>
    %select_n3A = arith.select %broadcast_in_dim3A_21, %div3A_19, %broadcast_in_dim3A_22 : vector<2500x64xi1>, vector<2500x64xf32>
    %get3A_23 = arith.constant 0 : index
    %get3A_24 = arith.constant 0 : index
    %get3A_25 = vector.load %arg1[%get3A_23, %get3A_24] : memref<4x64xf32, #tpu.memory_space<vmem>>, vector<1x64xf32>
    %mul3A = vector.broadcast %get3A_25 : vector<1x64xf32> to vector<2500x64xf32>
    %mul3A_26 = arith.mulf %select_n3A, %mul3A : vector<2500x64xf32>
    %reduce_sum3A = arith.constant dense<0.000000e+00> : vector<2500xf32>
    %reduce_sum3A_27 = vector.multi_reduction <add>, %mul3A_26, %reduce_sum3A [1] : vector<2500x64xf32> to vector<2500xf32>
    %broadcast_in_dim3A_28 = vector.shape_cast %reduce_sum3A_27 : vector<2500xf32> to vector<2500x1xf32>
    %jit3A_29 = arith.constant 2.000000e-01 : f32
    %ge3A = arith.constant 0.000000e+00 : f32
    %ge3A_30 = vector.broadcast %ge3A : f32 to vector<2500x1xf32>
    %ge3A_31 = arith.cmpf oge, %broadcast_in_dim3A_28, %ge3A_30 : vector<2500x1xf32>
    %mul3A_32 = vector.broadcast %jit3A_29 : f32 to vector<2500x1xf32>
    %mul3A_33 = arith.mulf %mul3A_32, %broadcast_in_dim3A_28 : vector<2500x1xf32>
    %select_n3A_34 = arith.select %ge3A_31, %broadcast_in_dim3A_28, %mul3A_33 : vector<2500x1xi1>, vector<2500x1xf32>
    %reduce_max3A = arith.constant dense<0xFF800000> : vector<1xf32>
    %reduce_max3A_35 = vector.multi_reduction <maximumf>, %select_n3A_34, %reduce_max3A [0] : vector<2500x1xf32> to vector<1xf32>
    %broadcast_in_dim3A_36 = vector.shape_cast %reduce_max3A_35 : vector<1xf32> to vector<1x1xf32>
    %sub3A = vector.broadcast %broadcast_in_dim3A_36 : vector<1x1xf32> to vector<2500x1xf32>
    %sub3A_37 = arith.subf %select_n3A_34, %sub3A : vector<2500x1xf32>
    %exp3A = math.exp %sub3A_37 : vector<2500x1xf32>
    %mul3A_38 = vector.broadcast %exp3A : vector<2500x1xf32> to vector<2500x64xf32>
    %mul3A_39 = arith.mulf %select_n3A, %mul3A_38 : vector<2500x64xf32>
    %slice3A_40 = vector.extract_strided_slice %add3A {offsets = [0, 64], sizes = [2500, 64], strides = [1, 1]} : vector<2500x272xf32> to vector<2500x64xf32>
    %slice3A_41 = vector.extract_strided_slice %add3A {offsets = [0, 257], sizes = [2500, 1], strides = [1, 1]} : vector<2500x272xf32> to vector<2500x1xf32>
    %gt3A_42 = arith.constant 0.000000e+00 : f32
    %gt3A_43 = vector.broadcast %gt3A_42 : f32 to vector<2500x1xf32>
    %gt3A_44 = arith.cmpf ogt, %slice3A_41, %gt3A_43 : vector<2500x1xf32>
    %max3A_45 = arith.constant 1.000000e-30 : f32
    %max3A_46 = vector.broadcast %max3A_45 : f32 to vector<2500x1xf32>
    %max3A_47 = arith.maximumf %slice3A_41, %max3A_46 : vector<2500x1xf32>
    %div3A_48 = vector.broadcast %max3A_47 : vector<2500x1xf32> to vector<2500x64xf32>
    %div3A_49 = arith.divf %slice3A_40, %div3A_48 : vector<2500x64xf32>
    %jit3A_50 = arith.constant 0.000000e+00 : f32
    %broadcast_in_dim3A_51 = vector.shape_cast %gt3A_44 : vector<2500x1xi1> to vector<2500x1xi1>
    %broadcast_in_dim3A_52 = vector.broadcast %broadcast_in_dim3A_51 : vector<2500x1xi1> to vector<2500x64xi1>
    %broadcast_in_dim3A_53 = vector.broadcast %jit3A_50 : f32 to vector<2500x64xf32>
    %select_n3A_54 = arith.select %broadcast_in_dim3A_52, %div3A_49, %broadcast_in_dim3A_53 : vector<2500x64xi1>, vector<2500x64xf32>
    %get3A_55 = arith.constant 1 : index
    %get3A_56 = arith.constant 0 : index
    %get3A_57 = vector.load %arg1[%get3A_55, %get3A_56] : memref<4x64xf32, #tpu.memory_space<vmem>>, vector<1x64xf32>
    %mul3A_58 = vector.broadcast %get3A_57 : vector<1x64xf32> to vector<2500x64xf32>
    %mul3A_59 = arith.mulf %select_n3A_54, %mul3A_58 : vector<2500x64xf32>
    %reduce_sum3A_60 = arith.constant dense<0.000000e+00> : vector<2500xf32>
    %reduce_sum3A_61 = vector.multi_reduction <add>, %mul3A_59, %reduce_sum3A_60 [1] : vector<2500x64xf32> to vector<2500xf32>
    %broadcast_in_dim3A_62 = vector.shape_cast %reduce_sum3A_61 : vector<2500xf32> to vector<2500x1xf32>
    %jit3A_63 = arith.constant 2.000000e-01 : f32
    %ge3A_64 = arith.constant 0.000000e+00 : f32
    %ge3A_65 = vector.broadcast %ge3A_64 : f32 to vector<2500x1xf32>
    %ge3A_66 = arith.cmpf oge, %broadcast_in_dim3A_62, %ge3A_65 : vector<2500x1xf32>
    %mul3A_67 = vector.broadcast %jit3A_63 : f32 to vector<2500x1xf32>
    %mul3A_68 = arith.mulf %mul3A_67, %broadcast_in_dim3A_62 : vector<2500x1xf32>
    %select_n3A_69 = arith.select %ge3A_66, %broadcast_in_dim3A_62, %mul3A_68 : vector<2500x1xi1>, vector<2500x1xf32>
    %reduce_max3A_70 = arith.constant dense<0xFF800000> : vector<1xf32>
    %reduce_max3A_71 = vector.multi_reduction <maximumf>, %select_n3A_69, %reduce_max3A_70 [0] : vector<2500x1xf32> to vector<1xf32>
    %broadcast_in_dim3A_72 = vector.shape_cast %reduce_max3A_71 : vector<1xf32> to vector<1x1xf32>
    %sub3A_73 = vector.broadcast %broadcast_in_dim3A_72 : vector<1x1xf32> to vector<2500x1xf32>
    %sub3A_74 = arith.subf %select_n3A_69, %sub3A_73 : vector<2500x1xf32>
    %exp3A_75 = math.exp %sub3A_74 : vector<2500x1xf32>
    %mul3A_76 = vector.broadcast %exp3A_75 : vector<2500x1xf32> to vector<2500x64xf32>
    %mul3A_77 = arith.mulf %select_n3A_54, %mul3A_76 : vector<2500x64xf32>
    %concatenate3A = tpu.concatenate %mul3A_39, %mul3A_77, %exp3A, %exp3A_75, %broadcast_in_dim3A_0, %broadcast_in_dim3A_2 in 1 : vector<2500x64xf32>, vector<2500x64xf32>, vector<2500x1xf32>, vector<2500x1xf32>, vector<2500x1xf32>, vector<2500x13xf32> -> vector<2500x144xf32>
    %swap3A = arith.constant 0 : index
    %swap3A_78 = arith.constant 0 : index
    %swap3A_79 = arith.constant 0 : index
    %swap3A_80 = vector.load %arg2[%swap3A, %swap3A_78, %swap3A_79] : memref<2x2500x144xf32, #tpu.memory_space<vmem>>, vector<1x2500x144xf32>
    %swap3A_81 = vector.shape_cast %swap3A_80 : vector<1x2500x144xf32> to vector<2500x144xf32>
    %swap3A_82 = vector.shape_cast %concatenate3A : vector<2500x144xf32> to vector<1x2500x144xf32>
    tpu.vector_store %arg2[%swap3A, %swap3A_78, %swap3A_79], %swap3A_82 {strides = array<i32>} : memref<2x2500x144xf32, #tpu.memory_space<vmem>>, vector<1x2500x144xf32>,
    %slice3A_83 = vector.extract_strided_slice %add3A {offsets = [0, 128], sizes = [2500, 64], strides = [1, 1]} : vector<2500x272xf32> to vector<2500x64xf32>
    %slice3A_84 = vector.extract_strided_slice %add3A {offsets = [0, 258], sizes = [2500, 1], strides = [1, 1]} : vector<2500x272xf32> to vector<2500x1xf32>
    %gt3A_85 = arith.constant 0.000000e+00 : f32
    %gt3A_86 = vector.broadcast %gt3A_85 : f32 to vector<2500x1xf32>
    %gt3A_87 = arith.cmpf ogt, %slice3A_84, %gt3A_86 : vector<2500x1xf32>
    %max3A_88 = arith.constant 1.000000e-30 : f32
    %max3A_89 = vector.broadcast %max3A_88 : f32 to vector<2500x1xf32>
    %max3A_90 = arith.maximumf %slice3A_84, %max3A_89 : vector<2500x1xf32>
    %div3A_91 = vector.broadcast %max3A_90 : vector<2500x1xf32> to vector<2500x64xf32>
    %div3A_92 = arith.divf %slice3A_83, %div3A_91 : vector<2500x64xf32>
    %jit3A_93 = arith.constant 0.000000e+00 : f32
    %broadcast_in_dim3A_94 = vector.shape_cast %gt3A_87 : vector<2500x1xi1> to vector<2500x1xi1>
    %broadcast_in_dim3A_95 = vector.broadcast %broadcast_in_dim3A_94 : vector<2500x1xi1> to vector<2500x64xi1>
    %broadcast_in_dim3A_96 = vector.broadcast %jit3A_93 : f32 to vector<2500x64xf32>
    %select_n3A_97 = arith.select %broadcast_in_dim3A_95, %div3A_92, %broadcast_in_dim3A_96 : vector<2500x64xi1>, vector<2500x64xf32>
    %get3A_98 = arith.constant 2 : index
    %get3A_99 = arith.constant 0 : index
    %get3A_100 = vector.load %arg1[%get3A_98, %get3A_99] : memref<4x64xf32, #tpu.memory_space<vmem>>, vector<1x64xf32>
    %mul3A_101 = vector.broadcast %get3A_100 : vector<1x64xf32> to vector<2500x64xf32>
    %mul3A_102 = arith.mulf %select_n3A_97, %mul3A_101 : vector<2500x64xf32>
    %reduce_sum3A_103 = arith.constant dense<0.000000e+00> : vector<2500xf32>
    %reduce_sum3A_104 = vector.multi_reduction <add>, %mul3A_102, %reduce_sum3A_103 [1] : vector<2500x64xf32> to vector<2500xf32>
    %broadcast_in_dim3A_105 = vector.shape_cast %reduce_sum3A_104 : vector<2500xf32> to vector<2500x1xf32>
    %jit3A_106 = arith.constant 2.000000e-01 : f32
    %ge3A_107 = arith.constant 0.000000e+00 : f32
    %ge3A_108 = vector.broadcast %ge3A_107 : f32 to vector<2500x1xf32>
    %ge3A_109 = arith.cmpf oge, %broadcast_in_dim3A_105, %ge3A_108 : vector<2500x1xf32>
    %mul3A_110 = vector.broadcast %jit3A_106 : f32 to vector<2500x1xf32>
    %mul3A_111 = arith.mulf %mul3A_110, %broadcast_in_dim3A_105 : vector<2500x1xf32>
    %select_n3A_112 = arith.select %ge3A_109, %broadcast_in_dim3A_105, %mul3A_111 : vector<2500x1xi1>, vector<2500x1xf32>
    %reduce_max3A_113 = arith.constant dense<0xFF800000> : vector<1xf32>
    %reduce_max3A_114 = vector.multi_reduction <maximumf>, %select_n3A_112, %reduce_max3A_113 [0] : vector<2500x1xf32> to vector<1xf32>
    %broadcast_in_dim3A_115 = vector.shape_cast %reduce_max3A_114 : vector<1xf32> to vector<1x1xf32>
    %sub3A_116 = vector.broadcast %broadcast_in_dim3A_115 : vector<1x1xf32> to vector<2500x1xf32>
    %sub3A_117 = arith.subf %select_n3A_112, %sub3A_116 : vector<2500x1xf32>
    %exp3A_118 = math.exp %sub3A_117 : vector<2500x1xf32>
    %mul3A_119 = vector.broadcast %exp3A_118 : vector<2500x1xf32> to vector<2500x64xf32>
    %mul3A_120 = arith.mulf %select_n3A_97, %mul3A_119 : vector<2500x64xf32>
    %slice3A_121 = vector.extract_strided_slice %add3A {offsets = [0, 192], sizes = [2500, 64], strides = [1, 1]} : vector<2500x272xf32> to vector<2500x64xf32>
    %slice3A_122 = vector.extract_strided_slice %add3A {offsets = [0, 259], sizes = [2500, 1], strides = [1, 1]} : vector<2500x272xf32> to vector<2500x1xf32>
    %gt3A_123 = arith.constant 0.000000e+00 : f32
    %gt3A_124 = vector.broadcast %gt3A_123 : f32 to vector<2500x1xf32>
    %gt3A_125 = arith.cmpf ogt, %slice3A_122, %gt3A_124 : vector<2500x1xf32>
    %max3A_126 = arith.constant 1.000000e-30 : f32
    %max3A_127 = vector.broadcast %max3A_126 : f32 to vector<2500x1xf32>
    %max3A_128 = arith.maximumf %slice3A_122, %max3A_127 : vector<2500x1xf32>
    %div3A_129 = vector.broadcast %max3A_128 : vector<2500x1xf32> to vector<2500x64xf32>
    %div3A_130 = arith.divf %slice3A_121, %div3A_129 : vector<2500x64xf32>
    %jit3A_131 = arith.constant 0.000000e+00 : f32
    %broadcast_in_dim3A_132 = vector.shape_cast %gt3A_125 : vector<2500x1xi1> to vector<2500x1xi1>
    %broadcast_in_dim3A_133 = vector.broadcast %broadcast_in_dim3A_132 : vector<2500x1xi1> to vector<2500x64xi1>
    %broadcast_in_dim3A_134 = vector.broadcast %jit3A_131 : f32 to vector<2500x64xf32>
    %select_n3A_135 = arith.select %broadcast_in_dim3A_133, %div3A_130, %broadcast_in_dim3A_134 : vector<2500x64xi1>, vector<2500x64xf32>
    %get3A_136 = arith.constant 3 : index
    %get3A_137 = arith.constant 0 : index
    %get3A_138 = vector.load %arg1[%get3A_136, %get3A_137] : memref<4x64xf32, #tpu.memory_space<vmem>>, vector<1x64xf32>
    %mul3A_139 = vector.broadcast %get3A_138 : vector<1x64xf32> to vector<2500x64xf32>
    %mul3A_140 = arith.mulf %select_n3A_135, %mul3A_139 : vector<2500x64xf32>
    %reduce_sum3A_141 = arith.constant dense<0.000000e+00> : vector<2500xf32>
    %reduce_sum3A_142 = vector.multi_reduction <add>, %mul3A_140, %reduce_sum3A_141 [1] : vector<2500x64xf32> to vector<2500xf32>
    %broadcast_in_dim3A_143 = vector.shape_cast %reduce_sum3A_142 : vector<2500xf32> to vector<2500x1xf32>
    %jit3A_144 = arith.constant 2.000000e-01 : f32
    %ge3A_145 = arith.constant 0.000000e+00 : f32
    %ge3A_146 = vector.broadcast %ge3A_145 : f32 to vector<2500x1xf32>
    %ge3A_147 = arith.cmpf oge, %broadcast_in_dim3A_143, %ge3A_146 : vector<2500x1xf32>
    %mul3A_148 = vector.broadcast %jit3A_144 : f32 to vector<2500x1xf32>
    %mul3A_149 = arith.mulf %mul3A_148, %broadcast_in_dim3A_143 : vector<2500x1xf32>
    %select_n3A_150 = arith.select %ge3A_147, %broadcast_in_dim3A_143, %mul3A_149 : vector<2500x1xi1>, vector<2500x1xf32>
    %reduce_max3A_151 = arith.constant dense<0xFF800000> : vector<1xf32>
    %reduce_max3A_152 = vector.multi_reduction <maximumf>, %select_n3A_150, %reduce_max3A_151 [0] : vector<2500x1xf32> to vector<1xf32>
    %broadcast_in_dim3A_153 = vector.shape_cast %reduce_max3A_152 : vector<1xf32> to vector<1x1xf32>
    %sub3A_154 = vector.broadcast %broadcast_in_dim3A_153 : vector<1x1xf32> to vector<2500x1xf32>
    %sub3A_155 = arith.subf %select_n3A_150, %sub3A_154 : vector<2500x1xf32>
    %exp3A_156 = math.exp %sub3A_155 : vector<2500x1xf32>
    %mul3A_157 = vector.broadcast %exp3A_156 : vector<2500x1xf32> to vector<2500x64xf32>
    %mul3A_158 = arith.mulf %select_n3A_135, %mul3A_157 : vector<2500x64xf32>
    %concatenate3A_159 = tpu.concatenate %mul3A_120, %mul3A_158, %exp3A_118, %exp3A_156, %broadcast_in_dim3A_0, %broadcast_in_dim3A_2 in 1 : vector<2500x64xf32>, vector<2500x64xf32>, vector<2500x1xf32>, vector<2500x1xf32>, vector<2500x1xf32>, vector<2500x13xf32> -> vector<2500x144xf32>
    %swap3A_160 = arith.constant 1 : index
    %swap3A_161 = arith.constant 0 : index
    %swap3A_162 = arith.constant 0 : index
    %swap3A_163 = vector.load %arg2[%swap3A_160, %swap3A_161, %swap3A_162] : memref<2x2500x144xf32, #tpu.memory_space<vmem>>, vector<1x2500x144xf32>
    %swap3A_164 = vector.shape_cast %swap3A_163 : vector<1x2500x144xf32> to vector<2500x144xf32>
    %swap3A_165 = vector.shape_cast %concatenate3A_159 : vector<2500x144xf32> to vector<1x2500x144xf32>
    tpu.vector_store %arg2[%swap3A_160, %swap3A_161, %swap3A_162], %swap3A_165 {strides = array<i32>} : memref<2x2500x144xf32, #tpu.memory_space<vmem>>, vector<1x2500x144xf32>,
    return
  }
}

module attributes {stable_mosaic.version = 14 : i64} {
  func.func @_ke_body(%arg0: i32, %arg1: memref<2x2528x144xf32, #tpu.memory_space<vmem>>, %arg2: memref<2528x256xf32, #tpu.memory_space<vmem>>, %arg3: memref<256x40xf32, #tpu.memory_space<vmem>>, %arg4: memref<2528x48xf32, #tpu.memory_space<vmem>>) attributes {dimension_semantics = [#tpu.dimension_semantics<arbitrary>], iteration_bounds = array<i64: 4>, scalar_prefetch = 0 : i64, scratch_operands = 0 : i64, tpu.core_type = #tpu.core_type<tc>, window_params = [{transform_indices = @transform_0, window_bounds = array<i64: 2, 2528, 144>}, {transform_indices = @transform_1, window_bounds = array<i64: 2528, 256>}, {pipeline_mode = #tpu.pipeline_mode<synchronous>, transform_indices = @transform_2, window_bounds = array<i64: 256, 40>}, {transform_indices = @transform_3, window_bounds = array<i64: 2528, 48>}]} {
    %get3A = arith.constant 0 : index
    %get3A_0 = arith.constant 0 : index
    %get3A_1 = arith.constant 0 : index
    %get3A_2 = vector.load %arg1[%get3A, %get3A_0, %get3A_1] : memref<2x2528x144xf32, #tpu.memory_space<vmem>>, vector<1x2528x144xf32>
    %get3A_3 = vector.shape_cast %get3A_2 : vector<1x2528x144xf32> to vector<2528x144xf32>
    %slice3A = vector.extract_strided_slice %get3A_3 {offsets = [0, 0], sizes = [2528, 64], strides = [1, 1]} : vector<2528x144xf32> to vector<2528x64xf32>
    %get3A_4 = arith.constant 0 : index
    %get3A_5 = arith.constant 0 : index
    %get3A_6 = arith.constant 0 : index
    %get3A_7 = vector.load %arg1[%get3A_4, %get3A_5, %get3A_6] : memref<2x2528x144xf32, #tpu.memory_space<vmem>>, vector<1x2528x144xf32>
    %get3A_8 = vector.shape_cast %get3A_7 : vector<1x2528x144xf32> to vector<2528x144xf32>
    %slice3A_9 = vector.extract_strided_slice %get3A_8 {offsets = [0, 128], sizes = [2528, 1], strides = [1, 1]} : vector<2528x144xf32> to vector<2528x1xf32>
    %gt3A = arith.constant 0.000000e+00 : f32
    %gt3A_10 = vector.broadcast %gt3A : f32 to vector<2528x1xf32>
    %gt3A_11 = arith.cmpf ogt, %slice3A_9, %gt3A_10 : vector<2528x1xf32>
    %max3A = arith.constant 1.000000e-30 : f32
    %max3A_12 = vector.broadcast %max3A : f32 to vector<2528x1xf32>
    %max3A_13 = arith.maximumf %slice3A_9, %max3A_12 : vector<2528x1xf32>
    %div3A = vector.broadcast %max3A_13 : vector<2528x1xf32> to vector<2528x64xf32>
    %div3A_14 = arith.divf %slice3A, %div3A : vector<2528x64xf32>
    %jit3A = arith.constant 0.000000e+00 : f32
    %broadcast_in_dim3A = vector.shape_cast %gt3A_11 : vector<2528x1xi1> to vector<2528x1xi1>
    %broadcast_in_dim3A_15 = vector.broadcast %broadcast_in_dim3A : vector<2528x1xi1> to vector<2528x64xi1>
    %broadcast_in_dim3A_16 = vector.broadcast %jit3A : f32 to vector<2528x64xf32>
    %select_n3A = arith.select %broadcast_in_dim3A_15, %div3A_14, %broadcast_in_dim3A_16 : vector<2528x64xi1>, vector<2528x64xf32>
    %max3A_17 = arith.constant 0.000000e+00 : f32
    %max3A_18 = vector.broadcast %max3A_17 : f32 to vector<2528x64xf32>
    %max3A_19 = arith.maximumf %select_n3A, %max3A_18 : vector<2528x64xf32>
    %min3A = arith.constant 0.000000e+00 : f32
    %min3A_20 = vector.broadcast %min3A : f32 to vector<2528x64xf32>
    %min3A_21 = arith.minimumf %select_n3A, %min3A_20 : vector<2528x64xf32>
    %exp3A = math.exp %min3A_21 : vector<2528x64xf32>
    %add3A = arith.addf %max3A_19, %exp3A : vector<2528x64xf32>
    %sub3A = arith.constant 1.000000e+00 : f32
    %sub3A_22 = vector.broadcast %sub3A : f32 to vector<2528x64xf32>
    %sub3A_23 = arith.subf %add3A, %sub3A_22 : vector<2528x64xf32>
    %get3A_24 = arith.constant 0 : index
    %get3A_25 = arith.constant 0 : index
    %get3A_26 = arith.constant 0 : index
    %get3A_27 = vector.load %arg1[%get3A_24, %get3A_25, %get3A_26] : memref<2x2528x144xf32, #tpu.memory_space<vmem>>, vector<1x2528x144xf32>
    %get3A_28 = vector.shape_cast %get3A_27 : vector<1x2528x144xf32> to vector<2528x144xf32>
    %slice3A_29 = vector.extract_strided_slice %get3A_28 {offsets = [0, 64], sizes = [2528, 64], strides = [1, 1]} : vector<2528x144xf32> to vector<2528x64xf32>
    %get3A_30 = arith.constant 0 : index
    %get3A_31 = arith.constant 0 : index
    %get3A_32 = arith.constant 0 : index
    %get3A_33 = vector.load %arg1[%get3A_30, %get3A_31, %get3A_32] : memref<2x2528x144xf32, #tpu.memory_space<vmem>>, vector<1x2528x144xf32>
    %get3A_34 = vector.shape_cast %get3A_33 : vector<1x2528x144xf32> to vector<2528x144xf32>
    %slice3A_35 = vector.extract_strided_slice %get3A_34 {offsets = [0, 129], sizes = [2528, 1], strides = [1, 1]} : vector<2528x144xf32> to vector<2528x1xf32>
    %gt3A_36 = arith.constant 0.000000e+00 : f32
    %gt3A_37 = vector.broadcast %gt3A_36 : f32 to vector<2528x1xf32>
    %gt3A_38 = arith.cmpf ogt, %slice3A_35, %gt3A_37 : vector<2528x1xf32>
    %max3A_39 = arith.constant 1.000000e-30 : f32
    %max3A_40 = vector.broadcast %max3A_39 : f32 to vector<2528x1xf32>
    %max3A_41 = arith.maximumf %slice3A_35, %max3A_40 : vector<2528x1xf32>
    %div3A_42 = vector.broadcast %max3A_41 : vector<2528x1xf32> to vector<2528x64xf32>
    %div3A_43 = arith.divf %slice3A_29, %div3A_42 : vector<2528x64xf32>
    %jit3A_44 = arith.constant 0.000000e+00 : f32
    %broadcast_in_dim3A_45 = vector.shape_cast %gt3A_38 : vector<2528x1xi1> to vector<2528x1xi1>
    %broadcast_in_dim3A_46 = vector.broadcast %broadcast_in_dim3A_45 : vector<2528x1xi1> to vector<2528x64xi1>
    %broadcast_in_dim3A_47 = vector.broadcast %jit3A_44 : f32 to vector<2528x64xf32>
    %select_n3A_48 = arith.select %broadcast_in_dim3A_46, %div3A_43, %broadcast_in_dim3A_47 : vector<2528x64xi1>, vector<2528x64xf32>
    %max3A_49 = arith.constant 0.000000e+00 : f32
    %max3A_50 = vector.broadcast %max3A_49 : f32 to vector<2528x64xf32>
    %max3A_51 = arith.maximumf %select_n3A_48, %max3A_50 : vector<2528x64xf32>
    %min3A_52 = arith.constant 0.000000e+00 : f32
    %min3A_53 = vector.broadcast %min3A_52 : f32 to vector<2528x64xf32>
    %min3A_54 = arith.minimumf %select_n3A_48, %min3A_53 : vector<2528x64xf32>
    %exp3A_55 = math.exp %min3A_54 : vector<2528x64xf32>
    %add3A_56 = arith.addf %max3A_51, %exp3A_55 : vector<2528x64xf32>
    %sub3A_57 = arith.constant 1.000000e+00 : f32
    %sub3A_58 = vector.broadcast %sub3A_57 : f32 to vector<2528x64xf32>
    %sub3A_59 = arith.subf %add3A_56, %sub3A_58 : vector<2528x64xf32>
    %get3A_60 = arith.constant 1 : index
    %get3A_61 = arith.constant 0 : index
    %get3A_62 = arith.constant 0 : index
    %get3A_63 = vector.load %arg1[%get3A_60, %get3A_61, %get3A_62] : memref<2x2528x144xf32, #tpu.memory_space<vmem>>, vector<1x2528x144xf32>
    %get3A_64 = vector.shape_cast %get3A_63 : vector<1x2528x144xf32> to vector<2528x144xf32>
    %slice3A_65 = vector.extract_strided_slice %get3A_64 {offsets = [0, 0], sizes = [2528, 64], strides = [1, 1]} : vector<2528x144xf32> to vector<2528x64xf32>
    %get3A_66 = arith.constant 1 : index
    %get3A_67 = arith.constant 0 : index
    %get3A_68 = arith.constant 0 : index
    %get3A_69 = vector.load %arg1[%get3A_66, %get3A_67, %get3A_68] : memref<2x2528x144xf32, #tpu.memory_space<vmem>>, vector<1x2528x144xf32>
    %get3A_70 = vector.shape_cast %get3A_69 : vector<1x2528x144xf32> to vector<2528x144xf32>
    %slice3A_71 = vector.extract_strided_slice %get3A_70 {offsets = [0, 128], sizes = [2528, 1], strides = [1, 1]} : vector<2528x144xf32> to vector<2528x1xf32>
    %gt3A_72 = arith.constant 0.000000e+00 : f32
    %gt3A_73 = vector.broadcast %gt3A_72 : f32 to vector<2528x1xf32>
    %gt3A_74 = arith.cmpf ogt, %slice3A_71, %gt3A_73 : vector<2528x1xf32>
    %max3A_75 = arith.constant 1.000000e-30 : f32
    %max3A_76 = vector.broadcast %max3A_75 : f32 to vector<2528x1xf32>
    %max3A_77 = arith.maximumf %slice3A_71, %max3A_76 : vector<2528x1xf32>
    %div3A_78 = vector.broadcast %max3A_77 : vector<2528x1xf32> to vector<2528x64xf32>
    %div3A_79 = arith.divf %slice3A_65, %div3A_78 : vector<2528x64xf32>
    %jit3A_80 = arith.constant 0.000000e+00 : f32
    %broadcast_in_dim3A_81 = vector.shape_cast %gt3A_74 : vector<2528x1xi1> to vector<2528x1xi1>
    %broadcast_in_dim3A_82 = vector.broadcast %broadcast_in_dim3A_81 : vector<2528x1xi1> to vector<2528x64xi1>
    %broadcast_in_dim3A_83 = vector.broadcast %jit3A_80 : f32 to vector<2528x64xf32>
    %select_n3A_84 = arith.select %broadcast_in_dim3A_82, %div3A_79, %broadcast_in_dim3A_83 : vector<2528x64xi1>, vector<2528x64xf32>
    %max3A_85 = arith.constant 0.000000e+00 : f32
    %max3A_86 = vector.broadcast %max3A_85 : f32 to vector<2528x64xf32>
    %max3A_87 = arith.maximumf %select_n3A_84, %max3A_86 : vector<2528x64xf32>
    %min3A_88 = arith.constant 0.000000e+00 : f32
    %min3A_89 = vector.broadcast %min3A_88 : f32 to vector<2528x64xf32>
    %min3A_90 = arith.minimumf %select_n3A_84, %min3A_89 : vector<2528x64xf32>
    %exp3A_91 = math.exp %min3A_90 : vector<2528x64xf32>
    %add3A_92 = arith.addf %max3A_87, %exp3A_91 : vector<2528x64xf32>
    %sub3A_93 = arith.constant 1.000000e+00 : f32
    %sub3A_94 = vector.broadcast %sub3A_93 : f32 to vector<2528x64xf32>
    %sub3A_95 = arith.subf %add3A_92, %sub3A_94 : vector<2528x64xf32>
    %get3A_96 = arith.constant 1 : index
    %get3A_97 = arith.constant 0 : index
    %get3A_98 = arith.constant 0 : index
    %get3A_99 = vector.load %arg1[%get3A_96, %get3A_97, %get3A_98] : memref<2x2528x144xf32, #tpu.memory_space<vmem>>, vector<1x2528x144xf32>
    %get3A_100 = vector.shape_cast %get3A_99 : vector<1x2528x144xf32> to vector<2528x144xf32>
    %slice3A_101 = vector.extract_strided_slice %get3A_100 {offsets = [0, 64], sizes = [2528, 64], strides = [1, 1]} : vector<2528x144xf32> to vector<2528x64xf32>
    %get3A_102 = arith.constant 1 : index
    %get3A_103 = arith.constant 0 : index
    %get3A_104 = arith.constant 0 : index
    %get3A_105 = vector.load %arg1[%get3A_102, %get3A_103, %get3A_104] : memref<2x2528x144xf32, #tpu.memory_space<vmem>>, vector<1x2528x144xf32>
    %get3A_106 = vector.shape_cast %get3A_105 : vector<1x2528x144xf32> to vector<2528x144xf32>
    %slice3A_107 = vector.extract_strided_slice %get3A_106 {offsets = [0, 129], sizes = [2528, 1], strides = [1, 1]} : vector<2528x144xf32> to vector<2528x1xf32>
    %gt3A_108 = arith.constant 0.000000e+00 : f32
    %gt3A_109 = vector.broadcast %gt3A_108 : f32 to vector<2528x1xf32>
    %gt3A_110 = arith.cmpf ogt, %slice3A_107, %gt3A_109 : vector<2528x1xf32>
    %max3A_111 = arith.constant 1.000000e-30 : f32
    %max3A_112 = vector.broadcast %max3A_111 : f32 to vector<2528x1xf32>
    %max3A_113 = arith.maximumf %slice3A_107, %max3A_112 : vector<2528x1xf32>
    %div3A_114 = vector.broadcast %max3A_113 : vector<2528x1xf32> to vector<2528x64xf32>
    %div3A_115 = arith.divf %slice3A_101, %div3A_114 : vector<2528x64xf32>
    %jit3A_116 = arith.constant 0.000000e+00 : f32
    %broadcast_in_dim3A_117 = vector.shape_cast %gt3A_110 : vector<2528x1xi1> to vector<2528x1xi1>
    %broadcast_in_dim3A_118 = vector.broadcast %broadcast_in_dim3A_117 : vector<2528x1xi1> to vector<2528x64xi1>
    %broadcast_in_dim3A_119 = vector.broadcast %jit3A_116 : f32 to vector<2528x64xf32>
    %select_n3A_120 = arith.select %broadcast_in_dim3A_118, %div3A_115, %broadcast_in_dim3A_119 : vector<2528x64xi1>, vector<2528x64xf32>
    %max3A_121 = arith.constant 0.000000e+00 : f32
    %max3A_122 = vector.broadcast %max3A_121 : f32 to vector<2528x64xf32>
    %max3A_123 = arith.maximumf %select_n3A_120, %max3A_122 : vector<2528x64xf32>
    %min3A_124 = arith.constant 0.000000e+00 : f32
    %min3A_125 = vector.broadcast %min3A_124 : f32 to vector<2528x64xf32>
    %min3A_126 = arith.minimumf %select_n3A_120, %min3A_125 : vector<2528x64xf32>
    %exp3A_127 = math.exp %min3A_126 : vector<2528x64xf32>
    %add3A_128 = arith.addf %max3A_123, %exp3A_127 : vector<2528x64xf32>
    %sub3A_129 = arith.constant 1.000000e+00 : f32
    %sub3A_130 = vector.broadcast %sub3A_129 : f32 to vector<2528x64xf32>
    %sub3A_131 = arith.subf %add3A_128, %sub3A_130 : vector<2528x64xf32>
    %concatenate3A = tpu.concatenate %sub3A_23, %sub3A_59, %sub3A_95, %sub3A_131 in 1 : vector<2528x64xf32>, vector<2528x64xf32>, vector<2528x64xf32>, vector<2528x64xf32> -> vector<2528x256xf32>
    %abs3A = math.absf %concatenate3A : vector<2528x256xf32>
    %reduce_sum3A = arith.constant dense<0.000000e+00> : vector<2528xf32>
    %reduce_sum3A_132 = vector.multi_reduction <add>, %abs3A, %reduce_sum3A [1] : vector<2528x256xf32> to vector<2528xf32>
    %broadcast_in_dim3A_133 = vector.shape_cast %reduce_sum3A_132 : vector<2528xf32> to vector<2528x1xf32>
    %get3A_134 = arith.constant 0 : index
    %get3A_135 = arith.constant 0 : index
    %get3A_136 = vector.load %arg2[%get3A_134, %get3A_135] : memref<2528x256xf32, #tpu.memory_space<vmem>>, vector<2528x256xf32>
    %mul3A = vector.broadcast %broadcast_in_dim3A_133 : vector<2528x1xf32> to vector<2528x256xf32>
    %mul3A_137 = arith.mulf %mul3A, %get3A_136 : vector<2528x256xf32>
    %add3A_138 = arith.addf %concatenate3A, %mul3A_137 : vector<2528x256xf32>
    %get3A_139 = arith.constant 0 : index
    %get3A_140 = arith.constant 0 : index
    %get3A_141 = vector.load %arg3[%get3A_139, %get3A_140] : memref<256x40xf32, #tpu.memory_space<vmem>>, vector<256x40xf32>
    %dot_general3A = arith.constant dense<0.000000e+00> : vector<2528x40xf32>
    %dot_general3A_142 = tpu.matmul %add3A_138, %get3A_141, %dot_general3A {dimension_numbers = #tpu.dot_dimension_numbers<[1], [0], [0], [1], [0, 0, 1, 1], [], []>, transpose_lhs_hint = false} : vector<2528x256xf32>, vector<256x40xf32>, vector<2528x40xf32> -> vector<2528x40xf32>
    %broadcast_in_dim3A_143 = arith.constant 0.000000e+00 : f32
    %broadcast_in_dim3A_144 = vector.broadcast %broadcast_in_dim3A_143 : f32 to vector<2528x8xf32>
    %concatenate3A_145 = tpu.concatenate %dot_general3A_142, %broadcast_in_dim3A_144 in 1 : vector<2528x40xf32>, vector<2528x8xf32> -> vector<2528x48xf32>
    %swap3A = arith.constant 0 : index
    %swap3A_146 = arith.constant 0 : index
    %swap3A_147 = vector.load %arg4[%swap3A, %swap3A_146] : memref<2528x48xf32, #tpu.memory_space<vmem>>, vector<2528x48xf32>
    tpu.vector_store %arg4[%swap3A, %swap3A_146], %concatenate3A_145 {strides = array<i32>} : memref<2528x48xf32, #tpu.memory_space<vmem>>, vector<2528x48xf32>,
    return
  }
  func.func @transform_0(%arg0: i32) -> (i32, i32, i32) {
    %c0_i32 = arith.constant 0 : i32
    %c0_i32_0 = arith.constant 0 : i32
    %c0_i32_1 = arith.constant 0 : i32
    return %c0_i32, %arg0, %c0_i32_0 : i32, i32, i32
  }
  func.func @transform_1(%arg0: i32) -> (i32, i32) {
    %c0_i32 = arith.constant 0 : i32
    %c0_i32_0 = arith.constant 0 : i32
    return %arg0, %c0_i32 : i32, i32
  }
  func.func @transform_2(%arg0: i32) -> (i32, i32) {
    %c0_i32 = arith.constant 0 : i32
    %c0_i32_0 = arith.constant 0 : i32
    %c0_i32_1 = arith.constant 0 : i32
    return %c0_i32, %c0_i32_0 : i32, i32
  }
  func.func @transform_3(%arg0: i32) -> (i32, i32) {
    %c0_i32 = arith.constant 0 : i32
    %c0_i32_0 = arith.constant 0 : i32
    return %arg0, %c0_i32 : i32, i32
  }
}

module attributes {stable_mosaic.version = 14 : i64} {
  func.func @_kf_body(%arg0: memref<2x2560x48xf32, #tpu.memory_space<vmem>>, %arg1: memref<2x2560x272xf32, #tpu.memory_space<vmem>>, %arg2: memref<2500x48xf32, #tpu.memory_space<vmem>>) attributes {dimension_semantics = [], scalar_prefetch = 0 : i64, scratch_operands = 0 : i64, tpu.core_type = #tpu.core_type<tc>} {
    %get3A = arith.constant 0 : index
    %get3A_0 = arith.constant 0 : index
    %get3A_1 = arith.constant 0 : index
    %get3A_2 = vector.load %arg1[%get3A, %get3A_0, %get3A_1] : memref<2x2560x272xf32, #tpu.memory_space<vmem>>, vector<1x2560x272xf32>
    %get3A_3 = vector.shape_cast %get3A_2 : vector<1x2560x272xf32> to vector<2560x272xf32>
    %slice3A = vector.extract_strided_slice %get3A_3 {offsets = [0, 260], sizes = [2500, 1], strides = [1, 1]} : vector<2560x272xf32> to vector<2500x1xf32>
    %get3A_4 = arith.constant 1 : index
    %get3A_5 = arith.constant 0 : index
    %get3A_6 = arith.constant 0 : index
    %get3A_7 = vector.load %arg1[%get3A_4, %get3A_5, %get3A_6] : memref<2x2560x272xf32, #tpu.memory_space<vmem>>, vector<1x2560x272xf32>
    %get3A_8 = vector.shape_cast %get3A_7 : vector<1x2560x272xf32> to vector<2560x272xf32>
    %slice3A_9 = vector.extract_strided_slice %get3A_8 {offsets = [0, 260], sizes = [2500, 1], strides = [1, 1]} : vector<2560x272xf32> to vector<2500x1xf32>
    %add3A = arith.addf %slice3A, %slice3A_9 : vector<2500x1xf32>
    %max3A = arith.constant 1.000000e+00 : f32
    %max3A_10 = vector.broadcast %max3A : f32 to vector<2500x1xf32>
    %max3A_11 = arith.maximumf %add3A, %max3A_10 : vector<2500x1xf32>
    %get3A_12 = arith.constant 0 : index
    %get3A_13 = arith.constant 0 : index
    %get3A_14 = arith.constant 0 : index
    %get3A_15 = vector.load %arg0[%get3A_12, %get3A_13, %get3A_14] : memref<2x2560x48xf32, #tpu.memory_space<vmem>>, vector<1x2560x48xf32>
    %get3A_16 = vector.shape_cast %get3A_15 : vector<1x2560x48xf32> to vector<2560x48xf32>
    %slice3A_17 = vector.extract_strided_slice %get3A_16 {offsets = [0, 0], sizes = [2500, 48], strides = [1, 1]} : vector<2560x48xf32> to vector<2500x48xf32>
    %get3A_18 = arith.constant 1 : index
    %get3A_19 = arith.constant 0 : index
    %get3A_20 = arith.constant 0 : index
    %get3A_21 = vector.load %arg0[%get3A_18, %get3A_19, %get3A_20] : memref<2x2560x48xf32, #tpu.memory_space<vmem>>, vector<1x2560x48xf32>
    %get3A_22 = vector.shape_cast %get3A_21 : vector<1x2560x48xf32> to vector<2560x48xf32>
    %slice3A_23 = vector.extract_strided_slice %get3A_22 {offsets = [0, 0], sizes = [2500, 48], strides = [1, 1]} : vector<2560x48xf32> to vector<2500x48xf32>
    %add3A_24 = arith.addf %slice3A_17, %slice3A_23 : vector<2500x48xf32>
    %div3A = vector.broadcast %max3A_11 : vector<2500x1xf32> to vector<2500x48xf32>
    %div3A_25 = arith.divf %add3A_24, %div3A : vector<2500x48xf32>
    %swap3A = arith.constant 0 : index
    %swap3A_26 = arith.constant 0 : index
    %swap3A_27 = vector.load %arg2[%swap3A, %swap3A_26] : memref<2500x48xf32, #tpu.memory_space<vmem>>, vector<2500x48xf32>
    tpu.vector_store %arg2[%swap3A, %swap3A_26], %div3A_25 {strides = array<i32>} : memref<2500x48xf32, #tpu.memory_space<vmem>>, vector<2500x48xf32>,
    return
  }
}

module attributes {stable_mosaic.version = 14 : i64} {
  func.func @_kg_body(%arg0: i32, %arg1: memref<2x2528x48xf32, #tpu.memory_space<vmem>>, %arg2: memref<2x2528x144xf32, #tpu.memory_space<vmem>>, %arg3: memref<2528x48xf32, #tpu.memory_space<vmem>>, %arg4: memref<1x40xf32, #tpu.memory_space<vmem>>, %arg5: memref<1x40xf32, #tpu.memory_space<vmem>>, %arg6: memref<2528x48xf32, #tpu.memory_space<vmem>>, %arg7: memref<1x48xf32, #tpu.memory_space<vmem>>) attributes {dimension_semantics = [#tpu.dimension_semantics<arbitrary>], iteration_bounds = array<i64: 4>, scalar_prefetch = 0 : i64, scratch_operands = 0 : i64, tpu.core_type = #tpu.core_type<tc>, window_params = [{transform_indices = @transform_0, window_bounds = array<i64: 2, 2528, 48>}, {transform_indices = @transform_1, window_bounds = array<i64: 2, 2528, 144>}, {transform_indices = @transform_2, window_bounds = array<i64: 2528, 48>}, {pipeline_mode = #tpu.pipeline_mode<synchronous>, transform_indices = @transform_3, window_bounds = array<i64: 1, 40>}, {pipeline_mode = #tpu.pipeline_mode<synchronous>, transform_indices = @transform_4, window_bounds = array<i64: 1, 40>}, {transform_indices = @transform_5, window_bounds = array<i64: 2528, 48>}, {pipeline_mode = #tpu.pipeline_mode<synchronous>, transform_indices = @transform_6, window_bounds = array<i64: 1, 48>}]} {
    %get3A = arith.constant 0 : index
    %get3A_0 = arith.constant 0 : index
    %get3A_1 = arith.constant 0 : index
    %get3A_2 = vector.load %arg2[%get3A, %get3A_0, %get3A_1] : memref<2x2528x144xf32, #tpu.memory_space<vmem>>, vector<1x2528x144xf32>
    %get3A_3 = vector.shape_cast %get3A_2 : vector<1x2528x144xf32> to vector<2528x144xf32>
    %slice3A = vector.extract_strided_slice %get3A_3 {offsets = [0, 130], sizes = [2528, 1], strides = [1, 1]} : vector<2528x144xf32> to vector<2528x1xf32>
    %max3A = arith.constant 1.000000e+00 : f32
    %max3A_4 = vector.broadcast %max3A : f32 to vector<2528x1xf32>
    %max3A_5 = arith.maximumf %slice3A, %max3A_4 : vector<2528x1xf32>
    %get3A_6 = arith.constant 0 : index
    %get3A_7 = arith.constant 0 : index
    %get3A_8 = arith.constant 0 : index
    %get3A_9 = vector.load %arg1[%get3A_6, %get3A_7, %get3A_8] : memref<2x2528x48xf32, #tpu.memory_space<vmem>>, vector<1x2528x48xf32>
    %get3A_10 = vector.shape_cast %get3A_9 : vector<1x2528x48xf32> to vector<2528x48xf32>
    %slice3A_11 = vector.extract_strided_slice %get3A_10 {offsets = [0, 0], sizes = [2528, 40], strides = [1, 1]} : vector<2528x48xf32> to vector<2528x40xf32>
    %get3A_12 = arith.constant 1 : index
    %get3A_13 = arith.constant 0 : index
    %get3A_14 = arith.constant 0 : index
    %get3A_15 = vector.load %arg1[%get3A_12, %get3A_13, %get3A_14] : memref<2x2528x48xf32, #tpu.memory_space<vmem>>, vector<1x2528x48xf32>
    %get3A_16 = vector.shape_cast %get3A_15 : vector<1x2528x48xf32> to vector<2528x48xf32>
    %slice3A_17 = vector.extract_strided_slice %get3A_16 {offsets = [0, 0], sizes = [2528, 40], strides = [1, 1]} : vector<2528x48xf32> to vector<2528x40xf32>
    %add3A = arith.addf %slice3A_11, %slice3A_17 : vector<2528x40xf32>
    %div3A = vector.broadcast %max3A_5 : vector<2528x1xf32> to vector<2528x40xf32>
    %div3A_18 = arith.divf %add3A, %div3A : vector<2528x40xf32>
    %get3A_19 = arith.constant 0 : index
    %get3A_20 = arith.constant 0 : index
    %get3A_21 = vector.load %arg3[%get3A_19, %get3A_20] : memref<2528x48xf32, #tpu.memory_space<vmem>>, vector<2528x48xf32>
    %slice3A_22 = vector.extract_strided_slice %get3A_21 {offsets = [0, 0], sizes = [2528, 40], strides = [1, 1]} : vector<2528x48xf32> to vector<2528x40xf32>
    %add3A_23 = arith.addf %slice3A_22, %div3A_18 : vector<2528x40xf32>
    %get3A_24 = arith.constant 0 : index
    %get3A_25 = arith.constant 0 : index
    %get3A_26 = vector.load %arg4[%get3A_24, %get3A_25] : memref<1x40xf32, #tpu.memory_space<vmem>>, vector<1x40xf32>
    %add3A_27 = vector.broadcast %get3A_26 : vector<1x40xf32> to vector<2528x40xf32>
    %add3A_28 = arith.addf %add3A_23, %add3A_27 : vector<2528x40xf32>
    %get3A_29 = arith.constant 0 : index
    %get3A_30 = arith.constant 0 : index
    %get3A_31 = vector.load %arg5[%get3A_29, %get3A_30] : memref<1x40xf32, #tpu.memory_space<vmem>>, vector<1x40xf32>
    %mul3A = vector.broadcast %get3A_31 : vector<1x40xf32> to vector<2528x40xf32>
    %mul3A_32 = arith.mulf %add3A_28, %mul3A : vector<2528x40xf32>
    %reduce_sum3A = arith.constant dense<0.000000e+00> : vector<2528xf32>
    %reduce_sum3A_33 = vector.multi_reduction <add>, %mul3A_32, %reduce_sum3A [1] : vector<2528x40xf32> to vector<2528xf32>
    %broadcast_in_dim3A = vector.shape_cast %reduce_sum3A_33 : vector<2528xf32> to vector<2528x1xf32>
    %jit3A = arith.constant 2.000000e-01 : f32
    %ge3A = arith.constant 0.000000e+00 : f32
    %ge3A_34 = vector.broadcast %ge3A : f32 to vector<2528x1xf32>
    %ge3A_35 = arith.cmpf oge, %broadcast_in_dim3A, %ge3A_34 : vector<2528x1xf32>
    %mul3A_36 = vector.broadcast %jit3A : f32 to vector<2528x1xf32>
    %mul3A_37 = arith.mulf %mul3A_36, %broadcast_in_dim3A : vector<2528x1xf32>
    %select_n3A = arith.select %ge3A_35, %broadcast_in_dim3A, %mul3A_37 : vector<2528x1xi1>, vector<2528x1xf32>
    %broadcast_in_dim3A_38 = arith.constant 0.000000e+00 : f32
    %broadcast_in_dim3A_39 = vector.broadcast %broadcast_in_dim3A_38 : f32 to vector<2528x7xf32>
    %concatenate3A = tpu.concatenate %add3A_28, %select_n3A, %broadcast_in_dim3A_39 in 1 : vector<2528x40xf32>, vector<2528x1xf32>, vector<2528x7xf32> -> vector<2528x48xf32>
    %swap3A = arith.constant 0 : index
    %swap3A_40 = arith.constant 0 : index
    %swap3A_41 = vector.load %arg6[%swap3A, %swap3A_40] : memref<2528x48xf32, #tpu.memory_space<vmem>>, vector<2528x48xf32>
    tpu.vector_store %arg6[%swap3A, %swap3A_40], %concatenate3A {strides = array<i32>} : memref<2528x48xf32, #tpu.memory_space<vmem>>, vector<2528x48xf32>,
    %iota3A = tpu.iota {dimensions = array<i32: 0>} : vector<2528x1xi32>
    %mul3A_42 = arith.constant 2528 : i32
    %mul3A_43 = arith.muli %arg0, %mul3A_42 : i32
    %add3A_44 = vector.broadcast %mul3A_43 : i32 to vector<2528x1xi32>
    %add3A_45 = arith.addi %iota3A, %add3A_44 : vector<2528x1xi32>
    %lt3A = arith.constant 10000 : i32
    %lt3A_46 = vector.broadcast %lt3A : i32 to vector<2528x1xi32>
    %lt3A_47 = arith.cmpi slt, %add3A_45, %lt3A_46 : vector<2528x1xi32>
    %jit3A_48 = arith.constant 0xFF800000 : f32
    %broadcast_in_dim3A_49 = vector.shape_cast %lt3A_47 : vector<2528x1xi1> to vector<2528x1xi1>
    %broadcast_in_dim3A_50 = vector.broadcast %broadcast_in_dim3A_49 : vector<2528x1xi1> to vector<2528x48xi1>
    %broadcast_in_dim3A_51 = vector.broadcast %jit3A_48 : f32 to vector<2528x48xf32>
    %select_n3A_52 = arith.select %broadcast_in_dim3A_50, %concatenate3A, %broadcast_in_dim3A_51 : vector<2528x48xi1>, vector<2528x48xf32>
    %eq3A = arith.constant 0 : i32
    %eq3A_53 = arith.cmpi eq, %arg0, %eq3A : i32
    %convert_element_type3A = arith.extui %eq3A_53 : i1 to i32
    %cond3A = arith.constant 0 : i32
    %cond3A_54 = arith.cmpi ne, %convert_element_type3A, %cond3A : i32
    scf.if %cond3A_54 {
      %broadcast_in_dim3A_64 = arith.constant 0xFF800000 : f32
      %broadcast_in_dim3A_65 = vector.broadcast %broadcast_in_dim3A_64 : f32 to vector<1x48xf32>
      %swap3A_66 = arith.constant 0 : index
      %swap3A_67 = arith.constant 0 : index
      %swap3A_68 = vector.load %arg7[%swap3A_66, %swap3A_67] : memref<1x48xf32, #tpu.memory_space<vmem>>, vector<1x48xf32>
      tpu.vector_store %arg7[%swap3A_66, %swap3A_67], %broadcast_in_dim3A_65 {strides = array<i32>} : memref<1x48xf32, #tpu.memory_space<vmem>>, vector<1x48xf32>,
    } else {
    }
    %get3A_55 = arith.constant 0 : index
    %get3A_56 = arith.constant 0 : index
    %get3A_57 = vector.load %arg7[%get3A_55, %get3A_56] : memref<1x48xf32, #tpu.memory_space<vmem>>, vector<1x48xf32>
    %reduce_max3A = arith.constant dense<0xFF800000> : vector<48xf32>
    %reduce_max3A_58 = vector.multi_reduction <maximumf>, %select_n3A_52, %reduce_max3A [0] : vector<2528x48xf32> to vector<48xf32>
    %broadcast_in_dim3A_59 = vector.shape_cast %reduce_max3A_58 : vector<48xf32> to vector<1x48xf32>
    %max3A_60 = arith.maximumf %get3A_57, %broadcast_in_dim3A_59 : vector<1x48xf32>
    %swap3A_61 = arith.constant 0 : index
    %swap3A_62 = arith.constant 0 : index
    %swap3A_63 = vector.load %arg7[%swap3A_61, %swap3A_62] : memref<1x48xf32, #tpu.memory_space<vmem>>, vector<1x48xf32>
    tpu.vector_store %arg7[%swap3A_61, %swap3A_62], %max3A_60 {strides = array<i32>} : memref<1x48xf32, #tpu.memory_space<vmem>>, vector<1x48xf32>,
    return
  }
  func.func @transform_0(%arg0: i32) -> (i32, i32, i32) {
    %c0_i32 = arith.constant 0 : i32
    %c0_i32_0 = arith.constant 0 : i32
    %c0_i32_1 = arith.constant 0 : i32
    return %c0_i32, %arg0, %c0_i32_0 : i32, i32, i32
  }
  func.func @transform_1(%arg0: i32) -> (i32, i32, i32) {
    %c0_i32 = arith.constant 0 : i32
    %c0_i32_0 = arith.constant 0 : i32
    %c0_i32_1 = arith.constant 0 : i32
    return %c0_i32, %arg0, %c0_i32_0 : i32, i32, i32
  }
  func.func @transform_2(%arg0: i32) -> (i32, i32) {
    %c0_i32 = arith.constant 0 : i32
    %c0_i32_0 = arith.constant 0 : i32
    return %arg0, %c0_i32 : i32, i32
  }
  func.func @transform_3(%arg0: i32) -> (i32, i32) {
    %c0_i32 = arith.constant 0 : i32
    %c0_i32_0 = arith.constant 0 : i32
    %c0_i32_1 = arith.constant 0 : i32
    return %c0_i32, %c0_i32_0 : i32, i32
  }
  func.func @transform_4(%arg0: i32) -> (i32, i32) {
    %c0_i32 = arith.constant 0 : i32
    %c0_i32_0 = arith.constant 0 : i32
    %c0_i32_1 = arith.constant 0 : i32
    return %c0_i32, %c0_i32_0 : i32, i32
  }
  func.func @transform_5(%arg0: i32) -> (i32, i32) {
    %c0_i32 = arith.constant 0 : i32
    %c0_i32_0 = arith.constant 0 : i32
    return %arg0, %c0_i32 : i32, i32
  }
  func.func @transform_6(%arg0: i32) -> (i32, i32) {
    %c0_i32 = arith.constant 0 : i32
    %c0_i32_0 = arith.constant 0 : i32
    %c0_i32_1 = arith.constant 0 : i32
    return %c0_i32, %c0_i32_0 : i32, i32
  }
}

module attributes {stable_mosaic.version = 14 : i64} {
  func.func @_kh_body(%arg0: memref<10112x48xf32, #tpu.memory_space<vmem>>, %arg1: memref<1x48xf32, #tpu.memory_space<vmem>>, %arg2: memref<10112x48xf32, #tpu.memory_space<vmem>>) attributes {dimension_semantics = [], scalar_prefetch = 0 : i64, scratch_operands = 0 : i64, tpu.core_type = #tpu.core_type<tc>} {
    %get3A = arith.constant 0 : index
    %get3A_0 = arith.constant 0 : index
    %get3A_1 = vector.load %arg0[%get3A, %get3A_0] : memref<10112x48xf32, #tpu.memory_space<vmem>>, vector<10112x48xf32>
    %slice3A = vector.extract_strided_slice %get3A_1 {offsets = [0, 40], sizes = [10112, 1], strides = [1, 1]} : vector<10112x48xf32> to vector<10112x1xf32>
    %get3A_2 = arith.constant 0 : index
    %get3A_3 = arith.constant 40 : index
    %get3A_4 = vector.load %arg1[%get3A_2, %get3A_3] : memref<1x48xf32, #tpu.memory_space<vmem>>, vector<1x1xf32>
    %sub3A = vector.broadcast %get3A_4 : vector<1x1xf32> to vector<10112x1xf32>
    %sub3A_5 = arith.subf %slice3A, %sub3A : vector<10112x1xf32>
    %exp3A = math.exp %sub3A_5 : vector<10112x1xf32>
    %slice3A_6 = vector.extract_strided_slice %get3A_1 {offsets = [0, 0], sizes = [10112, 40], strides = [1, 1]} : vector<10112x48xf32> to vector<10112x40xf32>
    %mul3A = vector.broadcast %exp3A : vector<10112x1xf32> to vector<10112x40xf32>
    %mul3A_7 = arith.mulf %slice3A_6, %mul3A : vector<10112x40xf32>
    %broadcast_in_dim3A = arith.constant 0.000000e+00 : f32
    %broadcast_in_dim3A_8 = vector.broadcast %broadcast_in_dim3A : f32 to vector<10112x7xf32>
    %concatenate3A = tpu.concatenate %mul3A_7, %exp3A, %broadcast_in_dim3A_8 in 1 : vector<10112x40xf32>, vector<10112x1xf32>, vector<10112x7xf32> -> vector<10112x48xf32>
    %swap3A = arith.constant 0 : index
    %swap3A_9 = arith.constant 0 : index
    %swap3A_10 = vector.load %arg2[%swap3A, %swap3A_9] : memref<10112x48xf32, #tpu.memory_space<vmem>>, vector<10112x48xf32>
    tpu.vector_store %arg2[%swap3A, %swap3A_9], %concatenate3A {strides = array<i32>} : memref<10112x48xf32, #tpu.memory_space<vmem>>, vector<10112x48xf32>,
    return
  }
}

module attributes {stable_mosaic.version = 14 : i64} {
  func.func @_ki_body(%arg0: memref<2x2560x48xf32, #tpu.memory_space<vmem>>, %arg1: memref<1x40xf32, #tpu.memory_space<vmem>>, %arg2: memref<2500x48xf32, #tpu.memory_space<vmem>>) attributes {dimension_semantics = [], scalar_prefetch = 0 : i64, scratch_operands = 0 : i64, tpu.core_type = #tpu.core_type<tc>} {
    %get3A = arith.constant 0 : index
    %get3A_0 = arith.constant 0 : index
    %get3A_1 = arith.constant 0 : index
    %get3A_2 = vector.load %arg0[%get3A, %get3A_0, %get3A_1] : memref<2x2560x48xf32, #tpu.memory_space<vmem>>, vector<1x2560x48xf32>
    %get3A_3 = vector.shape_cast %get3A_2 : vector<1x2560x48xf32> to vector<2560x48xf32>
    %slice3A = vector.extract_strided_slice %get3A_3 {offsets = [0, 0], sizes = [2500, 48], strides = [1, 1]} : vector<2560x48xf32> to vector<2500x48xf32>
    %get3A_4 = arith.constant 1 : index
    %get3A_5 = arith.constant 0 : index
    %get3A_6 = arith.constant 0 : index
    %get3A_7 = vector.load %arg0[%get3A_4, %get3A_5, %get3A_6] : memref<2x2560x48xf32, #tpu.memory_space<vmem>>, vector<1x2560x48xf32>
    %get3A_8 = vector.shape_cast %get3A_7 : vector<1x2560x48xf32> to vector<2560x48xf32>
    %slice3A_9 = vector.extract_strided_slice %get3A_8 {offsets = [0, 0], sizes = [2500, 48], strides = [1, 1]} : vector<2560x48xf32> to vector<2500x48xf32>
    %add3A = arith.addf %slice3A, %slice3A_9 : vector<2500x48xf32>
    %slice3A_10 = vector.extract_strided_slice %add3A {offsets = [0, 0], sizes = [2500, 40], strides = [1, 1]} : vector<2500x48xf32> to vector<2500x40xf32>
    %slice3A_11 = vector.extract_strided_slice %add3A {offsets = [0, 40], sizes = [2500, 1], strides = [1, 1]} : vector<2500x48xf32> to vector<2500x1xf32>
    %gt3A = arith.constant 0.000000e+00 : f32
    %gt3A_12 = vector.broadcast %gt3A : f32 to vector<2500x1xf32>
    %gt3A_13 = arith.cmpf ogt, %slice3A_11, %gt3A_12 : vector<2500x1xf32>
    %max3A = arith.constant 1.000000e-30 : f32
    %max3A_14 = vector.broadcast %max3A : f32 to vector<2500x1xf32>
    %max3A_15 = arith.maximumf %slice3A_11, %max3A_14 : vector<2500x1xf32>
    %div3A = vector.broadcast %max3A_15 : vector<2500x1xf32> to vector<2500x40xf32>
    %div3A_16 = arith.divf %slice3A_10, %div3A : vector<2500x40xf32>
    %jit3A = arith.constant 0.000000e+00 : f32
    %broadcast_in_dim3A = vector.shape_cast %gt3A_13 : vector<2500x1xi1> to vector<2500x1xi1>
    %broadcast_in_dim3A_17 = vector.broadcast %broadcast_in_dim3A : vector<2500x1xi1> to vector<2500x40xi1>
    %broadcast_in_dim3A_18 = vector.broadcast %jit3A : f32 to vector<2500x40xf32>
    %select_n3A = arith.select %broadcast_in_dim3A_17, %div3A_16, %broadcast_in_dim3A_18 : vector<2500x40xi1>, vector<2500x40xf32>
    %get3A_19 = arith.constant 0 : index
    %get3A_20 = arith.constant 0 : index
    %get3A_21 = vector.load %arg1[%get3A_19, %get3A_20] : memref<1x40xf32, #tpu.memory_space<vmem>>, vector<1x40xf32>
    %mul3A = vector.broadcast %get3A_21 : vector<1x40xf32> to vector<2500x40xf32>
    %mul3A_22 = arith.mulf %select_n3A, %mul3A : vector<2500x40xf32>
    %reduce_sum3A = arith.constant dense<0.000000e+00> : vector<2500xf32>
    %reduce_sum3A_23 = vector.multi_reduction <add>, %mul3A_22, %reduce_sum3A [1] : vector<2500x40xf32> to vector<2500xf32>
    %broadcast_in_dim3A_24 = vector.shape_cast %reduce_sum3A_23 : vector<2500xf32> to vector<2500x1xf32>
    %jit3A_25 = arith.constant 2.000000e-01 : f32
    %ge3A = arith.constant 0.000000e+00 : f32
    %ge3A_26 = vector.broadcast %ge3A : f32 to vector<2500x1xf32>
    %ge3A_27 = arith.cmpf oge, %broadcast_in_dim3A_24, %ge3A_26 : vector<2500x1xf32>
    %mul3A_28 = vector.broadcast %jit3A_25 : f32 to vector<2500x1xf32>
    %mul3A_29 = arith.mulf %mul3A_28, %broadcast_in_dim3A_24 : vector<2500x1xf32>
    %select_n3A_30 = arith.select %ge3A_27, %broadcast_in_dim3A_24, %mul3A_29 : vector<2500x1xi1>, vector<2500x1xf32>
    %reduce_max3A = arith.constant dense<0xFF800000> : vector<1xf32>
    %reduce_max3A_31 = vector.multi_reduction <maximumf>, %select_n3A_30, %reduce_max3A [0] : vector<2500x1xf32> to vector<1xf32>
    %broadcast_in_dim3A_32 = vector.shape_cast %reduce_max3A_31 : vector<1xf32> to vector<1x1xf32>
    %sub3A = vector.broadcast %broadcast_in_dim3A_32 : vector<1x1xf32> to vector<2500x1xf32>
    %sub3A_33 = arith.subf %select_n3A_30, %sub3A : vector<2500x1xf32>
    %exp3A = math.exp %sub3A_33 : vector<2500x1xf32>
    %mul3A_34 = vector.broadcast %exp3A : vector<2500x1xf32> to vector<2500x40xf32>
    %mul3A_35 = arith.mulf %select_n3A, %mul3A_34 : vector<2500x40xf32>
    %broadcast_in_dim3A_36 = arith.constant 0.000000e+00 : f32
    %broadcast_in_dim3A_37 = vector.broadcast %broadcast_in_dim3A_36 : f32 to vector<2500x7xf32>
    %concatenate3A = tpu.concatenate %mul3A_35, %exp3A, %broadcast_in_dim3A_37 in 1 : vector<2500x40xf32>, vector<2500x1xf32>, vector<2500x7xf32> -> vector<2500x48xf32>
    %swap3A = arith.constant 0 : index
    %swap3A_38 = arith.constant 0 : index
    %swap3A_39 = vector.load %arg2[%swap3A, %swap3A_38] : memref<2500x48xf32, #tpu.memory_space<vmem>>, vector<2500x48xf32>
    tpu.vector_store %arg2[%swap3A, %swap3A_38], %concatenate3A {strides = array<i32>} : memref<2500x48xf32, #tpu.memory_space<vmem>>, vector<2500x48xf32>,
    return
  }
}

module attributes {stable_mosaic.version = 14 : i64} {
  func.func @_kj_body(%arg0: memref<2x10112x48xf32, #tpu.memory_space<vmem>>, %arg1: memref<10000x40xf32, #tpu.memory_space<vmem>>) attributes {dimension_semantics = [], scalar_prefetch = 0 : i64, scratch_operands = 0 : i64, tpu.core_type = #tpu.core_type<tc>} {
    %get3A = arith.constant 0 : index
    %get3A_0 = arith.constant 0 : index
    %get3A_1 = arith.constant 0 : index
    %get3A_2 = vector.load %arg0[%get3A, %get3A_0, %get3A_1] : memref<2x10112x48xf32, #tpu.memory_space<vmem>>, vector<1x10112x48xf32>
    %get3A_3 = vector.shape_cast %get3A_2 : vector<1x10112x48xf32> to vector<10112x48xf32>
    %slice3A = vector.extract_strided_slice %get3A_3 {offsets = [0, 0], sizes = [10000, 48], strides = [1, 1]} : vector<10112x48xf32> to vector<10000x48xf32>
    %get3A_4 = arith.constant 1 : index
    %get3A_5 = arith.constant 0 : index
    %get3A_6 = arith.constant 0 : index
    %get3A_7 = vector.load %arg0[%get3A_4, %get3A_5, %get3A_6] : memref<2x10112x48xf32, #tpu.memory_space<vmem>>, vector<1x10112x48xf32>
    %get3A_8 = vector.shape_cast %get3A_7 : vector<1x10112x48xf32> to vector<10112x48xf32>
    %slice3A_9 = vector.extract_strided_slice %get3A_8 {offsets = [0, 0], sizes = [10000, 48], strides = [1, 1]} : vector<10112x48xf32> to vector<10000x48xf32>
    %add3A = arith.addf %slice3A, %slice3A_9 : vector<10000x48xf32>
    %slice3A_10 = vector.extract_strided_slice %add3A {offsets = [0, 0], sizes = [10000, 40], strides = [1, 1]} : vector<10000x48xf32> to vector<10000x40xf32>
    %slice3A_11 = vector.extract_strided_slice %add3A {offsets = [0, 40], sizes = [10000, 1], strides = [1, 1]} : vector<10000x48xf32> to vector<10000x1xf32>
    %gt3A = arith.constant 0.000000e+00 : f32
    %gt3A_12 = vector.broadcast %gt3A : f32 to vector<10000x1xf32>
    %gt3A_13 = arith.cmpf ogt, %slice3A_11, %gt3A_12 : vector<10000x1xf32>
    %max3A = arith.constant 1.000000e-30 : f32
    %max3A_14 = vector.broadcast %max3A : f32 to vector<10000x1xf32>
    %max3A_15 = arith.maximumf %slice3A_11, %max3A_14 : vector<10000x1xf32>
    %div3A = vector.broadcast %max3A_15 : vector<10000x1xf32> to vector<10000x40xf32>
    %div3A_16 = arith.divf %slice3A_10, %div3A : vector<10000x40xf32>
    %jit3A = arith.constant 0.000000e+00 : f32
    %broadcast_in_dim3A = vector.shape_cast %gt3A_13 : vector<10000x1xi1> to vector<10000x1xi1>
    %broadcast_in_dim3A_17 = vector.broadcast %broadcast_in_dim3A : vector<10000x1xi1> to vector<10000x40xi1>
    %broadcast_in_dim3A_18 = vector.broadcast %jit3A : f32 to vector<10000x40xf32>
    %select_n3A = arith.select %broadcast_in_dim3A_17, %div3A_16, %broadcast_in_dim3A_18 : vector<10000x40xi1>, vector<10000x40xf32>
    %swap3A = arith.constant 0 : index
    %swap3A_19 = arith.constant 0 : index
    %swap3A_20 = vector.load %arg1[%swap3A, %swap3A_19] : memref<10000x40xf32, #tpu.memory_space<vmem>>, vector<10000x40xf32>
    tpu.vector_store %arg1[%swap3A, %swap3A_19], %select_n3A {strides = array<i32>} : memref<10000x40xf32, #tpu.memory_space<vmem>>, vector<10000x40xf32>,
    return
  }
}

</mosaic_0001>

<sc_bundles>
// kernel: kernel.17.cloned.1.call-start
scs
__scs_entry_jumppad:
0x0: {  	(pc) =	sbr.rel $0x88, $3  }
0x1: {  	(tag) =	ssettag $0x0;
	lr =	simm.s32 $0x1  }
0x2: {  	[smem:$0x3F96] =	sst lr;
	_ =	strace $0xD0000000  }
0x3: {  	_ = 	snop  }
0x4: {  	_ = 	snop  }
0x5: {  	_ = 	snop  }
0x6: {  	_ = 	snop  }
0x7: {  	_ = 	snop  }
__scs_overlays_trampoline_lowered:
0x8: {  	[smem:$0x3FA5] =	sst s0  }
0x9: {  	[smem:$0x3FA6] =	sst s1  }
0xa: {  	[smem:$0x3FA7] =	sst s2  }
0xb: {  	[smem:$0x3FA8] =	sst s3  }
0xc: {  	[smem:$0x3FA9] =	sst s4  }
0xd: {  	[smem:$0x3FAA] =	sst s5  }
0xe: {  	[smem:$0x3FAB] =	sst s6  }
0xf: {  	[smem:$0x3FAC] =	sst s7  }
0x10: {  	[smem:$0x3FAD] =	sst s8  }
0x11: {  	[smem:$0x3FAE] =	sst s9;
	s0 =	simm.s32 @!p0 $0x0  }
0x12: {  	s1 =	sld [smem:$0x3F94];
	s0 =	simm.s32 @p0 $0x1  }
0x13: {  	[smem:$0x3FAF] =	sst s0;
	s0 =	simm.s32 @!p1 $0x0  }
0x14: {  	s2 =	sld [smem:$0x3F93];
	s0 =	simm.s32 @p1 $0x1  }
0x15: {  	[smem:$0x3FB0] =	sst s0;
	s0 =	simm.s32 @!p2 $0x0  }
0x16: {  	s3 =	sld [smem:$0x3FDB];
	s0 =	simm.s32 @p2 $0x1  }
0x17: {  	s4 =	simm.s32 $0x1BF5;
	[smem:$0x3FB2] =	sst s0  }
0x18: {  	s0 =	sld [smem:$0x3F95];
	_ =	swait.ge [sflag:s4], $0x0  }
0x19: {  	s7 =	sld [smem:$0x3F96]  }
0x1a: {  	s8 =	sadd.s32 $0xFFFFE003, lr  }
0x1b: {  	s9 =	sadd.s32 $0xFFFFFEF7, lr;
	s5 =	simm.s32 $0xFFFFFFFF;
	p2 =	slt.u32 s8, $0xFFFFF086  }
0x1c: {  	p1 =	slt.u32 s9, $0xF7A;
	s5 =	simm.s32 @!p2 $0x0  }
0x1d: {  	s5 =	simm.s32 @p1 $0x1;
	p0 =	seq.s32 s7, s2  }
0x1e: {  	s7 =	smul.u32 @!p0 $0xF7A, s2;
	p2 =	seq.s32 @!p0 s5, $0x0  }
0x1f: {  	s9 =	smul.u32 $0xF7A, s1;
	s8 =	simm.s32 @!p0 $0x1BF5;
	p2 =	por !p2, p0  }
0x20: {  	[sflag:s8] =	ssyncset.s32 @!p0 $0xFFFFF086;
	s6 =	sadd.s32 @!p0 s3, s7;
	s7 =	simm.s32 @!p0 $0x108  }
0x21: {  	s3 =	sadd.s32 s3, s9;
	s6 =	sadd.s32 @!p0 $0x88, s6;
	s7 =	simm.s32 @p2 $0x1082  }
0x22: {  	[simem:s7], [sflag:s8] =	dma.local @!p0 [hbm:s6], $0xF7A  }
0x23: {  	s9 =	sor.u32 $0xD0000000, s2;
	s6 =	simm.s32 $0x108;
	_ =	swait.ge @!p0 [sflag:s8], $0x0  }
0x24: {  	s3 =	sadd.s32 $0x88, s3;
	s6 =	simm.s32 @!p1 $0x1082;
	[sflag:s4] =	ssyncset.s32 $0xFFFFF086  }
0x25: {  	[simem:s6], [sflag:s4] =	dma.local [hbm:s3], $0xF7A  }
0x26: {  	[smem:$0x3F96] =	sst s1;
	(tag) =	ssettag s2;
	_ =	strace s9  }
0x27: {  	s1 =	sld [smem:$0x3FA6]  }
0x28: {  	s2 =	sld [smem:$0x3FA7]  }
0x29: {  	s4 =	sld [smem:$0x3FA9]  }
0x2a: {  	p0 =	seq.s32 s5, $0x0;
	s5 =	sld [smem:$0x3FAA]  }
0x2b: {  	s6 =	sld [smem:$0x3FAB]  }
0x2c: {  	s7 =	sld [smem:$0x3FAC]  }
0x2d: {  	s3 =	simm.s32 $0x108;
	s8 =	sld [smem:$0x3FAD]  }
0x2e: {  	s3 =	simm.s32 @!p0 $0x1082;
	s9 =	sld [smem:$0x3FAE]  }
0x2f: {  	lr =	sadd.s32 s0, s3;
	s0 =	sld [smem:$0x3FA5]  }
0x30: {  	s3 =	sld [smem:$0x3FA8]  }
0x31: {  	[smem:$0x3FB1] =	sst s10  }
0x32: {  	s10 =	sld [smem:$0x3FAF];
	_ =	sdelay $0x3  }
0x33: {  	p0 =	seq.s32 s10, $0x1;
	s10 =	sld [smem:$0x3FB1];
	_ =	sdelay $0x3  }
0x34: {  	[smem:$0x3FB1] =	sst s10  }
0x35: {  	s10 =	sld [smem:$0x3FB0];
	_ =	sdelay $0x3  }
0x36: {  	p1 =	seq.s32 s10, $0x1;
	s10 =	sld [smem:$0x3FB1];
	_ =	sdelay $0x3  }
0x37: {  	[smem:$0x3FB1] =	sst s10  }
0x38: {  	s10 =	sld [smem:$0x3FB2]  }
0x39: {  	_ = 	snop;
	(pc) =	sbr.ind lr, $3  }
0x3a: {  	_ = 	snop  }
0x3b: {  	_ = 	snop  }
0x3c: {  	p2 =	seq.s32 s10, $0x1;
	s10 =	sld [smem:$0x3FB1]  }
0x3d: {  	_ =	shalt  }
0x3e: {  	_ =	shalt  }
0x3f: {  	_ =	shalt  }
0x40: {  	_ =	shalt  }
0x41: {  	_ =	shalt  }
0x42: {  	_ =	shalt  }
0x43: {  	_ =	shalt  }
0x44: {  	_ =	shalt  }
0x45: {  	_ =	shalt  }
0x46: {  	_ =	shalt  }
0x47: {  	_ =	shalt  }
0x48: {  	_ =	shalt  }
0x49: {  	_ =	shalt  }
0x4a: {  	_ =	shalt  }
0x4b: {  	_ =	shalt  }
0x4c: {  	_ =	shalt  }
0x4d: {  	_ =	shalt  }
0x4e: {  	_ =	shalt  }
0x4f: {  	_ =	shalt  }
0x50: {  	_ =	shalt  }
0x51: {  	_ =	shalt  }
0x52: {  	_ =	shalt  }
0x53: {  	_ =	shalt  }
0x54: {  	_ =	shalt  }
0x55: {  	_ =	shalt  }
0x56: {  	_ =	shalt  }
0x57: {  	_ =	shalt  }
0x58: {  	_ =	shalt  }
0x59: {  	_ =	shalt  }
0x5a: {  	_ =	shalt  }
0x5b: {  	_ =	shalt  }
0x5c: {  	_ =	shalt  }
0x5d: {  	_ =	shalt  }
0x5e: {  	_ =	shalt  }
0x5f: {  	_ =	shalt  }
0x60: {  	_ =	shalt  }
0x61: {  	_ =	shalt  }
0x62: {  	_ =	shalt  }
0x63: {  	_ =	shalt  }
0x64: {  	_ =	shalt  }
0x65: {  	_ =	shalt  }
0x66: {  	_ =	shalt  }
0x67: {  	_ =	shalt  }
0x68: {  	_ =	shalt  }
0x69: {  	_ =	shalt  }
0x6a: {  	_ =	shalt  }
0x6b: {  	_ =	shalt  }
0x6c: {  	_ =	shalt  }
0x6d: {  	_ =	shalt  }
0x6e: {  	_ =	shalt  }
0x6f: {  	_ =	shalt  }
0x70: {  	_ =	shalt  }
0x71: {  	_ =	shalt  }
0x72: {  	_ =	shalt  }
0x73: {  	_ =	shalt  }
0x74: {  	_ =	shalt  }
0x75: {  	_ =	shalt  }
0x76: {  	_ =	shalt  }
0x77: {  	_ =	shalt  }
0x78: {  	_ =	shalt  }
0x79: {  	_ =	shalt  }
0x7a: {  	_ =	shalt  }
0x7b: {  	_ =	shalt  }
0x7c: {  	_ =	shalt  }
0x7d: {  	_ =	shalt  }
0x7e: {  	_ =	shalt  }
0x7f: {  	_ =	shalt  }
0x80: {  	_ =	shalt  }
0x81: {  	_ =	shalt  }
0x82: {  	_ =	shalt  }
0x83: {  	_ =	shalt  }
0x84: {  	_ =	shalt  }
0x85: {  	_ =	shalt  }
0x86: {  	_ =	shalt  }
0x87: {  	_ =	shalt  }
.Lfunc_end0:
.L_simem_size_0:
called_computation_lowered:
.L_overlay_start_0:
0x88: {  	s2 =	sld [smem:$0x3FD9]  }
0x89: {  	s3 =	sld [smem:$0x3FFE];
	_ =	sdelay $0x1  }
0x8a: {  	s1 =	srdreg.scid  }
0x8b: {  	s0 =	sand.u32 $0x1, s1  }
0x8c: {  	s17 =	sshll.u32 s0, $0xA;
	s2 =	sadd.s32 s3, s2  }
0x8d: {  	s2 =	sadd.s32 s2, s17  }
0x8e: {  	[smem:$0x3FBD] =	sst s2  }
0x8f: {  	_ = 	snop  }
0x90: {  	s2 =	sld [smem:$0x3FD0];
	(tm) =	ssettm $0x1  }
0x91: {  	s18 =	sld [smem:$0x3FFB];
	_ =	sdelay $0x3  }
0x92: {  	_ =	strace s18  }
0x93: {  	s3 =	sld [smem:$0x3FFC];
	_ =	sdelay $0x3  }
0x94: {  	_ =	strace s3  }
0x95: {  	s3 =	sld [smem:$0x3FFD];
	_ =	sdelay $0x3  }
0x96: {  	_ =	strace s3  }
0x97: {  	_ =	strace $0x8FFFFFFF  }
0x98: {  	s19 =	sld [smem:$0x3FDB];
	_ =	sdelay $0x1  }
0x99: {  	s4 =	simm.s32 $_scs_section_size  }
0x9a: {  	s5 =	simm.s32 $_size__tile_overlayer_lowered;
	s6 =	simm.s32 $_tile_overlayer_lowered  }
0x9b: {  	s22 =	simm.s32 $0x1BFF;
	s21 =	sshll.u32 s6, $0x1;
	s3 =	sadd.s32 s4, s19  }
0x9c: {  	s7 =	simm.s32 $0x0;
	s20 =	sshll.u32 s5, $0x1;
	s5 =	sadd.s32 s21, s3  }
0x9d: {  	[timem:s7], [sflag:s22] =	dma.local [hbm:s5], s20  }
0x9e: {  	_ =	swait.ge [sflag:s22], s20  }
0x9f: {  	s4 =	ssub.s32 $0x0, s20;
	[sflag:s22] =	ssyncset.done $0x0  }
0xa0: {  	[sflag:s22] =	ssyncadd.s32 s4;
	_ =	sdelay $0x1  }
0xa1: {  	s23 =	simm.s32 $0x1B8B  }
0xa2: {  	_ =	swait.ge [sflag:s23], $0x1  }
0xa3: {  	[sflag:s23] =	ssyncset.done $0x0  }
0xa4: {  	s25 =	simm.s32 $0x1B8E;
	s24 =	sld [smem:$0x3FFE];
	[sflag:s23] =	ssyncadd.s32 $0xFFFFFFFF  }
0xa5: {  	s26 =	simm.s32 $execute0_lowered;
	[smem:$0x3FD2] =	sst s25  }
0xa6: {  	s5 =	sshll.u32 s26, $0x1;
	_ =	strace $0x80000046;
	[dreg:$0x1] =	wrdreg $0xFFFFFFFF  }
0xa7: {  	s28 =	simm.s32 $_size_execute0_lowered;
	s3 =	sadd.s32 s3, s5;
	[dreg:$0x0] =	wrdreg $0x0  }
0xa8: {  	s5 =	sshll.u32 s28, $0x1;
	[dreg:$0x2] =	wrdreg s3  }
0xa9: {  	[dreg:$0x3] =	wrdreg s5  }
0xaa: {  	[dreg:$0x4] =	wrdreg $0xC0  }
0xab: {  	_ =	task [dreg:s7], $0x5FFFF  }
0xac: {  	[dreg:$0x1] =	wrdreg $0xFFFFFFFF  }
0xad: {  	[dreg:$0x0] =	wrdreg $0x60  }
0xae: {  	[dreg:$0x2] =	wrdreg s24  }
0xaf: {  	[dreg:$0x3] =	wrdreg s2  }
0xb0: {  	[dreg:$0x4] =	wrdreg $0x118000  }
0xb1: {  	[dreg:$0x5] =	wrdreg $0x9  }
0xb2: {  	_ =	task.clear_ibuf [dreg:s7], $0x6FFFF;
	_ =	strace $0x90000046  }
0xb3: {  	s29 =	simm.s32 $0x9;
	_ =	strace $0x80000048  }
0xb4: {  	_ =	swait.ge [sflag:s29], $0x1  }
0xb5: {  	[sflag:s29] =	ssyncadd.s32 $0xFFFFFFFF  }
0xb6: {  	_ =	strace $0x90000048  }
0xb7: {  	_ =	sfence  }
0xb8: {  	s30 =	sld [smem:$0x0];
	_ =	sdelay $0x2  }
0xb9: {  	s31 =	sshll.u32 s1, $0xD;
	s1 =	sshrl.u32 s1, $0x2  }
0xba: {  	s3 =	sand.u32 $0x4000, s31;
	s1 =	sadd.s32 s1, s30  }
0xbb: {  	s0 =	sor.u32 s3, s0;
	s1 =	sshll.u32 s1, $0x11  }
0xbc: {  	s0 =	sor.u32 s1, s0  }
0xbd: {  	s0 =	sadd.s32 $0x8F2B, s0  }
0xbe: {  	[sflag:s0] =	ssyncadd.remote.s32 $0x1  }
0xbf: {  	_ =	sfence.sel $0xFFFF  }
0xc0: {  	[dreg:$0x0] =	wrdreg $0xFFFFFFFF;
	(pc) =	sbr.abs _section_cstart, $3  }
0xc1: {  	[dreg:$0x1] =	wrdreg $0xFFFFFFFF  }
0xc2: {  	_ =	task.clear_ibuf [dreg:s7], $0x2FFFF;
	_ =	strace $0x9FFFFFFF  }
0xc3: {  	(tm) =	ssettm $0x7FFFFFFF  }
tec
execute0_lowered:
.L_overlay_start_1:
0x0: {  	(tag) =	ssettag $0x1  }
0x1: {  	s0 =	rddreg [dreg:$0x0]  }
0x2: {  	s1 =	srdreg.scid;
	s10 =	stileid.u32  }
0x3: {  	s3 =	rddreg [dreg:$0x2];
	s4 =	simm.s32 $0x0;
	s15 =	simm.s32 $0x400  }
0x4: {  	s16 =	simm.s32 $0x80;
	s17 =	simm.s32 $0x800;
	s18 =	simm.s32 $0x100  }
0x5: {  	s19 =	simm.s32 $0x9000;
	s20 =	simm.s32 $0x1;
	s28 =	simm.s32 $0x280  }
0x6: {  	s29 =	simm.s32 $0x380;
	s30 =	simm.s32 $0x500;
	s31 =	simm.s32 $0x480  }
0x7: {  	s1 =	sand.u32 $0x1, s1;
	s2 =	smul.u32 $0xAA00, s10;
	[smem:$0x7FF] =	sst s4  }
0x8: {  	s8 =	smul.u32 $0x5000, s10;
	s5 =	sadd.s32 $0x78200, s0;
	s9 =	sadd.s32 $0x2E00, s0  }
0x9: {  	s22 =	sshll.u32 s10, $0x6;
	s10 =	simm.s32 $0x0;
	s6 =	smul.u32 $0xAA000, s1  }
0xa: {  	s7 =	smul.u32 $0x50000, s1;
	_ =	strace $0x80000047;
	s1 =	ssub.s32 $0x2, s1  }
0xb: {  	s13 =	sor.u32 $0x1C07, s22;
	s22 =	simm.s32 $0x180;
	s21 =	sshrl.u32 s1, $0x1  }
0xc: {  	[dreg:$0x5] =	wrdreg s13;
	s6 =	sadd.s32 s2, s6;
	s7 =	sadd.s32 s8, s7  }
0xd: {  	s1 =	ssub.s32 s1, s21;
	s2 =	sadd.s32 s2, s3;
	s21 =	simm.s32 $0x2  }
0xe: {  	s6 =	sshrl.u32 s6, $0x3;
	s8 =	sshrl.u32 s7, $0x3;
	s24 =	sor.u32 $0xC00, s7  }
0xf: {  	s25 =	sor.u32 $0x800, s7;
	s1 =	smax.u32 s1, $0x1;
	s14 =	sshrl.u32 s2, $0x3  }
0x10: {  	s2 =	simm.s32 $0x700;
	s0 =	sadd.s32 s6, s0;
	s8 =	sadd.s32 s9, s8  }
0x11: {  	[dreg:$0x8] =	wrdreg s1;
	s26 =	sshrl.u32 s25, $0x3;
	s25 =	simm.s32 $0x4  }
0x12: {  	s1 =	simm.s32 $0x580;
	s6 =	simm.s32 $0x5;
	[dreg:$0x9] =	wrdreg s14  }
.Ltmp0:
0x13: {  	[dreg:$0x4] =	wrdreg s8;
	s23 =	sadd.s32 $0x80, s8;
	(pc) =	sbr.rel .LBB2_1-.Ltmp0, $4  }
0x14: {  	s0 =	sadd.s32 $0x16E00, s0;
	s12 =	sadd.s32 s26, s9;
	[dreg:$0x6] =	wrdreg s23  }
0x15: {  	s26 =	simm.s32 $0x300;
	s8 =	simm.s32 $0x680;
	[dreg:$0x7] =	wrdreg s0  }
0x16: {  	s0 =	sshrl.u32 s24, $0x3;
	s23 =	simm.s32 $0x3;
	s24 =	simm.s32 $0x200  }
0x17: {  	s11 =	sadd.s32 s0, s9;
	s0 =	simm.s32 $0x600;
	s9 =	simm.s32 $0x780  }
.LBB2_4:
0x18: {  	_ =	swait.ge [sflag:s23], $0x8800  }
0x19: {  	[sflag:s23] =	ssyncset.done $0x0  }
0x1a: {  	[sflag:s23] =	ssyncadd.s32 $0xFFFF7800  }
0x1b: {  	_ =	swait.ge [sflag:s25], $0x8800  }
0x1c: {  	[sflag:s25] =	ssyncset.done $0x0  }
0x1d: {  	[sflag:s25] =	ssyncadd.s32 $0xFFFF7800  }
0x1e: {  	[bflag:$0x0] =	sbarrier.arrive $0xFFFF  }
0x1f: {  	s13 =	rddreg [dreg:$0x5]  }
0x20: {  	s7 =	rddreg [dreg:$0x7]  }
0x21: {  	s14 =	rddreg [dreg:$0x9]  }
0x22: {  	[hbm:s7], [sflag:s13] =	dma.local [spmem:s14], $0x1540  }
0x23: {  	s7 =	simm.s32 $0x7  }
0x24: {  	_ =	swait.ge [sflag:s7], $0x1540  }
0x25: {  	s10 =	sadd.s32 $0x1, s10;
	[sflag:s7] =	ssyncset.done $0x0;
	s7 =	rddreg [dreg:$0x8]  }
0x26: {  	p0 =	sne.s32 s10, s7  }
.Ltmp1:
0x27: {  	_ = 	snop;
	(pc) =	sbr.rel @!p0 .LBB2_5-.Ltmp1, $3  }
0x28: {  	_ =	sdelay $0x1  }
0x29: {  	s7 =	simm.s32 $0x7  }
0x2a: {  	[sflag:s7] =	ssyncadd.s32 $0xFFFFEAC0  }
.LBB2_1:
0x2b: {  	[dreg:$0xa] =	wrdreg s10  }
0x2c: {  	s10 =	simm.s32 $0x7;
	s7 =	rddreg [dreg:$0x1]  }
0x2d: {  	[spmem:s14], [sflag:s13] =	dma.local [hbm:s7], $0x1540  }
0x2e: {  	_ =	swait.ge [sflag:s10], $0x1540  }
0x2f: {  	[sflag:s10] =	ssyncset.done $0x0  }
0x30: {  	s13 =	rddreg [dreg:$0x4];
	[sflag:s10] =	ssyncadd.s32 $0xFFFFEAC0  }
0x31: {  	[tilespmem:s4], [sflag:$0x7] =	stream.linear.gather [hbm4b:s13+s4], $0x400, $0x38;
	[tilespmem:$0x1C200] =	vst v63  }
0x32: {  	_ =	swait.ge [sflag:s10], $0x400  }
0x33: {  	[sflag:s10] =	ssyncset.done $0x0  }
0x34: {  	s14 =	rddreg [dreg:$0x6];
	[sflag:s10] =	ssyncadd.s32 $0xFFFFFC00  }
0x35: {  	[tilespmem:s15], [sflag:$0x7] =	stream.linear.gather [hbm4b:s14+s4], $0x400, $0x38;
	[tilespmem:$0x1C200] =	vst v63  }
0x36: {  	_ =	swait.ge [sflag:s10], $0x400  }
0x37: {  	[sflag:s10] =	ssyncset.done $0x0  }
0x38: {  	[sflag:s10] =	ssyncadd.s32 $0xFFFFFC00  }
0x39: {  	s10 =	rddreg [dreg:$0xa];
	[bflag:$0x0] =	sbarrier.arrive $0xFFFF  }
0x3a: {  	[tilespmem:s17], [sflag:$0x1] =	stream.indirect.gather [hbm4b:s5+s16], $0x110, s4, s16, $0xb8;
	[tilespmem:$0x1C200] =	vst v63  }
0x3b: {  	s7 =	simm.s32 $0x0  }
0x3c: {  	[tilespmem:s19], [sflag:$0x2] =	stream.indirect.gather [hbm4b:s5+s16], $0x110, s18, s16, $0xb8;
	[tilespmem:$0x1C200] =	vst v63  }
.LBB2_2:
0x3d: {  	_ =	swait.ge [sflag:s20], $0x8800  }
0x3e: {  	[sflag:s20] =	ssyncset.done $0x0  }
0x3f: {  	[sflag:s20] =	ssyncadd.s32 $0xFFFF7800  }
0x40: {  	[spmem:s3] =	stream.indirect.scatter.add.f32 [tilespmem:s17], [sflag:$0x3], $0x110, s16, s16, $0xb8;
	[tilespmem:$0x1C200] =	vst v63  }
0x41: {  	_ =	swait.ge [sflag:s21], $0x8800  }
0x42: {  	[sflag:s21] =	ssyncset.done $0x0  }
0x43: {  	[sflag:s21] =	ssyncadd.s32 $0xFFFF7800  }
0x44: {  	[spmem:s3] =	stream.indirect.scatter.add.f32 [tilespmem:s19], [sflag:$0x4], $0x110, s22, s16, $0xb8;
	[tilespmem:$0x1C200] =	vst v63  }
0x45: {  	_ =	swait.ge [sflag:s23], $0x8800  }
0x46: {  	[sflag:s23] =	ssyncset.done $0x0  }
0x47: {  	[sflag:s23] =	ssyncadd.s32 $0xFFFF7800  }
0x48: {  	[tilespmem:s17], [sflag:$0x1] =	stream.indirect.gather [hbm4b:s5+s16], $0x110, s24, s16, $0xb8;
	[tilespmem:$0x1C200] =	vst v63  }
0x49: {  	_ =	swait.ge [sflag:s25], $0x8800  }
0x4a: {  	[sflag:s25] =	ssyncset.done $0x0  }
0x4b: {  	[sflag:s25] =	ssyncadd.s32 $0xFFFF7800  }
0x4c: {  	[tilespmem:s19], [sflag:$0x2] =	stream.indirect.gather [hbm4b:s5+s16], $0x110, s26, s16, $0xb8;
	[tilespmem:$0x1C200] =	vst v63  }
0x4d: {  	_ =	swait.ge [sflag:s20], $0x8800  }
0x4e: {  	[sflag:s20] =	ssyncset.done $0x0  }
0x4f: {  	[sflag:s20] =	ssyncadd.s32 $0xFFFF7800  }
0x50: {  	[spmem:s3] =	stream.indirect.scatter.add.f32 [tilespmem:s17], [sflag:$0x3], $0x110, s28, s16, $0xb8;
	[tilespmem:$0x1C200] =	vst v63  }
0x51: {  	_ =	swait.ge [sflag:s21], $0x8800  }
0x52: {  	p0 =	seq.s32 s7, $0x0;
	[sflag:s21] =	ssyncset.done $0x0  }
0x53: {  	s13 =	simm.s32 @!p0 $0x6;
	[sflag:s21] =	ssyncadd.s32 $0xFFFF7800  }
0x54: {  	[spmem:s3] =	stream.indirect.scatter.add.f32 [tilespmem:s19], [sflag:$0x4], $0x110, s29, s16, $0xb8;
	[tilespmem:$0x1C200] =	vst v63  }
0x55: {  	_ =	swait.ge @!p0 [sflag:s13], $0x400  }
0x56: {  	[sflag:s13] =	ssyncset.done @!p0 $0x0  }
0x57: {  	[sflag:s13] =	ssyncadd.s32 @!p0 $0xFFFFFC00  }
0x58: {  	_ =	swait.ge [sflag:s23], $0x8800  }
0x59: {  	[sflag:s23] =	ssyncset.done $0x0  }
0x5a: {  	[sflag:s23] =	ssyncadd.s32 $0xFFFF7800  }
0x5b: {  	[tilespmem:s17], [sflag:$0x1] =	stream.indirect.gather [hbm4b:s5+s16], $0x110, s15, s16, $0xb8;
	[tilespmem:$0x1C200] =	vst v63  }
0x5c: {  	_ =	swait.ge [sflag:s25], $0x8800  }
0x5d: {  	[sflag:s25] =	ssyncset.done $0x0  }
0x5e: {  	p0 =	seq.s32 s7, $0x900;
	[sflag:s25] =	ssyncadd.s32 $0xFFFF7800  }
0x5f: {  	[tilespmem:s19], [sflag:$0x2] =	stream.indirect.gather [hbm4b:s5+s16], $0x110, s30, s16, $0xb8;
	[tilespmem:$0x1C200] =	vst v63  }
0x60: {  	s13 =	sadd.s32 @!p0 s7, s12;
	s14 =	simm.s32 @!p0 $0x0  }
0x61: {  	[tilespmem:s14], [sflag:$0x5] =	stream.linear.gather @!p0 [hbm4b:s13+s14], $0x400, $0x38;
	[tilespmem:$0x1C200] =	vst v63  }
0x62: {  	_ =	swait.ge [sflag:s20], $0x8800  }
0x63: {  	[sflag:s20] =	ssyncset.done $0x0  }
0x64: {  	[sflag:s20] =	ssyncadd.s32 $0xFFFF7800  }
0x65: {  	[spmem:s3] =	stream.indirect.scatter.add.f32 [tilespmem:s17], [sflag:$0x3], $0x110, s31, s16, $0xb8;
	[tilespmem:$0x1C200] =	vst v63  }
0x66: {  	_ =	swait.ge [sflag:s21], $0x8800  }
0x67: {  	[sflag:s21] =	ssyncset.done $0x0  }
0x68: {  	[sflag:s21] =	ssyncadd.s32 $0xFFFF7800  }
0x69: {  	[spmem:s3] =	stream.indirect.scatter.add.f32 [tilespmem:s19], [sflag:$0x4], $0x110, s1, s16, $0xb8;
	[tilespmem:$0x1C200] =	vst v63  }
0x6a: {  	_ =	swait.ge [sflag:s23], $0x8800  }
0x6b: {  	[sflag:s23] =	ssyncset.done $0x0  }
0x6c: {  	[sflag:s23] =	ssyncadd.s32 $0xFFFF7800  }
0x6d: {  	[tilespmem:s17], [sflag:$0x1] =	stream.indirect.gather [hbm4b:s5+s16], $0x110, s0, s16, $0xb8;
	[tilespmem:$0x1C200] =	vst v63  }
0x6e: {  	_ =	swait.ge [sflag:s25], $0x8800  }
0x6f: {  	[sflag:s25] =	ssyncset.done $0x0  }
0x70: {  	[sflag:s25] =	ssyncadd.s32 $0xFFFF7800  }
0x71: {  	[tilespmem:s19], [sflag:$0x2] =	stream.indirect.gather [hbm4b:s5+s16], $0x110, s2, s16, $0xb8;
	[tilespmem:$0x1C200] =	vst v63  }
0x72: {  	_ =	swait.ge [sflag:s20], $0x8800  }
0x73: {  	[sflag:s20] =	ssyncset.done $0x0  }
0x74: {  	[sflag:s20] =	ssyncadd.s32 $0xFFFF7800  }
0x75: {  	[spmem:s3] =	stream.indirect.scatter.add.f32 [tilespmem:s17], [sflag:$0x3], $0x110, s8, s16, $0xb8;
	[tilespmem:$0x1C200] =	vst v63  }
.Ltmp2:
0x76: {  	_ = 	snop;
	(pc) =	sbr.rel @p0 .LBB2_4-.Ltmp2, $4  }
0x77: {  	_ =	swait.ge [sflag:s21], $0x8800  }
0x78: {  	[sflag:s21] =	ssyncset.done $0x0  }
0x79: {  	[sflag:s21] =	ssyncadd.s32 $0xFFFF7800  }
0x7a: {  	[spmem:s3] =	stream.indirect.scatter.add.f32 [tilespmem:s19], [sflag:$0x4], $0x110, s9, s16, $0xb8;
	[tilespmem:$0x1C200] =	vst v63  }
0x7b: {  	_ =	swait.ge [sflag:s6], $0x400  }
0x7c: {  	[sflag:s6] =	ssyncset.done $0x0  }
0x7d: {  	[sflag:s6] =	ssyncadd.s32 $0xFFFFFC00  }
0x7e: {  	_ =	swait.ge [sflag:s23], $0x8800  }
0x7f: {  	[sflag:s23] =	ssyncset.done $0x0  }
0x80: {  	[sflag:s23] =	ssyncadd.s32 $0xFFFF7800  }
0x81: {  	[tilespmem:s17], [sflag:$0x1] =	stream.indirect.gather [hbm4b:s5+s16], $0x110, s4, s16, $0xb8;
	[tilespmem:$0x1C200] =	vst v63  }
0x82: {  	_ =	swait.ge [sflag:s25], $0x8800  }
.Ltmp3:
0x83: {  	[sflag:s25] =	ssyncset.done $0x0;
	(pc) =	sbr.rel .LBB2_2-.Ltmp3, $4  }
0x84: {  	[sflag:s25] =	ssyncadd.s32 $0xFFFF7800  }
0x85: {  	[tilespmem:s19], [sflag:$0x2] =	stream.indirect.gather [hbm4b:s5+s16], $0x110, s18, s16, $0xb8;
	[tilespmem:$0x1C200] =	vst v63  }
0x86: {  	s13 =	sadd.s32 s7, s11;
	s7 =	sadd.s32 $0x100, s7  }
0x87: {  	[tilespmem:s15], [sflag:$0x6] =	stream.linear.gather [hbm4b:s13+s4], $0x400, $0x38;
	[tilespmem:$0x1C200] =	vst v63  }
.LBB2_5:
0x88: {  	_ =	sfence.sel $0x180000  }
0x89: {  	[bflag:$0x0] =	sbarrier.arrive $0xFFFF  }
0x8a: {  	_ =	strace $0x90000047  }
0x8b: {  	s0 =	stileid.u32;
	[bflag:$0x2] =	sbarrier.arrive $0xFFFF  }
0x8c: {  	p0 =	sne.s32 s0, $0x0;
	s0 =	rddreg [dreg:$0x3]  }
0x8d: {  	s0 =	sadd.s32 @!p0 $0x100000, s0  }
0x8e: {  	[sflag:s0] =	ssyncadd.tile.s32 @!p0 $0x1;
	_ =	shalt  }
.Lfunc_end2:
_tile_overlayer_lowered:
.L_overlay_start_2:
0x8f: {  	(tag) =	ssettag $0x2  }
0x90: {  	s0 =	rddreg [dreg:$0x0];
	s2 =	stileid.u32  }
0x91: {  	s1 =	rddreg [dreg:$0x1];
	p0 =	sne.s32 s2, $0x0  }
0x92: {  	s3 =	rddreg [dreg:$0x2];
	[bflag:$0x3] =	sbarrier.arrive $0xFFFF;
	s2 =	simm.s32 @!p0 $0x1C07  }
0x93: {  	[timem:s3], [sflag:s2] =	dma.local @!p0 [hbm:s0], s1  }
0x94: {  	s0 =	simm.s32 @!p0 $0x7  }
0x95: {  	_ =	swait.ge @!p0 [sflag:s0], s1  }
0x96: {  	s1 =	ssub.s32 @!p0 $0x0, s1;
	[sflag:s0] =	ssyncset.done @!p0 $0x0  }
0x97: {  	[sflag:s0] =	ssyncadd.s32 @!p0 s1  }
0x98: {  	[bflag:$0x3] =	sbarrier.arrive $0xFFFF  }
0x99: {  	_ =	shalt  }

// kernel: kernel.20.cloned.1.call-start
scs
__scs_entry_jumppad:
0x0: {  	(pc) =	sbr.rel $0x88, $3  }
0x1: {  	(tag) =	ssettag $0x0;
	lr =	simm.s32 $0x1  }
0x2: {  	[smem:$0x3F96] =	sst lr;
	_ =	strace $0xD0000000  }
0x3: {  	_ = 	snop  }
0x4: {  	_ = 	snop  }
0x5: {  	_ = 	snop  }
0x6: {  	_ = 	snop  }
0x7: {  	_ = 	snop  }
__scs_overlays_trampoline_lowered:
0x8: {  	[smem:$0x3FA5] =	sst s0  }
0x9: {  	[smem:$0x3FA6] =	sst s1  }
0xa: {  	[smem:$0x3FA7] =	sst s2  }
0xb: {  	[smem:$0x3FA8] =	sst s3  }
0xc: {  	[smem:$0x3FA9] =	sst s4  }
0xd: {  	[smem:$0x3FAA] =	sst s5  }
0xe: {  	[smem:$0x3FAB] =	sst s6  }
0xf: {  	[smem:$0x3FAC] =	sst s7  }
0x10: {  	[smem:$0x3FAD] =	sst s8  }
0x11: {  	[smem:$0x3FAE] =	sst s9;
	s0 =	simm.s32 @!p0 $0x0  }
0x12: {  	s1 =	sld [smem:$0x3F94];
	s0 =	simm.s32 @p0 $0x1  }
0x13: {  	[smem:$0x3FAF] =	sst s0;
	s0 =	simm.s32 @!p1 $0x0  }
0x14: {  	s2 =	sld [smem:$0x3F93];
	s0 =	simm.s32 @p1 $0x1  }
0x15: {  	[smem:$0x3FB0] =	sst s0;
	s0 =	simm.s32 @!p2 $0x0  }
0x16: {  	s3 =	sld [smem:$0x3FDB];
	s0 =	simm.s32 @p2 $0x1  }
0x17: {  	s4 =	simm.s32 $0x1BF5;
	[smem:$0x3FB2] =	sst s0  }
0x18: {  	s0 =	sld [smem:$0x3F95];
	_ =	swait.ge [sflag:s4], $0x0  }
0x19: {  	s7 =	sld [smem:$0x3F96]  }
0x1a: {  	s8 =	sadd.s32 $0xFFFFE003, lr  }
0x1b: {  	s9 =	sadd.s32 $0xFFFFFEF7, lr;
	s5 =	simm.s32 $0xFFFFFFFF;
	p2 =	slt.u32 s8, $0xFFFFF086  }
0x1c: {  	p1 =	slt.u32 s9, $0xF7A;
	s5 =	simm.s32 @!p2 $0x0  }
0x1d: {  	s5 =	simm.s32 @p1 $0x1;
	p0 =	seq.s32 s7, s2  }
0x1e: {  	s7 =	smul.u32 @!p0 $0xF7A, s2;
	p2 =	seq.s32 @!p0 s5, $0x0  }
0x1f: {  	s9 =	smul.u32 $0xF7A, s1;
	s8 =	simm.s32 @!p0 $0x1BF5;
	p2 =	por !p2, p0  }
0x20: {  	[sflag:s8] =	ssyncset.s32 @!p0 $0xFFFFF086;
	s6 =	sadd.s32 @!p0 s3, s7;
	s7 =	simm.s32 @!p0 $0x108  }
0x21: {  	s3 =	sadd.s32 s3, s9;
	s6 =	sadd.s32 @!p0 $0x88, s6;
	s7 =	simm.s32 @p2 $0x1082  }
0x22: {  	[simem:s7], [sflag:s8] =	dma.local @!p0 [hbm:s6], $0xF7A  }
0x23: {  	s9 =	sor.u32 $0xD0000000, s2;
	s6 =	simm.s32 $0x108;
	_ =	swait.ge @!p0 [sflag:s8], $0x0  }
0x24: {  	s3 =	sadd.s32 $0x88, s3;
	s6 =	simm.s32 @!p1 $0x1082;
	[sflag:s4] =	ssyncset.s32 $0xFFFFF086  }
0x25: {  	[simem:s6], [sflag:s4] =	dma.local [hbm:s3], $0xF7A  }
0x26: {  	[smem:$0x3F96] =	sst s1;
	(tag) =	ssettag s2;
	_ =	strace s9  }
0x27: {  	s1 =	sld [smem:$0x3FA6]  }
0x28: {  	s2 =	sld [smem:$0x3FA7]  }
0x29: {  	s4 =	sld [smem:$0x3FA9]  }
0x2a: {  	p0 =	seq.s32 s5, $0x0;
	s5 =	sld [smem:$0x3FAA]  }
0x2b: {  	s6 =	sld [smem:$0x3FAB]  }
0x2c: {  	s7 =	sld [smem:$0x3FAC]  }
0x2d: {  	s3 =	simm.s32 $0x108;
	s8 =	sld [smem:$0x3FAD]  }
0x2e: {  	s3 =	simm.s32 @!p0 $0x1082;
	s9 =	sld [smem:$0x3FAE]  }
0x2f: {  	lr =	sadd.s32 s0, s3;
	s0 =	sld [smem:$0x3FA5]  }
0x30: {  	s3 =	sld [smem:$0x3FA8]  }
0x31: {  	[smem:$0x3FB1] =	sst s10  }
0x32: {  	s10 =	sld [smem:$0x3FAF];
	_ =	sdelay $0x3  }
0x33: {  	p0 =	seq.s32 s10, $0x1;
	s10 =	sld [smem:$0x3FB1];
	_ =	sdelay $0x3  }
0x34: {  	[smem:$0x3FB1] =	sst s10  }
0x35: {  	s10 =	sld [smem:$0x3FB0];
	_ =	sdelay $0x3  }
0x36: {  	p1 =	seq.s32 s10, $0x1;
	s10 =	sld [smem:$0x3FB1];
	_ =	sdelay $0x3  }
0x37: {  	[smem:$0x3FB1] =	sst s10  }
0x38: {  	s10 =	sld [smem:$0x3FB2]  }
0x39: {  	_ = 	snop;
	(pc) =	sbr.ind lr, $3  }
0x3a: {  	_ = 	snop  }
0x3b: {  	_ = 	snop  }
0x3c: {  	p2 =	seq.s32 s10, $0x1;
	s10 =	sld [smem:$0x3FB1]  }
0x3d: {  	_ =	shalt  }
0x3e: {  	_ =	shalt  }
0x3f: {  	_ =	shalt  }
0x40: {  	_ =	shalt  }
0x41: {  	_ =	shalt  }
0x42: {  	_ =	shalt  }
0x43: {  	_ =	shalt  }
0x44: {  	_ =	shalt  }
0x45: {  	_ =	shalt  }
0x46: {  	_ =	shalt  }
0x47: {  	_ =	shalt  }
0x48: {  	_ =	shalt  }
0x49: {  	_ =	shalt  }
0x4a: {  	_ =	shalt  }
0x4b: {  	_ =	shalt  }
0x4c: {  	_ =	shalt  }
0x4d: {  	_ =	shalt  }
0x4e: {  	_ =	shalt  }
0x4f: {  	_ =	shalt  }
0x50: {  	_ =	shalt  }
0x51: {  	_ =	shalt  }
0x52: {  	_ =	shalt  }
0x53: {  	_ =	shalt  }
0x54: {  	_ =	shalt  }
0x55: {  	_ =	shalt  }
0x56: {  	_ =	shalt  }
0x57: {  	_ =	shalt  }
0x58: {  	_ =	shalt  }
0x59: {  	_ =	shalt  }
0x5a: {  	_ =	shalt  }
0x5b: {  	_ =	shalt  }
0x5c: {  	_ =	shalt  }
0x5d: {  	_ =	shalt  }
0x5e: {  	_ =	shalt  }
0x5f: {  	_ =	shalt  }
0x60: {  	_ =	shalt  }
0x61: {  	_ =	shalt  }
0x62: {  	_ =	shalt  }
0x63: {  	_ =	shalt  }
0x64: {  	_ =	shalt  }
0x65: {  	_ =	shalt  }
0x66: {  	_ =	shalt  }
0x67: {  	_ =	shalt  }
0x68: {  	_ =	shalt  }
0x69: {  	_ =	shalt  }
0x6a: {  	_ =	shalt  }
0x6b: {  	_ =	shalt  }
0x6c: {  	_ =	shalt  }
0x6d: {  	_ =	shalt  }
0x6e: {  	_ =	shalt  }
0x6f: {  	_ =	shalt  }
0x70: {  	_ =	shalt  }
0x71: {  	_ =	shalt  }
0x72: {  	_ =	shalt  }
0x73: {  	_ =	shalt  }
0x74: {  	_ =	shalt  }
0x75: {  	_ =	shalt  }
0x76: {  	_ =	shalt  }
0x77: {  	_ =	shalt  }
0x78: {  	_ =	shalt  }
0x79: {  	_ =	shalt  }
0x7a: {  	_ =	shalt  }
0x7b: {  	_ =	shalt  }
0x7c: {  	_ =	shalt  }
0x7d: {  	_ =	shalt  }
0x7e: {  	_ =	shalt  }
0x7f: {  	_ =	shalt  }
0x80: {  	_ =	shalt  }
0x81: {  	_ =	shalt  }
0x82: {  	_ =	shalt  }
0x83: {  	_ =	shalt  }
0x84: {  	_ =	shalt  }
0x85: {  	_ =	shalt  }
0x86: {  	_ =	shalt  }
0x87: {  	_ =	shalt  }
.Lfunc_end0:
.L_simem_size_0:
called_computation.1_lowered:
.L_overlay_start_0:
0x88: {  	s2 =	sld [smem:$0x3FD9]  }
0x89: {  	s3 =	sld [smem:$0x3FFE];
	_ =	sdelay $0x1  }
0x8a: {  	s1 =	srdreg.scid  }
0x8b: {  	s0 =	sand.u32 $0x1, s1  }
0x8c: {  	s17 =	sshll.u32 s0, $0xA;
	s2 =	sadd.s32 s3, s2  }
0x8d: {  	s2 =	sadd.s32 s2, s17  }
0x8e: {  	[smem:$0x3FBD] =	sst s2  }
0x8f: {  	_ = 	snop  }
0x90: {  	s2 =	sld [smem:$0x3FD0];
	(tm) =	ssettm $0x1  }
0x91: {  	s18 =	sld [smem:$0x3FFB];
	_ =	sdelay $0x3  }
0x92: {  	_ =	strace s18  }
0x93: {  	s3 =	sld [smem:$0x3FFC];
	_ =	sdelay $0x3  }
0x94: {  	_ =	strace s3  }
0x95: {  	s3 =	sld [smem:$0x3FFD];
	_ =	sdelay $0x3  }
0x96: {  	_ =	strace s3  }
0x97: {  	_ =	strace $0x8FFFFFFF  }
0x98: {  	s19 =	sld [smem:$0x3FDB];
	_ =	sdelay $0x1  }
0x99: {  	s4 =	simm.s32 $_scs_section_size  }
0x9a: {  	s5 =	simm.s32 $_size__tile_overlayer_lowered;
	s6 =	simm.s32 $_tile_overlayer_lowered  }
0x9b: {  	s22 =	simm.s32 $0x1BFF;
	s21 =	sshll.u32 s6, $0x1;
	s3 =	sadd.s32 s4, s19  }
0x9c: {  	s7 =	simm.s32 $0x0;
	s20 =	sshll.u32 s5, $0x1;
	s5 =	sadd.s32 s21, s3  }
0x9d: {  	[timem:s7], [sflag:s22] =	dma.local [hbm:s5], s20  }
0x9e: {  	_ =	swait.ge [sflag:s22], s20  }
0x9f: {  	s4 =	ssub.s32 $0x0, s20;
	[sflag:s22] =	ssyncset.done $0x0  }
0xa0: {  	[sflag:s22] =	ssyncadd.s32 s4;
	_ =	sdelay $0x1  }
0xa1: {  	s23 =	simm.s32 $0x1B8B  }
0xa2: {  	_ =	swait.ge [sflag:s23], $0x1  }
0xa3: {  	[sflag:s23] =	ssyncset.done $0x0  }
0xa4: {  	s25 =	simm.s32 $0x1B8E;
	s24 =	sld [smem:$0x3FFE];
	[sflag:s23] =	ssyncadd.s32 $0xFFFFFFFF  }
0xa5: {  	s26 =	simm.s32 $execute0_lowered;
	[smem:$0x3FD2] =	sst s25  }
0xa6: {  	s5 =	sshll.u32 s26, $0x1;
	_ =	strace $0x80000049;
	[dreg:$0x1] =	wrdreg $0xFFFFFFFF  }
0xa7: {  	s28 =	simm.s32 $_size_execute0_lowered;
	s3 =	sadd.s32 s3, s5;
	[dreg:$0x0] =	wrdreg $0x0  }
0xa8: {  	s5 =	sshll.u32 s28, $0x1;
	[dreg:$0x2] =	wrdreg s3  }
0xa9: {  	[dreg:$0x3] =	wrdreg s5  }
0xaa: {  	[dreg:$0x4] =	wrdreg $0xC0  }
0xab: {  	_ =	task [dreg:s7], $0x5FFFF  }
0xac: {  	[dreg:$0x1] =	wrdreg $0xFFFFFFFF  }
0xad: {  	[dreg:$0x0] =	wrdreg $0x60  }
0xae: {  	[dreg:$0x2] =	wrdreg s24  }
0xaf: {  	[dreg:$0x3] =	wrdreg s2  }
0xb0: {  	[dreg:$0x4] =	wrdreg $0x98000  }
0xb1: {  	[dreg:$0x5] =	wrdreg $0x9  }
0xb2: {  	_ =	task.clear_ibuf [dreg:s7], $0x6FFFF;
	_ =	strace $0x90000049  }
0xb3: {  	s29 =	simm.s32 $0x9;
	_ =	strace $0x8000004B  }
0xb4: {  	_ =	swait.ge [sflag:s29], $0x1  }
0xb5: {  	[sflag:s29] =	ssyncadd.s32 $0xFFFFFFFF  }
0xb6: {  	_ =	strace $0x9000004B  }
0xb7: {  	_ =	sfence  }
0xb8: {  	s30 =	sld [smem:$0x0];
	_ =	sdelay $0x2  }
0xb9: {  	s31 =	sshll.u32 s1, $0xD;
	s1 =	sshrl.u32 s1, $0x2  }
0xba: {  	s3 =	sand.u32 $0x4000, s31;
	s1 =	sadd.s32 s1, s30  }
0xbb: {  	s0 =	sor.u32 s3, s0;
	s1 =	sshll.u32 s1, $0x11  }
0xbc: {  	s0 =	sor.u32 s1, s0  }
0xbd: {  	s0 =	sadd.s32 $0x8F2B, s0  }
0xbe: {  	[sflag:s0] =	ssyncadd.remote.s32 $0x1  }
0xbf: {  	_ =	sfence.sel $0xFFFF  }
0xc0: {  	[dreg:$0x0] =	wrdreg $0xFFFFFFFF;
	(pc) =	sbr.abs _section_cstart, $3  }
0xc1: {  	[dreg:$0x1] =	wrdreg $0xFFFFFFFF  }
0xc2: {  	_ =	task.clear_ibuf [dreg:s7], $0x2FFFF;
	_ =	strace $0x9FFFFFFF  }
0xc3: {  	(tm) =	ssettm $0x7FFFFFFF  }
tec
execute0_lowered:
.L_overlay_start_1:
0x0: {  	(tag) =	ssettag $0x1  }
0x1: {  	s0 =	rddreg [dreg:$0x0]  }
0x2: {  	s1 =	srdreg.scid;
	s10 =	stileid.u32  }
0x3: {  	s3 =	rddreg [dreg:$0x2];
	s4 =	simm.s32 $0x0;
	s15 =	simm.s32 $0x400  }
0x4: {  	s16 =	simm.s32 $0x80;
	s17 =	simm.s32 $0x800;
	s18 =	simm.s32 $0x100  }
0x5: {  	s19 =	simm.s32 $0x5000;
	s20 =	simm.s32 $0x1;
	s28 =	simm.s32 $0x280  }
0x6: {  	s29 =	simm.s32 $0x380;
	s30 =	simm.s32 $0x500;
	s31 =	simm.s32 $0x480  }
0x7: {  	s1 =	sand.u32 $0x1, s1;
	s2 =	smul.u32 $0x16380, s10;
	[smem:$0x7FF] =	sst s4  }
0x8: {  	s8 =	smul.u32 $0xA000, s10;
	s5 =	sadd.s32 $0x16E00, s0;
	s9 =	sadd.s32 $0x41600, s0  }
0x9: {  	s22 =	sshll.u32 s10, $0x6;
	s10 =	simm.s32 $0x0;
	s6 =	smul.u32 $0x163800, s1  }
0xa: {  	s7 =	smul.u32 $0xA0000, s1;
	_ =	strace $0x8000004A;
	s1 =	ssub.s32 $0x2, s1  }
0xb: {  	s13 =	sor.u32 $0x1C07, s22;
	s22 =	simm.s32 $0x180;
	s21 =	sshrl.u32 s1, $0x1  }
0xc: {  	[dreg:$0x5] =	wrdreg s13;
	s6 =	sadd.s32 s2, s6;
	s7 =	sadd.s32 s8, s7  }
0xd: {  	s1 =	ssub.s32 s1, s21;
	s2 =	sadd.s32 s2, s3;
	s21 =	simm.s32 $0x2  }
0xe: {  	s6 =	sshrl.u32 s6, $0x3;
	s8 =	sshrl.u32 s7, $0x3;
	s24 =	sor.u32 $0xC00, s7  }
0xf: {  	s25 =	sor.u32 $0x800, s7;
	s1 =	smax.u32 s1, $0x1;
	s14 =	sshrl.u32 s2, $0x3  }
0x10: {  	s2 =	simm.s32 $0x700;
	s0 =	sadd.s32 s6, s0;
	s8 =	sadd.s32 s9, s8  }
0x11: {  	[dreg:$0x8] =	wrdreg s1;
	s26 =	sshrl.u32 s25, $0x3;
	s25 =	simm.s32 $0x4  }
0x12: {  	s1 =	simm.s32 $0x580;
	s6 =	simm.s32 $0x5;
	[dreg:$0x9] =	wrdreg s14  }
.Ltmp0:
0x13: {  	[dreg:$0x4] =	wrdreg s8;
	s23 =	sadd.s32 $0x80, s8;
	(pc) =	sbr.rel .LBB2_1-.Ltmp0, $4  }
0x14: {  	s0 =	sadd.s32 $0x69600, s0;
	s12 =	sadd.s32 s26, s9;
	[dreg:$0x6] =	wrdreg s23  }
0x15: {  	s26 =	simm.s32 $0x300;
	s8 =	simm.s32 $0x680;
	[dreg:$0x7] =	wrdreg s0  }
0x16: {  	s0 =	sshrl.u32 s24, $0x3;
	s23 =	simm.s32 $0x3;
	s24 =	simm.s32 $0x200  }
0x17: {  	s11 =	sadd.s32 s0, s9;
	s0 =	simm.s32 $0x600;
	s9 =	simm.s32 $0x780  }
.LBB2_4:
0x18: {  	_ =	swait.ge [sflag:s23], $0x4800  }
0x19: {  	[sflag:s23] =	ssyncset.done $0x0  }
0x1a: {  	[sflag:s23] =	ssyncadd.s32 $0xFFFFB800  }
0x1b: {  	_ =	swait.ge [sflag:s25], $0x4800  }
0x1c: {  	[sflag:s25] =	ssyncset.done $0x0  }
0x1d: {  	[sflag:s25] =	ssyncadd.s32 $0xFFFFB800  }
0x1e: {  	[bflag:$0x0] =	sbarrier.arrive $0xFFFF  }
0x1f: {  	s13 =	rddreg [dreg:$0x5]  }
0x20: {  	s7 =	rddreg [dreg:$0x7]  }
0x21: {  	s14 =	rddreg [dreg:$0x9]  }
0x22: {  	[hbm:s7], [sflag:s13] =	dma.local [spmem:s14], $0x2C70  }
0x23: {  	s7 =	simm.s32 $0x7  }
0x24: {  	_ =	swait.ge [sflag:s7], $0x2C70  }
0x25: {  	s10 =	sadd.s32 $0x1, s10;
	[sflag:s7] =	ssyncset.done $0x0;
	s7 =	rddreg [dreg:$0x8]  }
0x26: {  	p0 =	sne.s32 s10, s7  }
.Ltmp1:
0x27: {  	_ = 	snop;
	(pc) =	sbr.rel @!p0 .LBB2_5-.Ltmp1, $3  }
0x28: {  	_ =	sdelay $0x1  }
0x29: {  	s7 =	simm.s32 $0x7  }
0x2a: {  	[sflag:s7] =	ssyncadd.s32 $0xFFFFD390  }
.LBB2_1:
0x2b: {  	[dreg:$0xa] =	wrdreg s10  }
0x2c: {  	s10 =	simm.s32 $0x7;
	s7 =	rddreg [dreg:$0x1]  }
0x2d: {  	[spmem:s14], [sflag:s13] =	dma.local [hbm:s7], $0x2C70  }
0x2e: {  	_ =	swait.ge [sflag:s10], $0x2C70  }
0x2f: {  	[sflag:s10] =	ssyncset.done $0x0  }
0x30: {  	s13 =	rddreg [dreg:$0x4];
	[sflag:s10] =	ssyncadd.s32 $0xFFFFD390  }
0x31: {  	[tilespmem:s4], [sflag:$0x7] =	stream.linear.gather [hbm4b:s13+s4], $0x400, $0x38;
	[tilespmem:$0x1FB80] =	vst v63  }
0x32: {  	_ =	swait.ge [sflag:s10], $0x400  }
0x33: {  	[sflag:s10] =	ssyncset.done $0x0  }
0x34: {  	s14 =	rddreg [dreg:$0x6];
	[sflag:s10] =	ssyncadd.s32 $0xFFFFFC00  }
0x35: {  	[tilespmem:s15], [sflag:$0x7] =	stream.linear.gather [hbm4b:s14+s4], $0x400, $0x38;
	[tilespmem:$0x1FB80] =	vst v63  }
0x36: {  	_ =	swait.ge [sflag:s10], $0x400  }
0x37: {  	[sflag:s10] =	ssyncset.done $0x0  }
0x38: {  	[sflag:s10] =	ssyncadd.s32 $0xFFFFFC00  }
0x39: {  	s10 =	rddreg [dreg:$0xa];
	[bflag:$0x0] =	sbarrier.arrive $0xFFFF  }
0x3a: {  	[tilespmem:s17], [sflag:$0x1] =	stream.indirect.gather [hbm4b:s5+s16], $0x90, s4, s16, $0xb8;
	[tilespmem:$0x1FB80] =	vst v63  }
0x3b: {  	s7 =	simm.s32 $0x0  }
0x3c: {  	[tilespmem:s19], [sflag:$0x2] =	stream.indirect.gather [hbm4b:s5+s16], $0x90, s18, s16, $0xb8;
	[tilespmem:$0x1FB80] =	vst v63  }
.LBB2_2:
0x3d: {  	_ =	swait.ge [sflag:s20], $0x4800  }
0x3e: {  	[sflag:s20] =	ssyncset.done $0x0  }
0x3f: {  	[sflag:s20] =	ssyncadd.s32 $0xFFFFB800  }
0x40: {  	[spmem:s3] =	stream.indirect.scatter.add.f32 [tilespmem:s17], [sflag:$0x3], $0x90, s16, s16, $0xb8;
	[tilespmem:$0x1FB80] =	vst v63  }
0x41: {  	_ =	swait.ge [sflag:s21], $0x4800  }
0x42: {  	[sflag:s21] =	ssyncset.done $0x0  }
0x43: {  	[sflag:s21] =	ssyncadd.s32 $0xFFFFB800  }
0x44: {  	[spmem:s3] =	stream.indirect.scatter.add.f32 [tilespmem:s19], [sflag:$0x4], $0x90, s22, s16, $0xb8;
	[tilespmem:$0x1FB80] =	vst v63  }
0x45: {  	_ =	swait.ge [sflag:s23], $0x4800  }
0x46: {  	[sflag:s23] =	ssyncset.done $0x0  }
0x47: {  	[sflag:s23] =	ssyncadd.s32 $0xFFFFB800  }
0x48: {  	[tilespmem:s17], [sflag:$0x1] =	stream.indirect.gather [hbm4b:s5+s16], $0x90, s24, s16, $0xb8;
	[tilespmem:$0x1FB80] =	vst v63  }
0x49: {  	_ =	swait.ge [sflag:s25], $0x4800  }
0x4a: {  	[sflag:s25] =	ssyncset.done $0x0  }
0x4b: {  	[sflag:s25] =	ssyncadd.s32 $0xFFFFB800  }
0x4c: {  	[tilespmem:s19], [sflag:$0x2] =	stream.indirect.gather [hbm4b:s5+s16], $0x90, s26, s16, $0xb8;
	[tilespmem:$0x1FB80] =	vst v63  }
0x4d: {  	_ =	swait.ge [sflag:s20], $0x4800  }
0x4e: {  	[sflag:s20] =	ssyncset.done $0x0  }
0x4f: {  	[sflag:s20] =	ssyncadd.s32 $0xFFFFB800  }
0x50: {  	[spmem:s3] =	stream.indirect.scatter.add.f32 [tilespmem:s17], [sflag:$0x3], $0x90, s28, s16, $0xb8;
	[tilespmem:$0x1FB80] =	vst v63  }
0x51: {  	_ =	swait.ge [sflag:s21], $0x4800  }
0x52: {  	p0 =	seq.s32 s7, $0x0;
	[sflag:s21] =	ssyncset.done $0x0  }
0x53: {  	s13 =	simm.s32 @!p0 $0x6;
	[sflag:s21] =	ssyncadd.s32 $0xFFFFB800  }
0x54: {  	[spmem:s3] =	stream.indirect.scatter.add.f32 [tilespmem:s19], [sflag:$0x4], $0x90, s29, s16, $0xb8;
	[tilespmem:$0x1FB80] =	vst v63  }
0x55: {  	_ =	swait.ge @!p0 [sflag:s13], $0x400  }
0x56: {  	[sflag:s13] =	ssyncset.done @!p0 $0x0  }
0x57: {  	[sflag:s13] =	ssyncadd.s32 @!p0 $0xFFFFFC00  }
0x58: {  	_ =	swait.ge [sflag:s23], $0x4800  }
0x59: {  	[sflag:s23] =	ssyncset.done $0x0  }
0x5a: {  	[sflag:s23] =	ssyncadd.s32 $0xFFFFB800  }
0x5b: {  	[tilespmem:s17], [sflag:$0x1] =	stream.indirect.gather [hbm4b:s5+s16], $0x90, s15, s16, $0xb8;
	[tilespmem:$0x1FB80] =	vst v63  }
0x5c: {  	_ =	swait.ge [sflag:s25], $0x4800  }
0x5d: {  	[sflag:s25] =	ssyncset.done $0x0  }
0x5e: {  	p0 =	seq.s32 s7, $0x1300;
	[sflag:s25] =	ssyncadd.s32 $0xFFFFB800  }
0x5f: {  	[tilespmem:s19], [sflag:$0x2] =	stream.indirect.gather [hbm4b:s5+s16], $0x90, s30, s16, $0xb8;
	[tilespmem:$0x1FB80] =	vst v63  }
0x60: {  	s13 =	sadd.s32 @!p0 s7, s12;
	s14 =	simm.s32 @!p0 $0x0  }
0x61: {  	[tilespmem:s14], [sflag:$0x5] =	stream.linear.gather @!p0 [hbm4b:s13+s14], $0x400, $0x38;
	[tilespmem:$0x1FB80] =	vst v63  }
0x62: {  	_ =	swait.ge [sflag:s20], $0x4800  }
0x63: {  	[sflag:s20] =	ssyncset.done $0x0  }
0x64: {  	[sflag:s20] =	ssyncadd.s32 $0xFFFFB800  }
0x65: {  	[spmem:s3] =	stream.indirect.scatter.add.f32 [tilespmem:s17], [sflag:$0x3], $0x90, s31, s16, $0xb8;
	[tilespmem:$0x1FB80] =	vst v63  }
0x66: {  	_ =	swait.ge [sflag:s21], $0x4800  }
0x67: {  	[sflag:s21] =	ssyncset.done $0x0  }
0x68: {  	[sflag:s21] =	ssyncadd.s32 $0xFFFFB800  }
0x69: {  	[spmem:s3] =	stream.indirect.scatter.add.f32 [tilespmem:s19], [sflag:$0x4], $0x90, s1, s16, $0xb8;
	[tilespmem:$0x1FB80] =	vst v63  }
0x6a: {  	_ =	swait.ge [sflag:s23], $0x4800  }
0x6b: {  	[sflag:s23] =	ssyncset.done $0x0  }
0x6c: {  	[sflag:s23] =	ssyncadd.s32 $0xFFFFB800  }
0x6d: {  	[tilespmem:s17], [sflag:$0x1] =	stream.indirect.gather [hbm4b:s5+s16], $0x90, s0, s16, $0xb8;
	[tilespmem:$0x1FB80] =	vst v63  }
0x6e: {  	_ =	swait.ge [sflag:s25], $0x4800  }
0x6f: {  	[sflag:s25] =	ssyncset.done $0x0  }
0x70: {  	[sflag:s25] =	ssyncadd.s32 $0xFFFFB800  }
0x71: {  	[tilespmem:s19], [sflag:$0x2] =	stream.indirect.gather [hbm4b:s5+s16], $0x90, s2, s16, $0xb8;
	[tilespmem:$0x1FB80] =	vst v63  }
0x72: {  	_ =	swait.ge [sflag:s20], $0x4800  }
0x73: {  	[sflag:s20] =	ssyncset.done $0x0  }
0x74: {  	[sflag:s20] =	ssyncadd.s32 $0xFFFFB800  }
0x75: {  	[spmem:s3] =	stream.indirect.scatter.add.f32 [tilespmem:s17], [sflag:$0x3], $0x90, s8, s16, $0xb8;
	[tilespmem:$0x1FB80] =	vst v63  }
.Ltmp2:
0x76: {  	_ = 	snop;
	(pc) =	sbr.rel @p0 .LBB2_4-.Ltmp2, $4  }
0x77: {  	_ =	swait.ge [sflag:s21], $0x4800  }
0x78: {  	[sflag:s21] =	ssyncset.done $0x0  }
0x79: {  	[sflag:s21] =	ssyncadd.s32 $0xFFFFB800  }
0x7a: {  	[spmem:s3] =	stream.indirect.scatter.add.f32 [tilespmem:s19], [sflag:$0x4], $0x90, s9, s16, $0xb8;
	[tilespmem:$0x1FB80] =	vst v63  }
0x7b: {  	_ =	swait.ge [sflag:s6], $0x400  }
0x7c: {  	[sflag:s6] =	ssyncset.done $0x0  }
0x7d: {  	[sflag:s6] =	ssyncadd.s32 $0xFFFFFC00  }
0x7e: {  	_ =	swait.ge [sflag:s23], $0x4800  }
0x7f: {  	[sflag:s23] =	ssyncset.done $0x0  }
0x80: {  	[sflag:s23] =	ssyncadd.s32 $0xFFFFB800  }
0x81: {  	[tilespmem:s17], [sflag:$0x1] =	stream.indirect.gather [hbm4b:s5+s16], $0x90, s4, s16, $0xb8;
	[tilespmem:$0x1FB80] =	vst v63  }
0x82: {  	_ =	swait.ge [sflag:s25], $0x4800  }
.Ltmp3:
0x83: {  	[sflag:s25] =	ssyncset.done $0x0;
	(pc) =	sbr.rel .LBB2_2-.Ltmp3, $4  }
0x84: {  	[sflag:s25] =	ssyncadd.s32 $0xFFFFB800  }
0x85: {  	[tilespmem:s19], [sflag:$0x2] =	stream.indirect.gather [hbm4b:s5+s16], $0x90, s18, s16, $0xb8;
	[tilespmem:$0x1FB80] =	vst v63  }
0x86: {  	s13 =	sadd.s32 s7, s11;
	s7 =	sadd.s32 $0x100, s7  }
0x87: {  	[tilespmem:s15], [sflag:$0x6] =	stream.linear.gather [hbm4b:s13+s4], $0x400, $0x38;
	[tilespmem:$0x1FB80] =	vst v63  }
.LBB2_5:
0x88: {  	_ =	sfence.sel $0x180000  }
0x89: {  	[bflag:$0x0] =	sbarrier.arrive $0xFFFF  }
0x8a: {  	_ =	strace $0x9000004A  }
0x8b: {  	s0 =	stileid.u32;
	[bflag:$0x2] =	sbarrier.arrive $0xFFFF  }
0x8c: {  	p0 =	sne.s32 s0, $0x0;
	s0 =	rddreg [dreg:$0x3]  }
0x8d: {  	s0 =	sadd.s32 @!p0 $0x100000, s0  }
0x8e: {  	[sflag:s0] =	ssyncadd.tile.s32 @!p0 $0x1;
	_ =	shalt  }
.Lfunc_end2:
_tile_overlayer_lowered:
.L_overlay_start_2:
0x8f: {  	(tag) =	ssettag $0x2  }
0x90: {  	s0 =	rddreg [dreg:$0x0];
	s2 =	stileid.u32  }
0x91: {  	s1 =	rddreg [dreg:$0x1];
	p0 =	sne.s32 s2, $0x0  }
0x92: {  	s3 =	rddreg [dreg:$0x2];
	[bflag:$0x3] =	sbarrier.arrive $0xFFFF;
	s2 =	simm.s32 @!p0 $0x1C07  }
0x93: {  	[timem:s3], [sflag:s2] =	dma.local @!p0 [hbm:s0], s1  }
0x94: {  	s0 =	simm.s32 @!p0 $0x7  }
0x95: {  	_ =	swait.ge @!p0 [sflag:s0], s1  }
0x96: {  	s1 =	ssub.s32 @!p0 $0x0, s1;
	[sflag:s0] =	ssyncset.done @!p0 $0x0  }
0x97: {  	[sflag:s0] =	ssyncadd.s32 @!p0 s1  }
0x98: {  	[bflag:$0x3] =	sbarrier.arrive $0xFFFF  }
0x99: {  	_ =	shalt  }

// kernel: kernel.23.cloned.1.call-start
scs
__scs_entry_jumppad:
0x0: {  	(pc) =	sbr.rel $0x88, $3  }
0x1: {  	(tag) =	ssettag $0x0;
	lr =	simm.s32 $0x1  }
0x2: {  	[smem:$0x3F96] =	sst lr;
	_ =	strace $0xD0000000  }
0x3: {  	_ = 	snop  }
0x4: {  	_ = 	snop  }
0x5: {  	_ = 	snop  }
0x6: {  	_ = 	snop  }
0x7: {  	_ = 	snop  }
__scs_overlays_trampoline_lowered:
0x8: {  	[smem:$0x3FA5] =	sst s0  }
0x9: {  	[smem:$0x3FA6] =	sst s1  }
0xa: {  	[smem:$0x3FA7] =	sst s2  }
0xb: {  	[smem:$0x3FA8] =	sst s3  }
0xc: {  	[smem:$0x3FA9] =	sst s4  }
0xd: {  	[smem:$0x3FAA] =	sst s5  }
0xe: {  	[smem:$0x3FAB] =	sst s6  }
0xf: {  	[smem:$0x3FAC] =	sst s7  }
0x10: {  	[smem:$0x3FAD] =	sst s8  }
0x11: {  	[smem:$0x3FAE] =	sst s9;
	s0 =	simm.s32 @!p0 $0x0  }
0x12: {  	s1 =	sld [smem:$0x3F94];
	s0 =	simm.s32 @p0 $0x1  }
0x13: {  	[smem:$0x3FAF] =	sst s0;
	s0 =	simm.s32 @!p1 $0x0  }
0x14: {  	s2 =	sld [smem:$0x3F93];
	s0 =	simm.s32 @p1 $0x1  }
0x15: {  	[smem:$0x3FB0] =	sst s0;
	s0 =	simm.s32 @!p2 $0x0  }
0x16: {  	s3 =	sld [smem:$0x3FDB];
	s0 =	simm.s32 @p2 $0x1  }
0x17: {  	s4 =	simm.s32 $0x1BF5;
	[smem:$0x3FB2] =	sst s0  }
0x18: {  	s0 =	sld [smem:$0x3F95];
	_ =	swait.ge [sflag:s4], $0x0  }
0x19: {  	s7 =	sld [smem:$0x3F96]  }
0x1a: {  	s8 =	sadd.s32 $0xFFFFE003, lr  }
0x1b: {  	s9 =	sadd.s32 $0xFFFFFEF7, lr;
	s5 =	simm.s32 $0xFFFFFFFF;
	p2 =	slt.u32 s8, $0xFFFFF086  }
0x1c: {  	p1 =	slt.u32 s9, $0xF7A;
	s5 =	simm.s32 @!p2 $0x0  }
0x1d: {  	s5 =	simm.s32 @p1 $0x1;
	p0 =	seq.s32 s7, s2  }
0x1e: {  	s7 =	smul.u32 @!p0 $0xF7A, s2;
	p2 =	seq.s32 @!p0 s5, $0x0  }
0x1f: {  	s9 =	smul.u32 $0xF7A, s1;
	s8 =	simm.s32 @!p0 $0x1BF5;
	p2 =	por !p2, p0  }
0x20: {  	[sflag:s8] =	ssyncset.s32 @!p0 $0xFFFFF086;
	s6 =	sadd.s32 @!p0 s3, s7;
	s7 =	simm.s32 @!p0 $0x108  }
0x21: {  	s3 =	sadd.s32 s3, s9;
	s6 =	sadd.s32 @!p0 $0x88, s6;
	s7 =	simm.s32 @p2 $0x1082  }
0x22: {  	[simem:s7], [sflag:s8] =	dma.local @!p0 [hbm:s6], $0xF7A  }
0x23: {  	s9 =	sor.u32 $0xD0000000, s2;
	s6 =	simm.s32 $0x108;
	_ =	swait.ge @!p0 [sflag:s8], $0x0  }
0x24: {  	s3 =	sadd.s32 $0x88, s3;
	s6 =	simm.s32 @!p1 $0x1082;
	[sflag:s4] =	ssyncset.s32 $0xFFFFF086  }
0x25: {  	[simem:s6], [sflag:s4] =	dma.local [hbm:s3], $0xF7A  }
0x26: {  	[smem:$0x3F96] =	sst s1;
	(tag) =	ssettag s2;
	_ =	strace s9  }
0x27: {  	s1 =	sld [smem:$0x3FA6]  }
0x28: {  	s2 =	sld [smem:$0x3FA7]  }
0x29: {  	s4 =	sld [smem:$0x3FA9]  }
0x2a: {  	p0 =	seq.s32 s5, $0x0;
	s5 =	sld [smem:$0x3FAA]  }
0x2b: {  	s6 =	sld [smem:$0x3FAB]  }
0x2c: {  	s7 =	sld [smem:$0x3FAC]  }
0x2d: {  	s3 =	simm.s32 $0x108;
	s8 =	sld [smem:$0x3FAD]  }
0x2e: {  	s3 =	simm.s32 @!p0 $0x1082;
	s9 =	sld [smem:$0x3FAE]  }
0x2f: {  	lr =	sadd.s32 s0, s3;
	s0 =	sld [smem:$0x3FA5]  }
0x30: {  	s3 =	sld [smem:$0x3FA8]  }
0x31: {  	[smem:$0x3FB1] =	sst s10  }
0x32: {  	s10 =	sld [smem:$0x3FAF];
	_ =	sdelay $0x3  }
0x33: {  	p0 =	seq.s32 s10, $0x1;
	s10 =	sld [smem:$0x3FB1];
	_ =	sdelay $0x3  }
0x34: {  	[smem:$0x3FB1] =	sst s10  }
0x35: {  	s10 =	sld [smem:$0x3FB0];
	_ =	sdelay $0x3  }
0x36: {  	p1 =	seq.s32 s10, $0x1;
	s10 =	sld [smem:$0x3FB1];
	_ =	sdelay $0x3  }
0x37: {  	[smem:$0x3FB1] =	sst s10  }
0x38: {  	s10 =	sld [smem:$0x3FB2]  }
0x39: {  	_ = 	snop;
	(pc) =	sbr.ind lr, $3  }
0x3a: {  	_ = 	snop  }
0x3b: {  	_ = 	snop  }
0x3c: {  	p2 =	seq.s32 s10, $0x1;
	s10 =	sld [smem:$0x3FB1]  }
0x3d: {  	_ =	shalt  }
0x3e: {  	_ =	shalt  }
0x3f: {  	_ =	shalt  }
0x40: {  	_ =	shalt  }
0x41: {  	_ =	shalt  }
0x42: {  	_ =	shalt  }
0x43: {  	_ =	shalt  }
0x44: {  	_ =	shalt  }
0x45: {  	_ =	shalt  }
0x46: {  	_ =	shalt  }
0x47: {  	_ =	shalt  }
0x48: {  	_ =	shalt  }
0x49: {  	_ =	shalt  }
0x4a: {  	_ =	shalt  }
0x4b: {  	_ =	shalt  }
0x4c: {  	_ =	shalt  }
0x4d: {  	_ =	shalt  }
0x4e: {  	_ =	shalt  }
0x4f: {  	_ =	shalt  }
0x50: {  	_ =	shalt  }
0x51: {  	_ =	shalt  }
0x52: {  	_ =	shalt  }
0x53: {  	_ =	shalt  }
0x54: {  	_ =	shalt  }
0x55: {  	_ =	shalt  }
0x56: {  	_ =	shalt  }
0x57: {  	_ =	shalt  }
0x58: {  	_ =	shalt  }
0x59: {  	_ =	shalt  }
0x5a: {  	_ =	shalt  }
0x5b: {  	_ =	shalt  }
0x5c: {  	_ =	shalt  }
0x5d: {  	_ =	shalt  }
0x5e: {  	_ =	shalt  }
0x5f: {  	_ =	shalt  }
0x60: {  	_ =	shalt  }
0x61: {  	_ =	shalt  }
0x62: {  	_ =	shalt  }
0x63: {  	_ =	shalt  }
0x64: {  	_ =	shalt  }
0x65: {  	_ =	shalt  }
0x66: {  	_ =	shalt  }
0x67: {  	_ =	shalt  }
0x68: {  	_ =	shalt  }
0x69: {  	_ =	shalt  }
0x6a: {  	_ =	shalt  }
0x6b: {  	_ =	shalt  }
0x6c: {  	_ =	shalt  }
0x6d: {  	_ =	shalt  }
0x6e: {  	_ =	shalt  }
0x6f: {  	_ =	shalt  }
0x70: {  	_ =	shalt  }
0x71: {  	_ =	shalt  }
0x72: {  	_ =	shalt  }
0x73: {  	_ =	shalt  }
0x74: {  	_ =	shalt  }
0x75: {  	_ =	shalt  }
0x76: {  	_ =	shalt  }
0x77: {  	_ =	shalt  }
0x78: {  	_ =	shalt  }
0x79: {  	_ =	shalt  }
0x7a: {  	_ =	shalt  }
0x7b: {  	_ =	shalt  }
0x7c: {  	_ =	shalt  }
0x7d: {  	_ =	shalt  }
0x7e: {  	_ =	shalt  }
0x7f: {  	_ =	shalt  }
0x80: {  	_ =	shalt  }
0x81: {  	_ =	shalt  }
0x82: {  	_ =	shalt  }
0x83: {  	_ =	shalt  }
0x84: {  	_ =	shalt  }
0x85: {  	_ =	shalt  }
0x86: {  	_ =	shalt  }
0x87: {  	_ =	shalt  }
.Lfunc_end0:
.L_simem_size_0:
called_computation.2_lowered:
.L_overlay_start_0:
0x88: {  	s2 =	sld [smem:$0x3FD9]  }
0x89: {  	s3 =	sld [smem:$0x3FFE];
	_ =	sdelay $0x1  }
0x8a: {  	s1 =	srdreg.scid  }
0x8b: {  	s0 =	sand.u32 $0x1, s1  }
0x8c: {  	s17 =	sshll.u32 s0, $0xA;
	s2 =	sadd.s32 s3, s2  }
0x8d: {  	s2 =	sadd.s32 s2, s17  }
0x8e: {  	[smem:$0x3FBD] =	sst s2  }
0x8f: {  	_ = 	snop  }
0x90: {  	s2 =	sld [smem:$0x3FD0];
	(tm) =	ssettm $0x1  }
0x91: {  	s18 =	sld [smem:$0x3FFB];
	_ =	sdelay $0x3  }
0x92: {  	_ =	strace s18  }
0x93: {  	s3 =	sld [smem:$0x3FFC];
	_ =	sdelay $0x3  }
0x94: {  	_ =	strace s3  }
0x95: {  	s3 =	sld [smem:$0x3FFD];
	_ =	sdelay $0x3  }
0x96: {  	_ =	strace s3  }
0x97: {  	_ =	strace $0x8FFFFFFF  }
0x98: {  	s19 =	sld [smem:$0x3FDB];
	_ =	sdelay $0x1  }
0x99: {  	s4 =	simm.s32 $_scs_section_size  }
0x9a: {  	s5 =	simm.s32 $_size__tile_overlayer_lowered;
	s6 =	simm.s32 $_tile_overlayer_lowered  }
0x9b: {  	s22 =	simm.s32 $0x1BFF;
	s21 =	sshll.u32 s6, $0x1;
	s3 =	sadd.s32 s4, s19  }
0x9c: {  	s7 =	simm.s32 $0x0;
	s20 =	sshll.u32 s5, $0x1;
	s5 =	sadd.s32 s21, s3  }
0x9d: {  	[timem:s7], [sflag:s22] =	dma.local [hbm:s5], s20  }
0x9e: {  	_ =	swait.ge [sflag:s22], s20  }
0x9f: {  	s4 =	ssub.s32 $0x0, s20;
	[sflag:s22] =	ssyncset.done $0x0  }
0xa0: {  	[sflag:s22] =	ssyncadd.s32 s4;
	_ =	sdelay $0x1  }
0xa1: {  	s23 =	simm.s32 $0x1B8B  }
0xa2: {  	_ =	swait.ge [sflag:s23], $0x1  }
0xa3: {  	[sflag:s23] =	ssyncset.done $0x0  }
0xa4: {  	s25 =	simm.s32 $0x1B8E;
	s24 =	sld [smem:$0x3FFE];
	[sflag:s23] =	ssyncadd.s32 $0xFFFFFFFF  }
0xa5: {  	s26 =	simm.s32 $execute0_lowered;
	[smem:$0x3FD2] =	sst s25  }
0xa6: {  	s5 =	sshll.u32 s26, $0x1;
	_ =	strace $0x8000004C;
	[dreg:$0x1] =	wrdreg $0xFFFFFFFF  }
0xa7: {  	s28 =	simm.s32 $_size_execute0_lowered;
	s3 =	sadd.s32 s3, s5;
	[dreg:$0x0] =	wrdreg $0x0  }
0xa8: {  	s5 =	sshll.u32 s28, $0x1;
	[dreg:$0x2] =	wrdreg s3  }
0xa9: {  	[dreg:$0x3] =	wrdreg s5  }
0xaa: {  	[dreg:$0x4] =	wrdreg $0xC0  }
0xab: {  	_ =	task [dreg:s7], $0x5FFFF  }
0xac: {  	[dreg:$0x1] =	wrdreg $0xFFFFFFFF  }
0xad: {  	[dreg:$0x0] =	wrdreg $0x60  }
0xae: {  	[dreg:$0x2] =	wrdreg s24  }
0xaf: {  	[dreg:$0x3] =	wrdreg s2  }
0xb0: {  	[dreg:$0x4] =	wrdreg $0x38000  }
0xb1: {  	[dreg:$0x5] =	wrdreg $0x9  }
0xb2: {  	_ =	task.clear_ibuf [dreg:s7], $0x6FFFF;
	_ =	strace $0x9000004C  }
0xb3: {  	s29 =	simm.s32 $0x9;
	_ =	strace $0x8000004E  }
0xb4: {  	_ =	swait.ge [sflag:s29], $0x1  }
0xb5: {  	[sflag:s29] =	ssyncadd.s32 $0xFFFFFFFF  }
0xb6: {  	_ =	strace $0x9000004E  }
0xb7: {  	_ =	sfence  }
0xb8: {  	s30 =	sld [smem:$0x0];
	_ =	sdelay $0x2  }
0xb9: {  	s31 =	sshll.u32 s1, $0xD;
	s1 =	sshrl.u32 s1, $0x2  }
0xba: {  	s3 =	sand.u32 $0x4000, s31;
	s1 =	sadd.s32 s1, s30  }
0xbb: {  	s0 =	sor.u32 s3, s0;
	s1 =	sshll.u32 s1, $0x11  }
0xbc: {  	s0 =	sor.u32 s1, s0  }
0xbd: {  	s0 =	sadd.s32 $0x8F2B, s0  }
0xbe: {  	[sflag:s0] =	ssyncadd.remote.s32 $0x1  }
0xbf: {  	_ =	sfence.sel $0xFFFF  }
0xc0: {  	[dreg:$0x0] =	wrdreg $0xFFFFFFFF;
	(pc) =	sbr.abs _section_cstart, $3  }
0xc1: {  	[dreg:$0x1] =	wrdreg $0xFFFFFFFF  }
0xc2: {  	_ =	task.clear_ibuf [dreg:s7], $0x2FFFF;
	_ =	strace $0x9FFFFFFF  }
0xc3: {  	(tm) =	ssettm $0x7FFFFFFF  }
tec
execute0_lowered:
.L_overlay_start_1:
0x0: {  	(tag) =	ssettag $0x1  }
0x1: {  	s0 =	rddreg [dreg:$0x0]  }
0x2: {  	s3 =	rddreg [dreg:$0x1]  }
0x3: {  	s1 =	rddreg [dreg:$0x2];
	s2 =	simm.s32 $0x0;
	s4 =	srdreg.scid  }
0x4: {  	s11 =	stileid.u32;
	s15 =	simm.s32 $0x400;
	s16 =	simm.s32 $0x80  }
0x5: {  	s17 =	simm.s32 $0x800;
	s18 =	simm.s32 $0x100;
	s28 =	simm.s32 $0x280  }
0x6: {  	s29 =	simm.s32 $0x380;
	s30 =	simm.s32 $0x500;
	s31 =	simm.s32 $0x480  }
0x7: {  	[smem:$0x7FF] =	sst s2;
	s5 =	sand.u32 $0x1, s4;
	s4 =	sadd.s32 $0x16E00, s0  }
0x8: {  	s7 =	sadd.s32 $0x2E00, s0;
	s8 =	smul.u32 $0x5000, s11;
	s0 =	sadd.s32 $0x25C00, s0  }
0x9: {  	s9 =	smul.u32 $0x1E00, s11;
	s11 =	sshll.u32 s11, $0x6;
	_ =	strace $0x8000004D  }
0xa: {  	s6 =	smul.u32 $0x50000, s5;
	[dreg:$0x4] =	wrdreg s0;
	s19 =	ssub.s32 $0x2, s5  }
0xb: {  	s5 =	smul.u32 $0x1E000, s5;
	s13 =	sor.u32 $0x1C07, s11;
	s10 =	sshrl.u32 s19, $0x1  }
0xc: {  	s20 =	sadd.s32 s9, s1;
	[dreg:$0x6] =	wrdreg s13;
	s6 =	sadd.s32 s8, s6  }
0xd: {  	s0 =	ssub.s32 s19, s10;
	s5 =	sadd.s32 s9, s5;
	s14 =	sshrl.u32 s20, $0x3  }
0xe: {  	s19 =	simm.s32 $0x2000;
	s20 =	simm.s32 $0x1;
	s8 =	simm.s32 $0x680  }
0xf: {  	s9 =	simm.s32 $0x780;
	s21 =	sshrl.u32 s6, $0x3;
	s5 =	sshrl.u32 s5, $0x3  }
0x10: {  	s23 =	sor.u32 $0xC00, s6;
	s24 =	sor.u32 $0x800, s6;
	s0 =	smax.u32 s0, $0x1  }
0x11: {  	s6 =	simm.s32 $0x5;
	[dreg:$0xa] =	wrdreg s14;
	s10 =	sadd.s32 s7, s21  }
0x12: {  	s3 =	sadd.s32 s3, s5;
	[dreg:$0x9] =	wrdreg s0;
	s25 =	sshrl.u32 s23, $0x3  }
0x13: {  	s26 =	sshrl.u32 s24, $0x3;
	s21 =	simm.s32 $0x2;
	s23 =	simm.s32 $0x3  }
.Ltmp0:
0x14: {  	s24 =	simm.s32 $0x200;
	s0 =	simm.s32 $0x580;
	(pc) =	sbr.rel .LBB2_1-.Ltmp0, $4  }
0x15: {  	s5 =	simm.s32 $0x700;
	[dreg:$0x5] =	wrdreg s10;
	s22 =	sadd.s32 $0x80, s10  }
0x16: {  	[dreg:$0x8] =	wrdreg s3;
	s11 =	sadd.s32 s25, s7;
	s12 =	sadd.s32 s26, s7  }
0x17: {  	s25 =	simm.s32 $0x4;
	s26 =	simm.s32 $0x300;
	s3 =	simm.s32 $0x600  }
0x18: {  	s10 =	simm.s32 $0x0;
	[dreg:$0x7] =	wrdreg s22;
	s22 =	simm.s32 $0x180  }
.LBB2_4:
0x19: {  	_ =	swait.ge [sflag:s23], $0x1800  }
0x1a: {  	[sflag:s23] =	ssyncset.done $0x0  }
0x1b: {  	[sflag:s23] =	ssyncadd.s32 $0xFFFFE800  }
0x1c: {  	_ =	swait.ge [sflag:s25], $0x1800  }
0x1d: {  	[sflag:s25] =	ssyncset.done $0x0  }
0x1e: {  	[sflag:s25] =	ssyncadd.s32 $0xFFFFE800  }
0x1f: {  	[bflag:$0x0] =	sbarrier.arrive $0xFFFF  }
0x20: {  	s13 =	rddreg [dreg:$0x6]  }
0x21: {  	s7 =	rddreg [dreg:$0x8]  }
0x22: {  	s14 =	rddreg [dreg:$0xa]  }
0x23: {  	[hbm:s7], [sflag:s13] =	dma.local [spmem:s14], $0x3C0  }
0x24: {  	s7 =	simm.s32 $0x7  }
0x25: {  	_ =	swait.ge [sflag:s7], $0x3C0  }
0x26: {  	s10 =	sadd.s32 $0x1, s10;
	[sflag:s7] =	ssyncset.done $0x0;
	s7 =	rddreg [dreg:$0x9]  }
0x27: {  	p0 =	sne.s32 s10, s7  }
.Ltmp1:
0x28: {  	_ = 	snop;
	(pc) =	sbr.rel @!p0 .LBB2_5-.Ltmp1, $3  }
0x29: {  	_ =	sdelay $0x1  }
0x2a: {  	s7 =	simm.s32 $0x7  }
0x2b: {  	[sflag:s7] =	ssyncadd.s32 $0xFFFFFC40  }
.LBB2_1:
0x2c: {  	[dreg:$0xb] =	wrdreg s10  }
0x2d: {  	s10 =	simm.s32 $0x7;
	s7 =	rddreg [dreg:$0x4]  }
0x2e: {  	[spmem:s14], [sflag:s13] =	dma.local [hbm:s7], $0x3C0  }
0x2f: {  	_ =	swait.ge [sflag:s10], $0x3C0  }
0x30: {  	[sflag:s10] =	ssyncset.done $0x0  }
0x31: {  	s13 =	rddreg [dreg:$0x5];
	[sflag:s10] =	ssyncadd.s32 $0xFFFFFC40  }
0x32: {  	[tilespmem:s2], [sflag:$0x7] =	stream.linear.gather [hbm4b:s13+s2], $0x400, $0x38;
	[tilespmem:$0x5600] =	vst v63  }
0x33: {  	_ =	swait.ge [sflag:s10], $0x400  }
0x34: {  	[sflag:s10] =	ssyncset.done $0x0  }
0x35: {  	s14 =	rddreg [dreg:$0x7];
	[sflag:s10] =	ssyncadd.s32 $0xFFFFFC00  }
0x36: {  	[tilespmem:s15], [sflag:$0x7] =	stream.linear.gather [hbm4b:s14+s2], $0x400, $0x38;
	[tilespmem:$0x5600] =	vst v63  }
0x37: {  	_ =	swait.ge [sflag:s10], $0x400  }
0x38: {  	[sflag:s10] =	ssyncset.done $0x0  }
0x39: {  	[sflag:s10] =	ssyncadd.s32 $0xFFFFFC00  }
0x3a: {  	s10 =	rddreg [dreg:$0xb];
	[bflag:$0x0] =	sbarrier.arrive $0xFFFF  }
0x3b: {  	[tilespmem:s17], [sflag:$0x1] =	stream.indirect.gather [hbm4b:s4+s16], $0x30, s2, s16, $0xb8;
	[tilespmem:$0x5600] =	vst v63  }
0x3c: {  	s7 =	simm.s32 $0x0  }
0x3d: {  	[tilespmem:s19], [sflag:$0x2] =	stream.indirect.gather [hbm4b:s4+s16], $0x30, s18, s16, $0xb8;
	[tilespmem:$0x5600] =	vst v63  }
.LBB2_2:
0x3e: {  	_ =	swait.ge [sflag:s20], $0x1800  }
0x3f: {  	[sflag:s20] =	ssyncset.done $0x0  }
0x40: {  	[sflag:s20] =	ssyncadd.s32 $0xFFFFE800  }
0x41: {  	[spmem:s1] =	stream.indirect.scatter.add.f32 [tilespmem:s17], [sflag:$0x3], $0x30, s16, s16, $0xb8;
	[tilespmem:$0x5600] =	vst v63  }
0x42: {  	_ =	swait.ge [sflag:s21], $0x1800  }
0x43: {  	[sflag:s21] =	ssyncset.done $0x0  }
0x44: {  	[sflag:s21] =	ssyncadd.s32 $0xFFFFE800  }
0x45: {  	[spmem:s1] =	stream.indirect.scatter.add.f32 [tilespmem:s19], [sflag:$0x4], $0x30, s22, s16, $0xb8;
	[tilespmem:$0x5600] =	vst v63  }
0x46: {  	_ =	swait.ge [sflag:s23], $0x1800  }
0x47: {  	[sflag:s23] =	ssyncset.done $0x0  }
0x48: {  	[sflag:s23] =	ssyncadd.s32 $0xFFFFE800  }
0x49: {  	[tilespmem:s17], [sflag:$0x1] =	stream.indirect.gather [hbm4b:s4+s16], $0x30, s24, s16, $0xb8;
	[tilespmem:$0x5600] =	vst v63  }
0x4a: {  	_ =	swait.ge [sflag:s25], $0x1800  }
0x4b: {  	[sflag:s25] =	ssyncset.done $0x0  }
0x4c: {  	[sflag:s25] =	ssyncadd.s32 $0xFFFFE800  }
0x4d: {  	[tilespmem:s19], [sflag:$0x2] =	stream.indirect.gather [hbm4b:s4+s16], $0x30, s26, s16, $0xb8;
	[tilespmem:$0x5600] =	vst v63  }
0x4e: {  	_ =	swait.ge [sflag:s20], $0x1800  }
0x4f: {  	[sflag:s20] =	ssyncset.done $0x0  }
0x50: {  	[sflag:s20] =	ssyncadd.s32 $0xFFFFE800  }
0x51: {  	[spmem:s1] =	stream.indirect.scatter.add.f32 [tilespmem:s17], [sflag:$0x3], $0x30, s28, s16, $0xb8;
	[tilespmem:$0x5600] =	vst v63  }
0x52: {  	_ =	swait.ge [sflag:s21], $0x1800  }
0x53: {  	p0 =	seq.s32 s7, $0x0;
	[sflag:s21] =	ssyncset.done $0x0  }
0x54: {  	s13 =	simm.s32 @!p0 $0x6;
	[sflag:s21] =	ssyncadd.s32 $0xFFFFE800  }
0x55: {  	[spmem:s1] =	stream.indirect.scatter.add.f32 [tilespmem:s19], [sflag:$0x4], $0x30, s29, s16, $0xb8;
	[tilespmem:$0x5600] =	vst v63  }
0x56: {  	_ =	swait.ge @!p0 [sflag:s13], $0x400  }
0x57: {  	[sflag:s13] =	ssyncset.done @!p0 $0x0  }
0x58: {  	[sflag:s13] =	ssyncadd.s32 @!p0 $0xFFFFFC00  }
0x59: {  	_ =	swait.ge [sflag:s23], $0x1800  }
0x5a: {  	[sflag:s23] =	ssyncset.done $0x0  }
0x5b: {  	[sflag:s23] =	ssyncadd.s32 $0xFFFFE800  }
0x5c: {  	[tilespmem:s17], [sflag:$0x1] =	stream.indirect.gather [hbm4b:s4+s16], $0x30, s15, s16, $0xb8;
	[tilespmem:$0x5600] =	vst v63  }
0x5d: {  	_ =	swait.ge [sflag:s25], $0x1800  }
0x5e: {  	[sflag:s25] =	ssyncset.done $0x0  }
0x5f: {  	p0 =	seq.s32 s7, $0x900;
	[sflag:s25] =	ssyncadd.s32 $0xFFFFE800  }
0x60: {  	[tilespmem:s19], [sflag:$0x2] =	stream.indirect.gather [hbm4b:s4+s16], $0x30, s30, s16, $0xb8;
	[tilespmem:$0x5600] =	vst v63  }
0x61: {  	s13 =	sadd.s32 @!p0 s7, s12;
	s14 =	simm.s32 @!p0 $0x0  }
0x62: {  	[tilespmem:s14], [sflag:$0x5] =	stream.linear.gather @!p0 [hbm4b:s13+s14], $0x400, $0x38;
	[tilespmem:$0x5600] =	vst v63  }
0x63: {  	_ =	swait.ge [sflag:s20], $0x1800  }
0x64: {  	[sflag:s20] =	ssyncset.done $0x0  }
0x65: {  	[sflag:s20] =	ssyncadd.s32 $0xFFFFE800  }
0x66: {  	[spmem:s1] =	stream.indirect.scatter.add.f32 [tilespmem:s17], [sflag:$0x3], $0x30, s31, s16, $0xb8;
	[tilespmem:$0x5600] =	vst v63  }
0x67: {  	_ =	swait.ge [sflag:s21], $0x1800  }
0x68: {  	[sflag:s21] =	ssyncset.done $0x0  }
0x69: {  	[sflag:s21] =	ssyncadd.s32 $0xFFFFE800  }
0x6a: {  	[spmem:s1] =	stream.indirect.scatter.add.f32 [tilespmem:s19], [sflag:$0x4], $0x30, s0, s16, $0xb8;
	[tilespmem:$0x5600] =	vst v63  }
0x6b: {  	_ =	swait.ge [sflag:s23], $0x1800  }
0x6c: {  	[sflag:s23] =	ssyncset.done $0x0  }
0x6d: {  	[sflag:s23] =	ssyncadd.s32 $0xFFFFE800  }
0x6e: {  	[tilespmem:s17], [sflag:$0x1] =	stream.indirect.gather [hbm4b:s4+s16], $0x30, s3, s16, $0xb8;
	[tilespmem:$0x5600] =	vst v63  }
0x6f: {  	_ =	swait.ge [sflag:s25], $0x1800  }
0x70: {  	[sflag:s25] =	ssyncset.done $0x0  }
0x71: {  	[sflag:s25] =	ssyncadd.s32 $0xFFFFE800  }
0x72: {  	[tilespmem:s19], [sflag:$0x2] =	stream.indirect.gather [hbm4b:s4+s16], $0x30, s5, s16, $0xb8;
	[tilespmem:$0x5600] =	vst v63  }
0x73: {  	_ =	swait.ge [sflag:s20], $0x1800  }
0x74: {  	[sflag:s20] =	ssyncset.done $0x0  }
0x75: {  	[sflag:s20] =	ssyncadd.s32 $0xFFFFE800  }
0x76: {  	[spmem:s1] =	stream.indirect.scatter.add.f32 [tilespmem:s17], [sflag:$0x3], $0x30, s8, s16, $0xb8;
	[tilespmem:$0x5600] =	vst v63  }
.Ltmp2:
0x77: {  	_ = 	snop;
	(pc) =	sbr.rel @p0 .LBB2_4-.Ltmp2, $4  }
0x78: {  	_ =	swait.ge [sflag:s21], $0x1800  }
0x79: {  	[sflag:s21] =	ssyncset.done $0x0  }
0x7a: {  	[sflag:s21] =	ssyncadd.s32 $0xFFFFE800  }
0x7b: {  	[spmem:s1] =	stream.indirect.scatter.add.f32 [tilespmem:s19], [sflag:$0x4], $0x30, s9, s16, $0xb8;
	[tilespmem:$0x5600] =	vst v63  }
0x7c: {  	_ =	swait.ge [sflag:s6], $0x400  }
0x7d: {  	[sflag:s6] =	ssyncset.done $0x0  }
0x7e: {  	[sflag:s6] =	ssyncadd.s32 $0xFFFFFC00  }
0x7f: {  	_ =	swait.ge [sflag:s23], $0x1800  }
0x80: {  	[sflag:s23] =	ssyncset.done $0x0  }
0x81: {  	[sflag:s23] =	ssyncadd.s32 $0xFFFFE800  }
0x82: {  	[tilespmem:s17], [sflag:$0x1] =	stream.indirect.gather [hbm4b:s4+s16], $0x30, s2, s16, $0xb8;
	[tilespmem:$0x5600] =	vst v63  }
0x83: {  	_ =	swait.ge [sflag:s25], $0x1800  }
.Ltmp3:
0x84: {  	[sflag:s25] =	ssyncset.done $0x0;
	(pc) =	sbr.rel .LBB2_2-.Ltmp3, $4  }
0x85: {  	[sflag:s25] =	ssyncadd.s32 $0xFFFFE800  }
0x86: {  	[tilespmem:s19], [sflag:$0x2] =	stream.indirect.gather [hbm4b:s4+s16], $0x30, s18, s16, $0xb8;
	[tilespmem:$0x5600] =	vst v63  }
0x87: {  	s13 =	sadd.s32 s7, s11;
	s7 =	sadd.s32 $0x100, s7  }
0x88: {  	[tilespmem:s15], [sflag:$0x6] =	stream.linear.gather [hbm4b:s13+s2], $0x400, $0x38;
	[tilespmem:$0x5600] =	vst v63  }
.LBB2_5:
0x89: {  	_ =	sfence.sel $0x180000  }
0x8a: {  	[bflag:$0x0] =	sbarrier.arrive $0xFFFF  }
0x8b: {  	_ =	strace $0x9000004D  }
0x8c: {  	s0 =	stileid.u32;
	[bflag:$0x2] =	sbarrier.arrive $0xFFFF  }
0x8d: {  	p0 =	sne.s32 s0, $0x0;
	s0 =	rddreg [dreg:$0x3]  }
0x8e: {  	s0 =	sadd.s32 @!p0 $0x100000, s0  }
0x8f: {  	[sflag:s0] =	ssyncadd.tile.s32 @!p0 $0x1;
	_ =	shalt  }
.Lfunc_end2:
_tile_overlayer_lowered:
.L_overlay_start_2:
0x90: {  	(tag) =	ssettag $0x2  }
0x91: {  	s0 =	rddreg [dreg:$0x0];
	s2 =	stileid.u32  }
0x92: {  	s1 =	rddreg [dreg:$0x1];
	p0 =	sne.s32 s2, $0x0  }
0x93: {  	s3 =	rddreg [dreg:$0x2];
	[bflag:$0x3] =	sbarrier.arrive $0xFFFF;
	s2 =	simm.s32 @!p0 $0x1C07  }
0x94: {  	[timem:s3], [sflag:s2] =	dma.local @!p0 [hbm:s0], s1  }
0x95: {  	s0 =	simm.s32 @!p0 $0x7  }
0x96: {  	_ =	swait.ge @!p0 [sflag:s0], s1  }
0x97: {  	s1 =	ssub.s32 @!p0 $0x0, s1;
	[sflag:s0] =	ssyncset.done @!p0 $0x0  }
0x98: {  	[sflag:s0] =	ssyncadd.s32 @!p0 s1  }
0x99: {  	[bflag:$0x3] =	sbarrier.arrive $0xFFFF  }
0x9a: {  	_ =	shalt  }

// kernel: kernel.26.cloned.1.call-start
scs
__scs_entry_jumppad:
0x0: {  	(pc) =	sbr.rel $0x88, $3  }
0x1: {  	(tag) =	ssettag $0x0;
	lr =	simm.s32 $0x1  }
0x2: {  	[smem:$0x3F96] =	sst lr;
	_ =	strace $0xD0000000  }
0x3: {  	_ = 	snop  }
0x4: {  	_ = 	snop  }
0x5: {  	_ = 	snop  }
0x6: {  	_ = 	snop  }
0x7: {  	_ = 	snop  }
__scs_overlays_trampoline_lowered:
0x8: {  	[smem:$0x3FA5] =	sst s0  }
0x9: {  	[smem:$0x3FA6] =	sst s1  }
0xa: {  	[smem:$0x3FA7] =	sst s2  }
0xb: {  	[smem:$0x3FA8] =	sst s3  }
0xc: {  	[smem:$0x3FA9] =	sst s4  }
0xd: {  	[smem:$0x3FAA] =	sst s5  }
0xe: {  	[smem:$0x3FAB] =	sst s6  }
0xf: {  	[smem:$0x3FAC] =	sst s7  }
0x10: {  	[smem:$0x3FAD] =	sst s8  }
0x11: {  	[smem:$0x3FAE] =	sst s9;
	s0 =	simm.s32 @!p0 $0x0  }
0x12: {  	s1 =	sld [smem:$0x3F94];
	s0 =	simm.s32 @p0 $0x1  }
0x13: {  	[smem:$0x3FAF] =	sst s0;
	s0 =	simm.s32 @!p1 $0x0  }
0x14: {  	s2 =	sld [smem:$0x3F93];
	s0 =	simm.s32 @p1 $0x1  }
0x15: {  	[smem:$0x3FB0] =	sst s0;
	s0 =	simm.s32 @!p2 $0x0  }
0x16: {  	s3 =	sld [smem:$0x3FDB];
	s0 =	simm.s32 @p2 $0x1  }
0x17: {  	s4 =	simm.s32 $0x1BF5;
	[smem:$0x3FB2] =	sst s0  }
0x18: {  	s0 =	sld [smem:$0x3F95];
	_ =	swait.ge [sflag:s4], $0x0  }
0x19: {  	s7 =	sld [smem:$0x3F96]  }
0x1a: {  	s8 =	sadd.s32 $0xFFFFE003, lr  }
0x1b: {  	s9 =	sadd.s32 $0xFFFFFEF7, lr;
	s5 =	simm.s32 $0xFFFFFFFF;
	p2 =	slt.u32 s8, $0xFFFFF086  }
0x1c: {  	p1 =	slt.u32 s9, $0xF7A;
	s5 =	simm.s32 @!p2 $0x0  }
0x1d: {  	s5 =	simm.s32 @p1 $0x1;
	p0 =	seq.s32 s7, s2  }
0x1e: {  	s7 =	smul.u32 @!p0 $0xF7A, s2;
	p2 =	seq.s32 @!p0 s5, $0x0  }
0x1f: {  	s9 =	smul.u32 $0xF7A, s1;
	s8 =	simm.s32 @!p0 $0x1BF5;
	p2 =	por !p2, p0  }
0x20: {  	[sflag:s8] =	ssyncset.s32 @!p0 $0xFFFFF086;
	s6 =	sadd.s32 @!p0 s3, s7;
	s7 =	simm.s32 @!p0 $0x108  }
0x21: {  	s3 =	sadd.s32 s3, s9;
	s6 =	sadd.s32 @!p0 $0x88, s6;
	s7 =	simm.s32 @p2 $0x1082  }
0x22: {  	[simem:s7], [sflag:s8] =	dma.local @!p0 [hbm:s6], $0xF7A  }
0x23: {  	s9 =	sor.u32 $0xD0000000, s2;
	s6 =	simm.s32 $0x108;
	_ =	swait.ge @!p0 [sflag:s8], $0x0  }
0x24: {  	s3 =	sadd.s32 $0x88, s3;
	s6 =	simm.s32 @!p1 $0x1082;
	[sflag:s4] =	ssyncset.s32 $0xFFFFF086  }
0x25: {  	[simem:s6], [sflag:s4] =	dma.local [hbm:s3], $0xF7A  }
0x26: {  	[smem:$0x3F96] =	sst s1;
	(tag) =	ssettag s2;
	_ =	strace s9  }
0x27: {  	s1 =	sld [smem:$0x3FA6]  }
0x28: {  	s2 =	sld [smem:$0x3FA7]  }
0x29: {  	s4 =	sld [smem:$0x3FA9]  }
0x2a: {  	p0 =	seq.s32 s5, $0x0;
	s5 =	sld [smem:$0x3FAA]  }
0x2b: {  	s6 =	sld [smem:$0x3FAB]  }
0x2c: {  	s7 =	sld [smem:$0x3FAC]  }
0x2d: {  	s3 =	simm.s32 $0x108;
	s8 =	sld [smem:$0x3FAD]  }
0x2e: {  	s3 =	simm.s32 @!p0 $0x1082;
	s9 =	sld [smem:$0x3FAE]  }
0x2f: {  	lr =	sadd.s32 s0, s3;
	s0 =	sld [smem:$0x3FA5]  }
0x30: {  	s3 =	sld [smem:$0x3FA8]  }
0x31: {  	[smem:$0x3FB1] =	sst s10  }
0x32: {  	s10 =	sld [smem:$0x3FAF];
	_ =	sdelay $0x3  }
0x33: {  	p0 =	seq.s32 s10, $0x1;
	s10 =	sld [smem:$0x3FB1];
	_ =	sdelay $0x3  }
0x34: {  	[smem:$0x3FB1] =	sst s10  }
0x35: {  	s10 =	sld [smem:$0x3FB0];
	_ =	sdelay $0x3  }
0x36: {  	p1 =	seq.s32 s10, $0x1;
	s10 =	sld [smem:$0x3FB1];
	_ =	sdelay $0x3  }
0x37: {  	[smem:$0x3FB1] =	sst s10  }
0x38: {  	s10 =	sld [smem:$0x3FB2]  }
0x39: {  	_ = 	snop;
	(pc) =	sbr.ind lr, $3  }
0x3a: {  	_ = 	snop  }
0x3b: {  	_ = 	snop  }
0x3c: {  	p2 =	seq.s32 s10, $0x1;
	s10 =	sld [smem:$0x3FB1]  }
0x3d: {  	_ =	shalt  }
0x3e: {  	_ =	shalt  }
0x3f: {  	_ =	shalt  }
0x40: {  	_ =	shalt  }
0x41: {  	_ =	shalt  }
0x42: {  	_ =	shalt  }
0x43: {  	_ =	shalt  }
0x44: {  	_ =	shalt  }
0x45: {  	_ =	shalt  }
0x46: {  	_ =	shalt  }
0x47: {  	_ =	shalt  }
0x48: {  	_ =	shalt  }
0x49: {  	_ =	shalt  }
0x4a: {  	_ =	shalt  }
0x4b: {  	_ =	shalt  }
0x4c: {  	_ =	shalt  }
0x4d: {  	_ =	shalt  }
0x4e: {  	_ =	shalt  }
0x4f: {  	_ =	shalt  }
0x50: {  	_ =	shalt  }
0x51: {  	_ =	shalt  }
0x52: {  	_ =	shalt  }
0x53: {  	_ =	shalt  }
0x54: {  	_ =	shalt  }
0x55: {  	_ =	shalt  }
0x56: {  	_ =	shalt  }
0x57: {  	_ =	shalt  }
0x58: {  	_ =	shalt  }
0x59: {  	_ =	shalt  }
0x5a: {  	_ =	shalt  }
0x5b: {  	_ =	shalt  }
0x5c: {  	_ =	shalt  }
0x5d: {  	_ =	shalt  }
0x5e: {  	_ =	shalt  }
0x5f: {  	_ =	shalt  }
0x60: {  	_ =	shalt  }
0x61: {  	_ =	shalt  }
0x62: {  	_ =	shalt  }
0x63: {  	_ =	shalt  }
0x64: {  	_ =	shalt  }
0x65: {  	_ =	shalt  }
0x66: {  	_ =	shalt  }
0x67: {  	_ =	shalt  }
0x68: {  	_ =	shalt  }
0x69: {  	_ =	shalt  }
0x6a: {  	_ =	shalt  }
0x6b: {  	_ =	shalt  }
0x6c: {  	_ =	shalt  }
0x6d: {  	_ =	shalt  }
0x6e: {  	_ =	shalt  }
0x6f: {  	_ =	shalt  }
0x70: {  	_ =	shalt  }
0x71: {  	_ =	shalt  }
0x72: {  	_ =	shalt  }
0x73: {  	_ =	shalt  }
0x74: {  	_ =	shalt  }
0x75: {  	_ =	shalt  }
0x76: {  	_ =	shalt  }
0x77: {  	_ =	shalt  }
0x78: {  	_ =	shalt  }
0x79: {  	_ =	shalt  }
0x7a: {  	_ =	shalt  }
0x7b: {  	_ =	shalt  }
0x7c: {  	_ =	shalt  }
0x7d: {  	_ =	shalt  }
0x7e: {  	_ =	shalt  }
0x7f: {  	_ =	shalt  }
0x80: {  	_ =	shalt  }
0x81: {  	_ =	shalt  }
0x82: {  	_ =	shalt  }
0x83: {  	_ =	shalt  }
0x84: {  	_ =	shalt  }
0x85: {  	_ =	shalt  }
0x86: {  	_ =	shalt  }
0x87: {  	_ =	shalt  }
.Lfunc_end0:
.L_simem_size_0:
called_computation.3_lowered:
.L_overlay_start_0:
0x88: {  	s2 =	sld [smem:$0x3FD9]  }
0x89: {  	s3 =	sld [smem:$0x3FFE];
	_ =	sdelay $0x1  }
0x8a: {  	s1 =	srdreg.scid  }
0x8b: {  	s0 =	sand.u32 $0x1, s1  }
0x8c: {  	s17 =	sshll.u32 s0, $0xA;
	s2 =	sadd.s32 s3, s2  }
0x8d: {  	s2 =	sadd.s32 s2, s17  }
0x8e: {  	[smem:$0x3FBD] =	sst s2  }
0x8f: {  	_ = 	snop  }
0x90: {  	s2 =	sld [smem:$0x3FD0];
	(tm) =	ssettm $0x1  }
0x91: {  	s18 =	sld [smem:$0x3FFB];
	_ =	sdelay $0x3  }
0x92: {  	_ =	strace s18  }
0x93: {  	s3 =	sld [smem:$0x3FFC];
	_ =	sdelay $0x3  }
0x94: {  	_ =	strace s3  }
0x95: {  	s3 =	sld [smem:$0x3FFD];
	_ =	sdelay $0x3  }
0x96: {  	_ =	strace s3  }
0x97: {  	_ =	strace $0x8FFFFFFF  }
0x98: {  	s19 =	sld [smem:$0x3FDB];
	_ =	sdelay $0x1  }
0x99: {  	s4 =	simm.s32 $_scs_section_size  }
0x9a: {  	s5 =	simm.s32 $_size__tile_overlayer_lowered;
	s6 =	simm.s32 $_tile_overlayer_lowered  }
0x9b: {  	s22 =	simm.s32 $0x1BFF;
	s21 =	sshll.u32 s6, $0x1;
	s3 =	sadd.s32 s4, s19  }
0x9c: {  	s7 =	simm.s32 $0x0;
	s20 =	sshll.u32 s5, $0x1;
	s5 =	sadd.s32 s21, s3  }
0x9d: {  	[timem:s7], [sflag:s22] =	dma.local [hbm:s5], s20  }
0x9e: {  	_ =	swait.ge [sflag:s22], s20  }
0x9f: {  	s4 =	ssub.s32 $0x0, s20;
	[sflag:s22] =	ssyncset.done $0x0  }
0xa0: {  	[sflag:s22] =	ssyncadd.s32 s4;
	_ =	sdelay $0x1  }
0xa1: {  	s23 =	simm.s32 $0x1B8B  }
0xa2: {  	_ =	swait.ge [sflag:s23], $0x1  }
0xa3: {  	[sflag:s23] =	ssyncset.done $0x0  }
0xa4: {  	s25 =	simm.s32 $0x1B8E;
	s24 =	sld [smem:$0x3FFE];
	[sflag:s23] =	ssyncadd.s32 $0xFFFFFFFF  }
0xa5: {  	s26 =	simm.s32 $execute0_lowered;
	[smem:$0x3FD2] =	sst s25  }
0xa6: {  	s5 =	sshll.u32 s26, $0x1;
	_ =	strace $0x8000004F;
	[dreg:$0x1] =	wrdreg $0xFFFFFFFF  }
0xa7: {  	s28 =	simm.s32 $_size_execute0_lowered;
	s3 =	sadd.s32 s3, s5;
	[dreg:$0x0] =	wrdreg $0x0  }
0xa8: {  	s5 =	sshll.u32 s28, $0x1;
	[dreg:$0x2] =	wrdreg s3  }
0xa9: {  	[dreg:$0x3] =	wrdreg s5  }
0xaa: {  	[dreg:$0x4] =	wrdreg $0xC0  }
0xab: {  	_ =	task [dreg:s7], $0x5FFFF  }
0xac: {  	[dreg:$0x1] =	wrdreg $0xFFFFFFFF  }
0xad: {  	[dreg:$0x0] =	wrdreg $0x60  }
0xae: {  	[dreg:$0x2] =	wrdreg s2  }
0xaf: {  	[dreg:$0x3] =	wrdreg s24  }
0xb0: {  	[dreg:$0x4] =	wrdreg $0x38000  }
0xb1: {  	[dreg:$0x5] =	wrdreg $0x9  }
0xb2: {  	_ =	task.clear_ibuf [dreg:s7], $0x6FFFF;
	_ =	strace $0x9000004F  }
0xb3: {  	s29 =	simm.s32 $0x9;
	_ =	strace $0x80000051  }
0xb4: {  	_ =	swait.ge [sflag:s29], $0x1  }
0xb5: {  	[sflag:s29] =	ssyncadd.s32 $0xFFFFFFFF  }
0xb6: {  	_ =	strace $0x90000051  }
0xb7: {  	_ =	sfence  }
0xb8: {  	s30 =	sld [smem:$0x0];
	_ =	sdelay $0x2  }
0xb9: {  	s31 =	sshll.u32 s1, $0xD;
	s1 =	sshrl.u32 s1, $0x2  }
0xba: {  	s3 =	sand.u32 $0x4000, s31;
	s1 =	sadd.s32 s1, s30  }
0xbb: {  	s0 =	sor.u32 s3, s0;
	s1 =	sshll.u32 s1, $0x11  }
0xbc: {  	s0 =	sor.u32 s1, s0  }
0xbd: {  	s0 =	sadd.s32 $0x8F2B, s0  }
0xbe: {  	[sflag:s0] =	ssyncadd.remote.s32 $0x1  }
0xbf: {  	_ =	sfence.sel $0xFFFF  }
0xc0: {  	[dreg:$0x0] =	wrdreg $0xFFFFFFFF;
	(pc) =	sbr.abs _section_cstart, $3  }
0xc1: {  	[dreg:$0x1] =	wrdreg $0xFFFFFFFF  }
0xc2: {  	_ =	task.clear_ibuf [dreg:s7], $0x2FFFF;
	_ =	strace $0x9FFFFFFF  }
0xc3: {  	(tm) =	ssettm $0x7FFFFFFF  }
tec
execute0_lowered:
.L_overlay_start_1:
0x0: {  	(tag) =	ssettag $0x1  }
0x1: {  	s1 =	rddreg [dreg:$0x0]  }
0x2: {  	s0 =	rddreg [dreg:$0x1];
	s2 =	srdreg.scid  }
0x3: {  	s10 =	stileid.u32;
	s3 =	rddreg [dreg:$0x2]  }
0x4: {  	s4 =	simm.s32 $0x0;
	s15 =	simm.s32 $0x400;
	s16 =	simm.s32 $0x80  }
0x5: {  	s17 =	simm.s32 $0x800;
	s18 =	simm.s32 $0x100;
	s19 =	simm.s32 $0x2000  }
0x6: {  	s20 =	simm.s32 $0x1;
	s28 =	simm.s32 $0x280;
	s29 =	simm.s32 $0x380  }
0x7: {  	s30 =	simm.s32 $0x500;
	s31 =	simm.s32 $0x480;
	s5 =	smul.u32 $0x7680, s10  }
0x8: {  	s2 =	sand.u32 $0x1, s2;
	[smem:$0x7FF] =	sst s4;
	s8 =	smul.u32 $0x5000, s10  }
0x9: {  	s9 =	sadd.s32 $0x26000, s0;
	s11 =	sadd.s32 $0x16E00, s0;
	s6 =	smul.u32 $0x76800, s2  }
0xa: {  	s22 =	sshll.u32 s10, $0x6;
	s10 =	simm.s32 $0x0;
	s7 =	smul.u32 $0x50000, s2  }
0xb: {  	_ =	strace $0x80000050;
	[dreg:$0x4] =	wrdreg s11;
	s2 =	ssub.s32 $0x2, s2  }
0xc: {  	s13 =	sor.u32 $0x1C07, s22;
	s22 =	simm.s32 $0x180;
	s21 =	sshrl.u32 s2, $0x1  }
0xd: {  	[dreg:$0x6] =	wrdreg s13;
	s6 =	sadd.s32 s5, s6;
	s7 =	sadd.s32 s8, s7  }
0xe: {  	s2 =	ssub.s32 s2, s21;
	s5 =	sadd.s32 s5, s3;
	s21 =	simm.s32 $0x2  }
0xf: {  	s6 =	sshrl.u32 s6, $0x3;
	s8 =	sshrl.u32 s7, $0x3;
	s24 =	sor.u32 $0xC00, s7  }
0x10: {  	s25 =	sor.u32 $0x800, s7;
	s2 =	smax.u32 s2, $0x1;
	s14 =	sshrl.u32 s5, $0x3  }
0x11: {  	s5 =	simm.s32 $0x700;
	s0 =	sadd.s32 s6, s0;
	s8 =	sadd.s32 s9, s8  }
0x12: {  	[dreg:$0x9] =	wrdreg s2;
	s26 =	sshrl.u32 s25, $0x3;
	s25 =	simm.s32 $0x4  }
0x13: {  	s2 =	simm.s32 $0x580;
	s6 =	simm.s32 $0x5;
	[dreg:$0xa] =	wrdreg s14  }
.Ltmp0:
0x14: {  	[dreg:$0x5] =	wrdreg s8;
	s23 =	sadd.s32 $0x80, s8;
	(pc) =	sbr.rel .LBB2_1-.Ltmp0, $4  }
0x15: {  	s0 =	sadd.s32 $0x3A000, s0;
	s12 =	sadd.s32 s26, s9;
	[dreg:$0x7] =	wrdreg s23  }
0x16: {  	s26 =	simm.s32 $0x300;
	s8 =	simm.s32 $0x680;
	[dreg:$0x8] =	wrdreg s0  }
0x17: {  	s0 =	sshrl.u32 s24, $0x3;
	s23 =	simm.s32 $0x3;
	s24 =	simm.s32 $0x200  }
0x18: {  	s11 =	sadd.s32 s0, s9;
	s0 =	simm.s32 $0x600;
	s9 =	simm.s32 $0x780  }
.LBB2_4:
0x19: {  	_ =	swait.ge [sflag:s23], $0x1800  }
0x1a: {  	[sflag:s23] =	ssyncset.done $0x0  }
0x1b: {  	[sflag:s23] =	ssyncadd.s32 $0xFFFFE800  }
0x1c: {  	_ =	swait.ge [sflag:s25], $0x1800  }
0x1d: {  	[sflag:s25] =	ssyncset.done $0x0  }
0x1e: {  	[sflag:s25] =	ssyncadd.s32 $0xFFFFE800  }
0x1f: {  	[bflag:$0x0] =	sbarrier.arrive $0xFFFF  }
0x20: {  	s13 =	rddreg [dreg:$0x6]  }
0x21: {  	s7 =	rddreg [dreg:$0x8]  }
0x22: {  	s14 =	rddreg [dreg:$0xa]  }
0x23: {  	[hbm:s7], [sflag:s13] =	dma.local [spmem:s14], $0xED0  }
0x24: {  	s7 =	simm.s32 $0x7  }
0x25: {  	_ =	swait.ge [sflag:s7], $0xED0  }
0x26: {  	s10 =	sadd.s32 $0x1, s10;
	[sflag:s7] =	ssyncset.done $0x0;
	s7 =	rddreg [dreg:$0x9]  }
0x27: {  	p0 =	sne.s32 s10, s7  }
.Ltmp1:
0x28: {  	_ = 	snop;
	(pc) =	sbr.rel @!p0 .LBB2_5-.Ltmp1, $3  }
0x29: {  	_ =	sdelay $0x1  }
0x2a: {  	s7 =	simm.s32 $0x7  }
0x2b: {  	[sflag:s7] =	ssyncadd.s32 $0xFFFFF130  }
.LBB2_1:
0x2c: {  	[dreg:$0xb] =	wrdreg s10  }
0x2d: {  	s10 =	simm.s32 $0x7;
	s7 =	rddreg [dreg:$0x4]  }
0x2e: {  	[spmem:s14], [sflag:s13] =	dma.local [hbm:s7], $0xED0  }
0x2f: {  	_ =	swait.ge [sflag:s10], $0xED0  }
0x30: {  	[sflag:s10] =	ssyncset.done $0x0  }
0x31: {  	s13 =	rddreg [dreg:$0x5];
	[sflag:s10] =	ssyncadd.s32 $0xFFFFF130  }
0x32: {  	[tilespmem:s4], [sflag:$0x7] =	stream.linear.gather [hbm4b:s13+s4], $0x400, $0x38;
	[tilespmem:$0xAE80] =	vst v63  }
0x33: {  	_ =	swait.ge [sflag:s10], $0x400  }
0x34: {  	[sflag:s10] =	ssyncset.done $0x0  }
0x35: {  	s14 =	rddreg [dreg:$0x7];
	[sflag:s10] =	ssyncadd.s32 $0xFFFFFC00  }
0x36: {  	[tilespmem:s15], [sflag:$0x7] =	stream.linear.gather [hbm4b:s14+s4], $0x400, $0x38;
	[tilespmem:$0xAE80] =	vst v63  }
0x37: {  	_ =	swait.ge [sflag:s10], $0x400  }
0x38: {  	[sflag:s10] =	ssyncset.done $0x0  }
0x39: {  	[sflag:s10] =	ssyncadd.s32 $0xFFFFFC00  }
0x3a: {  	s10 =	rddreg [dreg:$0xb];
	[bflag:$0x0] =	sbarrier.arrive $0xFFFF  }
0x3b: {  	[tilespmem:s17], [sflag:$0x1] =	stream.indirect.gather [hbm4b:s1+s16], $0x30, s4, s16, $0xb8;
	[tilespmem:$0xAE80] =	vst v63  }
0x3c: {  	s7 =	simm.s32 $0x0  }
0x3d: {  	[tilespmem:s19], [sflag:$0x2] =	stream.indirect.gather [hbm4b:s1+s16], $0x30, s18, s16, $0xb8;
	[tilespmem:$0xAE80] =	vst v63  }
.LBB2_2:
0x3e: {  	_ =	swait.ge [sflag:s20], $0x1800  }
0x3f: {  	[sflag:s20] =	ssyncset.done $0x0  }
0x40: {  	[sflag:s20] =	ssyncadd.s32 $0xFFFFE800  }
0x41: {  	[spmem:s3] =	stream.indirect.scatter.add.f32 [tilespmem:s17], [sflag:$0x3], $0x30, s16, s16, $0xb8;
	[tilespmem:$0xAE80] =	vst v63  }
0x42: {  	_ =	swait.ge [sflag:s21], $0x1800  }
0x43: {  	[sflag:s21] =	ssyncset.done $0x0  }
0x44: {  	[sflag:s21] =	ssyncadd.s32 $0xFFFFE800  }
0x45: {  	[spmem:s3] =	stream.indirect.scatter.add.f32 [tilespmem:s19], [sflag:$0x4], $0x30, s22, s16, $0xb8;
	[tilespmem:$0xAE80] =	vst v63  }
0x46: {  	_ =	swait.ge [sflag:s23], $0x1800  }
0x47: {  	[sflag:s23] =	ssyncset.done $0x0  }
0x48: {  	[sflag:s23] =	ssyncadd.s32 $0xFFFFE800  }
0x49: {  	[tilespmem:s17], [sflag:$0x1] =	stream.indirect.gather [hbm4b:s1+s16], $0x30, s24, s16, $0xb8;
	[tilespmem:$0xAE80] =	vst v63  }
0x4a: {  	_ =	swait.ge [sflag:s25], $0x1800  }
0x4b: {  	[sflag:s25] =	ssyncset.done $0x0  }
0x4c: {  	[sflag:s25] =	ssyncadd.s32 $0xFFFFE800  }
0x4d: {  	[tilespmem:s19], [sflag:$0x2] =	stream.indirect.gather [hbm4b:s1+s16], $0x30, s26, s16, $0xb8;
	[tilespmem:$0xAE80] =	vst v63  }
0x4e: {  	_ =	swait.ge [sflag:s20], $0x1800  }
0x4f: {  	[sflag:s20] =	ssyncset.done $0x0  }
0x50: {  	[sflag:s20] =	ssyncadd.s32 $0xFFFFE800  }
0x51: {  	[spmem:s3] =	stream.indirect.scatter.add.f32 [tilespmem:s17], [sflag:$0x3], $0x30, s28, s16, $0xb8;
	[tilespmem:$0xAE80] =	vst v63  }
0x52: {  	_ =	swait.ge [sflag:s21], $0x1800  }
0x53: {  	p0 =	seq.s32 s7, $0x0;
	[sflag:s21] =	ssyncset.done $0x0  }
0x54: {  	s13 =	simm.s32 @!p0 $0x6;
	[sflag:s21] =	ssyncadd.s32 $0xFFFFE800  }
0x55: {  	[spmem:s3] =	stream.indirect.scatter.add.f32 [tilespmem:s19], [sflag:$0x4], $0x30, s29, s16, $0xb8;
	[tilespmem:$0xAE80] =	vst v63  }
0x56: {  	_ =	swait.ge @!p0 [sflag:s13], $0x400  }
0x57: {  	[sflag:s13] =	ssyncset.done @!p0 $0x0  }
0x58: {  	[sflag:s13] =	ssyncadd.s32 @!p0 $0xFFFFFC00  }
0x59: {  	_ =	swait.ge [sflag:s23], $0x1800  }
0x5a: {  	[sflag:s23] =	ssyncset.done $0x0  }
0x5b: {  	[sflag:s23] =	ssyncadd.s32 $0xFFFFE800  }
0x5c: {  	[tilespmem:s17], [sflag:$0x1] =	stream.indirect.gather [hbm4b:s1+s16], $0x30, s15, s16, $0xb8;
	[tilespmem:$0xAE80] =	vst v63  }
0x5d: {  	_ =	swait.ge [sflag:s25], $0x1800  }
0x5e: {  	[sflag:s25] =	ssyncset.done $0x0  }
0x5f: {  	p0 =	seq.s32 s7, $0x900;
	[sflag:s25] =	ssyncadd.s32 $0xFFFFE800  }
0x60: {  	[tilespmem:s19], [sflag:$0x2] =	stream.indirect.gather [hbm4b:s1+s16], $0x30, s30, s16, $0xb8;
	[tilespmem:$0xAE80] =	vst v63  }
0x61: {  	s13 =	sadd.s32 @!p0 s7, s12;
	s14 =	simm.s32 @!p0 $0x0  }
0x62: {  	[tilespmem:s14], [sflag:$0x5] =	stream.linear.gather @!p0 [hbm4b:s13+s14], $0x400, $0x38;
	[tilespmem:$0xAE80] =	vst v63  }
0x63: {  	_ =	swait.ge [sflag:s20], $0x1800  }
0x64: {  	[sflag:s20] =	ssyncset.done $0x0  }
0x65: {  	[sflag:s20] =	ssyncadd.s32 $0xFFFFE800  }
0x66: {  	[spmem:s3] =	stream.indirect.scatter.add.f32 [tilespmem:s17], [sflag:$0x3], $0x30, s31, s16, $0xb8;
	[tilespmem:$0xAE80] =	vst v63  }
0x67: {  	_ =	swait.ge [sflag:s21], $0x1800  }
0x68: {  	[sflag:s21] =	ssyncset.done $0x0  }
0x69: {  	[sflag:s21] =	ssyncadd.s32 $0xFFFFE800  }
0x6a: {  	[spmem:s3] =	stream.indirect.scatter.add.f32 [tilespmem:s19], [sflag:$0x4], $0x30, s2, s16, $0xb8;
	[tilespmem:$0xAE80] =	vst v63  }
0x6b: {  	_ =	swait.ge [sflag:s23], $0x1800  }
0x6c: {  	[sflag:s23] =	ssyncset.done $0x0  }
0x6d: {  	[sflag:s23] =	ssyncadd.s32 $0xFFFFE800  }
0x6e: {  	[tilespmem:s17], [sflag:$0x1] =	stream.indirect.gather [hbm4b:s1+s16], $0x30, s0, s16, $0xb8;
	[tilespmem:$0xAE80] =	vst v63  }
0x6f: {  	_ =	swait.ge [sflag:s25], $0x1800  }
0x70: {  	[sflag:s25] =	ssyncset.done $0x0  }
0x71: {  	[sflag:s25] =	ssyncadd.s32 $0xFFFFE800  }
0x72: {  	[tilespmem:s19], [sflag:$0x2] =	stream.indirect.gather [hbm4b:s1+s16], $0x30, s5, s16, $0xb8;
	[tilespmem:$0xAE80] =	vst v63  }
0x73: {  	_ =	swait.ge [sflag:s20], $0x1800  }
0x74: {  	[sflag:s20] =	ssyncset.done $0x0  }
0x75: {  	[sflag:s20] =	ssyncadd.s32 $0xFFFFE800  }
0x76: {  	[spmem:s3] =	stream.indirect.scatter.add.f32 [tilespmem:s17], [sflag:$0x3], $0x30, s8, s16, $0xb8;
	[tilespmem:$0xAE80] =	vst v63  }
.Ltmp2:
0x77: {  	_ = 	snop;
	(pc) =	sbr.rel @p0 .LBB2_4-.Ltmp2, $4  }
0x78: {  	_ =	swait.ge [sflag:s21], $0x1800  }
0x79: {  	[sflag:s21] =	ssyncset.done $0x0  }
0x7a: {  	[sflag:s21] =	ssyncadd.s32 $0xFFFFE800  }
0x7b: {  	[spmem:s3] =	stream.indirect.scatter.add.f32 [tilespmem:s19], [sflag:$0x4], $0x30, s9, s16, $0xb8;
	[tilespmem:$0xAE80] =	vst v63  }
0x7c: {  	_ =	swait.ge [sflag:s6], $0x400  }
0x7d: {  	[sflag:s6] =	ssyncset.done $0x0  }
0x7e: {  	[sflag:s6] =	ssyncadd.s32 $0xFFFFFC00  }
0x7f: {  	_ =	swait.ge [sflag:s23], $0x1800  }
0x80: {  	[sflag:s23] =	ssyncset.done $0x0  }
0x81: {  	[sflag:s23] =	ssyncadd.s32 $0xFFFFE800  }
0x82: {  	[tilespmem:s17], [sflag:$0x1] =	stream.indirect.gather [hbm4b:s1+s16], $0x30, s4, s16, $0xb8;
	[tilespmem:$0xAE80] =	vst v63  }
0x83: {  	_ =	swait.ge [sflag:s25], $0x1800  }
.Ltmp3:
0x84: {  	[sflag:s25] =	ssyncset.done $0x0;
	(pc) =	sbr.rel .LBB2_2-.Ltmp3, $4  }
0x85: {  	[sflag:s25] =	ssyncadd.s32 $0xFFFFE800  }
0x86: {  	[tilespmem:s19], [sflag:$0x2] =	stream.indirect.gather [hbm4b:s1+s16], $0x30, s18, s16, $0xb8;
	[tilespmem:$0xAE80] =	vst v63  }
0x87: {  	s13 =	sadd.s32 s7, s11;
	s7 =	sadd.s32 $0x100, s7  }
0x88: {  	[tilespmem:s15], [sflag:$0x6] =	stream.linear.gather [hbm4b:s13+s4], $0x400, $0x38;
	[tilespmem:$0xAE80] =	vst v63  }
.LBB2_5:
0x89: {  	_ =	sfence.sel $0x180000  }
0x8a: {  	[bflag:$0x0] =	sbarrier.arrive $0xFFFF  }
0x8b: {  	_ =	strace $0x90000050  }
0x8c: {  	s0 =	stileid.u32;
	[bflag:$0x2] =	sbarrier.arrive $0xFFFF  }
0x8d: {  	p0 =	sne.s32 s0, $0x0;
	s0 =	rddreg [dreg:$0x3]  }
0x8e: {  	s0 =	sadd.s32 @!p0 $0x100000, s0  }
0x8f: {  	[sflag:s0] =	ssyncadd.tile.s32 @!p0 $0x1;
	_ =	shalt  }
.Lfunc_end2:
_tile_overlayer_lowered:
.L_overlay_start_2:
0x90: {  	(tag) =	ssettag $0x2  }
0x91: {  	s0 =	rddreg [dreg:$0x0];
	s2 =	stileid.u32  }
0x92: {  	s1 =	rddreg [dreg:$0x1];
	p0 =	sne.s32 s2, $0x0  }
0x93: {  	s3 =	rddreg [dreg:$0x2];
	[bflag:$0x3] =	sbarrier.arrive $0xFFFF;
	s2 =	simm.s32 @!p0 $0x1C07  }
0x94: {  	[timem:s3], [sflag:s2] =	dma.local @!p0 [hbm:s0], s1  }
0x95: {  	s0 =	simm.s32 @!p0 $0x7  }
0x96: {  	_ =	swait.ge @!p0 [sflag:s0], s1  }
0x97: {  	s1 =	ssub.s32 @!p0 $0x0, s1;
	[sflag:s0] =	ssyncset.done @!p0 $0x0  }
0x98: {  	[sflag:s0] =	ssyncadd.s32 @!p0 s1  }
0x99: {  	[bflag:$0x3] =	sbarrier.arrive $0xFFFF  }
0x9a: {  	_ =	shalt  }

// kernel: kernel.29.cloned.1.call-start
scs
__scs_entry_jumppad:
0x0: {  	(pc) =	sbr.rel $0x88, $3  }
0x1: {  	(tag) =	ssettag $0x0;
	lr =	simm.s32 $0x1  }
0x2: {  	[smem:$0x3F96] =	sst lr;
	_ =	strace $0xD0000000  }
0x3: {  	_ = 	snop  }
0x4: {  	_ = 	snop  }
0x5: {  	_ = 	snop  }
0x6: {  	_ = 	snop  }
0x7: {  	_ = 	snop  }
__scs_overlays_trampoline_lowered:
0x8: {  	[smem:$0x3FA5] =	sst s0  }
0x9: {  	[smem:$0x3FA6] =	sst s1  }
0xa: {  	[smem:$0x3FA7] =	sst s2  }
0xb: {  	[smem:$0x3FA8] =	sst s3  }
0xc: {  	[smem:$0x3FA9] =	sst s4  }
0xd: {  	[smem:$0x3FAA] =	sst s5  }
0xe: {  	[smem:$0x3FAB] =	sst s6  }
0xf: {  	[smem:$0x3FAC] =	sst s7  }
0x10: {  	[smem:$0x3FAD] =	sst s8  }
0x11: {  	[smem:$0x3FAE] =	sst s9;
	s0 =	simm.s32 @!p0 $0x0  }
0x12: {  	s1 =	sld [smem:$0x3F94];
	s0 =	simm.s32 @p0 $0x1  }
0x13: {  	[smem:$0x3FAF] =	sst s0;
	s0 =	simm.s32 @!p1 $0x0  }
0x14: {  	s2 =	sld [smem:$0x3F93];
	s0 =	simm.s32 @p1 $0x1  }
0x15: {  	[smem:$0x3FB0] =	sst s0;
	s0 =	simm.s32 @!p2 $0x0  }
0x16: {  	s3 =	sld [smem:$0x3FDB];
	s0 =	simm.s32 @p2 $0x1  }
0x17: {  	s4 =	simm.s32 $0x1BF5;
	[smem:$0x3FB2] =	sst s0  }
0x18: {  	s0 =	sld [smem:$0x3F95];
	_ =	swait.ge [sflag:s4], $0x0  }
0x19: {  	s7 =	sld [smem:$0x3F96]  }
0x1a: {  	s8 =	sadd.s32 $0xFFFFE003, lr  }
0x1b: {  	s9 =	sadd.s32 $0xFFFFFEF7, lr;
	s5 =	simm.s32 $0xFFFFFFFF;
	p2 =	slt.u32 s8, $0xFFFFF086  }
0x1c: {  	p1 =	slt.u32 s9, $0xF7A;
	s5 =	simm.s32 @!p2 $0x0  }
0x1d: {  	s5 =	simm.s32 @p1 $0x1;
	p0 =	seq.s32 s7, s2  }
0x1e: {  	s7 =	smul.u32 @!p0 $0xF7A, s2;
	p2 =	seq.s32 @!p0 s5, $0x0  }
0x1f: {  	s9 =	smul.u32 $0xF7A, s1;
	s8 =	simm.s32 @!p0 $0x1BF5;
	p2 =	por !p2, p0  }
0x20: {  	[sflag:s8] =	ssyncset.s32 @!p0 $0xFFFFF086;
	s6 =	sadd.s32 @!p0 s3, s7;
	s7 =	simm.s32 @!p0 $0x108  }
0x21: {  	s3 =	sadd.s32 s3, s9;
	s6 =	sadd.s32 @!p0 $0x88, s6;
	s7 =	simm.s32 @p2 $0x1082  }
0x22: {  	[simem:s7], [sflag:s8] =	dma.local @!p0 [hbm:s6], $0xF7A  }
0x23: {  	s9 =	sor.u32 $0xD0000000, s2;
	s6 =	simm.s32 $0x108;
	_ =	swait.ge @!p0 [sflag:s8], $0x0  }
0x24: {  	s3 =	sadd.s32 $0x88, s3;
	s6 =	simm.s32 @!p1 $0x1082;
	[sflag:s4] =	ssyncset.s32 $0xFFFFF086  }
0x25: {  	[simem:s6], [sflag:s4] =	dma.local [hbm:s3], $0xF7A  }
0x26: {  	[smem:$0x3F96] =	sst s1;
	(tag) =	ssettag s2;
	_ =	strace s9  }
0x27: {  	s1 =	sld [smem:$0x3FA6]  }
0x28: {  	s2 =	sld [smem:$0x3FA7]  }
0x29: {  	s4 =	sld [smem:$0x3FA9]  }
0x2a: {  	p0 =	seq.s32 s5, $0x0;
	s5 =	sld [smem:$0x3FAA]  }
0x2b: {  	s6 =	sld [smem:$0x3FAB]  }
0x2c: {  	s7 =	sld [smem:$0x3FAC]  }
0x2d: {  	s3 =	simm.s32 $0x108;
	s8 =	sld [smem:$0x3FAD]  }
0x2e: {  	s3 =	simm.s32 @!p0 $0x1082;
	s9 =	sld [smem:$0x3FAE]  }
0x2f: {  	lr =	sadd.s32 s0, s3;
	s0 =	sld [smem:$0x3FA5]  }
0x30: {  	s3 =	sld [smem:$0x3FA8]  }
0x31: {  	[smem:$0x3FB1] =	sst s10  }
0x32: {  	s10 =	sld [smem:$0x3FAF];
	_ =	sdelay $0x3  }
0x33: {  	p0 =	seq.s32 s10, $0x1;
	s10 =	sld [smem:$0x3FB1];
	_ =	sdelay $0x3  }
0x34: {  	[smem:$0x3FB1] =	sst s10  }
0x35: {  	s10 =	sld [smem:$0x3FB0];
	_ =	sdelay $0x3  }
0x36: {  	p1 =	seq.s32 s10, $0x1;
	s10 =	sld [smem:$0x3FB1];
	_ =	sdelay $0x3  }
0x37: {  	[smem:$0x3FB1] =	sst s10  }
0x38: {  	s10 =	sld [smem:$0x3FB2]  }
0x39: {  	_ = 	snop;
	(pc) =	sbr.ind lr, $3  }
0x3a: {  	_ = 	snop  }
0x3b: {  	_ = 	snop  }
0x3c: {  	p2 =	seq.s32 s10, $0x1;
	s10 =	sld [smem:$0x3FB1]  }
0x3d: {  	_ =	shalt  }
0x3e: {  	_ =	shalt  }
0x3f: {  	_ =	shalt  }
0x40: {  	_ =	shalt  }
0x41: {  	_ =	shalt  }
0x42: {  	_ =	shalt  }
0x43: {  	_ =	shalt  }
0x44: {  	_ =	shalt  }
0x45: {  	_ =	shalt  }
0x46: {  	_ =	shalt  }
0x47: {  	_ =	shalt  }
0x48: {  	_ =	shalt  }
0x49: {  	_ =	shalt  }
0x4a: {  	_ =	shalt  }
0x4b: {  	_ =	shalt  }
0x4c: {  	_ =	shalt  }
0x4d: {  	_ =	shalt  }
0x4e: {  	_ =	shalt  }
0x4f: {  	_ =	shalt  }
0x50: {  	_ =	shalt  }
0x51: {  	_ =	shalt  }
0x52: {  	_ =	shalt  }
0x53: {  	_ =	shalt  }
0x54: {  	_ =	shalt  }
0x55: {  	_ =	shalt  }
0x56: {  	_ =	shalt  }
0x57: {  	_ =	shalt  }
0x58: {  	_ =	shalt  }
0x59: {  	_ =	shalt  }
0x5a: {  	_ =	shalt  }
0x5b: {  	_ =	shalt  }
0x5c: {  	_ =	shalt  }
0x5d: {  	_ =	shalt  }
0x5e: {  	_ =	shalt  }
0x5f: {  	_ =	shalt  }
0x60: {  	_ =	shalt  }
0x61: {  	_ =	shalt  }
0x62: {  	_ =	shalt  }
0x63: {  	_ =	shalt  }
0x64: {  	_ =	shalt  }
0x65: {  	_ =	shalt  }
0x66: {  	_ =	shalt  }
0x67: {  	_ =	shalt  }
0x68: {  	_ =	shalt  }
0x69: {  	_ =	shalt  }
0x6a: {  	_ =	shalt  }
0x6b: {  	_ =	shalt  }
0x6c: {  	_ =	shalt  }
0x6d: {  	_ =	shalt  }
0x6e: {  	_ =	shalt  }
0x6f: {  	_ =	shalt  }
0x70: {  	_ =	shalt  }
0x71: {  	_ =	shalt  }
0x72: {  	_ =	shalt  }
0x73: {  	_ =	shalt  }
0x74: {  	_ =	shalt  }
0x75: {  	_ =	shalt  }
0x76: {  	_ =	shalt  }
0x77: {  	_ =	shalt  }
0x78: {  	_ =	shalt  }
0x79: {  	_ =	shalt  }
0x7a: {  	_ =	shalt  }
0x7b: {  	_ =	shalt  }
0x7c: {  	_ =	shalt  }
0x7d: {  	_ =	shalt  }
0x7e: {  	_ =	shalt  }
0x7f: {  	_ =	shalt  }
0x80: {  	_ =	shalt  }
0x81: {  	_ =	shalt  }
0x82: {  	_ =	shalt  }
0x83: {  	_ =	shalt  }
0x84: {  	_ =	shalt  }
0x85: {  	_ =	shalt  }
0x86: {  	_ =	shalt  }
0x87: {  	_ =	shalt  }
.Lfunc_end0:
.L_simem_size_0:
called_computation.4_lowered:
.L_overlay_start_0:
0x88: {  	s2 =	sld [smem:$0x3FD9]  }
0x89: {  	s3 =	sld [smem:$0x3FFE];
	_ =	sdelay $0x1  }
0x8a: {  	s1 =	srdreg.scid  }
0x8b: {  	s0 =	sand.u32 $0x1, s1  }
0x8c: {  	s17 =	sshll.u32 s0, $0xA;
	s2 =	sadd.s32 s3, s2  }
0x8d: {  	s2 =	sadd.s32 s2, s17  }
0x8e: {  	[smem:$0x3FBD] =	sst s2  }
0x8f: {  	_ = 	snop  }
0x90: {  	s2 =	sld [smem:$0x3FD0];
	(tm) =	ssettm $0x1  }
0x91: {  	s18 =	sld [smem:$0x3FFB];
	_ =	sdelay $0x3  }
0x92: {  	_ =	strace s18  }
0x93: {  	s3 =	sld [smem:$0x3FFC];
	_ =	sdelay $0x3  }
0x94: {  	_ =	strace s3  }
0x95: {  	s3 =	sld [smem:$0x3FFD];
	_ =	sdelay $0x3  }
0x96: {  	_ =	strace s3  }
0x97: {  	_ =	strace $0x8FFFFFFF  }
0x98: {  	s19 =	sld [smem:$0x3FDB];
	_ =	sdelay $0x1  }
0x99: {  	s4 =	simm.s32 $_scs_section_size  }
0x9a: {  	s5 =	simm.s32 $_size__tile_overlayer_lowered;
	s6 =	simm.s32 $_tile_overlayer_lowered  }
0x9b: {  	s22 =	simm.s32 $0x1BFF;
	s21 =	sshll.u32 s6, $0x1;
	s3 =	sadd.s32 s4, s19  }
0x9c: {  	s7 =	simm.s32 $0x0;
	s20 =	sshll.u32 s5, $0x1;
	s5 =	sadd.s32 s21, s3  }
0x9d: {  	[timem:s7], [sflag:s22] =	dma.local [hbm:s5], s20  }
0x9e: {  	_ =	swait.ge [sflag:s22], s20  }
0x9f: {  	s4 =	ssub.s32 $0x0, s20;
	[sflag:s22] =	ssyncset.done $0x0  }
0xa0: {  	[sflag:s22] =	ssyncadd.s32 s4;
	_ =	sdelay $0x1  }
0xa1: {  	s23 =	simm.s32 $0x1B8B  }
0xa2: {  	_ =	swait.ge [sflag:s23], $0x1  }
0xa3: {  	[sflag:s23] =	ssyncset.done $0x0  }
0xa4: {  	s25 =	simm.s32 $0x1B8E;
	s24 =	sld [smem:$0x3FFE];
	[sflag:s23] =	ssyncadd.s32 $0xFFFFFFFF  }
0xa5: {  	s26 =	simm.s32 $execute0_lowered;
	[smem:$0x3FD2] =	sst s25  }
0xa6: {  	s5 =	sshll.u32 s26, $0x1;
	_ =	strace $0x80000052;
	[dreg:$0x1] =	wrdreg $0xFFFFFFFF  }
0xa7: {  	s28 =	simm.s32 $_size_execute0_lowered;
	s3 =	sadd.s32 s3, s5;
	[dreg:$0x0] =	wrdreg $0x0  }
0xa8: {  	s5 =	sshll.u32 s28, $0x1;
	[dreg:$0x2] =	wrdreg s3  }
0xa9: {  	[dreg:$0x3] =	wrdreg s5  }
0xaa: {  	[dreg:$0x4] =	wrdreg $0xC0  }
0xab: {  	_ =	task [dreg:s7], $0x5FFFF  }
0xac: {  	[dreg:$0x1] =	wrdreg $0xFFFFFFFF  }
0xad: {  	[dreg:$0x0] =	wrdreg $0x60  }
0xae: {  	[dreg:$0x2] =	wrdreg s24  }
0xaf: {  	[dreg:$0x3] =	wrdreg s2  }
0xb0: {  	[dreg:$0x4] =	wrdreg $0x38000  }
0xb1: {  	[dreg:$0x5] =	wrdreg $0x9  }
0xb2: {  	_ =	task.clear_ibuf [dreg:s7], $0x6FFFF;
	_ =	strace $0x90000052  }
0xb3: {  	s29 =	simm.s32 $0x9;
	_ =	strace $0x80000054  }
0xb4: {  	_ =	swait.ge [sflag:s29], $0x1  }
0xb5: {  	[sflag:s29] =	ssyncadd.s32 $0xFFFFFFFF  }
0xb6: {  	_ =	strace $0x90000054  }
0xb7: {  	_ =	sfence  }
0xb8: {  	s30 =	sld [smem:$0x0];
	_ =	sdelay $0x2  }
0xb9: {  	s31 =	sshll.u32 s1, $0xD;
	s1 =	sshrl.u32 s1, $0x2  }
0xba: {  	s3 =	sand.u32 $0x4000, s31;
	s1 =	sadd.s32 s1, s30  }
0xbb: {  	s0 =	sor.u32 s3, s0;
	s1 =	sshll.u32 s1, $0x11  }
0xbc: {  	s0 =	sor.u32 s1, s0  }
0xbd: {  	s0 =	sadd.s32 $0x8F2B, s0  }
0xbe: {  	[sflag:s0] =	ssyncadd.remote.s32 $0x1  }
0xbf: {  	_ =	sfence.sel $0xFFFF  }
0xc0: {  	[dreg:$0x0] =	wrdreg $0xFFFFFFFF;
	(pc) =	sbr.abs _section_cstart, $3  }
0xc1: {  	[dreg:$0x1] =	wrdreg $0xFFFFFFFF  }
0xc2: {  	_ =	task.clear_ibuf [dreg:s7], $0x2FFFF;
	_ =	strace $0x9FFFFFFF  }
0xc3: {  	(tm) =	ssettm $0x7FFFFFFF  }
tec
execute0_lowered:
.L_overlay_start_1:
0x0: {  	(tag) =	ssettag $0x1  }
0x1: {  	s0 =	rddreg [dreg:$0x0]  }
0x2: {  	s3 =	rddreg [dreg:$0x1]  }
0x3: {  	s1 =	rddreg [dreg:$0x2];
	s2 =	simm.s32 $0x0;
	s4 =	srdreg.scid  }
0x4: {  	s11 =	stileid.u32;
	s15 =	simm.s32 $0x400;
	s16 =	simm.s32 $0x80  }
0x5: {  	s17 =	simm.s32 $0x800;
	s18 =	simm.s32 $0x100;
	s28 =	simm.s32 $0x280  }
0x6: {  	s29 =	simm.s32 $0x380;
	s30 =	simm.s32 $0x500;
	s31 =	simm.s32 $0x480  }
0x7: {  	[smem:$0x7FF] =	sst s2;
	s5 =	sand.u32 $0x1, s4;
	s4 =	sadd.s32 $0x3A000, s0  }
0x8: {  	s7 =	sadd.s32 $0x2E00, s0;
	s8 =	smul.u32 $0x5000, s11;
	s0 =	sadd.s32 $0x25C00, s0  }
0x9: {  	s9 =	smul.u32 $0x1E00, s11;
	s11 =	sshll.u32 s11, $0x6;
	_ =	strace $0x80000053  }
0xa: {  	s6 =	smul.u32 $0x50000, s5;
	[dreg:$0x4] =	wrdreg s0;
	s19 =	ssub.s32 $0x2, s5  }
0xb: {  	s5 =	smul.u32 $0x1E000, s5;
	s13 =	sor.u32 $0x1C07, s11;
	s10 =	sshrl.u32 s19, $0x1  }
0xc: {  	s20 =	sadd.s32 s9, s1;
	[dreg:$0x6] =	wrdreg s13;
	s6 =	sadd.s32 s8, s6  }
0xd: {  	s0 =	ssub.s32 s19, s10;
	s5 =	sadd.s32 s9, s5;
	s14 =	sshrl.u32 s20, $0x3  }
0xe: {  	s19 =	simm.s32 $0x2000;
	s20 =	simm.s32 $0x1;
	s8 =	simm.s32 $0x680  }
0xf: {  	s9 =	simm.s32 $0x780;
	s21 =	sshrl.u32 s6, $0x3;
	s5 =	sshrl.u32 s5, $0x3  }
0x10: {  	s23 =	sor.u32 $0xC00, s6;
	s24 =	sor.u32 $0x800, s6;
	s0 =	smax.u32 s0, $0x1  }
0x11: {  	s6 =	simm.s32 $0x5;
	[dreg:$0xa] =	wrdreg s14;
	s10 =	sadd.s32 s7, s21  }
0x12: {  	s3 =	sadd.s32 s3, s5;
	[dreg:$0x9] =	wrdreg s0;
	s25 =	sshrl.u32 s23, $0x3  }
0x13: {  	s26 =	sshrl.u32 s24, $0x3;
	s21 =	simm.s32 $0x2;
	s23 =	simm.s32 $0x3  }
.Ltmp0:
0x14: {  	s24 =	simm.s32 $0x200;
	s0 =	simm.s32 $0x580;
	(pc) =	sbr.rel .LBB2_1-.Ltmp0, $4  }
0x15: {  	s5 =	simm.s32 $0x700;
	[dreg:$0x5] =	wrdreg s10;
	s22 =	sadd.s32 $0x80, s10  }
0x16: {  	[dreg:$0x8] =	wrdreg s3;
	s11 =	sadd.s32 s25, s7;
	s12 =	sadd.s32 s26, s7  }
0x17: {  	s25 =	simm.s32 $0x4;
	s26 =	simm.s32 $0x300;
	s3 =	simm.s32 $0x600  }
0x18: {  	s10 =	simm.s32 $0x0;
	[dreg:$0x7] =	wrdreg s22;
	s22 =	simm.s32 $0x180  }
.LBB2_4:
0x19: {  	_ =	swait.ge [sflag:s23], $0x1800  }
0x1a: {  	[sflag:s23] =	ssyncset.done $0x0  }
0x1b: {  	[sflag:s23] =	ssyncadd.s32 $0xFFFFE800  }
0x1c: {  	_ =	swait.ge [sflag:s25], $0x1800  }
0x1d: {  	[sflag:s25] =	ssyncset.done $0x0  }
0x1e: {  	[sflag:s25] =	ssyncadd.s32 $0xFFFFE800  }
0x1f: {  	[bflag:$0x0] =	sbarrier.arrive $0xFFFF  }
0x20: {  	s13 =	rddreg [dreg:$0x6]  }
0x21: {  	s7 =	rddreg [dreg:$0x8]  }
0x22: {  	s14 =	rddreg [dreg:$0xa]  }
0x23: {  	[hbm:s7], [sflag:s13] =	dma.local [spmem:s14], $0x3C0  }
0x24: {  	s7 =	simm.s32 $0x7  }
0x25: {  	_ =	swait.ge [sflag:s7], $0x3C0  }
0x26: {  	s10 =	sadd.s32 $0x1, s10;
	[sflag:s7] =	ssyncset.done $0x0;
	s7 =	rddreg [dreg:$0x9]  }
0x27: {  	p0 =	sne.s32 s10, s7  }
.Ltmp1:
0x28: {  	_ = 	snop;
	(pc) =	sbr.rel @!p0 .LBB2_5-.Ltmp1, $3  }
0x29: {  	_ =	sdelay $0x1  }
0x2a: {  	s7 =	simm.s32 $0x7  }
0x2b: {  	[sflag:s7] =	ssyncadd.s32 $0xFFFFFC40  }
.LBB2_1:
0x2c: {  	[dreg:$0xb] =	wrdreg s10  }
0x2d: {  	s10 =	simm.s32 $0x7;
	s7 =	rddreg [dreg:$0x4]  }
0x2e: {  	[spmem:s14], [sflag:s13] =	dma.local [hbm:s7], $0x3C0  }
0x2f: {  	_ =	swait.ge [sflag:s10], $0x3C0  }
0x30: {  	[sflag:s10] =	ssyncset.done $0x0  }
0x31: {  	s13 =	rddreg [dreg:$0x5];
	[sflag:s10] =	ssyncadd.s32 $0xFFFFFC40  }
0x32: {  	[tilespmem:s2], [sflag:$0x7] =	stream.linear.gather [hbm4b:s13+s2], $0x400, $0x38;
	[tilespmem:$0x5600] =	vst v63  }
0x33: {  	_ =	swait.ge [sflag:s10], $0x400  }
0x34: {  	[sflag:s10] =	ssyncset.done $0x0  }
0x35: {  	s14 =	rddreg [dreg:$0x7];
	[sflag:s10] =	ssyncadd.s32 $0xFFFFFC00  }
0x36: {  	[tilespmem:s15], [sflag:$0x7] =	stream.linear.gather [hbm4b:s14+s2], $0x400, $0x38;
	[tilespmem:$0x5600] =	vst v63  }
0x37: {  	_ =	swait.ge [sflag:s10], $0x400  }
0x38: {  	[sflag:s10] =	ssyncset.done $0x0  }
0x39: {  	[sflag:s10] =	ssyncadd.s32 $0xFFFFFC00  }
0x3a: {  	s10 =	rddreg [dreg:$0xb];
	[bflag:$0x0] =	sbarrier.arrive $0xFFFF  }
0x3b: {  	[tilespmem:s17], [sflag:$0x1] =	stream.indirect.gather [hbm4b:s4+s16], $0x30, s2, s16, $0xb8;
	[tilespmem:$0x5600] =	vst v63  }
0x3c: {  	s7 =	simm.s32 $0x0  }
0x3d: {  	[tilespmem:s19], [sflag:$0x2] =	stream.indirect.gather [hbm4b:s4+s16], $0x30, s18, s16, $0xb8;
	[tilespmem:$0x5600] =	vst v63  }
.LBB2_2:
0x3e: {  	_ =	swait.ge [sflag:s20], $0x1800  }
0x3f: {  	[sflag:s20] =	ssyncset.done $0x0  }
0x40: {  	[sflag:s20] =	ssyncadd.s32 $0xFFFFE800  }
0x41: {  	[spmem:s1] =	stream.indirect.scatter.add.f32 [tilespmem:s17], [sflag:$0x3], $0x30, s16, s16, $0xb8;
	[tilespmem:$0x5600] =	vst v63  }
0x42: {  	_ =	swait.ge [sflag:s21], $0x1800  }
0x43: {  	[sflag:s21] =	ssyncset.done $0x0  }
0x44: {  	[sflag:s21] =	ssyncadd.s32 $0xFFFFE800  }
0x45: {  	[spmem:s1] =	stream.indirect.scatter.add.f32 [tilespmem:s19], [sflag:$0x4], $0x30, s22, s16, $0xb8;
	[tilespmem:$0x5600] =	vst v63  }
0x46: {  	_ =	swait.ge [sflag:s23], $0x1800  }
0x47: {  	[sflag:s23] =	ssyncset.done $0x0  }
0x48: {  	[sflag:s23] =	ssyncadd.s32 $0xFFFFE800  }
0x49: {  	[tilespmem:s17], [sflag:$0x1] =	stream.indirect.gather [hbm4b:s4+s16], $0x30, s24, s16, $0xb8;
	[tilespmem:$0x5600] =	vst v63  }
0x4a: {  	_ =	swait.ge [sflag:s25], $0x1800  }
0x4b: {  	[sflag:s25] =	ssyncset.done $0x0  }
0x4c: {  	[sflag:s25] =	ssyncadd.s32 $0xFFFFE800  }
0x4d: {  	[tilespmem:s19], [sflag:$0x2] =	stream.indirect.gather [hbm4b:s4+s16], $0x30, s26, s16, $0xb8;
	[tilespmem:$0x5600] =	vst v63  }
0x4e: {  	_ =	swait.ge [sflag:s20], $0x1800  }
0x4f: {  	[sflag:s20] =	ssyncset.done $0x0  }
0x50: {  	[sflag:s20] =	ssyncadd.s32 $0xFFFFE800  }
0x51: {  	[spmem:s1] =	stream.indirect.scatter.add.f32 [tilespmem:s17], [sflag:$0x3], $0x30, s28, s16, $0xb8;
	[tilespmem:$0x5600] =	vst v63  }
0x52: {  	_ =	swait.ge [sflag:s21], $0x1800  }
0x53: {  	p0 =	seq.s32 s7, $0x0;
	[sflag:s21] =	ssyncset.done $0x0  }
0x54: {  	s13 =	simm.s32 @!p0 $0x6;
	[sflag:s21] =	ssyncadd.s32 $0xFFFFE800  }
0x55: {  	[spmem:s1] =	stream.indirect.scatter.add.f32 [tilespmem:s19], [sflag:$0x4], $0x30, s29, s16, $0xb8;
	[tilespmem:$0x5600] =	vst v63  }
0x56: {  	_ =	swait.ge @!p0 [sflag:s13], $0x400  }
0x57: {  	[sflag:s13] =	ssyncset.done @!p0 $0x0  }
0x58: {  	[sflag:s13] =	ssyncadd.s32 @!p0 $0xFFFFFC00  }
0x59: {  	_ =	swait.ge [sflag:s23], $0x1800  }
0x5a: {  	[sflag:s23] =	ssyncset.done $0x0  }
0x5b: {  	[sflag:s23] =	ssyncadd.s32 $0xFFFFE800  }
0x5c: {  	[tilespmem:s17], [sflag:$0x1] =	stream.indirect.gather [hbm4b:s4+s16], $0x30, s15, s16, $0xb8;
	[tilespmem:$0x5600] =	vst v63  }
0x5d: {  	_ =	swait.ge [sflag:s25], $0x1800  }
0x5e: {  	[sflag:s25] =	ssyncset.done $0x0  }
0x5f: {  	p0 =	seq.s32 s7, $0x900;
	[sflag:s25] =	ssyncadd.s32 $0xFFFFE800  }
0x60: {  	[tilespmem:s19], [sflag:$0x2] =	stream.indirect.gather [hbm4b:s4+s16], $0x30, s30, s16, $0xb8;
	[tilespmem:$0x5600] =	vst v63  }
0x61: {  	s13 =	sadd.s32 @!p0 s7, s12;
	s14 =	simm.s32 @!p0 $0x0  }
0x62: {  	[tilespmem:s14], [sflag:$0x5] =	stream.linear.gather @!p0 [hbm4b:s13+s14], $0x400, $0x38;
	[tilespmem:$0x5600] =	vst v63  }
0x63: {  	_ =	swait.ge [sflag:s20], $0x1800  }
0x64: {  	[sflag:s20] =	ssyncset.done $0x0  }
0x65: {  	[sflag:s20] =	ssyncadd.s32 $0xFFFFE800  }
0x66: {  	[spmem:s1] =	stream.indirect.scatter.add.f32 [tilespmem:s17], [sflag:$0x3], $0x30, s31, s16, $0xb8;
	[tilespmem:$0x5600] =	vst v63  }
0x67: {  	_ =	swait.ge [sflag:s21], $0x1800  }
0x68: {  	[sflag:s21] =	ssyncset.done $0x0  }
0x69: {  	[sflag:s21] =	ssyncadd.s32 $0xFFFFE800  }
0x6a: {  	[spmem:s1] =	stream.indirect.scatter.add.f32 [tilespmem:s19], [sflag:$0x4], $0x30, s0, s16, $0xb8;
	[tilespmem:$0x5600] =	vst v63  }
0x6b: {  	_ =	swait.ge [sflag:s23], $0x1800  }
0x6c: {  	[sflag:s23] =	ssyncset.done $0x0  }
0x6d: {  	[sflag:s23] =	ssyncadd.s32 $0xFFFFE800  }
0x6e: {  	[tilespmem:s17], [sflag:$0x1] =	stream.indirect.gather [hbm4b:s4+s16], $0x30, s3, s16, $0xb8;
	[tilespmem:$0x5600] =	vst v63  }
0x6f: {  	_ =	swait.ge [sflag:s25], $0x1800  }
0x70: {  	[sflag:s25] =	ssyncset.done $0x0  }
0x71: {  	[sflag:s25] =	ssyncadd.s32 $0xFFFFE800  }
0x72: {  	[tilespmem:s19], [sflag:$0x2] =	stream.indirect.gather [hbm4b:s4+s16], $0x30, s5, s16, $0xb8;
	[tilespmem:$0x5600] =	vst v63  }
0x73: {  	_ =	swait.ge [sflag:s20], $0x1800  }
0x74: {  	[sflag:s20] =	ssyncset.done $0x0  }
0x75: {  	[sflag:s20] =	ssyncadd.s32 $0xFFFFE800  }
0x76: {  	[spmem:s1] =	stream.indirect.scatter.add.f32 [tilespmem:s17], [sflag:$0x3], $0x30, s8, s16, $0xb8;
	[tilespmem:$0x5600] =	vst v63  }
.Ltmp2:
0x77: {  	_ = 	snop;
	(pc) =	sbr.rel @p0 .LBB2_4-.Ltmp2, $4  }
0x78: {  	_ =	swait.ge [sflag:s21], $0x1800  }
0x79: {  	[sflag:s21] =	ssyncset.done $0x0  }
0x7a: {  	[sflag:s21] =	ssyncadd.s32 $0xFFFFE800  }
0x7b: {  	[spmem:s1] =	stream.indirect.scatter.add.f32 [tilespmem:s19], [sflag:$0x4], $0x30, s9, s16, $0xb8;
	[tilespmem:$0x5600] =	vst v63  }
0x7c: {  	_ =	swait.ge [sflag:s6], $0x400  }
0x7d: {  	[sflag:s6] =	ssyncset.done $0x0  }
0x7e: {  	[sflag:s6] =	ssyncadd.s32 $0xFFFFFC00  }
0x7f: {  	_ =	swait.ge [sflag:s23], $0x1800  }
0x80: {  	[sflag:s23] =	ssyncset.done $0x0  }
0x81: {  	[sflag:s23] =	ssyncadd.s32 $0xFFFFE800  }
0x82: {  	[tilespmem:s17], [sflag:$0x1] =	stream.indirect.gather [hbm4b:s4+s16], $0x30, s2, s16, $0xb8;
	[tilespmem:$0x5600] =	vst v63  }
0x83: {  	_ =	swait.ge [sflag:s25], $0x1800  }
.Ltmp3:
0x84: {  	[sflag:s25] =	ssyncset.done $0x0;
	(pc) =	sbr.rel .LBB2_2-.Ltmp3, $4  }
0x85: {  	[sflag:s25] =	ssyncadd.s32 $0xFFFFE800  }
0x86: {  	[tilespmem:s19], [sflag:$0x2] =	stream.indirect.gather [hbm4b:s4+s16], $0x30, s18, s16, $0xb8;
	[tilespmem:$0x5600] =	vst v63  }
0x87: {  	s13 =	sadd.s32 s7, s11;
	s7 =	sadd.s32 $0x100, s7  }
0x88: {  	[tilespmem:s15], [sflag:$0x6] =	stream.linear.gather [hbm4b:s13+s2], $0x400, $0x38;
	[tilespmem:$0x5600] =	vst v63  }
.LBB2_5:
0x89: {  	_ =	sfence.sel $0x180000  }
0x8a: {  	[bflag:$0x0] =	sbarrier.arrive $0xFFFF  }
0x8b: {  	_ =	strace $0x90000053  }
0x8c: {  	s0 =	stileid.u32;
	[bflag:$0x2] =	sbarrier.arrive $0xFFFF  }
0x8d: {  	p0 =	sne.s32 s0, $0x0;
	s0 =	rddreg [dreg:$0x3]  }
0x8e: {  	s0 =	sadd.s32 @!p0 $0x100000, s0  }
0x8f: {  	[sflag:s0] =	ssyncadd.tile.s32 @!p0 $0x1;
	_ =	shalt  }
.Lfunc_end2:
_tile_overlayer_lowered:
.L_overlay_start_2:
0x90: {  	(tag) =	ssettag $0x2  }
0x91: {  	s0 =	rddreg [dreg:$0x0];
	s2 =	stileid.u32  }
0x92: {  	s1 =	rddreg [dreg:$0x1];
	p0 =	sne.s32 s2, $0x0  }
0x93: {  	s3 =	rddreg [dreg:$0x2];
	[bflag:$0x3] =	sbarrier.arrive $0xFFFF;
	s2 =	simm.s32 @!p0 $0x1C07  }
0x94: {  	[timem:s3], [sflag:s2] =	dma.local @!p0 [hbm:s0], s1  }
0x95: {  	s0 =	simm.s32 @!p0 $0x7  }
0x96: {  	_ =	swait.ge @!p0 [sflag:s0], s1  }
0x97: {  	s1 =	ssub.s32 @!p0 $0x0, s1;
	[sflag:s0] =	ssyncset.done @!p0 $0x0  }
0x98: {  	[sflag:s0] =	ssyncadd.s32 @!p0 s1  }
0x99: {  	[bflag:$0x3] =	sbarrier.arrive $0xFFFF  }
0x9a: {  	_ =	shalt  }

// kernel: kernel.32.cloned.1.call-start
scs
__scs_entry_jumppad:
0x0: {  	(pc) =	sbr.rel $0x88, $3  }
0x1: {  	(tag) =	ssettag $0x0;
	lr =	simm.s32 $0x1  }
0x2: {  	[smem:$0x3F96] =	sst lr;
	_ =	strace $0xD0000000  }
0x3: {  	_ = 	snop  }
0x4: {  	_ = 	snop  }
0x5: {  	_ = 	snop  }
0x6: {  	_ = 	snop  }
0x7: {  	_ = 	snop  }
__scs_overlays_trampoline_lowered:
0x8: {  	[smem:$0x3FA5] =	sst s0  }
0x9: {  	[smem:$0x3FA6] =	sst s1  }
0xa: {  	[smem:$0x3FA7] =	sst s2  }
0xb: {  	[smem:$0x3FA8] =	sst s3  }
0xc: {  	[smem:$0x3FA9] =	sst s4  }
0xd: {  	[smem:$0x3FAA] =	sst s5  }
0xe: {  	[smem:$0x3FAB] =	sst s6  }
0xf: {  	[smem:$0x3FAC] =	sst s7  }
0x10: {  	[smem:$0x3FAD] =	sst s8  }
0x11: {  	[smem:$0x3FAE] =	sst s9;
	s0 =	simm.s32 @!p0 $0x0  }
0x12: {  	s1 =	sld [smem:$0x3F94];
	s0 =	simm.s32 @p0 $0x1  }
0x13: {  	[smem:$0x3FAF] =	sst s0;
	s0 =	simm.s32 @!p1 $0x0  }
0x14: {  	s2 =	sld [smem:$0x3F93];
	s0 =	simm.s32 @p1 $0x1  }
0x15: {  	[smem:$0x3FB0] =	sst s0;
	s0 =	simm.s32 @!p2 $0x0  }
0x16: {  	s3 =	sld [smem:$0x3FDB];
	s0 =	simm.s32 @p2 $0x1  }
0x17: {  	s4 =	simm.s32 $0x1BF5;
	[smem:$0x3FB2] =	sst s0  }
0x18: {  	s0 =	sld [smem:$0x3F95];
	_ =	swait.ge [sflag:s4], $0x0  }
0x19: {  	s7 =	sld [smem:$0x3F96]  }
0x1a: {  	s8 =	sadd.s32 $0xFFFFE003, lr  }
0x1b: {  	s9 =	sadd.s32 $0xFFFFFEF7, lr;
	s5 =	simm.s32 $0xFFFFFFFF;
	p2 =	slt.u32 s8, $0xFFFFF086  }
0x1c: {  	p1 =	slt.u32 s9, $0xF7A;
	s5 =	simm.s32 @!p2 $0x0  }
0x1d: {  	s5 =	simm.s32 @p1 $0x1;
	p0 =	seq.s32 s7, s2  }
0x1e: {  	s7 =	smul.u32 @!p0 $0xF7A, s2;
	p2 =	seq.s32 @!p0 s5, $0x0  }
0x1f: {  	s9 =	smul.u32 $0xF7A, s1;
	s8 =	simm.s32 @!p0 $0x1BF5;
	p2 =	por !p2, p0  }
0x20: {  	[sflag:s8] =	ssyncset.s32 @!p0 $0xFFFFF086;
	s6 =	sadd.s32 @!p0 s3, s7;
	s7 =	simm.s32 @!p0 $0x108  }
0x21: {  	s3 =	sadd.s32 s3, s9;
	s6 =	sadd.s32 @!p0 $0x88, s6;
	s7 =	simm.s32 @p2 $0x1082  }
0x22: {  	[simem:s7], [sflag:s8] =	dma.local @!p0 [hbm:s6], $0xF7A  }
0x23: {  	s9 =	sor.u32 $0xD0000000, s2;
	s6 =	simm.s32 $0x108;
	_ =	swait.ge @!p0 [sflag:s8], $0x0  }
0x24: {  	s3 =	sadd.s32 $0x88, s3;
	s6 =	simm.s32 @!p1 $0x1082;
	[sflag:s4] =	ssyncset.s32 $0xFFFFF086  }
0x25: {  	[simem:s6], [sflag:s4] =	dma.local [hbm:s3], $0xF7A  }
0x26: {  	[smem:$0x3F96] =	sst s1;
	(tag) =	ssettag s2;
	_ =	strace s9  }
0x27: {  	s1 =	sld [smem:$0x3FA6]  }
0x28: {  	s2 =	sld [smem:$0x3FA7]  }
0x29: {  	s4 =	sld [smem:$0x3FA9]  }
0x2a: {  	p0 =	seq.s32 s5, $0x0;
	s5 =	sld [smem:$0x3FAA]  }
0x2b: {  	s6 =	sld [smem:$0x3FAB]  }
0x2c: {  	s7 =	sld [smem:$0x3FAC]  }
0x2d: {  	s3 =	simm.s32 $0x108;
	s8 =	sld [smem:$0x3FAD]  }
0x2e: {  	s3 =	simm.s32 @!p0 $0x1082;
	s9 =	sld [smem:$0x3FAE]  }
0x2f: {  	lr =	sadd.s32 s0, s3;
	s0 =	sld [smem:$0x3FA5]  }
0x30: {  	s3 =	sld [smem:$0x3FA8]  }
0x31: {  	[smem:$0x3FB1] =	sst s10  }
0x32: {  	s10 =	sld [smem:$0x3FAF];
	_ =	sdelay $0x3  }
0x33: {  	p0 =	seq.s32 s10, $0x1;
	s10 =	sld [smem:$0x3FB1];
	_ =	sdelay $0x3  }
0x34: {  	[smem:$0x3FB1] =	sst s10  }
0x35: {  	s10 =	sld [smem:$0x3FB0];
	_ =	sdelay $0x3  }
0x36: {  	p1 =	seq.s32 s10, $0x1;
	s10 =	sld [smem:$0x3FB1];
	_ =	sdelay $0x3  }
0x37: {  	[smem:$0x3FB1] =	sst s10  }
0x38: {  	s10 =	sld [smem:$0x3FB2]  }
0x39: {  	_ = 	snop;
	(pc) =	sbr.ind lr, $3  }
0x3a: {  	_ = 	snop  }
0x3b: {  	_ = 	snop  }
0x3c: {  	p2 =	seq.s32 s10, $0x1;
	s10 =	sld [smem:$0x3FB1]  }
0x3d: {  	_ =	shalt  }
0x3e: {  	_ =	shalt  }
0x3f: {  	_ =	shalt  }
0x40: {  	_ =	shalt  }
0x41: {  	_ =	shalt  }
0x42: {  	_ =	shalt  }
0x43: {  	_ =	shalt  }
0x44: {  	_ =	shalt  }
0x45: {  	_ =	shalt  }
0x46: {  	_ =	shalt  }
0x47: {  	_ =	shalt  }
0x48: {  	_ =	shalt  }
0x49: {  	_ =	shalt  }
0x4a: {  	_ =	shalt  }
0x4b: {  	_ =	shalt  }
0x4c: {  	_ =	shalt  }
0x4d: {  	_ =	shalt  }
0x4e: {  	_ =	shalt  }
0x4f: {  	_ =	shalt  }
0x50: {  	_ =	shalt  }
0x51: {  	_ =	shalt  }
0x52: {  	_ =	shalt  }
0x53: {  	_ =	shalt  }
0x54: {  	_ =	shalt  }
0x55: {  	_ =	shalt  }
0x56: {  	_ =	shalt  }
0x57: {  	_ =	shalt  }
0x58: {  	_ =	shalt  }
0x59: {  	_ =	shalt  }
0x5a: {  	_ =	shalt  }
0x5b: {  	_ =	shalt  }
0x5c: {  	_ =	shalt  }
0x5d: {  	_ =	shalt  }
0x5e: {  	_ =	shalt  }
0x5f: {  	_ =	shalt  }
0x60: {  	_ =	shalt  }
0x61: {  	_ =	shalt  }
0x62: {  	_ =	shalt  }
0x63: {  	_ =	shalt  }
0x64: {  	_ =	shalt  }
0x65: {  	_ =	shalt  }
0x66: {  	_ =	shalt  }
0x67: {  	_ =	shalt  }
0x68: {  	_ =	shalt  }
0x69: {  	_ =	shalt  }
0x6a: {  	_ =	shalt  }
0x6b: {  	_ =	shalt  }
0x6c: {  	_ =	shalt  }
0x6d: {  	_ =	shalt  }
0x6e: {  	_ =	shalt  }
0x6f: {  	_ =	shalt  }
0x70: {  	_ =	shalt  }
0x71: {  	_ =	shalt  }
0x72: {  	_ =	shalt  }
0x73: {  	_ =	shalt  }
0x74: {  	_ =	shalt  }
0x75: {  	_ =	shalt  }
0x76: {  	_ =	shalt  }
0x77: {  	_ =	shalt  }
0x78: {  	_ =	shalt  }
0x79: {  	_ =	shalt  }
0x7a: {  	_ =	shalt  }
0x7b: {  	_ =	shalt  }
0x7c: {  	_ =	shalt  }
0x7d: {  	_ =	shalt  }
0x7e: {  	_ =	shalt  }
0x7f: {  	_ =	shalt  }
0x80: {  	_ =	shalt  }
0x81: {  	_ =	shalt  }
0x82: {  	_ =	shalt  }
0x83: {  	_ =	shalt  }
0x84: {  	_ =	shalt  }
0x85: {  	_ =	shalt  }
0x86: {  	_ =	shalt  }
0x87: {  	_ =	shalt  }
.Lfunc_end0:
.L_simem_size_0:
called_computation.5_lowered:
.L_overlay_start_0:
0x88: {  	s2 =	sld [smem:$0x3FD9]  }
0x89: {  	s3 =	sld [smem:$0x3FFE];
	_ =	sdelay $0x1  }
0x8a: {  	s1 =	srdreg.scid  }
0x8b: {  	s0 =	sand.u32 $0x1, s1  }
0x8c: {  	s17 =	sshll.u32 s0, $0xA;
	s2 =	sadd.s32 s3, s2  }
0x8d: {  	s2 =	sadd.s32 s2, s17  }
0x8e: {  	[smem:$0x3FBD] =	sst s2  }
0x8f: {  	_ = 	snop  }
0x90: {  	s2 =	sld [smem:$0x3FD0];
	(tm) =	ssettm $0x1  }
0x91: {  	s18 =	sld [smem:$0x3FFB];
	_ =	sdelay $0x3  }
0x92: {  	_ =	strace s18  }
0x93: {  	s3 =	sld [smem:$0x3FFC];
	_ =	sdelay $0x3  }
0x94: {  	_ =	strace s3  }
0x95: {  	s3 =	sld [smem:$0x3FFD];
	_ =	sdelay $0x3  }
0x96: {  	_ =	strace s3  }
0x97: {  	_ =	strace $0x8FFFFFFF  }
0x98: {  	s19 =	sld [smem:$0x3FDB];
	_ =	sdelay $0x1  }
0x99: {  	s4 =	simm.s32 $_scs_section_size  }
0x9a: {  	s5 =	simm.s32 $_size__tile_overlayer_lowered;
	s6 =	simm.s32 $_tile_overlayer_lowered  }
0x9b: {  	s22 =	simm.s32 $0x1BFF;
	s21 =	sshll.u32 s6, $0x1;
	s3 =	sadd.s32 s4, s19  }
0x9c: {  	s7 =	simm.s32 $0x0;
	s20 =	sshll.u32 s5, $0x1;
	s5 =	sadd.s32 s21, s3  }
0x9d: {  	[timem:s7], [sflag:s22] =	dma.local [hbm:s5], s20  }
0x9e: {  	_ =	swait.ge [sflag:s22], s20  }
0x9f: {  	s4 =	ssub.s32 $0x0, s20;
	[sflag:s22] =	ssyncset.done $0x0  }
0xa0: {  	[sflag:s22] =	ssyncadd.s32 s4;
	_ =	sdelay $0x1  }
0xa1: {  	s23 =	simm.s32 $0x1B8B  }
0xa2: {  	_ =	swait.ge [sflag:s23], $0x1  }
0xa3: {  	[sflag:s23] =	ssyncset.done $0x0  }
0xa4: {  	s25 =	simm.s32 $0x1B8E;
	s24 =	sld [smem:$0x3FFE];
	[sflag:s23] =	ssyncadd.s32 $0xFFFFFFFF  }
0xa5: {  	s26 =	simm.s32 $execute0_lowered;
	[smem:$0x3FD2] =	sst s25  }
0xa6: {  	s5 =	sshll.u32 s26, $0x1;
	_ =	strace $0x80000055;
	[dreg:$0x1] =	wrdreg $0xFFFFFFFF  }
0xa7: {  	s28 =	simm.s32 $_size_execute0_lowered;
	s3 =	sadd.s32 s3, s5;
	[dreg:$0x0] =	wrdreg $0x0  }
0xa8: {  	s5 =	sshll.u32 s28, $0x1;
	[dreg:$0x2] =	wrdreg s3  }
0xa9: {  	[dreg:$0x3] =	wrdreg s5  }
0xaa: {  	[dreg:$0x4] =	wrdreg $0xC0  }
0xab: {  	_ =	task [dreg:s7], $0x5FFFF  }
0xac: {  	[dreg:$0x1] =	wrdreg $0xFFFFFFFF  }
0xad: {  	[dreg:$0x0] =	wrdreg $0x60  }
0xae: {  	[dreg:$0x2] =	wrdreg s2  }
0xaf: {  	[dreg:$0x3] =	wrdreg s24  }
0xb0: {  	[dreg:$0x4] =	wrdreg $0x38000  }
0xb1: {  	[dreg:$0x5] =	wrdreg $0x9  }
0xb2: {  	_ =	task.clear_ibuf [dreg:s7], $0x6FFFF;
	_ =	strace $0x90000055  }
0xb3: {  	s29 =	simm.s32 $0x9;
	_ =	strace $0x80000057  }
0xb4: {  	_ =	swait.ge [sflag:s29], $0x1  }
0xb5: {  	[sflag:s29] =	ssyncadd.s32 $0xFFFFFFFF  }
0xb6: {  	_ =	strace $0x90000057  }
0xb7: {  	_ =	sfence  }
0xb8: {  	s30 =	sld [smem:$0x0];
	_ =	sdelay $0x2  }
0xb9: {  	s31 =	sshll.u32 s1, $0xD;
	s1 =	sshrl.u32 s1, $0x2  }
0xba: {  	s3 =	sand.u32 $0x4000, s31;
	s1 =	sadd.s32 s1, s30  }
0xbb: {  	s0 =	sor.u32 s3, s0;
	s1 =	sshll.u32 s1, $0x11  }
0xbc: {  	s0 =	sor.u32 s1, s0  }
0xbd: {  	s0 =	sadd.s32 $0x8F2B, s0  }
0xbe: {  	[sflag:s0] =	ssyncadd.remote.s32 $0x1  }
0xbf: {  	_ =	sfence.sel $0xFFFF  }
0xc0: {  	[dreg:$0x0] =	wrdreg $0xFFFFFFFF;
	(pc) =	sbr.abs _section_cstart, $3  }
0xc1: {  	[dreg:$0x1] =	wrdreg $0xFFFFFFFF  }
0xc2: {  	_ =	task.clear_ibuf [dreg:s7], $0x2FFFF;
	_ =	strace $0x9FFFFFFF  }
0xc3: {  	(tm) =	ssettm $0x7FFFFFFF  }
tec
execute0_lowered:
.L_overlay_start_1:
0x0: {  	(tag) =	ssettag $0x1  }
0x1: {  	s1 =	rddreg [dreg:$0x0]  }
0x2: {  	s0 =	rddreg [dreg:$0x1];
	s2 =	srdreg.scid  }
0x3: {  	s10 =	stileid.u32;
	s3 =	rddreg [dreg:$0x2]  }
0x4: {  	s4 =	simm.s32 $0x0;
	s15 =	simm.s32 $0x400;
	s16 =	simm.s32 $0x80  }
0x5: {  	s17 =	simm.s32 $0x800;
	s18 =	simm.s32 $0x100;
	s19 =	simm.s32 $0x2000  }
0x6: {  	s20 =	simm.s32 $0x1;
	s28 =	simm.s32 $0x280;
	s29 =	simm.s32 $0x380  }
0x7: {  	s30 =	simm.s32 $0x500;
	s31 =	simm.s32 $0x480;
	s5 =	smul.u32 $0x7680, s10  }
0x8: {  	s2 =	sand.u32 $0x1, s2;
	[smem:$0x7FF] =	sst s4;
	s8 =	smul.u32 $0x5000, s10  }
0x9: {  	s9 =	sadd.s32 $0x26000, s0;
	s11 =	sadd.s32 $0x16E00, s0;
	s6 =	smul.u32 $0x76800, s2  }
0xa: {  	s22 =	sshll.u32 s10, $0x6;
	s10 =	simm.s32 $0x0;
	s7 =	smul.u32 $0x50000, s2  }
0xb: {  	_ =	strace $0x80000056;
	[dreg:$0x4] =	wrdreg s11;
	s2 =	ssub.s32 $0x2, s2  }
0xc: {  	s13 =	sor.u32 $0x1C07, s22;
	s22 =	simm.s32 $0x180;
	s21 =	sshrl.u32 s2, $0x1  }
0xd: {  	[dreg:$0x6] =	wrdreg s13;
	s6 =	sadd.s32 s5, s6;
	s7 =	sadd.s32 s8, s7  }
0xe: {  	s2 =	ssub.s32 s2, s21;
	s5 =	sadd.s32 s5, s3;
	s21 =	simm.s32 $0x2  }
0xf: {  	s6 =	sshrl.u32 s6, $0x3;
	s8 =	sshrl.u32 s7, $0x3;
	s24 =	sor.u32 $0xC00, s7  }
0x10: {  	s25 =	sor.u32 $0x800, s7;
	s2 =	smax.u32 s2, $0x1;
	s14 =	sshrl.u32 s5, $0x3  }
0x11: {  	s5 =	simm.s32 $0x700;
	s0 =	sadd.s32 s6, s0;
	s8 =	sadd.s32 s9, s8  }
0x12: {  	[dreg:$0x9] =	wrdreg s2;
	s26 =	sshrl.u32 s25, $0x3;
	s25 =	simm.s32 $0x4  }
0x13: {  	s2 =	simm.s32 $0x580;
	s6 =	simm.s32 $0x5;
	[dreg:$0xa] =	wrdreg s14  }
.Ltmp0:
0x14: {  	[dreg:$0x5] =	wrdreg s8;
	s23 =	sadd.s32 $0x80, s8;
	(pc) =	sbr.rel .LBB2_1-.Ltmp0, $4  }
0x15: {  	s0 =	sadd.s32 $0x3A000, s0;
	s12 =	sadd.s32 s26, s9;
	[dreg:$0x7] =	wrdreg s23  }
0x16: {  	s26 =	simm.s32 $0x300;
	s8 =	simm.s32 $0x680;
	[dreg:$0x8] =	wrdreg s0  }
0x17: {  	s0 =	sshrl.u32 s24, $0x3;
	s23 =	simm.s32 $0x3;
	s24 =	simm.s32 $0x200  }
0x18: {  	s11 =	sadd.s32 s0, s9;
	s0 =	simm.s32 $0x600;
	s9 =	simm.s32 $0x780  }
.LBB2_4:
0x19: {  	_ =	swait.ge [sflag:s23], $0x1800  }
0x1a: {  	[sflag:s23] =	ssyncset.done $0x0  }
0x1b: {  	[sflag:s23] =	ssyncadd.s32 $0xFFFFE800  }
0x1c: {  	_ =	swait.ge [sflag:s25], $0x1800  }
0x1d: {  	[sflag:s25] =	ssyncset.done $0x0  }
0x1e: {  	[sflag:s25] =	ssyncadd.s32 $0xFFFFE800  }
0x1f: {  	[bflag:$0x0] =	sbarrier.arrive $0xFFFF  }
0x20: {  	s13 =	rddreg [dreg:$0x6]  }
0x21: {  	s7 =	rddreg [dreg:$0x8]  }
0x22: {  	s14 =	rddreg [dreg:$0xa]  }
0x23: {  	[hbm:s7], [sflag:s13] =	dma.local [spmem:s14], $0xED0  }
0x24: {  	s7 =	simm.s32 $0x7  }
0x25: {  	_ =	swait.ge [sflag:s7], $0xED0  }
0x26: {  	s10 =	sadd.s32 $0x1, s10;
	[sflag:s7] =	ssyncset.done $0x0;
	s7 =	rddreg [dreg:$0x9]  }
0x27: {  	p0 =	sne.s32 s10, s7  }
.Ltmp1:
0x28: {  	_ = 	snop;
	(pc) =	sbr.rel @!p0 .LBB2_5-.Ltmp1, $3  }
0x29: {  	_ =	sdelay $0x1  }
0x2a: {  	s7 =	simm.s32 $0x7  }
0x2b: {  	[sflag:s7] =	ssyncadd.s32 $0xFFFFF130  }
.LBB2_1:
0x2c: {  	[dreg:$0xb] =	wrdreg s10  }
0x2d: {  	s10 =	simm.s32 $0x7;
	s7 =	rddreg [dreg:$0x4]  }
0x2e: {  	[spmem:s14], [sflag:s13] =	dma.local [hbm:s7], $0xED0  }
0x2f: {  	_ =	swait.ge [sflag:s10], $0xED0  }
0x30: {  	[sflag:s10] =	ssyncset.done $0x0  }
0x31: {  	s13 =	rddreg [dreg:$0x5];
	[sflag:s10] =	ssyncadd.s32 $0xFFFFF130  }
0x32: {  	[tilespmem:s4], [sflag:$0x7] =	stream.linear.gather [hbm4b:s13+s4], $0x400, $0x38;
	[tilespmem:$0xAE80] =	vst v63  }
0x33: {  	_ =	swait.ge [sflag:s10], $0x400  }
0x34: {  	[sflag:s10] =	ssyncset.done $0x0  }
0x35: {  	s14 =	rddreg [dreg:$0x7];
	[sflag:s10] =	ssyncadd.s32 $0xFFFFFC00  }
0x36: {  	[tilespmem:s15], [sflag:$0x7] =	stream.linear.gather [hbm4b:s14+s4], $0x400, $0x38;
	[tilespmem:$0xAE80] =	vst v63  }
0x37: {  	_ =	swait.ge [sflag:s10], $0x400  }
0x38: {  	[sflag:s10] =	ssyncset.done $0x0  }
0x39: {  	[sflag:s10] =	ssyncadd.s32 $0xFFFFFC00  }
0x3a: {  	s10 =	rddreg [dreg:$0xb];
	[bflag:$0x0] =	sbarrier.arrive $0xFFFF  }
0x3b: {  	[tilespmem:s17], [sflag:$0x1] =	stream.indirect.gather [hbm4b:s1+s16], $0x30, s4, s16, $0xb8;
	[tilespmem:$0xAE80] =	vst v63  }
0x3c: {  	s7 =	simm.s32 $0x0  }
0x3d: {  	[tilespmem:s19], [sflag:$0x2] =	stream.indirect.gather [hbm4b:s1+s16], $0x30, s18, s16, $0xb8;
	[tilespmem:$0xAE80] =	vst v63  }
.LBB2_2:
0x3e: {  	_ =	swait.ge [sflag:s20], $0x1800  }
0x3f: {  	[sflag:s20] =	ssyncset.done $0x0  }
0x40: {  	[sflag:s20] =	ssyncadd.s32 $0xFFFFE800  }
0x41: {  	[spmem:s3] =	stream.indirect.scatter.add.f32 [tilespmem:s17], [sflag:$0x3], $0x30, s16, s16, $0xb8;
	[tilespmem:$0xAE80] =	vst v63  }
0x42: {  	_ =	swait.ge [sflag:s21], $0x1800  }
0x43: {  	[sflag:s21] =	ssyncset.done $0x0  }
0x44: {  	[sflag:s21] =	ssyncadd.s32 $0xFFFFE800  }
0x45: {  	[spmem:s3] =	stream.indirect.scatter.add.f32 [tilespmem:s19], [sflag:$0x4], $0x30, s22, s16, $0xb8;
	[tilespmem:$0xAE80] =	vst v63  }
0x46: {  	_ =	swait.ge [sflag:s23], $0x1800  }
0x47: {  	[sflag:s23] =	ssyncset.done $0x0  }
0x48: {  	[sflag:s23] =	ssyncadd.s32 $0xFFFFE800  }
0x49: {  	[tilespmem:s17], [sflag:$0x1] =	stream.indirect.gather [hbm4b:s1+s16], $0x30, s24, s16, $0xb8;
	[tilespmem:$0xAE80] =	vst v63  }
0x4a: {  	_ =	swait.ge [sflag:s25], $0x1800  }
0x4b: {  	[sflag:s25] =	ssyncset.done $0x0  }
0x4c: {  	[sflag:s25] =	ssyncadd.s32 $0xFFFFE800  }
0x4d: {  	[tilespmem:s19], [sflag:$0x2] =	stream.indirect.gather [hbm4b:s1+s16], $0x30, s26, s16, $0xb8;
	[tilespmem:$0xAE80] =	vst v63  }
0x4e: {  	_ =	swait.ge [sflag:s20], $0x1800  }
0x4f: {  	[sflag:s20] =	ssyncset.done $0x0  }
0x50: {  	[sflag:s20] =	ssyncadd.s32 $0xFFFFE800  }
0x51: {  	[spmem:s3] =	stream.indirect.scatter.add.f32 [tilespmem:s17], [sflag:$0x3], $0x30, s28, s16, $0xb8;
	[tilespmem:$0xAE80] =	vst v63  }
0x52: {  	_ =	swait.ge [sflag:s21], $0x1800  }
0x53: {  	p0 =	seq.s32 s7, $0x0;
	[sflag:s21] =	ssyncset.done $0x0  }
0x54: {  	s13 =	simm.s32 @!p0 $0x6;
	[sflag:s21] =	ssyncadd.s32 $0xFFFFE800  }
0x55: {  	[spmem:s3] =	stream.indirect.scatter.add.f32 [tilespmem:s19], [sflag:$0x4], $0x30, s29, s16, $0xb8;
	[tilespmem:$0xAE80] =	vst v63  }
0x56: {  	_ =	swait.ge @!p0 [sflag:s13], $0x400  }
0x57: {  	[sflag:s13] =	ssyncset.done @!p0 $0x0  }
0x58: {  	[sflag:s13] =	ssyncadd.s32 @!p0 $0xFFFFFC00  }
0x59: {  	_ =	swait.ge [sflag:s23], $0x1800  }
0x5a: {  	[sflag:s23] =	ssyncset.done $0x0  }
0x5b: {  	[sflag:s23] =	ssyncadd.s32 $0xFFFFE800  }
0x5c: {  	[tilespmem:s17], [sflag:$0x1] =	stream.indirect.gather [hbm4b:s1+s16], $0x30, s15, s16, $0xb8;
	[tilespmem:$0xAE80] =	vst v63  }
0x5d: {  	_ =	swait.ge [sflag:s25], $0x1800  }
0x5e: {  	[sflag:s25] =	ssyncset.done $0x0  }
0x5f: {  	p0 =	seq.s32 s7, $0x900;
	[sflag:s25] =	ssyncadd.s32 $0xFFFFE800  }
0x60: {  	[tilespmem:s19], [sflag:$0x2] =	stream.indirect.gather [hbm4b:s1+s16], $0x30, s30, s16, $0xb8;
	[tilespmem:$0xAE80] =	vst v63  }
0x61: {  	s13 =	sadd.s32 @!p0 s7, s12;
	s14 =	simm.s32 @!p0 $0x0  }
0x62: {  	[tilespmem:s14], [sflag:$0x5] =	stream.linear.gather @!p0 [hbm4b:s13+s14], $0x400, $0x38;
	[tilespmem:$0xAE80] =	vst v63  }
0x63: {  	_ =	swait.ge [sflag:s20], $0x1800  }
0x64: {  	[sflag:s20] =	ssyncset.done $0x0  }
0x65: {  	[sflag:s20] =	ssyncadd.s32 $0xFFFFE800  }
0x66: {  	[spmem:s3] =	stream.indirect.scatter.add.f32 [tilespmem:s17], [sflag:$0x3], $0x30, s31, s16, $0xb8;
	[tilespmem:$0xAE80] =	vst v63  }
0x67: {  	_ =	swait.ge [sflag:s21], $0x1800  }
0x68: {  	[sflag:s21] =	ssyncset.done $0x0  }
0x69: {  	[sflag:s21] =	ssyncadd.s32 $0xFFFFE800  }
0x6a: {  	[spmem:s3] =	stream.indirect.scatter.add.f32 [tilespmem:s19], [sflag:$0x4], $0x30, s2, s16, $0xb8;
	[tilespmem:$0xAE80] =	vst v63  }
0x6b: {  	_ =	swait.ge [sflag:s23], $0x1800  }
0x6c: {  	[sflag:s23] =	ssyncset.done $0x0  }
0x6d: {  	[sflag:s23] =	ssyncadd.s32 $0xFFFFE800  }
0x6e: {  	[tilespmem:s17], [sflag:$0x1] =	stream.indirect.gather [hbm4b:s1+s16], $0x30, s0, s16, $0xb8;
	[tilespmem:$0xAE80] =	vst v63  }
0x6f: {  	_ =	swait.ge [sflag:s25], $0x1800  }
0x70: {  	[sflag:s25] =	ssyncset.done $0x0  }
0x71: {  	[sflag:s25] =	ssyncadd.s32 $0xFFFFE800  }
0x72: {  	[tilespmem:s19], [sflag:$0x2] =	stream.indirect.gather [hbm4b:s1+s16], $0x30, s5, s16, $0xb8;
	[tilespmem:$0xAE80] =	vst v63  }
0x73: {  	_ =	swait.ge [sflag:s20], $0x1800  }
0x74: {  	[sflag:s20] =	ssyncset.done $0x0  }
0x75: {  	[sflag:s20] =	ssyncadd.s32 $0xFFFFE800  }
0x76: {  	[spmem:s3] =	stream.indirect.scatter.add.f32 [tilespmem:s17], [sflag:$0x3], $0x30, s8, s16, $0xb8;
	[tilespmem:$0xAE80] =	vst v63  }
.Ltmp2:
0x77: {  	_ = 	snop;
	(pc) =	sbr.rel @p0 .LBB2_4-.Ltmp2, $4  }
0x78: {  	_ =	swait.ge [sflag:s21], $0x1800  }
0x79: {  	[sflag:s21] =	ssyncset.done $0x0  }
0x7a: {  	[sflag:s21] =	ssyncadd.s32 $0xFFFFE800  }
0x7b: {  	[spmem:s3] =	stream.indirect.scatter.add.f32 [tilespmem:s19], [sflag:$0x4], $0x30, s9, s16, $0xb8;
	[tilespmem:$0xAE80] =	vst v63  }
0x7c: {  	_ =	swait.ge [sflag:s6], $0x400  }
0x7d: {  	[sflag:s6] =	ssyncset.done $0x0  }
0x7e: {  	[sflag:s6] =	ssyncadd.s32 $0xFFFFFC00  }
0x7f: {  	_ =	swait.ge [sflag:s23], $0x1800  }
0x80: {  	[sflag:s23] =	ssyncset.done $0x0  }
0x81: {  	[sflag:s23] =	ssyncadd.s32 $0xFFFFE800  }
0x82: {  	[tilespmem:s17], [sflag:$0x1] =	stream.indirect.gather [hbm4b:s1+s16], $0x30, s4, s16, $0xb8;
	[tilespmem:$0xAE80] =	vst v63  }
0x83: {  	_ =	swait.ge [sflag:s25], $0x1800  }
.Ltmp3:
0x84: {  	[sflag:s25] =	ssyncset.done $0x0;
	(pc) =	sbr.rel .LBB2_2-.Ltmp3, $4  }
0x85: {  	[sflag:s25] =	ssyncadd.s32 $0xFFFFE800  }
0x86: {  	[tilespmem:s19], [sflag:$0x2] =	stream.indirect.gather [hbm4b:s1+s16], $0x30, s18, s16, $0xb8;
	[tilespmem:$0xAE80] =	vst v63  }
0x87: {  	s13 =	sadd.s32 s7, s11;
	s7 =	sadd.s32 $0x100, s7  }
0x88: {  	[tilespmem:s15], [sflag:$0x6] =	stream.linear.gather [hbm4b:s13+s4], $0x400, $0x38;
	[tilespmem:$0xAE80] =	vst v63  }
.LBB2_5:
0x89: {  	_ =	sfence.sel $0x180000  }
0x8a: {  	[bflag:$0x0] =	sbarrier.arrive $0xFFFF  }
0x8b: {  	_ =	strace $0x90000056  }
0x8c: {  	s0 =	stileid.u32;
	[bflag:$0x2] =	sbarrier.arrive $0xFFFF  }
0x8d: {  	p0 =	sne.s32 s0, $0x0;
	s0 =	rddreg [dreg:$0x3]  }
0x8e: {  	s0 =	sadd.s32 @!p0 $0x100000, s0  }
0x8f: {  	[sflag:s0] =	ssyncadd.tile.s32 @!p0 $0x1;
	_ =	shalt  }
.Lfunc_end2:
_tile_overlayer_lowered:
.L_overlay_start_2:
0x90: {  	(tag) =	ssettag $0x2  }
0x91: {  	s0 =	rddreg [dreg:$0x0];
	s2 =	stileid.u32  }
0x92: {  	s1 =	rddreg [dreg:$0x1];
	p0 =	sne.s32 s2, $0x0  }
0x93: {  	s3 =	rddreg [dreg:$0x2];
	[bflag:$0x3] =	sbarrier.arrive $0xFFFF;
	s2 =	simm.s32 @!p0 $0x1C07  }
0x94: {  	[timem:s3], [sflag:s2] =	dma.local @!p0 [hbm:s0], s1  }
0x95: {  	s0 =	simm.s32 @!p0 $0x7  }
0x96: {  	_ =	swait.ge @!p0 [sflag:s0], s1  }
0x97: {  	s1 =	ssub.s32 @!p0 $0x0, s1;
	[sflag:s0] =	ssyncset.done @!p0 $0x0  }
0x98: {  	[sflag:s0] =	ssyncadd.s32 @!p0 s1  }
0x99: {  	[bflag:$0x3] =	sbarrier.arrive $0xFFFF  }
0x9a: {  	_ =	shalt  }

</sc_bundles>
